<compile_context>
chip_gen: v7x
topology: tpu7x:2x2x1
jax: 0.10.2.dev20260603
libtpu: 0.0.44.dev20260713+nightly
codegen_flags: <defaults>
</compile_context>

<pallas_src>
import functools

import jax
import jax.numpy as jnp
from jax import lax
from jax.experimental import pallas as pl
from jax.experimental.pallas import tpu as pltpu
from jax.experimental.pallas import tpu_sc as plsc

N = 10000
E = 320000
D = 128
NW = 32
CHUNK = 48
CPW = 212
EPW = CHUNK * CPW
E_PAD = EPW * NW
N_PAD = 10240
ROWS_PER_TILE = N_PAD // 16
NEG_SLOPE = 0.2



def _dense_body(inp_ref, hid_ref, w0_ref, b0_ref, w1_ref, b1_ref, wih_ref,
                bih_ref, whh_ref, bhh_ref, wl_ref, wr_ref, wres_ref, gb_ref,
                h_ref, xl_ref, xr_ref, res_ref):
    x = jnp.maximum(jnp.dot(inp_ref[...], w0_ref[...],
                            preferred_element_type=jnp.float32) + b0_ref[...], 0.0)
    x = jnp.maximum(jnp.dot(x, w1_ref[...],
                            preferred_element_type=jnp.float32) + b1_ref[...], 0.0)
    gi = jnp.dot(x, wih_ref[...], preferred_element_type=jnp.float32) + bih_ref[...]
    hid = hid_ref[...]
    gh = jnp.dot(hid, whh_ref[...], preferred_element_type=jnp.float32) + bhh_ref[...]
    i_r = gi[:, 0:D]
    i_z = gi[:, D:2 * D]
    i_n = gi[:, 2 * D:3 * D]
    h_r = gh[:, 0:D]
    h_z = gh[:, D:2 * D]
    h_n = gh[:, 2 * D:3 * D]
    r = jax.nn.sigmoid(i_r + h_r)
    z = jax.nn.sigmoid(i_z + h_z)
    ng = jnp.tanh(i_n + r * h_n)
    h = (1.0 - z) * ng + z * hid
    h_ref[...] = h
    xl_ref[...] = jnp.dot(h, wl_ref[...], preferred_element_type=jnp.float32)
    xr_ref[...] = jnp.dot(h, wr_ref[...], preferred_element_type=jnp.float32)
    res_ref[...] = jnp.dot(h, wres_ref[...],
                           preferred_element_type=jnp.float32) + gb_ref[...]


def _dense_stage(inputs, hidden, W0, b0, W1, b1, W_ihT, b_ih, W_hhT, b_hh,
                 Wl, Wr, Wres, gat_bias):
    bm = 2000
    grid = (N // bm,)
    row_spec = pl.BlockSpec((bm, D), lambda i: (i, 0))

    def full(shape):
        return pl.BlockSpec(shape, lambda i: tuple(0 for _ in shape))

    out_shape = [jax.ShapeDtypeStruct((N, D), jnp.float32) for _ in range(4)]
    return pl.pallas_call(
        _dense_body,
        grid=grid,
        in_specs=[
            row_spec, row_spec,
            full((D, D)), full((1, D)), full((D, D)), full((1, D)),
            full((D, 3 * D)), full((1, 3 * D)), full((D, 3 * D)), full((1, 3 * D)),
            full((D, D)), full((D, D)), full((D, D)), full((1, D)),
        ],
        out_specs=[row_spec, row_spec, row_spec, row_spec],
        out_shape=out_shape,
    )(inputs, hidden, W0, b0, W1, b1, W_ihT, b_ih, W_hhT, b_hh,
      Wl, Wr, Wres, gat_bias)



def _edge_body(xl_hbm, xr_hbm, ids_hbm, att_hbm,
               out_hbm, den_hbm,
               ids_v, xlr, xrr, ex_v, den_l, att_v,
               acc_sh, sem_l0, sem_l1, sem_r0, sem_r1, sem_i0, sem_i1):
    cid = lax.axis_index("c")
    sid = lax.axis_index("s")
    wid = sid * 2 + cid
    sem_l = [sem_l0, sem_l1]
    sem_r = [sem_r0, sem_r1]
    sem_i = [sem_i0, sem_i1]
    crow = wid * CPW

    def zden(i, _):
        den_l[pl.ds(i * 16, 16)] = jnp.zeros((16,), jnp.float32)
        return ()
    lax.fori_loop(0, N_PAD // 16, zden, (), unroll=4)

    def zrow(i, _):
        for g in range(D // 16):
            xrr[0, i, pl.ds(g * 16, 16)] = jnp.zeros((16,), jnp.float32)
        return ()
    lax.fori_loop(0, 40, zrow, (), unroll=2)

    row0 = sid * ROWS_PER_TILE
    def zacc(i, _):
        pltpu.sync_copy(xrr.at[0, pl.ds(0, 40)],
                        acc_sh.at[pl.ds(row0 + i * 40, 40)])
        return ()
    lax.fori_loop(0, ROWS_PER_TILE // 40, zacc, ())
    pltpu.sync_copy(att_hbm, att_v)

    pltpu.sync_copy(ids_hbm.at[crow], ids_v.at[0])
    pltpu.async_copy(ids_hbm.at[crow + 1], ids_v.at[1], sem_i[1])
    pltpu.async_copy(xl_hbm.at[ids_v.at[0, 0]], xlr.at[0], sem_l[0])
    pltpu.async_copy(xr_hbm.at[ids_v.at[0, 1]], xrr.at[0], sem_r[0])

    plsc.subcore_barrier()

    att_regs = [att_v[pl.ds(d * 16, 16)] for d in range(8)]
    att_neg = [a * NEG_SLOPE for a in att_regs]
    iota16 = lax.iota(jnp.int32, 16)
    zero16 = jnp.zeros((16,), jnp.int32)

    def compute_chunk(xlr_b, xrr_b, ids_b):
        def edge_body(e, _):
            acc = jnp.zeros((16,), jnp.float32)
            xls = []
            for d in range(8):
                xlv = xlr_b[e, pl.ds(d * 16, 16)]
                xrv = xrr_b[e, pl.ds(d * 16, 16)]
                s = xlv + xrv
                a = jnp.where(s > 0.0, att_regs[d], att_neg[d])
                acc = acc + s * a
                xls.append(xlv)
            es = jnp.sum(acc)
            exv = jnp.exp(jnp.broadcast_to(es, (16,)))
            for d in range(8):
                xrr_b[e, pl.ds(d * 16, 16)] = xls[d] * exv
            ex_v[e, :] = exv
            return ()
        lax.fori_loop(0, CHUNK, edge_body, (), unroll=2)

        for g in range(CHUNK // 16):
            dvec = ids_b[1, pl.ds(g * 16, 16)]
            exg = plsc.load_gather(ex_v, [g * 16 + iota16, zero16])
            plsc.addupdate_scatter(den_l, [dvec], exg)
        pltpu.sync_copy(xrr_b, acc_sh.at[ids_b.at[1]], add=True)

    def quad_body(sq, _):
        for j in range(4):
            c = 4 * sq + j
            p = j & 1
            jn = (j + 1) % 4
            nx2 = jnp.minimum(c + 2, CPW - 1)
            pltpu.async_copy(ids_hbm.at[crow + nx2], ids_v.at[(j + 2) % 4],
                             sem_i[p])
            pltpu.make_async_copy(ids_hbm.at[crow], ids_v.at[jn],
                                  sem_i[1 - p]).wait()
            pltpu.async_copy(xl_hbm.at[ids_v.at[jn, 0]], xlr.at[1 - p],
                             sem_l[1 - p])
            pltpu.async_copy(xr_hbm.at[ids_v.at[jn, 1]], xrr.at[1 - p],
                             sem_r[1 - p])
            pltpu.make_async_copy(xl_hbm.at[ids_v.at[j, 0]], xlr.at[p],
                                  sem_l[p]).wait()
            pltpu.make_async_copy(xr_hbm.at[ids_v.at[j, 1]], xrr.at[p],
                                  sem_r[p]).wait()
            compute_chunk(xlr.at[p], xrr.at[p], ids_v.at[j])
        return ()

    lax.fori_loop(0, CPW // 4, quad_body, ())

    pltpu.make_async_copy(ids_hbm.at[crow], ids_v.at[1], sem_i[1]).wait()
    pltpu.make_async_copy(xl_hbm.at[ids_v.at[0, 0]], xlr.at[0], sem_l[0]).wait()
    pltpu.make_async_copy(xr_hbm.at[ids_v.at[0, 1]], xrr.at[0], sem_r[0]).wait()

    pltpu.sync_copy(den_l, den_hbm.at[wid])
    plsc.subcore_barrier()
    pltpu.sync_copy(acc_sh.at[pl.ds(row0, ROWS_PER_TILE)],
                    out_hbm.at[cid, pl.ds(row0, ROWS_PER_TILE)])


def _edge_stage(xl, xr, ids_p, att):
    mesh = plsc.VectorSubcoreMesh(core_axis_name="c", subcore_axis_name="s")
    f = pl.kernel(
        _edge_body,
        out_type=[
            jax.ShapeDtypeStruct((2, N_PAD, D), jnp.float32),
            jax.ShapeDtypeStruct((NW, N_PAD), jnp.float32),
        ],
        mesh=mesh,
        scratch_types=[
            pltpu.VMEM((4, 2, CHUNK), jnp.int32),
            pltpu.VMEM((2, CHUNK, D), jnp.float32),
            pltpu.VMEM((2, CHUNK, D), jnp.float32),
            pltpu.VMEM((CHUNK, 16), jnp.float32),
            pltpu.VMEM((N_PAD,), jnp.float32),
            pltpu.VMEM((D,), jnp.float32),
            pltpu.VMEM_SHARED((N_PAD, D), jnp.float32),
            pltpu.SemaphoreType.DMA,
            pltpu.SemaphoreType.DMA,
            pltpu.SemaphoreType.DMA,
            pltpu.SemaphoreType.DMA,
            pltpu.SemaphoreType.DMA,
            pltpu.SemaphoreType.DMA,
        ],
        compiler_params=pltpu.CompilerParams(needs_layout_passes=False),
    )
    return f(xl, xr, ids_p, att)



def _combine_body(p0_ref, p1_ref, den_ref, res_ref, out_ref):
    den = jnp.sum(den_ref[...], axis=1, keepdims=True) + 1e-16
    out_ref[...] = (p0_ref[...] + p1_ref[...]) / den + res_ref[...]


def _combine_stage(p0, p1, dens, res):
    bm = 2000
    grid = (N // bm,)
    row_spec = pl.BlockSpec((bm, D), lambda i: (i, 0))
    den_spec = pl.BlockSpec((bm, NW), lambda i: (i, 0))
    return pl.pallas_call(
        _combine_body,
        grid=grid,
        in_specs=[row_spec, row_spec, den_spec, row_spec],
        out_specs=row_spec,
        out_shape=jax.ShapeDtypeStruct((N, D), jnp.float32),
    )(p0, p1, dens, res)



@jax.jit
def kernel(inputs, hidden_states, edge_index, W0, b0, W1, b1, W_ih, W_hh,
           b_ih, b_hh, gat_Wl, gat_Wr, gat_att, gat_bias, gat_Wres):
    h, xl, xr, res = _dense_stage(
        inputs, hidden_states.reshape(-1, D), W0, b0.reshape(1, D), W1,
        b1.reshape(1, D), W_ih.T, b_ih.reshape(1, 3 * D), W_hh.T,
        b_hh.reshape(1, 3 * D), gat_Wl, gat_Wr, gat_Wres, gat_bias.reshape(1, D))

    pad = E_PAD - E
    src_p = jnp.concatenate([edge_index[0], jnp.zeros((pad,), jnp.int32)])
    dst_p = jnp.concatenate([edge_index[1], jnp.full((pad,), N, jnp.int32)])
    ids_p = jnp.stack([src_p, dst_p]).reshape(2, NW * CPW, CHUNK).transpose(1, 0, 2)

    part, den = _edge_stage(xl, xr, ids_p, gat_att)

    out = _combine_stage(part[0, :N], part[1, :N], den.T[:N], res)
    return (out, h)

# --- scband reference (transcript-rebuilt; emitter-appended) ---
"""Pipeline reference for scband-rnn-gnn-agent-base-42210938585346 (READ-ONLY COPY).

The authoritative reference and input builder live on the scoring server;
editing this copy changes nothing except your own understanding.
"""

import jax, jax.numpy as jnp
import numpy as np

N = 10000
E = 320000
D_IN = 128
H_DIM = 128
MEM = 128
GNN = 128


def setup_inputs(seed: int = 0) -> dict:
    key = jax.random.key(seed)
    ks = jax.random.split(key, 20)
    s = 0.05
    inp = {}
    inp['inputs'] = jax.random.normal(ks[0], (N, D_IN), jnp.float32)
    inp['hidden_states'] = jax.random.normal(ks[1], (N, MEM), jnp.float32)
    inp['edge_index'] = jax.random.randint(ks[2], (2, E), 0, N, jnp.int32)
    # base MLP (n_layers=2)
    inp['W0'] = jax.random.normal(ks[3], (D_IN, H_DIM), jnp.float32) * s
    inp['b0'] = jnp.zeros((H_DIM,), jnp.float32)
    inp['W1'] = jax.random.normal(ks[4], (H_DIM, H_DIM), jnp.float32) * s
    inp['b1'] = jnp.zeros((H_DIM,), jnp.float32)
    # GRUCell params (torch layout: [3*MEM, in])
    inp['W_ih'] = jax.random.normal(ks[5], (3 * MEM, H_DIM), jnp.float32) * s
    inp['W_hh'] = jax.random.normal(ks[6], (3 * MEM, MEM), jnp.float32) * s
    inp['b_ih'] = jnp.zeros((3 * MEM,), jnp.float32)
    inp['b_hh'] = jnp.zeros((3 * MEM,), jnp.float32)
    # GATv2Conv params (heads=1, share_weights=False, residual=True)
    inp['gat_Wl'] = jax.random.normal(ks[7], (MEM, GNN), jnp.float32) * s
    inp['gat_Wr'] = jax.random.normal(ks[8], (MEM, GNN), jnp.float32) * s
    inp['gat_att'] = jax.random.normal(ks[9], (GNN,), jnp.float32) * s
    inp['gat_bias'] = jnp.zeros((GNN,), jnp.float32)
    inp['gat_Wres'] = jax.random.normal(ks[10], (MEM, GNN), jnp.float32) * s
    return inp


def _forward(inputs, hidden_states, W0, b0, W1, b1, W_ih, W_hh, b_ih, b_hh,
             gat_Wl, gat_Wr, gat_att, gat_bias, gat_Wres, edge_index):
    # base: Sequential of Linear+ReLU
    x = jax.nn.relu(inputs @ W0 + b0)
    x = jax.nn.relu(x @ W1 + b1)
    # GRUCell
    h_in = hidden_states.reshape(-1, MEM)
    gi = x @ W_ih.T + b_ih
    gh = h_in @ W_hh.T + b_hh
    i_r, i_z, i_n = jnp.split(gi, 3, axis=1)
    h_r, h_z, h_n = jnp.split(gh, 3, axis=1)
    r = jax.nn.sigmoid(i_r + h_r)
    zg = jax.nn.sigmoid(i_z + h_z)
    ng = jnp.tanh(i_n + r * h_n)
    h = (1.0 - zg) * ng + zg * h_in
    # GATv2Conv (heads=1), flow source_to_target: aggregate at dst=edge_index[1]
    src = edge_index[0]
    dst = edge_index[1]
    xl = h @ gat_Wl
    xr = h @ gat_Wr
    feat = jax.nn.leaky_relu(xl[src] + xr[dst], negative_slope=0.2)
    e = feat @ gat_att  # [E]
    m = jax.ops.segment_max(e, dst, num_segments=N)
    ex = jnp.exp(e - m[dst])
    denom = jax.ops.segment_sum(ex, dst, num_segments=N)
    alpha = ex / (denom[dst] + 1e-16)
    out = jax.ops.segment_sum(alpha[:, None] * xl[src], dst, num_segments=N)
    # residual + bias
    out = out + h @ gat_Wres + gat_bias
    return (out, h)


def reference(inputs, hidden_states, edge_index, W0, b0, W1, b1, W_ih, W_hh,
              b_ih, b_hh, gat_Wl, gat_Wr, gat_att, gat_bias, gat_Wres):
    return _forward(inputs, hidden_states, W0, b0, W1, b1, W_ih, W_hh, b_ih,
                    b_hh, gat_Wl, gat_Wr, gat_att, gat_bias, gat_Wres,
                    edge_index)

if __name__ == "__main__":
    import jax
    _d = setup_inputs()
    print(jax.jit(kernel)(*tuple(_d.values())))

</pallas_src>

<mosaic_0001>
#map = affine_map<(d0, d1) -> (0, 0)>
#map1 = affine_map<(d0, d1) -> (0, 0, 0)>
#map2 = affine_map<(d0, d1) -> (0)>
module attributes {stable_mosaic.version = 14 : i64} {
  func.func @_edge_body(%arg0: i32, %arg1: i32, %arg2: memref<10000x128xf32, #tpu.memory_space<hbm>>, %arg3: memref<10000x128xf32, #tpu.memory_space<hbm>>, %arg4: memref<6784x2x48xi32, #tpu.memory_space<hbm>>, %arg5: memref<128xf32, #tpu.memory_space<hbm>>, %arg6: memref<2x10240x128xf32, #tpu.memory_space<hbm>>, %arg7: memref<32x10240xf32, #tpu.memory_space<hbm>>, %arg8: memref<4x2x48xi32, #tpu.memory_space<vmem>>, %arg9: memref<2x48x128xf32, #tpu.memory_space<vmem>>, %arg10: memref<2x48x128xf32, #tpu.memory_space<vmem>>, %arg11: memref<48x16xf32, #tpu.memory_space<vmem>>, %arg12: memref<10240xf32, #tpu.memory_space<vmem>>, %arg13: memref<128xf32, #tpu.memory_space<vmem>>, %arg14: memref<10240x128xf32, #tpu.memory_space<vmem_shared>>, %arg15: memref<!tpu.dma_semaphore, #tpu.memory_space<semaphore_mem>>, %arg16: memref<!tpu.dma_semaphore, #tpu.memory_space<semaphore_mem>>, %arg17: memref<!tpu.dma_semaphore, #tpu.memory_space<semaphore_mem>>, %arg18: memref<!tpu.dma_semaphore, #tpu.memory_space<semaphore_mem>>, %arg19: memref<!tpu.dma_semaphore, #tpu.memory_space<semaphore_mem>>, %arg20: memref<!tpu.dma_semaphore, #tpu.memory_space<semaphore_mem>>) attributes {dimension_semantics = [#tpu.dimension_semantics<core_parallel>, #tpu.dimension_semantics<subcore_parallel>], iteration_bounds = array<i64: 2, 16>, scalar_prefetch = 0 : i64, scratch_operands = 13 : i64, tpu.core_type = #tpu.core_type<sc_vector_subcore>, window_params = [{transform_indices = #map}, {transform_indices = #map}, {transform_indices = #map1}, {transform_indices = #map2}, {transform_indices = #map1}, {transform_indices = #map}]} {
    %mul3A = arith.constant 2 : i32
    %mul3A_0 = arith.muli %arg1, %mul3A : i32
    %add3A = arith.addi %mul3A_0, %arg0 : i32
    %mul3A_1 = arith.constant 212 : i32
    %mul3A_2 = arith.muli %add3A, %mul3A_1 : i32
    %scan3A = arith.constant 0 : i32
    %scan3A_3 = arith.constant 640 : i32
    %scan3A_4 = arith.addi %scan3A, %scan3A_3 : i32
    %scan3A_5 = arith.constant 4 : i32
    scf.for %scan3A_151 = %scan3A to %scan3A_4 step %scan3A_5  : i32 {
      %broadcast_in_dim3A_152 = arith.constant 0.000000e+00 : f32
      %broadcast_in_dim3A_153 = vector.broadcast %broadcast_in_dim3A_152 : f32 to vector<16xf32>
      %mul3A_154 = arith.constant 16 : i32
      %mul3A_155 = arith.muli %scan3A_151, %mul3A_154 : i32
      %swap3A = arith.index_cast %mul3A_155 : i32 to index
      %swap3A_156 = tpu.vector_load %arg12[%swap3A] {strides = array<i32>} : memref<10240xf32, #tpu.memory_space<vmem>>, vector<16xf32>,
      tpu.vector_store %arg12[%swap3A], %broadcast_in_dim3A_153 {strides = array<i32>} : memref<10240xf32, #tpu.memory_space<vmem>>, vector<16xf32>,
      %scan3A_157 = arith.constant 1 : i32
      %scan3A_158 = arith.addi %scan3A_151, %scan3A_157 : i32
      %broadcast_in_dim3A_159 = arith.constant 0.000000e+00 : f32
      %broadcast_in_dim3A_160 = vector.broadcast %broadcast_in_dim3A_159 : f32 to vector<16xf32>
      %mul3A_161 = arith.constant 16 : i32
      %mul3A_162 = arith.muli %scan3A_158, %mul3A_161 : i32
      %swap3A_163 = arith.index_cast %mul3A_162 : i32 to index
      %swap3A_164 = tpu.vector_load %arg12[%swap3A_163] {strides = array<i32>} : memref<10240xf32, #tpu.memory_space<vmem>>, vector<16xf32>,
      tpu.vector_store %arg12[%swap3A_163], %broadcast_in_dim3A_160 {strides = array<i32>} : memref<10240xf32, #tpu.memory_space<vmem>>, vector<16xf32>,
      %scan3A_165 = arith.constant 2 : i32
      %scan3A_166 = arith.addi %scan3A_151, %scan3A_165 : i32
      %broadcast_in_dim3A_167 = arith.constant 0.000000e+00 : f32
      %broadcast_in_dim3A_168 = vector.broadcast %broadcast_in_dim3A_167 : f32 to vector<16xf32>
      %mul3A_169 = arith.constant 16 : i32
      %mul3A_170 = arith.muli %scan3A_166, %mul3A_169 : i32
      %swap3A_171 = arith.index_cast %mul3A_170 : i32 to index
      %swap3A_172 = tpu.vector_load %arg12[%swap3A_171] {strides = array<i32>} : memref<10240xf32, #tpu.memory_space<vmem>>, vector<16xf32>,
      tpu.vector_store %arg12[%swap3A_171], %broadcast_in_dim3A_168 {strides = array<i32>} : memref<10240xf32, #tpu.memory_space<vmem>>, vector<16xf32>,
      %scan3A_173 = arith.constant 3 : i32
      %scan3A_174 = arith.addi %scan3A_151, %scan3A_173 : i32
      %broadcast_in_dim3A_175 = arith.constant 0.000000e+00 : f32
      %broadcast_in_dim3A_176 = vector.broadcast %broadcast_in_dim3A_175 : f32 to vector<16xf32>
      %mul3A_177 = arith.constant 16 : i32
      %mul3A_178 = arith.muli %scan3A_174, %mul3A_177 : i32
      %swap3A_179 = arith.index_cast %mul3A_178 : i32 to index
      %swap3A_180 = tpu.vector_load %arg12[%swap3A_179] {strides = array<i32>} : memref<10240xf32, #tpu.memory_space<vmem>>, vector<16xf32>,
      tpu.vector_store %arg12[%swap3A_179], %broadcast_in_dim3A_176 {strides = array<i32>} : memref<10240xf32, #tpu.memory_space<vmem>>, vector<16xf32>,
    }
    %scan3A_6 = arith.constant 640 : i32
    %scan3A_7 = arith.constant 0 : i32
    %scan3A_8 = arith.constant 40 : i32
    %scan3A_9 = arith.addi %scan3A_7, %scan3A_8 : i32
    %scan3A_10 = arith.constant 2 : i32
    scf.for %scan3A_151 = %scan3A_7 to %scan3A_9 step %scan3A_10  : i32 {
      %broadcast_in_dim3A_152 = arith.constant 0.000000e+00 : f32
      %broadcast_in_dim3A_153 = vector.broadcast %broadcast_in_dim3A_152 : f32 to vector<16xf32>
      %swap3A = arith.constant 0 : i32
      %swap3A_154 = arith.index_cast %swap3A : i32 to index
      %swap3A_155 = arith.index_cast %scan3A_151 : i32 to index
      %swap3A_156 = arith.constant 0 : index
      %swap3A_157 = tpu.vector_load %arg10[%swap3A_154, %swap3A_155, %swap3A_156] {strides = array<i32>} : memref<2x48x128xf32, #tpu.memory_space<vmem>>, vector<16xf32>,
      tpu.vector_store %arg10[%swap3A_154, %swap3A_155, %swap3A_156], %broadcast_in_dim3A_153 {strides = array<i32>} : memref<2x48x128xf32, #tpu.memory_space<vmem>>, vector<16xf32>,
      %broadcast_in_dim3A_158 = arith.constant 0.000000e+00 : f32
      %broadcast_in_dim3A_159 = vector.broadcast %broadcast_in_dim3A_158 : f32 to vector<16xf32>
      %swap3A_160 = arith.constant 0 : i32
      %swap3A_161 = arith.index_cast %swap3A_160 : i32 to index
      %swap3A_162 = arith.index_cast %scan3A_151 : i32 to index
      %swap3A_163 = arith.constant 16 : index
      %swap3A_164 = tpu.vector_load %arg10[%swap3A_161, %swap3A_162, %swap3A_163] {strides = array<i32>} : memref<2x48x128xf32, #tpu.memory_space<vmem>>, vector<16xf32>,
      tpu.vector_store %arg10[%swap3A_161, %swap3A_162, %swap3A_163], %broadcast_in_dim3A_159 {strides = array<i32>} : memref<2x48x128xf32, #tpu.memory_space<vmem>>, vector<16xf32>,
      %broadcast_in_dim3A_165 = arith.constant 0.000000e+00 : f32
      %broadcast_in_dim3A_166 = vector.broadcast %broadcast_in_dim3A_165 : f32 to vector<16xf32>
      %swap3A_167 = arith.constant 0 : i32
      %swap3A_168 = arith.index_cast %swap3A_167 : i32 to index
      %swap3A_169 = arith.index_cast %scan3A_151 : i32 to index
      %swap3A_170 = arith.constant 32 : index
      %swap3A_171 = tpu.vector_load %arg10[%swap3A_168, %swap3A_169, %swap3A_170] {strides = array<i32>} : memref<2x48x128xf32, #tpu.memory_space<vmem>>, vector<16xf32>,
      tpu.vector_store %arg10[%swap3A_168, %swap3A_169, %swap3A_170], %broadcast_in_dim3A_166 {strides = array<i32>} : memref<2x48x128xf32, #tpu.memory_space<vmem>>, vector<16xf32>,
      %broadcast_in_dim3A_172 = arith.constant 0.000000e+00 : f32
      %broadcast_in_dim3A_173 = vector.broadcast %broadcast_in_dim3A_172 : f32 to vector<16xf32>
      %swap3A_174 = arith.constant 0 : i32
      %swap3A_175 = arith.index_cast %swap3A_174 : i32 to index
      %swap3A_176 = arith.index_cast %scan3A_151 : i32 to index
      %swap3A_177 = arith.constant 48 : index
      %swap3A_178 = tpu.vector_load %arg10[%swap3A_175, %swap3A_176, %swap3A_177] {strides = array<i32>} : memref<2x48x128xf32, #tpu.memory_space<vmem>>, vector<16xf32>,
      tpu.vector_store %arg10[%swap3A_175, %swap3A_176, %swap3A_177], %broadcast_in_dim3A_173 {strides = array<i32>} : memref<2x48x128xf32, #tpu.memory_space<vmem>>, vector<16xf32>,
      %broadcast_in_dim3A_179 = arith.constant 0.000000e+00 : f32
      %broadcast_in_dim3A_180 = vector.broadcast %broadcast_in_dim3A_179 : f32 to vector<16xf32>
      %swap3A_181 = arith.constant 0 : i32
      %swap3A_182 = arith.index_cast %swap3A_181 : i32 to index
      %swap3A_183 = arith.index_cast %scan3A_151 : i32 to index
      %swap3A_184 = arith.constant 64 : index
      %swap3A_185 = tpu.vector_load %arg10[%swap3A_182, %swap3A_183, %swap3A_184] {strides = array<i32>} : memref<2x48x128xf32, #tpu.memory_space<vmem>>, vector<16xf32>,
      tpu.vector_store %arg10[%swap3A_182, %swap3A_183, %swap3A_184], %broadcast_in_dim3A_180 {strides = array<i32>} : memref<2x48x128xf32, #tpu.memory_space<vmem>>, vector<16xf32>,
      %broadcast_in_dim3A_186 = arith.constant 0.000000e+00 : f32
      %broadcast_in_dim3A_187 = vector.broadcast %broadcast_in_dim3A_186 : f32 to vector<16xf32>
      %swap3A_188 = arith.constant 0 : i32
      %swap3A_189 = arith.index_cast %swap3A_188 : i32 to index
      %swap3A_190 = arith.index_cast %scan3A_151 : i32 to index
      %swap3A_191 = arith.constant 80 : index
      %swap3A_192 = tpu.vector_load %arg10[%swap3A_189, %swap3A_190, %swap3A_191] {strides = array<i32>} : memref<2x48x128xf32, #tpu.memory_space<vmem>>, vector<16xf32>,
      tpu.vector_store %arg10[%swap3A_189, %swap3A_190, %swap3A_191], %broadcast_in_dim3A_187 {strides = array<i32>} : memref<2x48x128xf32, #tpu.memory_space<vmem>>, vector<16xf32>,
      %broadcast_in_dim3A_193 = arith.constant 0.000000e+00 : f32
      %broadcast_in_dim3A_194 = vector.broadcast %broadcast_in_dim3A_193 : f32 to vector<16xf32>
      %swap3A_195 = arith.constant 0 : i32
      %swap3A_196 = arith.index_cast %swap3A_195 : i32 to index
      %swap3A_197 = arith.index_cast %scan3A_151 : i32 to index
      %swap3A_198 = arith.constant 96 : index
      %swap3A_199 = tpu.vector_load %arg10[%swap3A_196, %swap3A_197, %swap3A_198] {strides = array<i32>} : memref<2x48x128xf32, #tpu.memory_space<vmem>>, vector<16xf32>,
      tpu.vector_store %arg10[%swap3A_196, %swap3A_197, %swap3A_198], %broadcast_in_dim3A_194 {strides = array<i32>} : memref<2x48x128xf32, #tpu.memory_space<vmem>>, vector<16xf32>,
      %broadcast_in_dim3A_200 = arith.constant 0.000000e+00 : f32
      %broadcast_in_dim3A_201 = vector.broadcast %broadcast_in_dim3A_200 : f32 to vector<16xf32>
      %swap3A_202 = arith.constant 0 : i32
      %swap3A_203 = arith.index_cast %swap3A_202 : i32 to index
      %swap3A_204 = arith.index_cast %scan3A_151 : i32 to index
      %swap3A_205 = arith.constant 112 : index
      %swap3A_206 = tpu.vector_load %arg10[%swap3A_203, %swap3A_204, %swap3A_205] {strides = array<i32>} : memref<2x48x128xf32, #tpu.memory_space<vmem>>, vector<16xf32>,
      tpu.vector_store %arg10[%swap3A_203, %swap3A_204, %swap3A_205], %broadcast_in_dim3A_201 {strides = array<i32>} : memref<2x48x128xf32, #tpu.memory_space<vmem>>, vector<16xf32>,
      %scan3A_207 = arith.constant 1 : i32
      %scan3A_208 = arith.addi %scan3A_151, %scan3A_207 : i32
      %broadcast_in_dim3A_209 = arith.constant 0.000000e+00 : f32
      %broadcast_in_dim3A_210 = vector.broadcast %broadcast_in_dim3A_209 : f32 to vector<16xf32>
      %swap3A_211 = arith.constant 0 : i32
      %swap3A_212 = arith.index_cast %swap3A_211 : i32 to index
      %swap3A_213 = arith.index_cast %scan3A_208 : i32 to index
      %swap3A_214 = arith.constant 0 : index
      %swap3A_215 = tpu.vector_load %arg10[%swap3A_212, %swap3A_213, %swap3A_214] {strides = array<i32>} : memref<2x48x128xf32, #tpu.memory_space<vmem>>, vector<16xf32>,
      tpu.vector_store %arg10[%swap3A_212, %swap3A_213, %swap3A_214], %broadcast_in_dim3A_210 {strides = array<i32>} : memref<2x48x128xf32, #tpu.memory_space<vmem>>, vector<16xf32>,
      %broadcast_in_dim3A_216 = arith.constant 0.000000e+00 : f32
      %broadcast_in_dim3A_217 = vector.broadcast %broadcast_in_dim3A_216 : f32 to vector<16xf32>
      %swap3A_218 = arith.constant 0 : i32
      %swap3A_219 = arith.index_cast %swap3A_218 : i32 to index
      %swap3A_220 = arith.index_cast %scan3A_208 : i32 to index
      %swap3A_221 = arith.constant 16 : index
      %swap3A_222 = tpu.vector_load %arg10[%swap3A_219, %swap3A_220, %swap3A_221] {strides = array<i32>} : memref<2x48x128xf32, #tpu.memory_space<vmem>>, vector<16xf32>,
      tpu.vector_store %arg10[%swap3A_219, %swap3A_220, %swap3A_221], %broadcast_in_dim3A_217 {strides = array<i32>} : memref<2x48x128xf32, #tpu.memory_space<vmem>>, vector<16xf32>,
      %broadcast_in_dim3A_223 = arith.constant 0.000000e+00 : f32
      %broadcast_in_dim3A_224 = vector.broadcast %broadcast_in_dim3A_223 : f32 to vector<16xf32>
      %swap3A_225 = arith.constant 0 : i32
      %swap3A_226 = arith.index_cast %swap3A_225 : i32 to index
      %swap3A_227 = arith.index_cast %scan3A_208 : i32 to index
      %swap3A_228 = arith.constant 32 : index
      %swap3A_229 = tpu.vector_load %arg10[%swap3A_226, %swap3A_227, %swap3A_228] {strides = array<i32>} : memref<2x48x128xf32, #tpu.memory_space<vmem>>, vector<16xf32>,
      tpu.vector_store %arg10[%swap3A_226, %swap3A_227, %swap3A_228], %broadcast_in_dim3A_224 {strides = array<i32>} : memref<2x48x128xf32, #tpu.memory_space<vmem>>, vector<16xf32>,
      %broadcast_in_dim3A_230 = arith.constant 0.000000e+00 : f32
      %broadcast_in_dim3A_231 = vector.broadcast %broadcast_in_dim3A_230 : f32 to vector<16xf32>
      %swap3A_232 = arith.constant 0 : i32
      %swap3A_233 = arith.index_cast %swap3A_232 : i32 to index
      %swap3A_234 = arith.index_cast %scan3A_208 : i32 to index
      %swap3A_235 = arith.constant 48 : index
      %swap3A_236 = tpu.vector_load %arg10[%swap3A_233, %swap3A_234, %swap3A_235] {strides = array<i32>} : memref<2x48x128xf32, #tpu.memory_space<vmem>>, vector<16xf32>,
      tpu.vector_store %arg10[%swap3A_233, %swap3A_234, %swap3A_235], %broadcast_in_dim3A_231 {strides = array<i32>} : memref<2x48x128xf32, #tpu.memory_space<vmem>>, vector<16xf32>,
      %broadcast_in_dim3A_237 = arith.constant 0.000000e+00 : f32
      %broadcast_in_dim3A_238 = vector.broadcast %broadcast_in_dim3A_237 : f32 to vector<16xf32>
      %swap3A_239 = arith.constant 0 : i32
      %swap3A_240 = arith.index_cast %swap3A_239 : i32 to index
      %swap3A_241 = arith.index_cast %scan3A_208 : i32 to index
      %swap3A_242 = arith.constant 64 : index
      %swap3A_243 = tpu.vector_load %arg10[%swap3A_240, %swap3A_241, %swap3A_242] {strides = array<i32>} : memref<2x48x128xf32, #tpu.memory_space<vmem>>, vector<16xf32>,
      tpu.vector_store %arg10[%swap3A_240, %swap3A_241, %swap3A_242], %broadcast_in_dim3A_238 {strides = array<i32>} : memref<2x48x128xf32, #tpu.memory_space<vmem>>, vector<16xf32>,
      %broadcast_in_dim3A_244 = arith.constant 0.000000e+00 : f32
      %broadcast_in_dim3A_245 = vector.broadcast %broadcast_in_dim3A_244 : f32 to vector<16xf32>
      %swap3A_246 = arith.constant 0 : i32
      %swap3A_247 = arith.index_cast %swap3A_246 : i32 to index
      %swap3A_248 = arith.index_cast %scan3A_208 : i32 to index
      %swap3A_249 = arith.constant 80 : index
      %swap3A_250 = tpu.vector_load %arg10[%swap3A_247, %swap3A_248, %swap3A_249] {strides = array<i32>} : memref<2x48x128xf32, #tpu.memory_space<vmem>>, vector<16xf32>,
      tpu.vector_store %arg10[%swap3A_247, %swap3A_248, %swap3A_249], %broadcast_in_dim3A_245 {strides = array<i32>} : memref<2x48x128xf32, #tpu.memory_space<vmem>>, vector<16xf32>,
      %broadcast_in_dim3A_251 = arith.constant 0.000000e+00 : f32
      %broadcast_in_dim3A_252 = vector.broadcast %broadcast_in_dim3A_251 : f32 to vector<16xf32>
      %swap3A_253 = arith.constant 0 : i32
      %swap3A_254 = arith.index_cast %swap3A_253 : i32 to index
      %swap3A_255 = arith.index_cast %scan3A_208 : i32 to index
      %swap3A_256 = arith.constant 96 : index
      %swap3A_257 = tpu.vector_load %arg10[%swap3A_254, %swap3A_255, %swap3A_256] {strides = array<i32>} : memref<2x48x128xf32, #tpu.memory_space<vmem>>, vector<16xf32>,
      tpu.vector_store %arg10[%swap3A_254, %swap3A_255, %swap3A_256], %broadcast_in_dim3A_252 {strides = array<i32>} : memref<2x48x128xf32, #tpu.memory_space<vmem>>, vector<16xf32>,
      %broadcast_in_dim3A_258 = arith.constant 0.000000e+00 : f32
      %broadcast_in_dim3A_259 = vector.broadcast %broadcast_in_dim3A_258 : f32 to vector<16xf32>
      %swap3A_260 = arith.constant 0 : i32
      %swap3A_261 = arith.index_cast %swap3A_260 : i32 to index
      %swap3A_262 = arith.index_cast %scan3A_208 : i32 to index
      %swap3A_263 = arith.constant 112 : index
      %swap3A_264 = tpu.vector_load %arg10[%swap3A_261, %swap3A_262, %swap3A_263] {strides = array<i32>} : memref<2x48x128xf32, #tpu.memory_space<vmem>>, vector<16xf32>,
      tpu.vector_store %arg10[%swap3A_261, %swap3A_262, %swap3A_263], %broadcast_in_dim3A_259 {strides = array<i32>} : memref<2x48x128xf32, #tpu.memory_space<vmem>>, vector<16xf32>,
    }
    %scan3A_11 = arith.constant 40 : i32
    %mul3A_12 = arith.constant 640 : i32
    %mul3A_13 = arith.muli %arg1, %mul3A_12 : i32
    %scan3A_14 = arith.constant 0 : i32
    %scan3A_15 = arith.constant 16 : i32
    %scan3A_16 = arith.addi %scan3A_14, %scan3A_15 : i32
    %scan3A_17 = arith.constant 1 : i32
    scf.for %scan3A_151 = %scan3A_14 to %scan3A_16 step %scan3A_17  : i32 {
      %mul3A_152 = arith.constant 40 : i32
      %mul3A_153 = arith.muli %scan3A_151, %mul3A_152 : i32
      %add3A_154 = arith.addi %mul3A_13, %mul3A_153 : i32
      %run_scoped3A_155 = arith.constant 0 : i32
      "tpu.region"() ({
        %run_scoped3A_156 = tpu.sem_alloc : memref<!tpu.dma_semaphore, #tpu.memory_space<semaphore_mem>>
        %dma_start3A_157 = arith.constant 0 : i32
        %dma_start3A_158 = arith.constant 0 : i32
        %dma_start3A_159 = tpu.memref_slice %arg10[%run_scoped3A_155, %dma_start3A_157, %dma_start3A_158] : memref<2x48x128xf32, #tpu.memory_space<vmem>> -> memref<1x40x128xf32, #tpu.memory_space<vmem>>
        %dma_start3A_160 = tpu.memref_squeeze %dma_start3A_159 : memref<1x40x128xf32, #tpu.memory_space<vmem>> -> memref<40x128xf32, #tpu.memory_space<vmem>>
        %dma_start3A_161 = arith.constant 0 : i32
        %dma_start3A_162 = tpu.memref_slice %arg14[%add3A_154, %dma_start3A_161] : memref<10240x128xf32, #tpu.memory_space<vmem_shared>> -> memref<40x128xf32, #tpu.memory_space<vmem_shared>>
        %dma_start3A_163 = arith.constant 0 : i32
        %dma_start3A_164 = tpu.memref_slice %arg14[%add3A_154, %dma_start3A_163] : memref<10240x128xf32, #tpu.memory_space<vmem_shared>> -> memref<40x128xf32, #tpu.memory_space<vmem_shared>>
        %dma_start3A_165 = arith.constant 0 : i32
        %dma_start3A_166 = arith.constant 0 : i32
        %dma_start3A_167 = tpu.memref_slice %arg10[%run_scoped3A_155, %dma_start3A_165, %dma_start3A_166] : memref<2x48x128xf32, #tpu.memory_space<vmem>> -> memref<1x40x128xf32, #tpu.memory_space<vmem>>
        %dma_start3A_168 = tpu.memref_squeeze %dma_start3A_167 : memref<1x40x128xf32, #tpu.memory_space<vmem>> -> memref<40x128xf32, #tpu.memory_space<vmem>>
        tpu.enqueue_dma source(%dma_start3A_168 : memref<40x128xf32, #tpu.memory_space<vmem>>) target(%dma_start3A_164 : memref<40x128xf32, #tpu.memory_space<vmem_shared>>) target_semaphore(%run_scoped3A_156 : memref<!tpu.dma_semaphore, #tpu.memory_space<semaphore_mem>>)
        %dma_wait3A_169 = arith.constant 0 : i32
        %dma_wait3A_170 = arith.constant 0 : i32
        %dma_wait3A_171 = tpu.memref_slice %arg10[%run_scoped3A_155, %dma_wait3A_169, %dma_wait3A_170] : memref<2x48x128xf32, #tpu.memory_space<vmem>> -> memref<1x40x128xf32, #tpu.memory_space<vmem>>
        %dma_wait3A_172 = tpu.memref_squeeze %dma_wait3A_171 : memref<1x40x128xf32, #tpu.memory_space<vmem>> -> memref<40x128xf32, #tpu.memory_space<vmem>>
        %dma_wait3A_173 = arith.constant 0 : i32
        %dma_wait3A_174 = tpu.memref_slice %arg14[%add3A_154, %dma_wait3A_173] : memref<10240x128xf32, #tpu.memory_space<vmem_shared>> -> memref<40x128xf32, #tpu.memory_space<vmem_shared>>
        %dma_wait3A_175 = arith.constant 0 : i32
        %dma_wait3A_176 = tpu.memref_slice %arg14[%add3A_154, %dma_wait3A_175] : memref<10240x128xf32, #tpu.memory_space<vmem_shared>> -> memref<40x128xf32, #tpu.memory_space<vmem_shared>>
        %dma_wait3A_177 = arith.constant 0 : i32
        %dma_wait3A_178 = arith.constant 0 : i32
        %dma_wait3A_179 = tpu.memref_slice %arg10[%run_scoped3A_155, %dma_wait3A_177, %dma_wait3A_178] : memref<2x48x128xf32, #tpu.memory_space<vmem>> -> memref<1x40x128xf32, #tpu.memory_space<vmem>>
        %dma_wait3A_180 = tpu.memref_squeeze %dma_wait3A_179 : memref<1x40x128xf32, #tpu.memory_space<vmem>> -> memref<40x128xf32, #tpu.memory_space<vmem>>
        tpu.wait_dma2 semaphore(%run_scoped3A_156 : memref<!tpu.dma_semaphore, #tpu.memory_space<semaphore_mem>>) src(%dma_wait3A_180 : memref<40x128xf32, #tpu.memory_space<vmem>>) dst(%dma_wait3A_176 : memref<40x128xf32, #tpu.memory_space<vmem_shared>>)
        tpu.yield
      }) : () -> ()
    }
    %scan3A_18 = arith.constant 16 : i32
    "tpu.region"() ({
      %run_scoped3A_151 = tpu.sem_alloc : memref<!tpu.dma_semaphore, #tpu.memory_space<semaphore_mem>>
      tpu.enqueue_dma source(%arg5 : memref<128xf32, #tpu.memory_space<hbm>>) target(%arg13 : memref<128xf32, #tpu.memory_space<vmem>>) target_semaphore(%run_scoped3A_151 : memref<!tpu.dma_semaphore, #tpu.memory_space<semaphore_mem>>)
      tpu.wait_dma2 semaphore(%run_scoped3A_151 : memref<!tpu.dma_semaphore, #tpu.memory_space<semaphore_mem>>) src(%arg5 : memref<128xf32, #tpu.memory_space<hbm>>) dst(%arg13 : memref<128xf32, #tpu.memory_space<vmem>>)
      tpu.yield
    }) : () -> ()
    %run_scoped3A = arith.constant 0 : i32
    "tpu.region"() ({
      %run_scoped3A_151 = tpu.sem_alloc : memref<!tpu.dma_semaphore, #tpu.memory_space<semaphore_mem>>
      %dma_start3A_152 = arith.constant 0 : i32
      %dma_start3A_153 = arith.constant 0 : i32
      %dma_start3A_154 = tpu.memref_slice %arg8[%run_scoped3A, %dma_start3A_152, %dma_start3A_153] : memref<4x2x48xi32, #tpu.memory_space<vmem>> -> memref<1x2x48xi32, #tpu.memory_space<vmem>>
      %dma_start3A_155 = tpu.memref_squeeze %dma_start3A_154 : memref<1x2x48xi32, #tpu.memory_space<vmem>> -> memref<2x48xi32, #tpu.memory_space<vmem>>
      %dma_start3A_156 = arith.constant 0 : i32
      %dma_start3A_157 = arith.constant 0 : i32
      %dma_start3A_158 = tpu.memref_slice %arg4[%mul3A_2, %dma_start3A_156, %dma_start3A_157] : memref<6784x2x48xi32, #tpu.memory_space<hbm>> -> memref<1x2x48xi32, #tpu.memory_space<hbm>>
      %dma_start3A_159 = tpu.memref_squeeze %dma_start3A_158 : memref<1x2x48xi32, #tpu.memory_space<hbm>> -> memref<2x48xi32, #tpu.memory_space<hbm>>
      %dma_start3A_160 = arith.constant 0 : i32
      %dma_start3A_161 = arith.constant 0 : i32
      %dma_start3A_162 = tpu.memref_slice %arg8[%run_scoped3A, %dma_start3A_160, %dma_start3A_161] : memref<4x2x48xi32, #tpu.memory_space<vmem>> -> memref<1x2x48xi32, #tpu.memory_space<vmem>>
      %dma_start3A_163 = tpu.memref_squeeze %dma_start3A_162 : memref<1x2x48xi32, #tpu.memory_space<vmem>> -> memref<2x48xi32, #tpu.memory_space<vmem>>
      %dma_start3A_164 = arith.constant 0 : i32
      %dma_start3A_165 = arith.constant 0 : i32
      %dma_start3A_166 = tpu.memref_slice %arg4[%mul3A_2, %dma_start3A_164, %dma_start3A_165] : memref<6784x2x48xi32, #tpu.memory_space<hbm>> -> memref<1x2x48xi32, #tpu.memory_space<hbm>>
      %dma_start3A_167 = tpu.memref_squeeze %dma_start3A_166 : memref<1x2x48xi32, #tpu.memory_space<hbm>> -> memref<2x48xi32, #tpu.memory_space<hbm>>
      tpu.enqueue_dma source(%dma_start3A_167 : memref<2x48xi32, #tpu.memory_space<hbm>>) target(%dma_start3A_163 : memref<2x48xi32, #tpu.memory_space<vmem>>) target_semaphore(%run_scoped3A_151 : memref<!tpu.dma_semaphore, #tpu.memory_space<semaphore_mem>>)
      %dma_wait3A_168 = arith.constant 0 : i32
      %dma_wait3A_169 = arith.constant 0 : i32
      %dma_wait3A_170 = tpu.memref_slice %arg8[%run_scoped3A, %dma_wait3A_168, %dma_wait3A_169] : memref<4x2x48xi32, #tpu.memory_space<vmem>> -> memref<1x2x48xi32, #tpu.memory_space<vmem>>
      %dma_wait3A_171 = tpu.memref_squeeze %dma_wait3A_170 : memref<1x2x48xi32, #tpu.memory_space<vmem>> -> memref<2x48xi32, #tpu.memory_space<vmem>>
      %dma_wait3A_172 = arith.constant 0 : i32
      %dma_wait3A_173 = arith.constant 0 : i32
      %dma_wait3A_174 = tpu.memref_slice %arg4[%mul3A_2, %dma_wait3A_172, %dma_wait3A_173] : memref<6784x2x48xi32, #tpu.memory_space<hbm>> -> memref<1x2x48xi32, #tpu.memory_space<hbm>>
      %dma_wait3A_175 = tpu.memref_squeeze %dma_wait3A_174 : memref<1x2x48xi32, #tpu.memory_space<hbm>> -> memref<2x48xi32, #tpu.memory_space<hbm>>
      %dma_wait3A_176 = arith.constant 0 : i32
      %dma_wait3A_177 = arith.constant 0 : i32
      %dma_wait3A_178 = tpu.memref_slice %arg8[%run_scoped3A, %dma_wait3A_176, %dma_wait3A_177] : memref<4x2x48xi32, #tpu.memory_space<vmem>> -> memref<1x2x48xi32, #tpu.memory_space<vmem>>
      %dma_wait3A_179 = tpu.memref_squeeze %dma_wait3A_178 : memref<1x2x48xi32, #tpu.memory_space<vmem>> -> memref<2x48xi32, #tpu.memory_space<vmem>>
      %dma_wait3A_180 = arith.constant 0 : i32
      %dma_wait3A_181 = arith.constant 0 : i32
      %dma_wait3A_182 = tpu.memref_slice %arg4[%mul3A_2, %dma_wait3A_180, %dma_wait3A_181] : memref<6784x2x48xi32, #tpu.memory_space<hbm>> -> memref<1x2x48xi32, #tpu.memory_space<hbm>>
      %dma_wait3A_183 = tpu.memref_squeeze %dma_wait3A_182 : memref<1x2x48xi32, #tpu.memory_space<hbm>> -> memref<2x48xi32, #tpu.memory_space<hbm>>
      tpu.wait_dma2 semaphore(%run_scoped3A_151 : memref<!tpu.dma_semaphore, #tpu.memory_space<semaphore_mem>>) src(%dma_wait3A_183 : memref<2x48xi32, #tpu.memory_space<hbm>>) dst(%dma_wait3A_179 : memref<2x48xi32, #tpu.memory_space<vmem>>)
      tpu.yield
    }) : () -> ()
    %add3A_19 = arith.constant 1 : i32
    %add3A_20 = arith.addi %mul3A_2, %add3A_19 : i32
    %dma_start3A = arith.constant 1 : i32
    %dma_start3A_21 = arith.constant 0 : i32
    %dma_start3A_22 = arith.constant 0 : i32
    %dma_start3A_23 = tpu.memref_slice %arg8[%dma_start3A, %dma_start3A_21, %dma_start3A_22] : memref<4x2x48xi32, #tpu.memory_space<vmem>> -> memref<1x2x48xi32, #tpu.memory_space<vmem>>
    %dma_start3A_24 = tpu.memref_squeeze %dma_start3A_23 : memref<1x2x48xi32, #tpu.memory_space<vmem>> -> memref<2x48xi32, #tpu.memory_space<vmem>>
    %dma_start3A_25 = arith.constant 0 : i32
    %dma_start3A_26 = arith.constant 0 : i32
    %dma_start3A_27 = tpu.memref_slice %arg4[%add3A_20, %dma_start3A_25, %dma_start3A_26] : memref<6784x2x48xi32, #tpu.memory_space<hbm>> -> memref<1x2x48xi32, #tpu.memory_space<hbm>>
    %dma_start3A_28 = tpu.memref_squeeze %dma_start3A_27 : memref<1x2x48xi32, #tpu.memory_space<hbm>> -> memref<2x48xi32, #tpu.memory_space<hbm>>
    %dma_start3A_29 = arith.constant 0 : i32
    %dma_start3A_30 = arith.constant 0 : i32
    %dma_start3A_31 = tpu.memref_slice %arg8[%dma_start3A, %dma_start3A_29, %dma_start3A_30] : memref<4x2x48xi32, #tpu.memory_space<vmem>> -> memref<1x2x48xi32, #tpu.memory_space<vmem>>
    %dma_start3A_32 = tpu.memref_squeeze %dma_start3A_31 : memref<1x2x48xi32, #tpu.memory_space<vmem>> -> memref<2x48xi32, #tpu.memory_space<vmem>>
    %dma_start3A_33 = arith.constant 0 : i32
    %dma_start3A_34 = arith.constant 0 : i32
    %dma_start3A_35 = tpu.memref_slice %arg4[%add3A_20, %dma_start3A_33, %dma_start3A_34] : memref<6784x2x48xi32, #tpu.memory_space<hbm>> -> memref<1x2x48xi32, #tpu.memory_space<hbm>>
    %dma_start3A_36 = tpu.memref_squeeze %dma_start3A_35 : memref<1x2x48xi32, #tpu.memory_space<hbm>> -> memref<2x48xi32, #tpu.memory_space<hbm>>
    tpu.enqueue_dma source(%dma_start3A_36 : memref<2x48xi32, #tpu.memory_space<hbm>>) target(%dma_start3A_32 : memref<2x48xi32, #tpu.memory_space<vmem>>) target_semaphore(%arg20 : memref<!tpu.dma_semaphore, #tpu.memory_space<semaphore_mem>>)
    %dma_start3A_37 = arith.constant 0 : i32
    %dma_start3A_38 = arith.constant 0 : i32
    %dma_start3A_39 = arith.constant 0 : i32
    %dma_start3A_40 = arith.constant 0 : i32
    %dma_start3A_41 = arith.constant 0 : i32
    %dma_start3A_42 = tpu.memref_slice %arg9[%dma_start3A_39, %dma_start3A_40, %dma_start3A_41] : memref<2x48x128xf32, #tpu.memory_space<vmem>> -> memref<1x48x128xf32, #tpu.memory_space<vmem>>
    %dma_start3A_43 = tpu.memref_squeeze %dma_start3A_42 : memref<1x48x128xf32, #tpu.memory_space<vmem>> -> memref<48x128xf32, #tpu.memory_space<vmem>>
    %dma_start3A_44 = arith.constant 0 : i32
    %dma_start3A_45 = tpu.memref_slice %arg8[%dma_start3A_37, %dma_start3A_38, %dma_start3A_44] : memref<4x2x48xi32, #tpu.memory_space<vmem>> -> memref<1x1x48xi32, #tpu.memory_space<vmem>>
    %dma_start3A_46 = tpu.memref_squeeze %dma_start3A_45 : memref<1x1x48xi32, #tpu.memory_space<vmem>> -> memref<48xi32, #tpu.memory_space<vmem>>
    %dma_start3A_47 = arith.constant 0 : i32
    %dma_start3A_48 = arith.constant 0 : i32
    %dma_start3A_49 = tpu.memref_slice %arg2[%dma_start3A_47, %dma_start3A_48] : memref<10000x128xf32, #tpu.memory_space<hbm>> -> memref<10000x128xf32, #tpu.memory_space<hbm>>
    tpu.enqueue_indirect_dma source(%dma_start3A_49 : memref<10000x128xf32, #tpu.memory_space<hbm>>) target(%dma_start3A_43 : memref<48x128xf32, #tpu.memory_space<vmem>>) offsets(%dma_start3A_46 : memref<48xi32, #tpu.memory_space<vmem>>) semaphore(%arg15 : memref<!tpu.dma_semaphore, #tpu.memory_space<semaphore_mem>>)
    %dma_start3A_50 = arith.constant 0 : i32
    %dma_start3A_51 = arith.constant 1 : i32
    %dma_start3A_52 = arith.constant 0 : i32
    %dma_start3A_53 = arith.constant 0 : i32
    %dma_start3A_54 = arith.constant 0 : i32
    %dma_start3A_55 = tpu.memref_slice %arg10[%dma_start3A_52, %dma_start3A_53, %dma_start3A_54] : memref<2x48x128xf32, #tpu.memory_space<vmem>> -> memref<1x48x128xf32, #tpu.memory_space<vmem>>
    %dma_start3A_56 = tpu.memref_squeeze %dma_start3A_55 : memref<1x48x128xf32, #tpu.memory_space<vmem>> -> memref<48x128xf32, #tpu.memory_space<vmem>>
    %dma_start3A_57 = arith.constant 0 : i32
    %dma_start3A_58 = tpu.memref_slice %arg8[%dma_start3A_50, %dma_start3A_51, %dma_start3A_57] : memref<4x2x48xi32, #tpu.memory_space<vmem>> -> memref<1x1x48xi32, #tpu.memory_space<vmem>>
    %dma_start3A_59 = tpu.memref_squeeze %dma_start3A_58 : memref<1x1x48xi32, #tpu.memory_space<vmem>> -> memref<48xi32, #tpu.memory_space<vmem>>
    %dma_start3A_60 = arith.constant 0 : i32
    %dma_start3A_61 = arith.constant 0 : i32
    %dma_start3A_62 = tpu.memref_slice %arg3[%dma_start3A_60, %dma_start3A_61] : memref<10000x128xf32, #tpu.memory_space<hbm>> -> memref<10000x128xf32, #tpu.memory_space<hbm>>
    tpu.enqueue_indirect_dma source(%dma_start3A_62 : memref<10000x128xf32, #tpu.memory_space<hbm>>) target(%dma_start3A_56 : memref<48x128xf32, #tpu.memory_space<vmem>>) offsets(%dma_start3A_59 : memref<48xi32, #tpu.memory_space<vmem>>) semaphore(%arg17 : memref<!tpu.dma_semaphore, #tpu.memory_space<semaphore_mem>>)
    %barrier3A = arith.constant 0 : index
    tpu.barrier barrier_id(%barrier3A)
    %get3A = arith.constant 0 : index
    %get3A_63 = tpu.vector_load %arg13[%get3A] {strides = array<i32>} : memref<128xf32, #tpu.memory_space<vmem>>, vector<16xf32>,
    %get3A_64 = arith.constant 16 : index
    %get3A_65 = tpu.vector_load %arg13[%get3A_64] {strides = array<i32>} : memref<128xf32, #tpu.memory_space<vmem>>, vector<16xf32>,
    %get3A_66 = arith.constant 32 : index
    %get3A_67 = tpu.vector_load %arg13[%get3A_66] {strides = array<i32>} : memref<128xf32, #tpu.memory_space<vmem>>, vector<16xf32>,
    %get3A_68 = arith.constant 48 : index
    %get3A_69 = tpu.vector_load %arg13[%get3A_68] {strides = array<i32>} : memref<128xf32, #tpu.memory_space<vmem>>, vector<16xf32>,
    %get3A_70 = arith.constant 64 : index
    %get3A_71 = tpu.vector_load %arg13[%get3A_70] {strides = array<i32>} : memref<128xf32, #tpu.memory_space<vmem>>, vector<16xf32>,
    %get3A_72 = arith.constant 80 : index
    %get3A_73 = tpu.vector_load %arg13[%get3A_72] {strides = array<i32>} : memref<128xf32, #tpu.memory_space<vmem>>, vector<16xf32>,
    %get3A_74 = arith.constant 96 : index
    %get3A_75 = tpu.vector_load %arg13[%get3A_74] {strides = array<i32>} : memref<128xf32, #tpu.memory_space<vmem>>, vector<16xf32>,
    %get3A_76 = arith.constant 112 : index
    %get3A_77 = tpu.vector_load %arg13[%get3A_76] {strides = array<i32>} : memref<128xf32, #tpu.memory_space<vmem>>, vector<16xf32>,
    %mul3A_78 = arith.constant 2.000000e-01 : f32
    %mul3A_79 = vector.broadcast %mul3A_78 : f32 to vector<16xf32>
    %mul3A_80 = arith.mulf %get3A_63, %mul3A_79 : vector<16xf32>
    %mul3A_81 = arith.constant 2.000000e-01 : f32
    %mul3A_82 = vector.broadcast %mul3A_81 : f32 to vector<16xf32>
    %mul3A_83 = arith.mulf %get3A_65, %mul3A_82 : vector<16xf32>
    %mul3A_84 = arith.constant 2.000000e-01 : f32
    %mul3A_85 = vector.broadcast %mul3A_84 : f32 to vector<16xf32>
    %mul3A_86 = arith.mulf %get3A_67, %mul3A_85 : vector<16xf32>
    %mul3A_87 = arith.constant 2.000000e-01 : f32
    %mul3A_88 = vector.broadcast %mul3A_87 : f32 to vector<16xf32>
    %mul3A_89 = arith.mulf %get3A_69, %mul3A_88 : vector<16xf32>
    %mul3A_90 = arith.constant 2.000000e-01 : f32
    %mul3A_91 = vector.broadcast %mul3A_90 : f32 to vector<16xf32>
    %mul3A_92 = arith.mulf %get3A_71, %mul3A_91 : vector<16xf32>
    %mul3A_93 = arith.constant 2.000000e-01 : f32
    %mul3A_94 = vector.broadcast %mul3A_93 : f32 to vector<16xf32>
    %mul3A_95 = arith.mulf %get3A_73, %mul3A_94 : vector<16xf32>
    %mul3A_96 = arith.constant 2.000000e-01 : f32
    %mul3A_97 = vector.broadcast %mul3A_96 : f32 to vector<16xf32>
    %mul3A_98 = arith.mulf %get3A_75, %mul3A_97 : vector<16xf32>
    %mul3A_99 = arith.constant 2.000000e-01 : f32
    %mul3A_100 = vector.broadcast %mul3A_99 : f32 to vector<16xf32>
    %mul3A_101 = arith.mulf %get3A_77, %mul3A_100 : vector<16xf32>
    %iota3A = tpu.iota {dimensions = array<i32: 0>} : vector<16xi32>
    %broadcast_in_dim3A = arith.constant 0 : i32
    %broadcast_in_dim3A_102 = vector.broadcast %broadcast_in_dim3A : i32 to vector<16xi32>
    %scan3A_103 = arith.constant 0 : i32
    %scan3A_104 = arith.constant 53 : i32
    %scan3A_105 = arith.addi %scan3A_103, %scan3A_104 : i32
    %scan3A_106 = arith.constant 1 : i32
    scf.for %scan3A_151 = %scan3A_103 to %scan3A_105 step %scan3A_106  : i32 {
      %mul3A_152 = arith.constant 4 : i32
      %mul3A_153 = arith.muli %mul3A_152, %scan3A_151 : i32
      %add3A_154 = arith.constant 0 : i32
      %add3A_155 = arith.addi %mul3A_153, %add3A_154 : i32
      %add3A_156 = arith.constant 2 : i32
      %add3A_157 = arith.addi %add3A_155, %add3A_156 : i32
      %min3A = arith.constant 211 : i32
      %min3A_158 = arith.minsi %add3A_157, %min3A : i32
      %add3A_159 = arith.addi %mul3A_2, %min3A_158 : i32
      %dma_start3A_160 = arith.constant 2 : i32
      %dma_start3A_161 = arith.constant 0 : i32
      %dma_start3A_162 = arith.constant 0 : i32
      %dma_start3A_163 = tpu.memref_slice %arg8[%dma_start3A_160, %dma_start3A_161, %dma_start3A_162] : memref<4x2x48xi32, #tpu.memory_space<vmem>> -> memref<1x2x48xi32, #tpu.memory_space<vmem>>
      %dma_start3A_164 = tpu.memref_squeeze %dma_start3A_163 : memref<1x2x48xi32, #tpu.memory_space<vmem>> -> memref<2x48xi32, #tpu.memory_space<vmem>>
      %dma_start3A_165 = arith.constant 0 : i32
      %dma_start3A_166 = arith.constant 0 : i32
      %dma_start3A_167 = tpu.memref_slice %arg4[%add3A_159, %dma_start3A_165, %dma_start3A_166] : memref<6784x2x48xi32, #tpu.memory_space<hbm>> -> memref<1x2x48xi32, #tpu.memory_space<hbm>>
      %dma_start3A_168 = tpu.memref_squeeze %dma_start3A_167 : memref<1x2x48xi32, #tpu.memory_space<hbm>> -> memref<2x48xi32, #tpu.memory_space<hbm>>
      %dma_start3A_169 = arith.constant 0 : i32
      %dma_start3A_170 = arith.constant 0 : i32
      %dma_start3A_171 = tpu.memref_slice %arg8[%dma_start3A_160, %dma_start3A_169, %dma_start3A_170] : memref<4x2x48xi32, #tpu.memory_space<vmem>> -> memref<1x2x48xi32, #tpu.memory_space<vmem>>
      %dma_start3A_172 = tpu.memref_squeeze %dma_start3A_171 : memref<1x2x48xi32, #tpu.memory_space<vmem>> -> memref<2x48xi32, #tpu.memory_space<vmem>>
      %dma_start3A_173 = arith.constant 0 : i32
      %dma_start3A_174 = arith.constant 0 : i32
      %dma_start3A_175 = tpu.memref_slice %arg4[%add3A_159, %dma_start3A_173, %dma_start3A_174] : memref<6784x2x48xi32, #tpu.memory_space<hbm>> -> memref<1x2x48xi32, #tpu.memory_space<hbm>>
      %dma_start3A_176 = tpu.memref_squeeze %dma_start3A_175 : memref<1x2x48xi32, #tpu.memory_space<hbm>> -> memref<2x48xi32, #tpu.memory_space<hbm>>
      tpu.enqueue_dma source(%dma_start3A_176 : memref<2x48xi32, #tpu.memory_space<hbm>>) target(%dma_start3A_172 : memref<2x48xi32, #tpu.memory_space<vmem>>) target_semaphore(%arg19 : memref<!tpu.dma_semaphore, #tpu.memory_space<semaphore_mem>>)
      %dma_wait3A_177 = arith.constant 1 : i32
      %dma_wait3A_178 = arith.constant 0 : i32
      %dma_wait3A_179 = arith.constant 0 : i32
      %dma_wait3A_180 = tpu.memref_slice %arg8[%dma_wait3A_177, %dma_wait3A_178, %dma_wait3A_179] : memref<4x2x48xi32, #tpu.memory_space<vmem>> -> memref<1x2x48xi32, #tpu.memory_space<vmem>>
      %dma_wait3A_181 = tpu.memref_squeeze %dma_wait3A_180 : memref<1x2x48xi32, #tpu.memory_space<vmem>> -> memref<2x48xi32, #tpu.memory_space<vmem>>
      %dma_wait3A_182 = arith.constant 0 : i32
      %dma_wait3A_183 = arith.constant 0 : i32
      %dma_wait3A_184 = tpu.memref_slice %arg4[%mul3A_2, %dma_wait3A_182, %dma_wait3A_183] : memref<6784x2x48xi32, #tpu.memory_space<hbm>> -> memref<1x2x48xi32, #tpu.memory_space<hbm>>
      %dma_wait3A_185 = tpu.memref_squeeze %dma_wait3A_184 : memref<1x2x48xi32, #tpu.memory_space<hbm>> -> memref<2x48xi32, #tpu.memory_space<hbm>>
      %dma_wait3A_186 = arith.constant 0 : i32
      %dma_wait3A_187 = arith.constant 0 : i32
      %dma_wait3A_188 = tpu.memref_slice %arg8[%dma_wait3A_177, %dma_wait3A_186, %dma_wait3A_187] : memref<4x2x48xi32, #tpu.memory_space<vmem>> -> memref<1x2x48xi32, #tpu.memory_space<vmem>>
      %dma_wait3A_189 = tpu.memref_squeeze %dma_wait3A_188 : memref<1x2x48xi32, #tpu.memory_space<vmem>> -> memref<2x48xi32, #tpu.memory_space<vmem>>
      %dma_wait3A_190 = arith.constant 0 : i32
      %dma_wait3A_191 = arith.constant 0 : i32
      %dma_wait3A_192 = tpu.memref_slice %arg4[%mul3A_2, %dma_wait3A_190, %dma_wait3A_191] : memref<6784x2x48xi32, #tpu.memory_space<hbm>> -> memref<1x2x48xi32, #tpu.memory_space<hbm>>
      %dma_wait3A_193 = tpu.memref_squeeze %dma_wait3A_192 : memref<1x2x48xi32, #tpu.memory_space<hbm>> -> memref<2x48xi32, #tpu.memory_space<hbm>>
      tpu.wait_dma2 semaphore(%arg20 : memref<!tpu.dma_semaphore, #tpu.memory_space<semaphore_mem>>) src(%dma_wait3A_193 : memref<2x48xi32, #tpu.memory_space<hbm>>) dst(%dma_wait3A_189 : memref<2x48xi32, #tpu.memory_space<vmem>>)
      %dma_start3A_194 = arith.constant 1 : i32
      %dma_start3A_195 = arith.constant 0 : i32
      %dma_start3A_196 = arith.constant 1 : i32
      %dma_start3A_197 = arith.constant 0 : i32
      %dma_start3A_198 = arith.constant 0 : i32
      %dma_start3A_199 = tpu.memref_slice %arg9[%dma_start3A_196, %dma_start3A_197, %dma_start3A_198] : memref<2x48x128xf32, #tpu.memory_space<vmem>> -> memref<1x48x128xf32, #tpu.memory_space<vmem>>
      %dma_start3A_200 = tpu.memref_squeeze %dma_start3A_199 : memref<1x48x128xf32, #tpu.memory_space<vmem>> -> memref<48x128xf32, #tpu.memory_space<vmem>>
      %dma_start3A_201 = arith.constant 0 : i32
      %dma_start3A_202 = tpu.memref_slice %arg8[%dma_start3A_194, %dma_start3A_195, %dma_start3A_201] : memref<4x2x48xi32, #tpu.memory_space<vmem>> -> memref<1x1x48xi32, #tpu.memory_space<vmem>>
      %dma_start3A_203 = tpu.memref_squeeze %dma_start3A_202 : memref<1x1x48xi32, #tpu.memory_space<vmem>> -> memref<48xi32, #tpu.memory_space<vmem>>
      %dma_start3A_204 = arith.constant 0 : i32
      %dma_start3A_205 = arith.constant 0 : i32
      %dma_start3A_206 = tpu.memref_slice %arg2[%dma_start3A_204, %dma_start3A_205] : memref<10000x128xf32, #tpu.memory_space<hbm>> -> memref<10000x128xf32, #tpu.memory_space<hbm>>
      tpu.enqueue_indirect_dma source(%dma_start3A_206 : memref<10000x128xf32, #tpu.memory_space<hbm>>) target(%dma_start3A_200 : memref<48x128xf32, #tpu.memory_space<vmem>>) offsets(%dma_start3A_203 : memref<48xi32, #tpu.memory_space<vmem>>) semaphore(%arg16 : memref<!tpu.dma_semaphore, #tpu.memory_space<semaphore_mem>>)
      %dma_start3A_207 = arith.constant 1 : i32
      %dma_start3A_208 = arith.constant 1 : i32
      %dma_start3A_209 = arith.constant 1 : i32
      %dma_start3A_210 = arith.constant 0 : i32
      %dma_start3A_211 = arith.constant 0 : i32
      %dma_start3A_212 = tpu.memref_slice %arg10[%dma_start3A_209, %dma_start3A_210, %dma_start3A_211] : memref<2x48x128xf32, #tpu.memory_space<vmem>> -> memref<1x48x128xf32, #tpu.memory_space<vmem>>
      %dma_start3A_213 = tpu.memref_squeeze %dma_start3A_212 : memref<1x48x128xf32, #tpu.memory_space<vmem>> -> memref<48x128xf32, #tpu.memory_space<vmem>>
      %dma_start3A_214 = arith.constant 0 : i32
      %dma_start3A_215 = tpu.memref_slice %arg8[%dma_start3A_207, %dma_start3A_208, %dma_start3A_214] : memref<4x2x48xi32, #tpu.memory_space<vmem>> -> memref<1x1x48xi32, #tpu.memory_space<vmem>>
      %dma_start3A_216 = tpu.memref_squeeze %dma_start3A_215 : memref<1x1x48xi32, #tpu.memory_space<vmem>> -> memref<48xi32, #tpu.memory_space<vmem>>
      %dma_start3A_217 = arith.constant 0 : i32
      %dma_start3A_218 = arith.constant 0 : i32
      %dma_start3A_219 = tpu.memref_slice %arg3[%dma_start3A_217, %dma_start3A_218] : memref<10000x128xf32, #tpu.memory_space<hbm>> -> memref<10000x128xf32, #tpu.memory_space<hbm>>
      tpu.enqueue_indirect_dma source(%dma_start3A_219 : memref<10000x128xf32, #tpu.memory_space<hbm>>) target(%dma_start3A_213 : memref<48x128xf32, #tpu.memory_space<vmem>>) offsets(%dma_start3A_216 : memref<48xi32, #tpu.memory_space<vmem>>) semaphore(%arg18 : memref<!tpu.dma_semaphore, #tpu.memory_space<semaphore_mem>>)
      %dma_wait3A_220 = arith.constant 0 : i32
      %dma_wait3A_221 = arith.constant 0 : i32
      %dma_wait3A_222 = arith.constant 0 : i32
      %dma_wait3A_223 = arith.constant 0 : i32
      %dma_wait3A_224 = arith.constant 0 : i32
      %dma_wait3A_225 = tpu.memref_slice %arg9[%dma_wait3A_222, %dma_wait3A_223, %dma_wait3A_224] : memref<2x48x128xf32, #tpu.memory_space<vmem>> -> memref<1x48x128xf32, #tpu.memory_space<vmem>>
      %dma_wait3A_226 = tpu.memref_squeeze %dma_wait3A_225 : memref<1x48x128xf32, #tpu.memory_space<vmem>> -> memref<48x128xf32, #tpu.memory_space<vmem>>
      %dma_wait3A_227 = arith.constant 0 : i32
      %dma_wait3A_228 = tpu.memref_slice %arg8[%dma_wait3A_220, %dma_wait3A_221, %dma_wait3A_227] : memref<4x2x48xi32, #tpu.memory_space<vmem>> -> memref<1x1x48xi32, #tpu.memory_space<vmem>>
      %dma_wait3A_229 = tpu.memref_squeeze %dma_wait3A_228 : memref<1x1x48xi32, #tpu.memory_space<vmem>> -> memref<48xi32, #tpu.memory_space<vmem>>
      %dma_wait3A_230 = arith.constant 0 : i32
      %dma_wait3A_231 = arith.constant 0 : i32
      %dma_wait3A_232 = tpu.memref_slice %arg2[%dma_wait3A_230, %dma_wait3A_231] : memref<10000x128xf32, #tpu.memory_space<hbm>> -> memref<10000x128xf32, #tpu.memory_space<hbm>>
      tpu.wait_indirect_dma semaphore(%arg15 : memref<!tpu.dma_semaphore, #tpu.memory_space<semaphore_mem>>) src(%dma_wait3A_232 : memref<10000x128xf32, #tpu.memory_space<hbm>>) dst(%dma_wait3A_226 : memref<48x128xf32, #tpu.memory_space<vmem>>)
      %dma_wait3A_233 = arith.constant 0 : i32
      %dma_wait3A_234 = arith.constant 1 : i32
      %dma_wait3A_235 = arith.constant 0 : i32
      %dma_wait3A_236 = arith.constant 0 : i32
      %dma_wait3A_237 = arith.constant 0 : i32
      %dma_wait3A_238 = tpu.memref_slice %arg10[%dma_wait3A_235, %dma_wait3A_236, %dma_wait3A_237] : memref<2x48x128xf32, #tpu.memory_space<vmem>> -> memref<1x48x128xf32, #tpu.memory_space<vmem>>
      %dma_wait3A_239 = tpu.memref_squeeze %dma_wait3A_238 : memref<1x48x128xf32, #tpu.memory_space<vmem>> -> memref<48x128xf32, #tpu.memory_space<vmem>>
      %dma_wait3A_240 = arith.constant 0 : i32
      %dma_wait3A_241 = tpu.memref_slice %arg8[%dma_wait3A_233, %dma_wait3A_234, %dma_wait3A_240] : memref<4x2x48xi32, #tpu.memory_space<vmem>> -> memref<1x1x48xi32, #tpu.memory_space<vmem>>
      %dma_wait3A_242 = tpu.memref_squeeze %dma_wait3A_241 : memref<1x1x48xi32, #tpu.memory_space<vmem>> -> memref<48xi32, #tpu.memory_space<vmem>>
      %dma_wait3A_243 = arith.constant 0 : i32
      %dma_wait3A_244 = arith.constant 0 : i32
      %dma_wait3A_245 = tpu.memref_slice %arg3[%dma_wait3A_243, %dma_wait3A_244] : memref<10000x128xf32, #tpu.memory_space<hbm>> -> memref<10000x128xf32, #tpu.memory_space<hbm>>
      tpu.wait_indirect_dma semaphore(%arg17 : memref<!tpu.dma_semaphore, #tpu.memory_space<semaphore_mem>>) src(%dma_wait3A_245 : memref<10000x128xf32, #tpu.memory_space<hbm>>) dst(%dma_wait3A_239 : memref<48x128xf32, #tpu.memory_space<vmem>>)
      %scan3A_246 = arith.constant 0 : i32
      %scan3A_247 = arith.constant 0 : i32
      %scan3A_248 = arith.constant 0 : i32
      %scan3A_249 = arith.constant 48 : i32
      %scan3A_250 = arith.addi %scan3A_248, %scan3A_249 : i32
      %scan3A_251 = arith.constant 2 : i32
      scf.for %scan3A_726 = %scan3A_248 to %scan3A_250 step %scan3A_251  : i32 {
        %broadcast_in_dim3A_727 = arith.constant 0.000000e+00 : f32
        %broadcast_in_dim3A_728 = vector.broadcast %broadcast_in_dim3A_727 : f32 to vector<16xf32>
        %get3A_729 = arith.constant 0 : i32
        %get3A_730 = arith.constant 0 : i32
        %get3A_731 = tpu.memref_slice %arg9[%scan3A_246, %get3A_729, %get3A_730] : memref<2x48x128xf32, #tpu.memory_space<vmem>> -> memref<1x48x128xf32, #tpu.memory_space<vmem>>
        %get3A_732 = tpu.memref_squeeze %get3A_731 : memref<1x48x128xf32, #tpu.memory_space<vmem>> -> memref<48x128xf32, #tpu.memory_space<vmem>>
        %get3A_733 = arith.index_cast %scan3A_726 : i32 to index
        %get3A_734 = arith.constant 0 : index
        %get3A_735 = tpu.vector_load %get3A_732[%get3A_733, %get3A_734] {strides = array<i32>} : memref<48x128xf32, #tpu.memory_space<vmem>>, vector<16xf32>,
        %get3A_736 = arith.constant 0 : i32
        %get3A_737 = arith.constant 0 : i32
        %get3A_738 = tpu.memref_slice %arg10[%scan3A_247, %get3A_736, %get3A_737] : memref<2x48x128xf32, #tpu.memory_space<vmem>> -> memref<1x48x128xf32, #tpu.memory_space<vmem>>
        %get3A_739 = tpu.memref_squeeze %get3A_738 : memref<1x48x128xf32, #tpu.memory_space<vmem>> -> memref<48x128xf32, #tpu.memory_space<vmem>>
        %get3A_740 = arith.index_cast %scan3A_726 : i32 to index
        %get3A_741 = arith.constant 0 : index
        %get3A_742 = tpu.vector_load %get3A_739[%get3A_740, %get3A_741] {strides = array<i32>} : memref<48x128xf32, #tpu.memory_space<vmem>>, vector<16xf32>,
        %add3A_743 = arith.addf %get3A_735, %get3A_742 : vector<16xf32>
        %gt3A = arith.constant 0.000000e+00 : f32
        %gt3A_744 = vector.broadcast %gt3A : f32 to vector<16xf32>
        %gt3A_745 = arith.cmpf ogt, %add3A_743, %gt3A_744 : vector<16xf32>
        %select_n3A = arith.select %gt3A_745, %get3A_63, %mul3A_80 : vector<16xi1>, vector<16xf32>
        %mul3A_746 = arith.mulf %add3A_743, %select_n3A : vector<16xf32>
        %add3A_747 = arith.addf %broadcast_in_dim3A_728, %mul3A_746 : vector<16xf32>
        %get3A_748 = arith.constant 0 : i32
        %get3A_749 = arith.constant 0 : i32
        %get3A_750 = tpu.memref_slice %arg9[%scan3A_246, %get3A_748, %get3A_749] : memref<2x48x128xf32, #tpu.memory_space<vmem>> -> memref<1x48x128xf32, #tpu.memory_space<vmem>>
        %get3A_751 = tpu.memref_squeeze %get3A_750 : memref<1x48x128xf32, #tpu.memory_space<vmem>> -> memref<48x128xf32, #tpu.memory_space<vmem>>
        %get3A_752 = arith.index_cast %scan3A_726 : i32 to index
        %get3A_753 = arith.constant 16 : index
        %get3A_754 = tpu.vector_load %get3A_751[%get3A_752, %get3A_753] {strides = array<i32>} : memref<48x128xf32, #tpu.memory_space<vmem>>, vector<16xf32>,
        %get3A_755 = arith.constant 0 : i32
        %get3A_756 = arith.constant 0 : i32
        %get3A_757 = tpu.memref_slice %arg10[%scan3A_247, %get3A_755, %get3A_756] : memref<2x48x128xf32, #tpu.memory_space<vmem>> -> memref<1x48x128xf32, #tpu.memory_space<vmem>>
        %get3A_758 = tpu.memref_squeeze %get3A_757 : memref<1x48x128xf32, #tpu.memory_space<vmem>> -> memref<48x128xf32, #tpu.memory_space<vmem>>
        %get3A_759 = arith.index_cast %scan3A_726 : i32 to index
        %get3A_760 = arith.constant 16 : index
        %get3A_761 = tpu.vector_load %get3A_758[%get3A_759, %get3A_760] {strides = array<i32>} : memref<48x128xf32, #tpu.memory_space<vmem>>, vector<16xf32>,
        %add3A_762 = arith.addf %get3A_754, %get3A_761 : vector<16xf32>
        %gt3A_763 = arith.constant 0.000000e+00 : f32
        %gt3A_764 = vector.broadcast %gt3A_763 : f32 to vector<16xf32>
        %gt3A_765 = arith.cmpf ogt, %add3A_762, %gt3A_764 : vector<16xf32>
        %select_n3A_766 = arith.select %gt3A_765, %get3A_65, %mul3A_83 : vector<16xi1>, vector<16xf32>
        %mul3A_767 = arith.mulf %add3A_762, %select_n3A_766 : vector<16xf32>
        %add3A_768 = arith.addf %add3A_747, %mul3A_767 : vector<16xf32>
        %get3A_769 = arith.constant 0 : i32
        %get3A_770 = arith.constant 0 : i32
        %get3A_771 = tpu.memref_slice %arg9[%scan3A_246, %get3A_769, %get3A_770] : memref<2x48x128xf32, #tpu.memory_space<vmem>> -> memref<1x48x128xf32, #tpu.memory_space<vmem>>
        %get3A_772 = tpu.memref_squeeze %get3A_771 : memref<1x48x128xf32, #tpu.memory_space<vmem>> -> memref<48x128xf32, #tpu.memory_space<vmem>>
        %get3A_773 = arith.index_cast %scan3A_726 : i32 to index
        %get3A_774 = arith.constant 32 : index
        %get3A_775 = tpu.vector_load %get3A_772[%get3A_773, %get3A_774] {strides = array<i32>} : memref<48x128xf32, #tpu.memory_space<vmem>>, vector<16xf32>,
        %get3A_776 = arith.constant 0 : i32
        %get3A_777 = arith.constant 0 : i32
        %get3A_778 = tpu.memref_slice %arg10[%scan3A_247, %get3A_776, %get3A_777] : memref<2x48x128xf32, #tpu.memory_space<vmem>> -> memref<1x48x128xf32, #tpu.memory_space<vmem>>
        %get3A_779 = tpu.memref_squeeze %get3A_778 : memref<1x48x128xf32, #tpu.memory_space<vmem>> -> memref<48x128xf32, #tpu.memory_space<vmem>>
        %get3A_780 = arith.index_cast %scan3A_726 : i32 to index
        %get3A_781 = arith.constant 32 : index
        %get3A_782 = tpu.vector_load %get3A_779[%get3A_780, %get3A_781] {strides = array<i32>} : memref<48x128xf32, #tpu.memory_space<vmem>>, vector<16xf32>,
        %add3A_783 = arith.addf %get3A_775, %get3A_782 : vector<16xf32>
        %gt3A_784 = arith.constant 0.000000e+00 : f32
        %gt3A_785 = vector.broadcast %gt3A_784 : f32 to vector<16xf32>
        %gt3A_786 = arith.cmpf ogt, %add3A_783, %gt3A_785 : vector<16xf32>
        %select_n3A_787 = arith.select %gt3A_786, %get3A_67, %mul3A_86 : vector<16xi1>, vector<16xf32>
        %mul3A_788 = arith.mulf %add3A_783, %select_n3A_787 : vector<16xf32>
        %add3A_789 = arith.addf %add3A_768, %mul3A_788 : vector<16xf32>
        %get3A_790 = arith.constant 0 : i32
        %get3A_791 = arith.constant 0 : i32
        %get3A_792 = tpu.memref_slice %arg9[%scan3A_246, %get3A_790, %get3A_791] : memref<2x48x128xf32, #tpu.memory_space<vmem>> -> memref<1x48x128xf32, #tpu.memory_space<vmem>>
        %get3A_793 = tpu.memref_squeeze %get3A_792 : memref<1x48x128xf32, #tpu.memory_space<vmem>> -> memref<48x128xf32, #tpu.memory_space<vmem>>
        %get3A_794 = arith.index_cast %scan3A_726 : i32 to index
        %get3A_795 = arith.constant 48 : index
        %get3A_796 = tpu.vector_load %get3A_793[%get3A_794, %get3A_795] {strides = array<i32>} : memref<48x128xf32, #tpu.memory_space<vmem>>, vector<16xf32>,
        %get3A_797 = arith.constant 0 : i32
        %get3A_798 = arith.constant 0 : i32
        %get3A_799 = tpu.memref_slice %arg10[%scan3A_247, %get3A_797, %get3A_798] : memref<2x48x128xf32, #tpu.memory_space<vmem>> -> memref<1x48x128xf32, #tpu.memory_space<vmem>>
        %get3A_800 = tpu.memref_squeeze %get3A_799 : memref<1x48x128xf32, #tpu.memory_space<vmem>> -> memref<48x128xf32, #tpu.memory_space<vmem>>
        %get3A_801 = arith.index_cast %scan3A_726 : i32 to index
        %get3A_802 = arith.constant 48 : index
        %get3A_803 = tpu.vector_load %get3A_800[%get3A_801, %get3A_802] {strides = array<i32>} : memref<48x128xf32, #tpu.memory_space<vmem>>, vector<16xf32>,
        %add3A_804 = arith.addf %get3A_796, %get3A_803 : vector<16xf32>
        %gt3A_805 = arith.constant 0.000000e+00 : f32
        %gt3A_806 = vector.broadcast %gt3A_805 : f32 to vector<16xf32>
        %gt3A_807 = arith.cmpf ogt, %add3A_804, %gt3A_806 : vector<16xf32>
        %select_n3A_808 = arith.select %gt3A_807, %get3A_69, %mul3A_89 : vector<16xi1>, vector<16xf32>
        %mul3A_809 = arith.mulf %add3A_804, %select_n3A_808 : vector<16xf32>
        %add3A_810 = arith.addf %add3A_789, %mul3A_809 : vector<16xf32>
        %get3A_811 = arith.constant 0 : i32
        %get3A_812 = arith.constant 0 : i32
        %get3A_813 = tpu.memref_slice %arg9[%scan3A_246, %get3A_811, %get3A_812] : memref<2x48x128xf32, #tpu.memory_space<vmem>> -> memref<1x48x128xf32, #tpu.memory_space<vmem>>
        %get3A_814 = tpu.memref_squeeze %get3A_813 : memref<1x48x128xf32, #tpu.memory_space<vmem>> -> memref<48x128xf32, #tpu.memory_space<vmem>>
        %get3A_815 = arith.index_cast %scan3A_726 : i32 to index
        %get3A_816 = arith.constant 64 : index
        %get3A_817 = tpu.vector_load %get3A_814[%get3A_815, %get3A_816] {strides = array<i32>} : memref<48x128xf32, #tpu.memory_space<vmem>>, vector<16xf32>,
        %get3A_818 = arith.constant 0 : i32
        %get3A_819 = arith.constant 0 : i32
        %get3A_820 = tpu.memref_slice %arg10[%scan3A_247, %get3A_818, %get3A_819] : memref<2x48x128xf32, #tpu.memory_space<vmem>> -> memref<1x48x128xf32, #tpu.memory_space<vmem>>
        %get3A_821 = tpu.memref_squeeze %get3A_820 : memref<1x48x128xf32, #tpu.memory_space<vmem>> -> memref<48x128xf32, #tpu.memory_space<vmem>>
        %get3A_822 = arith.index_cast %scan3A_726 : i32 to index
        %get3A_823 = arith.constant 64 : index
        %get3A_824 = tpu.vector_load %get3A_821[%get3A_822, %get3A_823] {strides = array<i32>} : memref<48x128xf32, #tpu.memory_space<vmem>>, vector<16xf32>,
        %add3A_825 = arith.addf %get3A_817, %get3A_824 : vector<16xf32>
        %gt3A_826 = arith.constant 0.000000e+00 : f32
        %gt3A_827 = vector.broadcast %gt3A_826 : f32 to vector<16xf32>
        %gt3A_828 = arith.cmpf ogt, %add3A_825, %gt3A_827 : vector<16xf32>
        %select_n3A_829 = arith.select %gt3A_828, %get3A_71, %mul3A_92 : vector<16xi1>, vector<16xf32>
        %mul3A_830 = arith.mulf %add3A_825, %select_n3A_829 : vector<16xf32>
        %add3A_831 = arith.addf %add3A_810, %mul3A_830 : vector<16xf32>
        %get3A_832 = arith.constant 0 : i32
        %get3A_833 = arith.constant 0 : i32
        %get3A_834 = tpu.memref_slice %arg9[%scan3A_246, %get3A_832, %get3A_833] : memref<2x48x128xf32, #tpu.memory_space<vmem>> -> memref<1x48x128xf32, #tpu.memory_space<vmem>>
        %get3A_835 = tpu.memref_squeeze %get3A_834 : memref<1x48x128xf32, #tpu.memory_space<vmem>> -> memref<48x128xf32, #tpu.memory_space<vmem>>
        %get3A_836 = arith.index_cast %scan3A_726 : i32 to index
        %get3A_837 = arith.constant 80 : index
        %get3A_838 = tpu.vector_load %get3A_835[%get3A_836, %get3A_837] {strides = array<i32>} : memref<48x128xf32, #tpu.memory_space<vmem>>, vector<16xf32>,
        %get3A_839 = arith.constant 0 : i32
        %get3A_840 = arith.constant 0 : i32
        %get3A_841 = tpu.memref_slice %arg10[%scan3A_247, %get3A_839, %get3A_840] : memref<2x48x128xf32, #tpu.memory_space<vmem>> -> memref<1x48x128xf32, #tpu.memory_space<vmem>>
        %get3A_842 = tpu.memref_squeeze %get3A_841 : memref<1x48x128xf32, #tpu.memory_space<vmem>> -> memref<48x128xf32, #tpu.memory_space<vmem>>
        %get3A_843 = arith.index_cast %scan3A_726 : i32 to index
        %get3A_844 = arith.constant 80 : index
        %get3A_845 = tpu.vector_load %get3A_842[%get3A_843, %get3A_844] {strides = array<i32>} : memref<48x128xf32, #tpu.memory_space<vmem>>, vector<16xf32>,
        %add3A_846 = arith.addf %get3A_838, %get3A_845 : vector<16xf32>
        %gt3A_847 = arith.constant 0.000000e+00 : f32
        %gt3A_848 = vector.broadcast %gt3A_847 : f32 to vector<16xf32>
        %gt3A_849 = arith.cmpf ogt, %add3A_846, %gt3A_848 : vector<16xf32>
        %select_n3A_850 = arith.select %gt3A_849, %get3A_73, %mul3A_95 : vector<16xi1>, vector<16xf32>
        %mul3A_851 = arith.mulf %add3A_846, %select_n3A_850 : vector<16xf32>
        %add3A_852 = arith.addf %add3A_831, %mul3A_851 : vector<16xf32>
        %get3A_853 = arith.constant 0 : i32
        %get3A_854 = arith.constant 0 : i32
        %get3A_855 = tpu.memref_slice %arg9[%scan3A_246, %get3A_853, %get3A_854] : memref<2x48x128xf32, #tpu.memory_space<vmem>> -> memref<1x48x128xf32, #tpu.memory_space<vmem>>
        %get3A_856 = tpu.memref_squeeze %get3A_855 : memref<1x48x128xf32, #tpu.memory_space<vmem>> -> memref<48x128xf32, #tpu.memory_space<vmem>>
        %get3A_857 = arith.index_cast %scan3A_726 : i32 to index
        %get3A_858 = arith.constant 96 : index
        %get3A_859 = tpu.vector_load %get3A_856[%get3A_857, %get3A_858] {strides = array<i32>} : memref<48x128xf32, #tpu.memory_space<vmem>>, vector<16xf32>,
        %get3A_860 = arith.constant 0 : i32
        %get3A_861 = arith.constant 0 : i32
        %get3A_862 = tpu.memref_slice %arg10[%scan3A_247, %get3A_860, %get3A_861] : memref<2x48x128xf32, #tpu.memory_space<vmem>> -> memref<1x48x128xf32, #tpu.memory_space<vmem>>
        %get3A_863 = tpu.memref_squeeze %get3A_862 : memref<1x48x128xf32, #tpu.memory_space<vmem>> -> memref<48x128xf32, #tpu.memory_space<vmem>>
        %get3A_864 = arith.index_cast %scan3A_726 : i32 to index
        %get3A_865 = arith.constant 96 : index
        %get3A_866 = tpu.vector_load %get3A_863[%get3A_864, %get3A_865] {strides = array<i32>} : memref<48x128xf32, #tpu.memory_space<vmem>>, vector<16xf32>,
        %add3A_867 = arith.addf %get3A_859, %get3A_866 : vector<16xf32>
        %gt3A_868 = arith.constant 0.000000e+00 : f32
        %gt3A_869 = vector.broadcast %gt3A_868 : f32 to vector<16xf32>
        %gt3A_870 = arith.cmpf ogt, %add3A_867, %gt3A_869 : vector<16xf32>
        %select_n3A_871 = arith.select %gt3A_870, %get3A_75, %mul3A_98 : vector<16xi1>, vector<16xf32>
        %mul3A_872 = arith.mulf %add3A_867, %select_n3A_871 : vector<16xf32>
        %add3A_873 = arith.addf %add3A_852, %mul3A_872 : vector<16xf32>
        %get3A_874 = arith.constant 0 : i32
        %get3A_875 = arith.constant 0 : i32
        %get3A_876 = tpu.memref_slice %arg9[%scan3A_246, %get3A_874, %get3A_875] : memref<2x48x128xf32, #tpu.memory_space<vmem>> -> memref<1x48x128xf32, #tpu.memory_space<vmem>>
        %get3A_877 = tpu.memref_squeeze %get3A_876 : memref<1x48x128xf32, #tpu.memory_space<vmem>> -> memref<48x128xf32, #tpu.memory_space<vmem>>
        %get3A_878 = arith.index_cast %scan3A_726 : i32 to index
        %get3A_879 = arith.constant 112 : index
        %get3A_880 = tpu.vector_load %get3A_877[%get3A_878, %get3A_879] {strides = array<i32>} : memref<48x128xf32, #tpu.memory_space<vmem>>, vector<16xf32>,
        %get3A_881 = arith.constant 0 : i32
        %get3A_882 = arith.constant 0 : i32
        %get3A_883 = tpu.memref_slice %arg10[%scan3A_247, %get3A_881, %get3A_882] : memref<2x48x128xf32, #tpu.memory_space<vmem>> -> memref<1x48x128xf32, #tpu.memory_space<vmem>>
        %get3A_884 = tpu.memref_squeeze %get3A_883 : memref<1x48x128xf32, #tpu.memory_space<vmem>> -> memref<48x128xf32, #tpu.memory_space<vmem>>
        %get3A_885 = arith.index_cast %scan3A_726 : i32 to index
        %get3A_886 = arith.constant 112 : index
        %get3A_887 = tpu.vector_load %get3A_884[%get3A_885, %get3A_886] {strides = array<i32>} : memref<48x128xf32, #tpu.memory_space<vmem>>, vector<16xf32>,
        %add3A_888 = arith.addf %get3A_880, %get3A_887 : vector<16xf32>
        %gt3A_889 = arith.constant 0.000000e+00 : f32
        %gt3A_890 = vector.broadcast %gt3A_889 : f32 to vector<16xf32>
        %gt3A_891 = arith.cmpf ogt, %add3A_888, %gt3A_890 : vector<16xf32>
        %select_n3A_892 = arith.select %gt3A_891, %get3A_77, %mul3A_101 : vector<16xi1>, vector<16xf32>
        %mul3A_893 = arith.mulf %add3A_888, %select_n3A_892 : vector<16xf32>
        %add3A_894 = arith.addf %add3A_873, %mul3A_893 : vector<16xf32>
        %reduce_sum3A = arith.constant true
        %reduce_sum3A_895 = vector.broadcast %reduce_sum3A : i1 to vector<16xi1>
        %reduce_sum3A_896 = tpu.scan <sum>, %add3A_894 masked %reduce_sum3A_895 : vector<16xf32>, vector<16xi1> -> vector<16xf32>
        %reduce_sum3A_897 = vector.extract %reduce_sum3A_896[15] : f32 from vector<16xf32>
        %broadcast_in_dim3A_898 = vector.broadcast %reduce_sum3A_897 : f32 to vector<16xf32>
        %exp3A = math.exp %broadcast_in_dim3A_898 : vector<16xf32>
        %mul3A_899 = arith.mulf %get3A_735, %exp3A : vector<16xf32>
        %swap3A = arith.constant 0 : i32
        %swap3A_900 = arith.constant 0 : i32
        %swap3A_901 = tpu.memref_slice %arg10[%scan3A_247, %swap3A, %swap3A_900] : memref<2x48x128xf32, #tpu.memory_space<vmem>> -> memref<1x48x128xf32, #tpu.memory_space<vmem>>
        %swap3A_902 = tpu.memref_squeeze %swap3A_901 : memref<1x48x128xf32, #tpu.memory_space<vmem>> -> memref<48x128xf32, #tpu.memory_space<vmem>>
        %swap3A_903 = arith.index_cast %scan3A_726 : i32 to index
        %swap3A_904 = arith.constant 0 : index
        %swap3A_905 = tpu.vector_load %swap3A_902[%swap3A_903, %swap3A_904] {strides = array<i32>} : memref<48x128xf32, #tpu.memory_space<vmem>>, vector<16xf32>,
        tpu.vector_store %swap3A_902[%swap3A_903, %swap3A_904], %mul3A_899 {strides = array<i32>} : memref<48x128xf32, #tpu.memory_space<vmem>>, vector<16xf32>,
        %mul3A_906 = arith.mulf %get3A_754, %exp3A : vector<16xf32>
        %swap3A_907 = arith.constant 0 : i32
        %swap3A_908 = arith.constant 0 : i32
        %swap3A_909 = tpu.memref_slice %arg10[%scan3A_247, %swap3A_907, %swap3A_908] : memref<2x48x128xf32, #tpu.memory_space<vmem>> -> memref<1x48x128xf32, #tpu.memory_space<vmem>>
        %swap3A_910 = tpu.memref_squeeze %swap3A_909 : memref<1x48x128xf32, #tpu.memory_space<vmem>> -> memref<48x128xf32, #tpu.memory_space<vmem>>
        %swap3A_911 = arith.index_cast %scan3A_726 : i32 to index
        %swap3A_912 = arith.constant 16 : index
        %swap3A_913 = tpu.vector_load %swap3A_910[%swap3A_911, %swap3A_912] {strides = array<i32>} : memref<48x128xf32, #tpu.memory_space<vmem>>, vector<16xf32>,
        tpu.vector_store %swap3A_910[%swap3A_911, %swap3A_912], %mul3A_906 {strides = array<i32>} : memref<48x128xf32, #tpu.memory_space<vmem>>, vector<16xf32>,
        %mul3A_914 = arith.mulf %get3A_775, %exp3A : vector<16xf32>
        %swap3A_915 = arith.constant 0 : i32
        %swap3A_916 = arith.constant 0 : i32
        %swap3A_917 = tpu.memref_slice %arg10[%scan3A_247, %swap3A_915, %swap3A_916] : memref<2x48x128xf32, #tpu.memory_space<vmem>> -> memref<1x48x128xf32, #tpu.memory_space<vmem>>
        %swap3A_918 = tpu.memref_squeeze %swap3A_917 : memref<1x48x128xf32, #tpu.memory_space<vmem>> -> memref<48x128xf32, #tpu.memory_space<vmem>>
        %swap3A_919 = arith.index_cast %scan3A_726 : i32 to index
        %swap3A_920 = arith.constant 32 : index
        %swap3A_921 = tpu.vector_load %swap3A_918[%swap3A_919, %swap3A_920] {strides = array<i32>} : memref<48x128xf32, #tpu.memory_space<vmem>>, vector<16xf32>,
        tpu.vector_store %swap3A_918[%swap3A_919, %swap3A_920], %mul3A_914 {strides = array<i32>} : memref<48x128xf32, #tpu.memory_space<vmem>>, vector<16xf32>,
        %mul3A_922 = arith.mulf %get3A_796, %exp3A : vector<16xf32>
        %swap3A_923 = arith.constant 0 : i32
        %swap3A_924 = arith.constant 0 : i32
        %swap3A_925 = tpu.memref_slice %arg10[%scan3A_247, %swap3A_923, %swap3A_924] : memref<2x48x128xf32, #tpu.memory_space<vmem>> -> memref<1x48x128xf32, #tpu.memory_space<vmem>>
        %swap3A_926 = tpu.memref_squeeze %swap3A_925 : memref<1x48x128xf32, #tpu.memory_space<vmem>> -> memref<48x128xf32, #tpu.memory_space<vmem>>
        %swap3A_927 = arith.index_cast %scan3A_726 : i32 to index
        %swap3A_928 = arith.constant 48 : index
        %swap3A_929 = tpu.vector_load %swap3A_926[%swap3A_927, %swap3A_928] {strides = array<i32>} : memref<48x128xf32, #tpu.memory_space<vmem>>, vector<16xf32>,
        tpu.vector_store %swap3A_926[%swap3A_927, %swap3A_928], %mul3A_922 {strides = array<i32>} : memref<48x128xf32, #tpu.memory_space<vmem>>, vector<16xf32>,
        %mul3A_930 = arith.mulf %get3A_817, %exp3A : vector<16xf32>
        %swap3A_931 = arith.constant 0 : i32
        %swap3A_932 = arith.constant 0 : i32
        %swap3A_933 = tpu.memref_slice %arg10[%scan3A_247, %swap3A_931, %swap3A_932] : memref<2x48x128xf32, #tpu.memory_space<vmem>> -> memref<1x48x128xf32, #tpu.memory_space<vmem>>
        %swap3A_934 = tpu.memref_squeeze %swap3A_933 : memref<1x48x128xf32, #tpu.memory_space<vmem>> -> memref<48x128xf32, #tpu.memory_space<vmem>>
        %swap3A_935 = arith.index_cast %scan3A_726 : i32 to index
        %swap3A_936 = arith.constant 64 : index
        %swap3A_937 = tpu.vector_load %swap3A_934[%swap3A_935, %swap3A_936] {strides = array<i32>} : memref<48x128xf32, #tpu.memory_space<vmem>>, vector<16xf32>,
        tpu.vector_store %swap3A_934[%swap3A_935, %swap3A_936], %mul3A_930 {strides = array<i32>} : memref<48x128xf32, #tpu.memory_space<vmem>>, vector<16xf32>,
        %mul3A_938 = arith.mulf %get3A_838, %exp3A : vector<16xf32>
        %swap3A_939 = arith.constant 0 : i32
        %swap3A_940 = arith.constant 0 : i32
        %swap3A_941 = tpu.memref_slice %arg10[%scan3A_247, %swap3A_939, %swap3A_940] : memref<2x48x128xf32, #tpu.memory_space<vmem>> -> memref<1x48x128xf32, #tpu.memory_space<vmem>>
        %swap3A_942 = tpu.memref_squeeze %swap3A_941 : memref<1x48x128xf32, #tpu.memory_space<vmem>> -> memref<48x128xf32, #tpu.memory_space<vmem>>
        %swap3A_943 = arith.index_cast %scan3A_726 : i32 to index
        %swap3A_944 = arith.constant 80 : index
        %swap3A_945 = tpu.vector_load %swap3A_942[%swap3A_943, %swap3A_944] {strides = array<i32>} : memref<48x128xf32, #tpu.memory_space<vmem>>, vector<16xf32>,
        tpu.vector_store %swap3A_942[%swap3A_943, %swap3A_944], %mul3A_938 {strides = array<i32>} : memref<48x128xf32, #tpu.memory_space<vmem>>, vector<16xf32>,
        %mul3A_946 = arith.mulf %get3A_859, %exp3A : vector<16xf32>
        %swap3A_947 = arith.constant 0 : i32
        %swap3A_948 = arith.constant 0 : i32
        %swap3A_949 = tpu.memref_slice %arg10[%scan3A_247, %swap3A_947, %swap3A_948] : memref<2x48x128xf32, #tpu.memory_space<vmem>> -> memref<1x48x128xf32, #tpu.memory_space<vmem>>
        %swap3A_950 = tpu.memref_squeeze %swap3A_949 : memref<1x48x128xf32, #tpu.memory_space<vmem>> -> memref<48x128xf32, #tpu.memory_space<vmem>>
        %swap3A_951 = arith.index_cast %scan3A_726 : i32 to index
        %swap3A_952 = arith.constant 96 : index
        %swap3A_953 = tpu.vector_load %swap3A_950[%swap3A_951, %swap3A_952] {strides = array<i32>} : memref<48x128xf32, #tpu.memory_space<vmem>>, vector<16xf32>,
        tpu.vector_store %swap3A_950[%swap3A_951, %swap3A_952], %mul3A_946 {strides = array<i32>} : memref<48x128xf32, #tpu.memory_space<vmem>>, vector<16xf32>,
        %mul3A_954 = arith.mulf %get3A_880, %exp3A : vector<16xf32>
        %swap3A_955 = arith.constant 0 : i32
        %swap3A_956 = arith.constant 0 : i32
        %swap3A_957 = tpu.memref_slice %arg10[%scan3A_247, %swap3A_955, %swap3A_956] : memref<2x48x128xf32, #tpu.memory_space<vmem>> -> memref<1x48x128xf32, #tpu.memory_space<vmem>>
        %swap3A_958 = tpu.memref_squeeze %swap3A_957 : memref<1x48x128xf32, #tpu.memory_space<vmem>> -> memref<48x128xf32, #tpu.memory_space<vmem>>
        %swap3A_959 = arith.index_cast %scan3A_726 : i32 to index
        %swap3A_960 = arith.constant 112 : index
        %swap3A_961 = tpu.vector_load %swap3A_958[%swap3A_959, %swap3A_960] {strides = array<i32>} : memref<48x128xf32, #tpu.memory_space<vmem>>, vector<16xf32>,
        tpu.vector_store %swap3A_958[%swap3A_959, %swap3A_960], %mul3A_954 {strides = array<i32>} : memref<48x128xf32, #tpu.memory_space<vmem>>, vector<16xf32>,
        %swap3A_962 = arith.index_cast %scan3A_726 : i32 to index
        %swap3A_963 = arith.constant 0 : index
        %swap3A_964 = tpu.vector_load %arg11[%swap3A_962, %swap3A_963] {strides = array<i32>} : memref<48x16xf32, #tpu.memory_space<vmem>>, vector<16xf32>,
        tpu.vector_store %arg11[%swap3A_962, %swap3A_963], %exp3A {strides = array<i32>} : memref<48x16xf32, #tpu.memory_space<vmem>>, vector<16xf32>,
        %scan3A_965 = arith.constant 1 : i32
        %scan3A_966 = arith.addi %scan3A_726, %scan3A_965 : i32
        %broadcast_in_dim3A_967 = arith.constant 0.000000e+00 : f32
        %broadcast_in_dim3A_968 = vector.broadcast %broadcast_in_dim3A_967 : f32 to vector<16xf32>
        %get3A_969 = arith.constant 0 : i32
        %get3A_970 = arith.constant 0 : i32
        %get3A_971 = tpu.memref_slice %arg9[%scan3A_246, %get3A_969, %get3A_970] : memref<2x48x128xf32, #tpu.memory_space<vmem>> -> memref<1x48x128xf32, #tpu.memory_space<vmem>>
        %get3A_972 = tpu.memref_squeeze %get3A_971 : memref<1x48x128xf32, #tpu.memory_space<vmem>> -> memref<48x128xf32, #tpu.memory_space<vmem>>
        %get3A_973 = arith.index_cast %scan3A_966 : i32 to index
        %get3A_974 = arith.constant 0 : index
        %get3A_975 = tpu.vector_load %get3A_972[%get3A_973, %get3A_974] {strides = array<i32>} : memref<48x128xf32, #tpu.memory_space<vmem>>, vector<16xf32>,
        %get3A_976 = arith.constant 0 : i32
        %get3A_977 = arith.constant 0 : i32
        %get3A_978 = tpu.memref_slice %arg10[%scan3A_247, %get3A_976, %get3A_977] : memref<2x48x128xf32, #tpu.memory_space<vmem>> -> memref<1x48x128xf32, #tpu.memory_space<vmem>>
        %get3A_979 = tpu.memref_squeeze %get3A_978 : memref<1x48x128xf32, #tpu.memory_space<vmem>> -> memref<48x128xf32, #tpu.memory_space<vmem>>
        %get3A_980 = arith.index_cast %scan3A_966 : i32 to index
        %get3A_981 = arith.constant 0 : index
        %get3A_982 = tpu.vector_load %get3A_979[%get3A_980, %get3A_981] {strides = array<i32>} : memref<48x128xf32, #tpu.memory_space<vmem>>, vector<16xf32>,
        %add3A_983 = arith.addf %get3A_975, %get3A_982 : vector<16xf32>
        %gt3A_984 = arith.constant 0.000000e+00 : f32
        %gt3A_985 = vector.broadcast %gt3A_984 : f32 to vector<16xf32>
        %gt3A_986 = arith.cmpf ogt, %add3A_983, %gt3A_985 : vector<16xf32>
        %select_n3A_987 = arith.select %gt3A_986, %get3A_63, %mul3A_80 : vector<16xi1>, vector<16xf32>
        %mul3A_988 = arith.mulf %add3A_983, %select_n3A_987 : vector<16xf32>
        %add3A_989 = arith.addf %broadcast_in_dim3A_968, %mul3A_988 : vector<16xf32>
        %get3A_990 = arith.constant 0 : i32
        %get3A_991 = arith.constant 0 : i32
        %get3A_992 = tpu.memref_slice %arg9[%scan3A_246, %get3A_990, %get3A_991] : memref<2x48x128xf32, #tpu.memory_space<vmem>> -> memref<1x48x128xf32, #tpu.memory_space<vmem>>
        %get3A_993 = tpu.memref_squeeze %get3A_992 : memref<1x48x128xf32, #tpu.memory_space<vmem>> -> memref<48x128xf32, #tpu.memory_space<vmem>>
        %get3A_994 = arith.index_cast %scan3A_966 : i32 to index
        %get3A_995 = arith.constant 16 : index
        %get3A_996 = tpu.vector_load %get3A_993[%get3A_994, %get3A_995] {strides = array<i32>} : memref<48x128xf32, #tpu.memory_space<vmem>>, vector<16xf32>,
        %get3A_997 = arith.constant 0 : i32
        %get3A_998 = arith.constant 0 : i32
        %get3A_999 = tpu.memref_slice %arg10[%scan3A_247, %get3A_997, %get3A_998] : memref<2x48x128xf32, #tpu.memory_space<vmem>> -> memref<1x48x128xf32, #tpu.memory_space<vmem>>
        %get3A_1000 = tpu.memref_squeeze %get3A_999 : memref<1x48x128xf32, #tpu.memory_space<vmem>> -> memref<48x128xf32, #tpu.memory_space<vmem>>
        %get3A_1001 = arith.index_cast %scan3A_966 : i32 to index
        %get3A_1002 = arith.constant 16 : index
        %get3A_1003 = tpu.vector_load %get3A_1000[%get3A_1001, %get3A_1002] {strides = array<i32>} : memref<48x128xf32, #tpu.memory_space<vmem>>, vector<16xf32>,
        %add3A_1004 = arith.addf %get3A_996, %get3A_1003 : vector<16xf32>
        %gt3A_1005 = arith.constant 0.000000e+00 : f32
        %gt3A_1006 = vector.broadcast %gt3A_1005 : f32 to vector<16xf32>
        %gt3A_1007 = arith.cmpf ogt, %add3A_1004, %gt3A_1006 : vector<16xf32>
        %select_n3A_1008 = arith.select %gt3A_1007, %get3A_65, %mul3A_83 : vector<16xi1>, vector<16xf32>
        %mul3A_1009 = arith.mulf %add3A_1004, %select_n3A_1008 : vector<16xf32>
        %add3A_1010 = arith.addf %add3A_989, %mul3A_1009 : vector<16xf32>
        %get3A_1011 = arith.constant 0 : i32
        %get3A_1012 = arith.constant 0 : i32
        %get3A_1013 = tpu.memref_slice %arg9[%scan3A_246, %get3A_1011, %get3A_1012] : memref<2x48x128xf32, #tpu.memory_space<vmem>> -> memref<1x48x128xf32, #tpu.memory_space<vmem>>
        %get3A_1014 = tpu.memref_squeeze %get3A_1013 : memref<1x48x128xf32, #tpu.memory_space<vmem>> -> memref<48x128xf32, #tpu.memory_space<vmem>>
        %get3A_1015 = arith.index_cast %scan3A_966 : i32 to index
        %get3A_1016 = arith.constant 32 : index
        %get3A_1017 = tpu.vector_load %get3A_1014[%get3A_1015, %get3A_1016] {strides = array<i32>} : memref<48x128xf32, #tpu.memory_space<vmem>>, vector<16xf32>,
        %get3A_1018 = arith.constant 0 : i32
        %get3A_1019 = arith.constant 0 : i32
        %get3A_1020 = tpu.memref_slice %arg10[%scan3A_247, %get3A_1018, %get3A_1019] : memref<2x48x128xf32, #tpu.memory_space<vmem>> -> memref<1x48x128xf32, #tpu.memory_space<vmem>>
        %get3A_1021 = tpu.memref_squeeze %get3A_1020 : memref<1x48x128xf32, #tpu.memory_space<vmem>> -> memref<48x128xf32, #tpu.memory_space<vmem>>
        %get3A_1022 = arith.index_cast %scan3A_966 : i32 to index
        %get3A_1023 = arith.constant 32 : index
        %get3A_1024 = tpu.vector_load %get3A_1021[%get3A_1022, %get3A_1023] {strides = array<i32>} : memref<48x128xf32, #tpu.memory_space<vmem>>, vector<16xf32>,
        %add3A_1025 = arith.addf %get3A_1017, %get3A_1024 : vector<16xf32>
        %gt3A_1026 = arith.constant 0.000000e+00 : f32
        %gt3A_1027 = vector.broadcast %gt3A_1026 : f32 to vector<16xf32>
        %gt3A_1028 = arith.cmpf ogt, %add3A_1025, %gt3A_1027 : vector<16xf32>
        %select_n3A_1029 = arith.select %gt3A_1028, %get3A_67, %mul3A_86 : vector<16xi1>, vector<16xf32>
        %mul3A_1030 = arith.mulf %add3A_1025, %select_n3A_1029 : vector<16xf32>
        %add3A_1031 = arith.addf %add3A_1010, %mul3A_1030 : vector<16xf32>
        %get3A_1032 = arith.constant 0 : i32
        %get3A_1033 = arith.constant 0 : i32
        %get3A_1034 = tpu.memref_slice %arg9[%scan3A_246, %get3A_1032, %get3A_1033] : memref<2x48x128xf32, #tpu.memory_space<vmem>> -> memref<1x48x128xf32, #tpu.memory_space<vmem>>
        %get3A_1035 = tpu.memref_squeeze %get3A_1034 : memref<1x48x128xf32, #tpu.memory_space<vmem>> -> memref<48x128xf32, #tpu.memory_space<vmem>>
        %get3A_1036 = arith.index_cast %scan3A_966 : i32 to index
        %get3A_1037 = arith.constant 48 : index
        %get3A_1038 = tpu.vector_load %get3A_1035[%get3A_1036, %get3A_1037] {strides = array<i32>} : memref<48x128xf32, #tpu.memory_space<vmem>>, vector<16xf32>,
        %get3A_1039 = arith.constant 0 : i32
        %get3A_1040 = arith.constant 0 : i32
        %get3A_1041 = tpu.memref_slice %arg10[%scan3A_247, %get3A_1039, %get3A_1040] : memref<2x48x128xf32, #tpu.memory_space<vmem>> -> memref<1x48x128xf32, #tpu.memory_space<vmem>>
        %get3A_1042 = tpu.memref_squeeze %get3A_1041 : memref<1x48x128xf32, #tpu.memory_space<vmem>> -> memref<48x128xf32, #tpu.memory_space<vmem>>
        %get3A_1043 = arith.index_cast %scan3A_966 : i32 to index
        %get3A_1044 = arith.constant 48 : index
        %get3A_1045 = tpu.vector_load %get3A_1042[%get3A_1043, %get3A_1044] {strides = array<i32>} : memref<48x128xf32, #tpu.memory_space<vmem>>, vector<16xf32>,
        %add3A_1046 = arith.addf %get3A_1038, %get3A_1045 : vector<16xf32>
        %gt3A_1047 = arith.constant 0.000000e+00 : f32
        %gt3A_1048 = vector.broadcast %gt3A_1047 : f32 to vector<16xf32>
        %gt3A_1049 = arith.cmpf ogt, %add3A_1046, %gt3A_1048 : vector<16xf32>
        %select_n3A_1050 = arith.select %gt3A_1049, %get3A_69, %mul3A_89 : vector<16xi1>, vector<16xf32>
        %mul3A_1051 = arith.mulf %add3A_1046, %select_n3A_1050 : vector<16xf32>
        %add3A_1052 = arith.addf %add3A_1031, %mul3A_1051 : vector<16xf32>
        %get3A_1053 = arith.constant 0 : i32
        %get3A_1054 = arith.constant 0 : i32
        %get3A_1055 = tpu.memref_slice %arg9[%scan3A_246, %get3A_1053, %get3A_1054] : memref<2x48x128xf32, #tpu.memory_space<vmem>> -> memref<1x48x128xf32, #tpu.memory_space<vmem>>
        %get3A_1056 = tpu.memref_squeeze %get3A_1055 : memref<1x48x128xf32, #tpu.memory_space<vmem>> -> memref<48x128xf32, #tpu.memory_space<vmem>>
        %get3A_1057 = arith.index_cast %scan3A_966 : i32 to index
        %get3A_1058 = arith.constant 64 : index
        %get3A_1059 = tpu.vector_load %get3A_1056[%get3A_1057, %get3A_1058] {strides = array<i32>} : memref<48x128xf32, #tpu.memory_space<vmem>>, vector<16xf32>,
        %get3A_1060 = arith.constant 0 : i32
        %get3A_1061 = arith.constant 0 : i32
        %get3A_1062 = tpu.memref_slice %arg10[%scan3A_247, %get3A_1060, %get3A_1061] : memref<2x48x128xf32, #tpu.memory_space<vmem>> -> memref<1x48x128xf32, #tpu.memory_space<vmem>>
        %get3A_1063 = tpu.memref_squeeze %get3A_1062 : memref<1x48x128xf32, #tpu.memory_space<vmem>> -> memref<48x128xf32, #tpu.memory_space<vmem>>
        %get3A_1064 = arith.index_cast %scan3A_966 : i32 to index
        %get3A_1065 = arith.constant 64 : index
        %get3A_1066 = tpu.vector_load %get3A_1063[%get3A_1064, %get3A_1065] {strides = array<i32>} : memref<48x128xf32, #tpu.memory_space<vmem>>, vector<16xf32>,
        %add3A_1067 = arith.addf %get3A_1059, %get3A_1066 : vector<16xf32>
        %gt3A_1068 = arith.constant 0.000000e+00 : f32
        %gt3A_1069 = vector.broadcast %gt3A_1068 : f32 to vector<16xf32>
        %gt3A_1070 = arith.cmpf ogt, %add3A_1067, %gt3A_1069 : vector<16xf32>
        %select_n3A_1071 = arith.select %gt3A_1070, %get3A_71, %mul3A_92 : vector<16xi1>, vector<16xf32>
        %mul3A_1072 = arith.mulf %add3A_1067, %select_n3A_1071 : vector<16xf32>
        %add3A_1073 = arith.addf %add3A_1052, %mul3A_1072 : vector<16xf32>
        %get3A_1074 = arith.constant 0 : i32
        %get3A_1075 = arith.constant 0 : i32
        %get3A_1076 = tpu.memref_slice %arg9[%scan3A_246, %get3A_1074, %get3A_1075] : memref<2x48x128xf32, #tpu.memory_space<vmem>> -> memref<1x48x128xf32, #tpu.memory_space<vmem>>
        %get3A_1077 = tpu.memref_squeeze %get3A_1076 : memref<1x48x128xf32, #tpu.memory_space<vmem>> -> memref<48x128xf32, #tpu.memory_space<vmem>>
        %get3A_1078 = arith.index_cast %scan3A_966 : i32 to index
        %get3A_1079 = arith.constant 80 : index
        %get3A_1080 = tpu.vector_load %get3A_1077[%get3A_1078, %get3A_1079] {strides = array<i32>} : memref<48x128xf32, #tpu.memory_space<vmem>>, vector<16xf32>,
        %get3A_1081 = arith.constant 0 : i32
        %get3A_1082 = arith.constant 0 : i32
        %get3A_1083 = tpu.memref_slice %arg10[%scan3A_247, %get3A_1081, %get3A_1082] : memref<2x48x128xf32, #tpu.memory_space<vmem>> -> memref<1x48x128xf32, #tpu.memory_space<vmem>>
        %get3A_1084 = tpu.memref_squeeze %get3A_1083 : memref<1x48x128xf32, #tpu.memory_space<vmem>> -> memref<48x128xf32, #tpu.memory_space<vmem>>
        %get3A_1085 = arith.index_cast %scan3A_966 : i32 to index
        %get3A_1086 = arith.constant 80 : index
        %get3A_1087 = tpu.vector_load %get3A_1084[%get3A_1085, %get3A_1086] {strides = array<i32>} : memref<48x128xf32, #tpu.memory_space<vmem>>, vector<16xf32>,
        %add3A_1088 = arith.addf %get3A_1080, %get3A_1087 : vector<16xf32>
        %gt3A_1089 = arith.constant 0.000000e+00 : f32
        %gt3A_1090 = vector.broadcast %gt3A_1089 : f32 to vector<16xf32>
        %gt3A_1091 = arith.cmpf ogt, %add3A_1088, %gt3A_1090 : vector<16xf32>
        %select_n3A_1092 = arith.select %gt3A_1091, %get3A_73, %mul3A_95 : vector<16xi1>, vector<16xf32>
        %mul3A_1093 = arith.mulf %add3A_1088, %select_n3A_1092 : vector<16xf32>
        %add3A_1094 = arith.addf %add3A_1073, %mul3A_1093 : vector<16xf32>
        %get3A_1095 = arith.constant 0 : i32
        %get3A_1096 = arith.constant 0 : i32
        %get3A_1097 = tpu.memref_slice %arg9[%scan3A_246, %get3A_1095, %get3A_1096] : memref<2x48x128xf32, #tpu.memory_space<vmem>> -> memref<1x48x128xf32, #tpu.memory_space<vmem>>
        %get3A_1098 = tpu.memref_squeeze %get3A_1097 : memref<1x48x128xf32, #tpu.memory_space<vmem>> -> memref<48x128xf32, #tpu.memory_space<vmem>>
        %get3A_1099 = arith.index_cast %scan3A_966 : i32 to index
        %get3A_1100 = arith.constant 96 : index
        %get3A_1101 = tpu.vector_load %get3A_1098[%get3A_1099, %get3A_1100] {strides = array<i32>} : memref<48x128xf32, #tpu.memory_space<vmem>>, vector<16xf32>,
        %get3A_1102 = arith.constant 0 : i32
        %get3A_1103 = arith.constant 0 : i32
        %get3A_1104 = tpu.memref_slice %arg10[%scan3A_247, %get3A_1102, %get3A_1103] : memref<2x48x128xf32, #tpu.memory_space<vmem>> -> memref<1x48x128xf32, #tpu.memory_space<vmem>>
        %get3A_1105 = tpu.memref_squeeze %get3A_1104 : memref<1x48x128xf32, #tpu.memory_space<vmem>> -> memref<48x128xf32, #tpu.memory_space<vmem>>
        %get3A_1106 = arith.index_cast %scan3A_966 : i32 to index
        %get3A_1107 = arith.constant 96 : index
        %get3A_1108 = tpu.vector_load %get3A_1105[%get3A_1106, %get3A_1107] {strides = array<i32>} : memref<48x128xf32, #tpu.memory_space<vmem>>, vector<16xf32>,
        %add3A_1109 = arith.addf %get3A_1101, %get3A_1108 : vector<16xf32>
        %gt3A_1110 = arith.constant 0.000000e+00 : f32
        %gt3A_1111 = vector.broadcast %gt3A_1110 : f32 to vector<16xf32>
        %gt3A_1112 = arith.cmpf ogt, %add3A_1109, %gt3A_1111 : vector<16xf32>
        %select_n3A_1113 = arith.select %gt3A_1112, %get3A_75, %mul3A_98 : vector<16xi1>, vector<16xf32>
        %mul3A_1114 = arith.mulf %add3A_1109, %select_n3A_1113 : vector<16xf32>
        %add3A_1115 = arith.addf %add3A_1094, %mul3A_1114 : vector<16xf32>
        %get3A_1116 = arith.constant 0 : i32
        %get3A_1117 = arith.constant 0 : i32
        %get3A_1118 = tpu.memref_slice %arg9[%scan3A_246, %get3A_1116, %get3A_1117] : memref<2x48x128xf32, #tpu.memory_space<vmem>> -> memref<1x48x128xf32, #tpu.memory_space<vmem>>
        %get3A_1119 = tpu.memref_squeeze %get3A_1118 : memref<1x48x128xf32, #tpu.memory_space<vmem>> -> memref<48x128xf32, #tpu.memory_space<vmem>>
        %get3A_1120 = arith.index_cast %scan3A_966 : i32 to index
        %get3A_1121 = arith.constant 112 : index
        %get3A_1122 = tpu.vector_load %get3A_1119[%get3A_1120, %get3A_1121] {strides = array<i32>} : memref<48x128xf32, #tpu.memory_space<vmem>>, vector<16xf32>,
        %get3A_1123 = arith.constant 0 : i32
        %get3A_1124 = arith.constant 0 : i32
        %get3A_1125 = tpu.memref_slice %arg10[%scan3A_247, %get3A_1123, %get3A_1124] : memref<2x48x128xf32, #tpu.memory_space<vmem>> -> memref<1x48x128xf32, #tpu.memory_space<vmem>>
        %get3A_1126 = tpu.memref_squeeze %get3A_1125 : memref<1x48x128xf32, #tpu.memory_space<vmem>> -> memref<48x128xf32, #tpu.memory_space<vmem>>
        %get3A_1127 = arith.index_cast %scan3A_966 : i32 to index
        %get3A_1128 = arith.constant 112 : index
        %get3A_1129 = tpu.vector_load %get3A_1126[%get3A_1127, %get3A_1128] {strides = array<i32>} : memref<48x128xf32, #tpu.memory_space<vmem>>, vector<16xf32>,
        %add3A_1130 = arith.addf %get3A_1122, %get3A_1129 : vector<16xf32>
        %gt3A_1131 = arith.constant 0.000000e+00 : f32
        %gt3A_1132 = vector.broadcast %gt3A_1131 : f32 to vector<16xf32>
        %gt3A_1133 = arith.cmpf ogt, %add3A_1130, %gt3A_1132 : vector<16xf32>
        %select_n3A_1134 = arith.select %gt3A_1133, %get3A_77, %mul3A_101 : vector<16xi1>, vector<16xf32>
        %mul3A_1135 = arith.mulf %add3A_1130, %select_n3A_1134 : vector<16xf32>
        %add3A_1136 = arith.addf %add3A_1115, %mul3A_1135 : vector<16xf32>
        %reduce_sum3A_1137 = arith.constant true
        %reduce_sum3A_1138 = vector.broadcast %reduce_sum3A_1137 : i1 to vector<16xi1>
        %reduce_sum3A_1139 = tpu.scan <sum>, %add3A_1136 masked %reduce_sum3A_1138 : vector<16xf32>, vector<16xi1> -> vector<16xf32>
        %reduce_sum3A_1140 = vector.extract %reduce_sum3A_1139[15] : f32 from vector<16xf32>
        %broadcast_in_dim3A_1141 = vector.broadcast %reduce_sum3A_1140 : f32 to vector<16xf32>
        %exp3A_1142 = math.exp %broadcast_in_dim3A_1141 : vector<16xf32>
        %mul3A_1143 = arith.mulf %get3A_975, %exp3A_1142 : vector<16xf32>
        %swap3A_1144 = arith.constant 0 : i32
        %swap3A_1145 = arith.constant 0 : i32
        %swap3A_1146 = tpu.memref_slice %arg10[%scan3A_247, %swap3A_1144, %swap3A_1145] : memref<2x48x128xf32, #tpu.memory_space<vmem>> -> memref<1x48x128xf32, #tpu.memory_space<vmem>>
        %swap3A_1147 = tpu.memref_squeeze %swap3A_1146 : memref<1x48x128xf32, #tpu.memory_space<vmem>> -> memref<48x128xf32, #tpu.memory_space<vmem>>
        %swap3A_1148 = arith.index_cast %scan3A_966 : i32 to index
        %swap3A_1149 = arith.constant 0 : index
        %swap3A_1150 = tpu.vector_load %swap3A_1147[%swap3A_1148, %swap3A_1149] {strides = array<i32>} : memref<48x128xf32, #tpu.memory_space<vmem>>, vector<16xf32>,
        tpu.vector_store %swap3A_1147[%swap3A_1148, %swap3A_1149], %mul3A_1143 {strides = array<i32>} : memref<48x128xf32, #tpu.memory_space<vmem>>, vector<16xf32>,
        %mul3A_1151 = arith.mulf %get3A_996, %exp3A_1142 : vector<16xf32>
        %swap3A_1152 = arith.constant 0 : i32
        %swap3A_1153 = arith.constant 0 : i32
        %swap3A_1154 = tpu.memref_slice %arg10[%scan3A_247, %swap3A_1152, %swap3A_1153] : memref<2x48x128xf32, #tpu.memory_space<vmem>> -> memref<1x48x128xf32, #tpu.memory_space<vmem>>
        %swap3A_1155 = tpu.memref_squeeze %swap3A_1154 : memref<1x48x128xf32, #tpu.memory_space<vmem>> -> memref<48x128xf32, #tpu.memory_space<vmem>>
        %swap3A_1156 = arith.index_cast %scan3A_966 : i32 to index
        %swap3A_1157 = arith.constant 16 : index
        %swap3A_1158 = tpu.vector_load %swap3A_1155[%swap3A_1156, %swap3A_1157] {strides = array<i32>} : memref<48x128xf32, #tpu.memory_space<vmem>>, vector<16xf32>,
        tpu.vector_store %swap3A_1155[%swap3A_1156, %swap3A_1157], %mul3A_1151 {strides = array<i32>} : memref<48x128xf32, #tpu.memory_space<vmem>>, vector<16xf32>,
        %mul3A_1159 = arith.mulf %get3A_1017, %exp3A_1142 : vector<16xf32>
        %swap3A_1160 = arith.constant 0 : i32
        %swap3A_1161 = arith.constant 0 : i32
        %swap3A_1162 = tpu.memref_slice %arg10[%scan3A_247, %swap3A_1160, %swap3A_1161] : memref<2x48x128xf32, #tpu.memory_space<vmem>> -> memref<1x48x128xf32, #tpu.memory_space<vmem>>
        %swap3A_1163 = tpu.memref_squeeze %swap3A_1162 : memref<1x48x128xf32, #tpu.memory_space<vmem>> -> memref<48x128xf32, #tpu.memory_space<vmem>>
        %swap3A_1164 = arith.index_cast %scan3A_966 : i32 to index
        %swap3A_1165 = arith.constant 32 : index
        %swap3A_1166 = tpu.vector_load %swap3A_1163[%swap3A_1164, %swap3A_1165] {strides = array<i32>} : memref<48x128xf32, #tpu.memory_space<vmem>>, vector<16xf32>,
        tpu.vector_store %swap3A_1163[%swap3A_1164, %swap3A_1165], %mul3A_1159 {strides = array<i32>} : memref<48x128xf32, #tpu.memory_space<vmem>>, vector<16xf32>,
        %mul3A_1167 = arith.mulf %get3A_1038, %exp3A_1142 : vector<16xf32>
        %swap3A_1168 = arith.constant 0 : i32
        %swap3A_1169 = arith.constant 0 : i32
        %swap3A_1170 = tpu.memref_slice %arg10[%scan3A_247, %swap3A_1168, %swap3A_1169] : memref<2x48x128xf32, #tpu.memory_space<vmem>> -> memref<1x48x128xf32, #tpu.memory_space<vmem>>
        %swap3A_1171 = tpu.memref_squeeze %swap3A_1170 : memref<1x48x128xf32, #tpu.memory_space<vmem>> -> memref<48x128xf32, #tpu.memory_space<vmem>>
        %swap3A_1172 = arith.index_cast %scan3A_966 : i32 to index
        %swap3A_1173 = arith.constant 48 : index
        %swap3A_1174 = tpu.vector_load %swap3A_1171[%swap3A_1172, %swap3A_1173] {strides = array<i32>} : memref<48x128xf32, #tpu.memory_space<vmem>>, vector<16xf32>,
        tpu.vector_store %swap3A_1171[%swap3A_1172, %swap3A_1173], %mul3A_1167 {strides = array<i32>} : memref<48x128xf32, #tpu.memory_space<vmem>>, vector<16xf32>,
        %mul3A_1175 = arith.mulf %get3A_1059, %exp3A_1142 : vector<16xf32>
        %swap3A_1176 = arith.constant 0 : i32
        %swap3A_1177 = arith.constant 0 : i32
        %swap3A_1178 = tpu.memref_slice %arg10[%scan3A_247, %swap3A_1176, %swap3A_1177] : memref<2x48x128xf32, #tpu.memory_space<vmem>> -> memref<1x48x128xf32, #tpu.memory_space<vmem>>
        %swap3A_1179 = tpu.memref_squeeze %swap3A_1178 : memref<1x48x128xf32, #tpu.memory_space<vmem>> -> memref<48x128xf32, #tpu.memory_space<vmem>>
        %swap3A_1180 = arith.index_cast %scan3A_966 : i32 to index
        %swap3A_1181 = arith.constant 64 : index
        %swap3A_1182 = tpu.vector_load %swap3A_1179[%swap3A_1180, %swap3A_1181] {strides = array<i32>} : memref<48x128xf32, #tpu.memory_space<vmem>>, vector<16xf32>,
        tpu.vector_store %swap3A_1179[%swap3A_1180, %swap3A_1181], %mul3A_1175 {strides = array<i32>} : memref<48x128xf32, #tpu.memory_space<vmem>>, vector<16xf32>,
        %mul3A_1183 = arith.mulf %get3A_1080, %exp3A_1142 : vector<16xf32>
        %swap3A_1184 = arith.constant 0 : i32
        %swap3A_1185 = arith.constant 0 : i32
        %swap3A_1186 = tpu.memref_slice %arg10[%scan3A_247, %swap3A_1184, %swap3A_1185] : memref<2x48x128xf32, #tpu.memory_space<vmem>> -> memref<1x48x128xf32, #tpu.memory_space<vmem>>
        %swap3A_1187 = tpu.memref_squeeze %swap3A_1186 : memref<1x48x128xf32, #tpu.memory_space<vmem>> -> memref<48x128xf32, #tpu.memory_space<vmem>>
        %swap3A_1188 = arith.index_cast %scan3A_966 : i32 to index
        %swap3A_1189 = arith.constant 80 : index
        %swap3A_1190 = tpu.vector_load %swap3A_1187[%swap3A_1188, %swap3A_1189] {strides = array<i32>} : memref<48x128xf32, #tpu.memory_space<vmem>>, vector<16xf32>,
        tpu.vector_store %swap3A_1187[%swap3A_1188, %swap3A_1189], %mul3A_1183 {strides = array<i32>} : memref<48x128xf32, #tpu.memory_space<vmem>>, vector<16xf32>,
        %mul3A_1191 = arith.mulf %get3A_1101, %exp3A_1142 : vector<16xf32>
        %swap3A_1192 = arith.constant 0 : i32
        %swap3A_1193 = arith.constant 0 : i32
        %swap3A_1194 = tpu.memref_slice %arg10[%scan3A_247, %swap3A_1192, %swap3A_1193] : memref<2x48x128xf32, #tpu.memory_space<vmem>> -> memref<1x48x128xf32, #tpu.memory_space<vmem>>
        %swap3A_1195 = tpu.memref_squeeze %swap3A_1194 : memref<1x48x128xf32, #tpu.memory_space<vmem>> -> memref<48x128xf32, #tpu.memory_space<vmem>>
        %swap3A_1196 = arith.index_cast %scan3A_966 : i32 to index
        %swap3A_1197 = arith.constant 96 : index
        %swap3A_1198 = tpu.vector_load %swap3A_1195[%swap3A_1196, %swap3A_1197] {strides = array<i32>} : memref<48x128xf32, #tpu.memory_space<vmem>>, vector<16xf32>,
        tpu.vector_store %swap3A_1195[%swap3A_1196, %swap3A_1197], %mul3A_1191 {strides = array<i32>} : memref<48x128xf32, #tpu.memory_space<vmem>>, vector<16xf32>,
        %mul3A_1199 = arith.mulf %get3A_1122, %exp3A_1142 : vector<16xf32>
        %swap3A_1200 = arith.constant 0 : i32
        %swap3A_1201 = arith.constant 0 : i32
        %swap3A_1202 = tpu.memref_slice %arg10[%scan3A_247, %swap3A_1200, %swap3A_1201] : memref<2x48x128xf32, #tpu.memory_space<vmem>> -> memref<1x48x128xf32, #tpu.memory_space<vmem>>
        %swap3A_1203 = tpu.memref_squeeze %swap3A_1202 : memref<1x48x128xf32, #tpu.memory_space<vmem>> -> memref<48x128xf32, #tpu.memory_space<vmem>>
        %swap3A_1204 = arith.index_cast %scan3A_966 : i32 to index
        %swap3A_1205 = arith.constant 112 : index
        %swap3A_1206 = tpu.vector_load %swap3A_1203[%swap3A_1204, %swap3A_1205] {strides = array<i32>} : memref<48x128xf32, #tpu.memory_space<vmem>>, vector<16xf32>,
        tpu.vector_store %swap3A_1203[%swap3A_1204, %swap3A_1205], %mul3A_1199 {strides = array<i32>} : memref<48x128xf32, #tpu.memory_space<vmem>>, vector<16xf32>,
        %swap3A_1207 = arith.index_cast %scan3A_966 : i32 to index
        %swap3A_1208 = arith.constant 0 : index
        %swap3A_1209 = tpu.vector_load %arg11[%swap3A_1207, %swap3A_1208] {strides = array<i32>} : memref<48x16xf32, #tpu.memory_space<vmem>>, vector<16xf32>,
        tpu.vector_store %arg11[%swap3A_1207, %swap3A_1208], %exp3A_1142 {strides = array<i32>} : memref<48x16xf32, #tpu.memory_space<vmem>>, vector<16xf32>,
      }
      %scan3A_252 = arith.constant 48 : i32
      %get3A_253 = arith.constant 0 : i32
      %get3A_254 = arith.constant 1 : i32
      %get3A_255 = arith.constant 0 : i32
      %get3A_256 = arith.constant 0 : i32
      %get3A_257 = tpu.memref_slice %arg8[%get3A_253, %get3A_255, %get3A_256] : memref<4x2x48xi32, #tpu.memory_space<vmem>> -> memref<1x2x48xi32, #tpu.memory_space<vmem>>
      %get3A_258 = tpu.memref_squeeze %get3A_257 : memref<1x2x48xi32, #tpu.memory_space<vmem>> -> memref<2x48xi32, #tpu.memory_space<vmem>>
      %get3A_259 = arith.index_cast %get3A_254 : i32 to index
      %get3A_260 = arith.constant 0 : index
      %get3A_261 = tpu.vector_load %get3A_258[%get3A_259, %get3A_260] {strides = array<i32>} : memref<2x48xi32, #tpu.memory_space<vmem>>, vector<16xi32>,
      %add3A_262 = arith.constant 0 : i32
      %add3A_263 = vector.broadcast %add3A_262 : i32 to vector<16xi32>
      %add3A_264 = arith.addi %add3A_263, %iota3A : vector<16xi32>
      %gather3A = tpu.vector_load_idx %arg11[%add3A_264, %broadcast_in_dim3A_102] : memref<48x16xf32, #tpu.memory_space<vmem>>[vector<16xi32>, vector<16xi32>], vector<16xf32>,
      tpu.vector_store_idx %arg12[%get3A_261], %gather3A {add = true} : memref<10240xf32, #tpu.memory_space<vmem>>[vector<16xi32>], vector<16xf32>,
      %get3A_265 = arith.constant 0 : i32
      %get3A_266 = arith.constant 1 : i32
      %get3A_267 = arith.constant 0 : i32
      %get3A_268 = arith.constant 0 : i32
      %get3A_269 = tpu.memref_slice %arg8[%get3A_265, %get3A_267, %get3A_268] : memref<4x2x48xi32, #tpu.memory_space<vmem>> -> memref<1x2x48xi32, #tpu.memory_space<vmem>>
      %get3A_270 = tpu.memref_squeeze %get3A_269 : memref<1x2x48xi32, #tpu.memory_space<vmem>> -> memref<2x48xi32, #tpu.memory_space<vmem>>
      %get3A_271 = arith.index_cast %get3A_266 : i32 to index
      %get3A_272 = arith.constant 16 : index
      %get3A_273 = tpu.vector_load %get3A_270[%get3A_271, %get3A_272] {strides = array<i32>} : memref<2x48xi32, #tpu.memory_space<vmem>>, vector<16xi32>,
      %add3A_274 = arith.constant 16 : i32
      %add3A_275 = vector.broadcast %add3A_274 : i32 to vector<16xi32>
      %add3A_276 = arith.addi %add3A_275, %iota3A : vector<16xi32>
      %gather3A_277 = tpu.vector_load_idx %arg11[%add3A_276, %broadcast_in_dim3A_102] : memref<48x16xf32, #tpu.memory_space<vmem>>[vector<16xi32>, vector<16xi32>], vector<16xf32>,
      tpu.vector_store_idx %arg12[%get3A_273], %gather3A_277 {add = true} : memref<10240xf32, #tpu.memory_space<vmem>>[vector<16xi32>], vector<16xf32>,
      %get3A_278 = arith.constant 0 : i32
      %get3A_279 = arith.constant 1 : i32
      %get3A_280 = arith.constant 0 : i32
      %get3A_281 = arith.constant 0 : i32
      %get3A_282 = tpu.memref_slice %arg8[%get3A_278, %get3A_280, %get3A_281] : memref<4x2x48xi32, #tpu.memory_space<vmem>> -> memref<1x2x48xi32, #tpu.memory_space<vmem>>
      %get3A_283 = tpu.memref_squeeze %get3A_282 : memref<1x2x48xi32, #tpu.memory_space<vmem>> -> memref<2x48xi32, #tpu.memory_space<vmem>>
      %get3A_284 = arith.index_cast %get3A_279 : i32 to index
      %get3A_285 = arith.constant 32 : index
      %get3A_286 = tpu.vector_load %get3A_283[%get3A_284, %get3A_285] {strides = array<i32>} : memref<2x48xi32, #tpu.memory_space<vmem>>, vector<16xi32>,
      %add3A_287 = arith.constant 32 : i32
      %add3A_288 = vector.broadcast %add3A_287 : i32 to vector<16xi32>
      %add3A_289 = arith.addi %add3A_288, %iota3A : vector<16xi32>
      %gather3A_290 = tpu.vector_load_idx %arg11[%add3A_289, %broadcast_in_dim3A_102] : memref<48x16xf32, #tpu.memory_space<vmem>>[vector<16xi32>, vector<16xi32>], vector<16xf32>,
      tpu.vector_store_idx %arg12[%get3A_286], %gather3A_290 {add = true} : memref<10240xf32, #tpu.memory_space<vmem>>[vector<16xi32>], vector<16xf32>,
      %run_scoped3A_291 = arith.constant 0 : i32
      %run_scoped3A_292 = arith.constant 0 : i32
      %run_scoped3A_293 = arith.constant 1 : i32
      "tpu.region"() ({
        %run_scoped3A_726 = tpu.sem_alloc : memref<!tpu.dma_semaphore, #tpu.memory_space<semaphore_mem>>
        %dma_start3A_727 = arith.constant 0 : i32
        %dma_start3A_728 = arith.constant 0 : i32
        %dma_start3A_729 = tpu.memref_slice %arg10[%run_scoped3A_291, %dma_start3A_727, %dma_start3A_728] : memref<2x48x128xf32, #tpu.memory_space<vmem>> -> memref<1x48x128xf32, #tpu.memory_space<vmem>>
        %dma_start3A_730 = tpu.memref_squeeze %dma_start3A_729 : memref<1x48x128xf32, #tpu.memory_space<vmem>> -> memref<48x128xf32, #tpu.memory_space<vmem>>
        %dma_start3A_731 = arith.constant 0 : i32
        %dma_start3A_732 = arith.constant 0 : i32
        %dma_start3A_733 = tpu.memref_slice %arg8[%run_scoped3A_292, %dma_start3A_731, %dma_start3A_732] : memref<4x2x48xi32, #tpu.memory_space<vmem>> -> memref<1x2x48xi32, #tpu.memory_space<vmem>>
        %dma_start3A_734 = tpu.memref_squeeze %dma_start3A_733 : memref<1x2x48xi32, #tpu.memory_space<vmem>> -> memref<2x48xi32, #tpu.memory_space<vmem>>
        %dma_start3A_735 = arith.constant 0 : i32
        %dma_start3A_736 = tpu.memref_slice %dma_start3A_734[%run_scoped3A_293, %dma_start3A_735] : memref<2x48xi32, #tpu.memory_space<vmem>> -> memref<1x48xi32, #tpu.memory_space<vmem>>
        %dma_start3A_737 = tpu.memref_squeeze %dma_start3A_736 : memref<1x48xi32, #tpu.memory_space<vmem>> -> memref<48xi32, #tpu.memory_space<vmem>>
        %dma_start3A_738 = arith.constant 0 : i32
        %dma_start3A_739 = arith.constant 0 : i32
        %dma_start3A_740 = tpu.memref_slice %arg14[%dma_start3A_738, %dma_start3A_739] : memref<10240x128xf32, #tpu.memory_space<vmem_shared>> -> memref<10240x128xf32, #tpu.memory_space<vmem_shared>>
        tpu.enqueue_indirect_dma source(%dma_start3A_730 : memref<48x128xf32, #tpu.memory_space<vmem>>) target(%dma_start3A_740 : memref<10240x128xf32, #tpu.memory_space<vmem_shared>>) offsets(%dma_start3A_737 : memref<48xi32, #tpu.memory_space<vmem>>) semaphore(%run_scoped3A_726 : memref<!tpu.dma_semaphore, #tpu.memory_space<semaphore_mem>>) {add = true}
        %dma_wait3A_741 = arith.constant 0 : i32
        %dma_wait3A_742 = arith.constant 0 : i32
        %dma_wait3A_743 = tpu.memref_slice %arg10[%run_scoped3A_291, %dma_wait3A_741, %dma_wait3A_742] : memref<2x48x128xf32, #tpu.memory_space<vmem>> -> memref<1x48x128xf32, #tpu.memory_space<vmem>>
        %dma_wait3A_744 = tpu.memref_squeeze %dma_wait3A_743 : memref<1x48x128xf32, #tpu.memory_space<vmem>> -> memref<48x128xf32, #tpu.memory_space<vmem>>
        %dma_wait3A_745 = arith.constant 0 : i32
        %dma_wait3A_746 = arith.constant 0 : i32
        %dma_wait3A_747 = tpu.memref_slice %arg8[%run_scoped3A_292, %dma_wait3A_745, %dma_wait3A_746] : memref<4x2x48xi32, #tpu.memory_space<vmem>> -> memref<1x2x48xi32, #tpu.memory_space<vmem>>
        %dma_wait3A_748 = tpu.memref_squeeze %dma_wait3A_747 : memref<1x2x48xi32, #tpu.memory_space<vmem>> -> memref<2x48xi32, #tpu.memory_space<vmem>>
        %dma_wait3A_749 = arith.constant 0 : i32
        %dma_wait3A_750 = tpu.memref_slice %dma_wait3A_748[%run_scoped3A_293, %dma_wait3A_749] : memref<2x48xi32, #tpu.memory_space<vmem>> -> memref<1x48xi32, #tpu.memory_space<vmem>>
        %dma_wait3A_751 = tpu.memref_squeeze %dma_wait3A_750 : memref<1x48xi32, #tpu.memory_space<vmem>> -> memref<48xi32, #tpu.memory_space<vmem>>
        %dma_wait3A_752 = arith.constant 0 : i32
        %dma_wait3A_753 = arith.constant 0 : i32
        %dma_wait3A_754 = tpu.memref_slice %arg14[%dma_wait3A_752, %dma_wait3A_753] : memref<10240x128xf32, #tpu.memory_space<vmem_shared>> -> memref<10240x128xf32, #tpu.memory_space<vmem_shared>>
        tpu.wait_indirect_dma semaphore(%run_scoped3A_726 : memref<!tpu.dma_semaphore, #tpu.memory_space<semaphore_mem>>) src(%dma_wait3A_744 : memref<48x128xf32, #tpu.memory_space<vmem>>) dst(%dma_wait3A_754 : memref<10240x128xf32, #tpu.memory_space<vmem_shared>>)
        tpu.yield
      }) : () -> ()
      %mul3A_294 = arith.constant 4 : i32
      %mul3A_295 = arith.muli %mul3A_294, %scan3A_151 : i32
      %add3A_296 = arith.constant 1 : i32
      %add3A_297 = arith.addi %mul3A_295, %add3A_296 : i32
      %add3A_298 = arith.constant 2 : i32
      %add3A_299 = arith.addi %add3A_297, %add3A_298 : i32
      %min3A_300 = arith.constant 211 : i32
      %min3A_301 = arith.minsi %add3A_299, %min3A_300 : i32
      %add3A_302 = arith.addi %mul3A_2, %min3A_301 : i32
      %dma_start3A_303 = arith.constant 3 : i32
      %dma_start3A_304 = arith.constant 0 : i32
      %dma_start3A_305 = arith.constant 0 : i32
      %dma_start3A_306 = tpu.memref_slice %arg8[%dma_start3A_303, %dma_start3A_304, %dma_start3A_305] : memref<4x2x48xi32, #tpu.memory_space<vmem>> -> memref<1x2x48xi32, #tpu.memory_space<vmem>>
      %dma_start3A_307 = tpu.memref_squeeze %dma_start3A_306 : memref<1x2x48xi32, #tpu.memory_space<vmem>> -> memref<2x48xi32, #tpu.memory_space<vmem>>
      %dma_start3A_308 = arith.constant 0 : i32
      %dma_start3A_309 = arith.constant 0 : i32
      %dma_start3A_310 = tpu.memref_slice %arg4[%add3A_302, %dma_start3A_308, %dma_start3A_309] : memref<6784x2x48xi32, #tpu.memory_space<hbm>> -> memref<1x2x48xi32, #tpu.memory_space<hbm>>
      %dma_start3A_311 = tpu.memref_squeeze %dma_start3A_310 : memref<1x2x48xi32, #tpu.memory_space<hbm>> -> memref<2x48xi32, #tpu.memory_space<hbm>>
      %dma_start3A_312 = arith.constant 0 : i32
      %dma_start3A_313 = arith.constant 0 : i32
      %dma_start3A_314 = tpu.memref_slice %arg8[%dma_start3A_303, %dma_start3A_312, %dma_start3A_313] : memref<4x2x48xi32, #tpu.memory_space<vmem>> -> memref<1x2x48xi32, #tpu.memory_space<vmem>>
      %dma_start3A_315 = tpu.memref_squeeze %dma_start3A_314 : memref<1x2x48xi32, #tpu.memory_space<vmem>> -> memref<2x48xi32, #tpu.memory_space<vmem>>
      %dma_start3A_316 = arith.constant 0 : i32
      %dma_start3A_317 = arith.constant 0 : i32
      %dma_start3A_318 = tpu.memref_slice %arg4[%add3A_302, %dma_start3A_316, %dma_start3A_317] : memref<6784x2x48xi32, #tpu.memory_space<hbm>> -> memref<1x2x48xi32, #tpu.memory_space<hbm>>
      %dma_start3A_319 = tpu.memref_squeeze %dma_start3A_318 : memref<1x2x48xi32, #tpu.memory_space<hbm>> -> memref<2x48xi32, #tpu.memory_space<hbm>>
      tpu.enqueue_dma source(%dma_start3A_319 : memref<2x48xi32, #tpu.memory_space<hbm>>) target(%dma_start3A_315 : memref<2x48xi32, #tpu.memory_space<vmem>>) target_semaphore(%arg20 : memref<!tpu.dma_semaphore, #tpu.memory_space<semaphore_mem>>)
      %dma_wait3A_320 = arith.constant 2 : i32
      %dma_wait3A_321 = arith.constant 0 : i32
      %dma_wait3A_322 = arith.constant 0 : i32
      %dma_wait3A_323 = tpu.memref_slice %arg8[%dma_wait3A_320, %dma_wait3A_321, %dma_wait3A_322] : memref<4x2x48xi32, #tpu.memory_space<vmem>> -> memref<1x2x48xi32, #tpu.memory_space<vmem>>
      %dma_wait3A_324 = tpu.memref_squeeze %dma_wait3A_323 : memref<1x2x48xi32, #tpu.memory_space<vmem>> -> memref<2x48xi32, #tpu.memory_space<vmem>>
      %dma_wait3A_325 = arith.constant 0 : i32
      %dma_wait3A_326 = arith.constant 0 : i32
      %dma_wait3A_327 = tpu.memref_slice %arg4[%mul3A_2, %dma_wait3A_325, %dma_wait3A_326] : memref<6784x2x48xi32, #tpu.memory_space<hbm>> -> memref<1x2x48xi32, #tpu.memory_space<hbm>>
      %dma_wait3A_328 = tpu.memref_squeeze %dma_wait3A_327 : memref<1x2x48xi32, #tpu.memory_space<hbm>> -> memref<2x48xi32, #tpu.memory_space<hbm>>
      %dma_wait3A_329 = arith.constant 0 : i32
      %dma_wait3A_330 = arith.constant 0 : i32
      %dma_wait3A_331 = tpu.memref_slice %arg8[%dma_wait3A_320, %dma_wait3A_329, %dma_wait3A_330] : memref<4x2x48xi32, #tpu.memory_space<vmem>> -> memref<1x2x48xi32, #tpu.memory_space<vmem>>
      %dma_wait3A_332 = tpu.memref_squeeze %dma_wait3A_331 : memref<1x2x48xi32, #tpu.memory_space<vmem>> -> memref<2x48xi32, #tpu.memory_space<vmem>>
      %dma_wait3A_333 = arith.constant 0 : i32
      %dma_wait3A_334 = arith.constant 0 : i32
      %dma_wait3A_335 = tpu.memref_slice %arg4[%mul3A_2, %dma_wait3A_333, %dma_wait3A_334] : memref<6784x2x48xi32, #tpu.memory_space<hbm>> -> memref<1x2x48xi32, #tpu.memory_space<hbm>>
      %dma_wait3A_336 = tpu.memref_squeeze %dma_wait3A_335 : memref<1x2x48xi32, #tpu.memory_space<hbm>> -> memref<2x48xi32, #tpu.memory_space<hbm>>
      tpu.wait_dma2 semaphore(%arg19 : memref<!tpu.dma_semaphore, #tpu.memory_space<semaphore_mem>>) src(%dma_wait3A_336 : memref<2x48xi32, #tpu.memory_space<hbm>>) dst(%dma_wait3A_332 : memref<2x48xi32, #tpu.memory_space<vmem>>)
      %dma_start3A_337 = arith.constant 2 : i32
      %dma_start3A_338 = arith.constant 0 : i32
      %dma_start3A_339 = arith.constant 0 : i32
      %dma_start3A_340 = arith.constant 0 : i32
      %dma_start3A_341 = arith.constant 0 : i32
      %dma_start3A_342 = tpu.memref_slice %arg9[%dma_start3A_339, %dma_start3A_340, %dma_start3A_341] : memref<2x48x128xf32, #tpu.memory_space<vmem>> -> memref<1x48x128xf32, #tpu.memory_space<vmem>>
      %dma_start3A_343 = tpu.memref_squeeze %dma_start3A_342 : memref<1x48x128xf32, #tpu.memory_space<vmem>> -> memref<48x128xf32, #tpu.memory_space<vmem>>
      %dma_start3A_344 = arith.constant 0 : i32
      %dma_start3A_345 = tpu.memref_slice %arg8[%dma_start3A_337, %dma_start3A_338, %dma_start3A_344] : memref<4x2x48xi32, #tpu.memory_space<vmem>> -> memref<1x1x48xi32, #tpu.memory_space<vmem>>
      %dma_start3A_346 = tpu.memref_squeeze %dma_start3A_345 : memref<1x1x48xi32, #tpu.memory_space<vmem>> -> memref<48xi32, #tpu.memory_space<vmem>>
      %dma_start3A_347 = arith.constant 0 : i32
      %dma_start3A_348 = arith.constant 0 : i32
      %dma_start3A_349 = tpu.memref_slice %arg2[%dma_start3A_347, %dma_start3A_348] : memref<10000x128xf32, #tpu.memory_space<hbm>> -> memref<10000x128xf32, #tpu.memory_space<hbm>>
      tpu.enqueue_indirect_dma source(%dma_start3A_349 : memref<10000x128xf32, #tpu.memory_space<hbm>>) target(%dma_start3A_343 : memref<48x128xf32, #tpu.memory_space<vmem>>) offsets(%dma_start3A_346 : memref<48xi32, #tpu.memory_space<vmem>>) semaphore(%arg15 : memref<!tpu.dma_semaphore, #tpu.memory_space<semaphore_mem>>)
      %dma_start3A_350 = arith.constant 2 : i32
      %dma_start3A_351 = arith.constant 1 : i32
      %dma_start3A_352 = arith.constant 0 : i32
      %dma_start3A_353 = arith.constant 0 : i32
      %dma_start3A_354 = arith.constant 0 : i32
      %dma_start3A_355 = tpu.memref_slice %arg10[%dma_start3A_352, %dma_start3A_353, %dma_start3A_354] : memref<2x48x128xf32, #tpu.memory_space<vmem>> -> memref<1x48x128xf32, #tpu.memory_space<vmem>>
      %dma_start3A_356 = tpu.memref_squeeze %dma_start3A_355 : memref<1x48x128xf32, #tpu.memory_space<vmem>> -> memref<48x128xf32, #tpu.memory_space<vmem>>
      %dma_start3A_357 = arith.constant 0 : i32
      %dma_start3A_358 = tpu.memref_slice %arg8[%dma_start3A_350, %dma_start3A_351, %dma_start3A_357] : memref<4x2x48xi32, #tpu.memory_space<vmem>> -> memref<1x1x48xi32, #tpu.memory_space<vmem>>
      %dma_start3A_359 = tpu.memref_squeeze %dma_start3A_358 : memref<1x1x48xi32, #tpu.memory_space<vmem>> -> memref<48xi32, #tpu.memory_space<vmem>>
      %dma_start3A_360 = arith.constant 0 : i32
      %dma_start3A_361 = arith.constant 0 : i32
      %dma_start3A_362 = tpu.memref_slice %arg3[%dma_start3A_360, %dma_start3A_361] : memref<10000x128xf32, #tpu.memory_space<hbm>> -> memref<10000x128xf32, #tpu.memory_space<hbm>>
      tpu.enqueue_indirect_dma source(%dma_start3A_362 : memref<10000x128xf32, #tpu.memory_space<hbm>>) target(%dma_start3A_356 : memref<48x128xf32, #tpu.memory_space<vmem>>) offsets(%dma_start3A_359 : memref<48xi32, #tpu.memory_space<vmem>>) semaphore(%arg17 : memref<!tpu.dma_semaphore, #tpu.memory_space<semaphore_mem>>)
      %dma_wait3A_363 = arith.constant 1 : i32
      %dma_wait3A_364 = arith.constant 0 : i32
      %dma_wait3A_365 = arith.constant 1 : i32
      %dma_wait3A_366 = arith.constant 0 : i32
      %dma_wait3A_367 = arith.constant 0 : i32
      %dma_wait3A_368 = tpu.memref_slice %arg9[%dma_wait3A_365, %dma_wait3A_366, %dma_wait3A_367] : memref<2x48x128xf32, #tpu.memory_space<vmem>> -> memref<1x48x128xf32, #tpu.memory_space<vmem>>
      %dma_wait3A_369 = tpu.memref_squeeze %dma_wait3A_368 : memref<1x48x128xf32, #tpu.memory_space<vmem>> -> memref<48x128xf32, #tpu.memory_space<vmem>>
      %dma_wait3A_370 = arith.constant 0 : i32
      %dma_wait3A_371 = tpu.memref_slice %arg8[%dma_wait3A_363, %dma_wait3A_364, %dma_wait3A_370] : memref<4x2x48xi32, #tpu.memory_space<vmem>> -> memref<1x1x48xi32, #tpu.memory_space<vmem>>
      %dma_wait3A_372 = tpu.memref_squeeze %dma_wait3A_371 : memref<1x1x48xi32, #tpu.memory_space<vmem>> -> memref<48xi32, #tpu.memory_space<vmem>>
      %dma_wait3A_373 = arith.constant 0 : i32
      %dma_wait3A_374 = arith.constant 0 : i32
      %dma_wait3A_375 = tpu.memref_slice %arg2[%dma_wait3A_373, %dma_wait3A_374] : memref<10000x128xf32, #tpu.memory_space<hbm>> -> memref<10000x128xf32, #tpu.memory_space<hbm>>
      tpu.wait_indirect_dma semaphore(%arg16 : memref<!tpu.dma_semaphore, #tpu.memory_space<semaphore_mem>>) src(%dma_wait3A_375 : memref<10000x128xf32, #tpu.memory_space<hbm>>) dst(%dma_wait3A_369 : memref<48x128xf32, #tpu.memory_space<vmem>>)
      %dma_wait3A_376 = arith.constant 1 : i32
      %dma_wait3A_377 = arith.constant 1 : i32
      %dma_wait3A_378 = arith.constant 1 : i32
      %dma_wait3A_379 = arith.constant 0 : i32
      %dma_wait3A_380 = arith.constant 0 : i32
      %dma_wait3A_381 = tpu.memref_slice %arg10[%dma_wait3A_378, %dma_wait3A_379, %dma_wait3A_380] : memref<2x48x128xf32, #tpu.memory_space<vmem>> -> memref<1x48x128xf32, #tpu.memory_space<vmem>>
      %dma_wait3A_382 = tpu.memref_squeeze %dma_wait3A_381 : memref<1x48x128xf32, #tpu.memory_space<vmem>> -> memref<48x128xf32, #tpu.memory_space<vmem>>
      %dma_wait3A_383 = arith.constant 0 : i32
      %dma_wait3A_384 = tpu.memref_slice %arg8[%dma_wait3A_376, %dma_wait3A_377, %dma_wait3A_383] : memref<4x2x48xi32, #tpu.memory_space<vmem>> -> memref<1x1x48xi32, #tpu.memory_space<vmem>>
      %dma_wait3A_385 = tpu.memref_squeeze %dma_wait3A_384 : memref<1x1x48xi32, #tpu.memory_space<vmem>> -> memref<48xi32, #tpu.memory_space<vmem>>
      %dma_wait3A_386 = arith.constant 0 : i32
      %dma_wait3A_387 = arith.constant 0 : i32
      %dma_wait3A_388 = tpu.memref_slice %arg3[%dma_wait3A_386, %dma_wait3A_387] : memref<10000x128xf32, #tpu.memory_space<hbm>> -> memref<10000x128xf32, #tpu.memory_space<hbm>>
      tpu.wait_indirect_dma semaphore(%arg18 : memref<!tpu.dma_semaphore, #tpu.memory_space<semaphore_mem>>) src(%dma_wait3A_388 : memref<10000x128xf32, #tpu.memory_space<hbm>>) dst(%dma_wait3A_382 : memref<48x128xf32, #tpu.memory_space<vmem>>)
      %scan3A_389 = arith.constant 1 : i32
      %scan3A_390 = arith.constant 1 : i32
      %scan3A_391 = arith.constant 0 : i32
      %scan3A_392 = arith.constant 48 : i32
      %scan3A_393 = arith.addi %scan3A_391, %scan3A_392 : i32
      %scan3A_394 = arith.constant 2 : i32
      scf.for %scan3A_726 = %scan3A_391 to %scan3A_393 step %scan3A_394  : i32 {
        %broadcast_in_dim3A_727 = arith.constant 0.000000e+00 : f32
        %broadcast_in_dim3A_728 = vector.broadcast %broadcast_in_dim3A_727 : f32 to vector<16xf32>
        %get3A_729 = arith.constant 0 : i32
        %get3A_730 = arith.constant 0 : i32
        %get3A_731 = tpu.memref_slice %arg9[%scan3A_389, %get3A_729, %get3A_730] : memref<2x48x128xf32, #tpu.memory_space<vmem>> -> memref<1x48x128xf32, #tpu.memory_space<vmem>>
        %get3A_732 = tpu.memref_squeeze %get3A_731 : memref<1x48x128xf32, #tpu.memory_space<vmem>> -> memref<48x128xf32, #tpu.memory_space<vmem>>
        %get3A_733 = arith.index_cast %scan3A_726 : i32 to index
        %get3A_734 = arith.constant 0 : index
        %get3A_735 = tpu.vector_load %get3A_732[%get3A_733, %get3A_734] {strides = array<i32>} : memref<48x128xf32, #tpu.memory_space<vmem>>, vector<16xf32>,
        %get3A_736 = arith.constant 0 : i32
        %get3A_737 = arith.constant 0 : i32
        %get3A_738 = tpu.memref_slice %arg10[%scan3A_390, %get3A_736, %get3A_737] : memref<2x48x128xf32, #tpu.memory_space<vmem>> -> memref<1x48x128xf32, #tpu.memory_space<vmem>>
        %get3A_739 = tpu.memref_squeeze %get3A_738 : memref<1x48x128xf32, #tpu.memory_space<vmem>> -> memref<48x128xf32, #tpu.memory_space<vmem>>
        %get3A_740 = arith.index_cast %scan3A_726 : i32 to index
        %get3A_741 = arith.constant 0 : index
        %get3A_742 = tpu.vector_load %get3A_739[%get3A_740, %get3A_741] {strides = array<i32>} : memref<48x128xf32, #tpu.memory_space<vmem>>, vector<16xf32>,
        %add3A_743 = arith.addf %get3A_735, %get3A_742 : vector<16xf32>
        %gt3A = arith.constant 0.000000e+00 : f32
        %gt3A_744 = vector.broadcast %gt3A : f32 to vector<16xf32>
        %gt3A_745 = arith.cmpf ogt, %add3A_743, %gt3A_744 : vector<16xf32>
        %select_n3A = arith.select %gt3A_745, %get3A_63, %mul3A_80 : vector<16xi1>, vector<16xf32>
        %mul3A_746 = arith.mulf %add3A_743, %select_n3A : vector<16xf32>
        %add3A_747 = arith.addf %broadcast_in_dim3A_728, %mul3A_746 : vector<16xf32>
        %get3A_748 = arith.constant 0 : i32
        %get3A_749 = arith.constant 0 : i32
        %get3A_750 = tpu.memref_slice %arg9[%scan3A_389, %get3A_748, %get3A_749] : memref<2x48x128xf32, #tpu.memory_space<vmem>> -> memref<1x48x128xf32, #tpu.memory_space<vmem>>
        %get3A_751 = tpu.memref_squeeze %get3A_750 : memref<1x48x128xf32, #tpu.memory_space<vmem>> -> memref<48x128xf32, #tpu.memory_space<vmem>>
        %get3A_752 = arith.index_cast %scan3A_726 : i32 to index
        %get3A_753 = arith.constant 16 : index
        %get3A_754 = tpu.vector_load %get3A_751[%get3A_752, %get3A_753] {strides = array<i32>} : memref<48x128xf32, #tpu.memory_space<vmem>>, vector<16xf32>,
        %get3A_755 = arith.constant 0 : i32
        %get3A_756 = arith.constant 0 : i32
        %get3A_757 = tpu.memref_slice %arg10[%scan3A_390, %get3A_755, %get3A_756] : memref<2x48x128xf32, #tpu.memory_space<vmem>> -> memref<1x48x128xf32, #tpu.memory_space<vmem>>
        %get3A_758 = tpu.memref_squeeze %get3A_757 : memref<1x48x128xf32, #tpu.memory_space<vmem>> -> memref<48x128xf32, #tpu.memory_space<vmem>>
        %get3A_759 = arith.index_cast %scan3A_726 : i32 to index
        %get3A_760 = arith.constant 16 : index
        %get3A_761 = tpu.vector_load %get3A_758[%get3A_759, %get3A_760] {strides = array<i32>} : memref<48x128xf32, #tpu.memory_space<vmem>>, vector<16xf32>,
        %add3A_762 = arith.addf %get3A_754, %get3A_761 : vector<16xf32>
        %gt3A_763 = arith.constant 0.000000e+00 : f32
        %gt3A_764 = vector.broadcast %gt3A_763 : f32 to vector<16xf32>
        %gt3A_765 = arith.cmpf ogt, %add3A_762, %gt3A_764 : vector<16xf32>
        %select_n3A_766 = arith.select %gt3A_765, %get3A_65, %mul3A_83 : vector<16xi1>, vector<16xf32>
        %mul3A_767 = arith.mulf %add3A_762, %select_n3A_766 : vector<16xf32>
        %add3A_768 = arith.addf %add3A_747, %mul3A_767 : vector<16xf32>
        %get3A_769 = arith.constant 0 : i32
        %get3A_770 = arith.constant 0 : i32
        %get3A_771 = tpu.memref_slice %arg9[%scan3A_389, %get3A_769, %get3A_770] : memref<2x48x128xf32, #tpu.memory_space<vmem>> -> memref<1x48x128xf32, #tpu.memory_space<vmem>>
        %get3A_772 = tpu.memref_squeeze %get3A_771 : memref<1x48x128xf32, #tpu.memory_space<vmem>> -> memref<48x128xf32, #tpu.memory_space<vmem>>
        %get3A_773 = arith.index_cast %scan3A_726 : i32 to index
        %get3A_774 = arith.constant 32 : index
        %get3A_775 = tpu.vector_load %get3A_772[%get3A_773, %get3A_774] {strides = array<i32>} : memref<48x128xf32, #tpu.memory_space<vmem>>, vector<16xf32>,
        %get3A_776 = arith.constant 0 : i32
        %get3A_777 = arith.constant 0 : i32
        %get3A_778 = tpu.memref_slice %arg10[%scan3A_390, %get3A_776, %get3A_777] : memref<2x48x128xf32, #tpu.memory_space<vmem>> -> memref<1x48x128xf32, #tpu.memory_space<vmem>>
        %get3A_779 = tpu.memref_squeeze %get3A_778 : memref<1x48x128xf32, #tpu.memory_space<vmem>> -> memref<48x128xf32, #tpu.memory_space<vmem>>
        %get3A_780 = arith.index_cast %scan3A_726 : i32 to index
        %get3A_781 = arith.constant 32 : index
        %get3A_782 = tpu.vector_load %get3A_779[%get3A_780, %get3A_781] {strides = array<i32>} : memref<48x128xf32, #tpu.memory_space<vmem>>, vector<16xf32>,
        %add3A_783 = arith.addf %get3A_775, %get3A_782 : vector<16xf32>
        %gt3A_784 = arith.constant 0.000000e+00 : f32
        %gt3A_785 = vector.broadcast %gt3A_784 : f32 to vector<16xf32>
        %gt3A_786 = arith.cmpf ogt, %add3A_783, %gt3A_785 : vector<16xf32>
        %select_n3A_787 = arith.select %gt3A_786, %get3A_67, %mul3A_86 : vector<16xi1>, vector<16xf32>
        %mul3A_788 = arith.mulf %add3A_783, %select_n3A_787 : vector<16xf32>
        %add3A_789 = arith.addf %add3A_768, %mul3A_788 : vector<16xf32>
        %get3A_790 = arith.constant 0 : i32
        %get3A_791 = arith.constant 0 : i32
        %get3A_792 = tpu.memref_slice %arg9[%scan3A_389, %get3A_790, %get3A_791] : memref<2x48x128xf32, #tpu.memory_space<vmem>> -> memref<1x48x128xf32, #tpu.memory_space<vmem>>
        %get3A_793 = tpu.memref_squeeze %get3A_792 : memref<1x48x128xf32, #tpu.memory_space<vmem>> -> memref<48x128xf32, #tpu.memory_space<vmem>>
        %get3A_794 = arith.index_cast %scan3A_726 : i32 to index
        %get3A_795 = arith.constant 48 : index
        %get3A_796 = tpu.vector_load %get3A_793[%get3A_794, %get3A_795] {strides = array<i32>} : memref<48x128xf32, #tpu.memory_space<vmem>>, vector<16xf32>,
        %get3A_797 = arith.constant 0 : i32
        %get3A_798 = arith.constant 0 : i32
        %get3A_799 = tpu.memref_slice %arg10[%scan3A_390, %get3A_797, %get3A_798] : memref<2x48x128xf32, #tpu.memory_space<vmem>> -> memref<1x48x128xf32, #tpu.memory_space<vmem>>
        %get3A_800 = tpu.memref_squeeze %get3A_799 : memref<1x48x128xf32, #tpu.memory_space<vmem>> -> memref<48x128xf32, #tpu.memory_space<vmem>>
        %get3A_801 = arith.index_cast %scan3A_726 : i32 to index
        %get3A_802 = arith.constant 48 : index
        %get3A_803 = tpu.vector_load %get3A_800[%get3A_801, %get3A_802] {strides = array<i32>} : memref<48x128xf32, #tpu.memory_space<vmem>>, vector<16xf32>,
        %add3A_804 = arith.addf %get3A_796, %get3A_803 : vector<16xf32>
        %gt3A_805 = arith.constant 0.000000e+00 : f32
        %gt3A_806 = vector.broadcast %gt3A_805 : f32 to vector<16xf32>
        %gt3A_807 = arith.cmpf ogt, %add3A_804, %gt3A_806 : vector<16xf32>
        %select_n3A_808 = arith.select %gt3A_807, %get3A_69, %mul3A_89 : vector<16xi1>, vector<16xf32>
        %mul3A_809 = arith.mulf %add3A_804, %select_n3A_808 : vector<16xf32>
        %add3A_810 = arith.addf %add3A_789, %mul3A_809 : vector<16xf32>
        %get3A_811 = arith.constant 0 : i32
        %get3A_812 = arith.constant 0 : i32
        %get3A_813 = tpu.memref_slice %arg9[%scan3A_389, %get3A_811, %get3A_812] : memref<2x48x128xf32, #tpu.memory_space<vmem>> -> memref<1x48x128xf32, #tpu.memory_space<vmem>>
        %get3A_814 = tpu.memref_squeeze %get3A_813 : memref<1x48x128xf32, #tpu.memory_space<vmem>> -> memref<48x128xf32, #tpu.memory_space<vmem>>
        %get3A_815 = arith.index_cast %scan3A_726 : i32 to index
        %get3A_816 = arith.constant 64 : index
        %get3A_817 = tpu.vector_load %get3A_814[%get3A_815, %get3A_816] {strides = array<i32>} : memref<48x128xf32, #tpu.memory_space<vmem>>, vector<16xf32>,
        %get3A_818 = arith.constant 0 : i32
        %get3A_819 = arith.constant 0 : i32
        %get3A_820 = tpu.memref_slice %arg10[%scan3A_390, %get3A_818, %get3A_819] : memref<2x48x128xf32, #tpu.memory_space<vmem>> -> memref<1x48x128xf32, #tpu.memory_space<vmem>>
        %get3A_821 = tpu.memref_squeeze %get3A_820 : memref<1x48x128xf32, #tpu.memory_space<vmem>> -> memref<48x128xf32, #tpu.memory_space<vmem>>
        %get3A_822 = arith.index_cast %scan3A_726 : i32 to index
        %get3A_823 = arith.constant 64 : index
        %get3A_824 = tpu.vector_load %get3A_821[%get3A_822, %get3A_823] {strides = array<i32>} : memref<48x128xf32, #tpu.memory_space<vmem>>, vector<16xf32>,
        %add3A_825 = arith.addf %get3A_817, %get3A_824 : vector<16xf32>
        %gt3A_826 = arith.constant 0.000000e+00 : f32
        %gt3A_827 = vector.broadcast %gt3A_826 : f32 to vector<16xf32>
        %gt3A_828 = arith.cmpf ogt, %add3A_825, %gt3A_827 : vector<16xf32>
        %select_n3A_829 = arith.select %gt3A_828, %get3A_71, %mul3A_92 : vector<16xi1>, vector<16xf32>
        %mul3A_830 = arith.mulf %add3A_825, %select_n3A_829 : vector<16xf32>
        %add3A_831 = arith.addf %add3A_810, %mul3A_830 : vector<16xf32>
        %get3A_832 = arith.constant 0 : i32
        %get3A_833 = arith.constant 0 : i32
        %get3A_834 = tpu.memref_slice %arg9[%scan3A_389, %get3A_832, %get3A_833] : memref<2x48x128xf32, #tpu.memory_space<vmem>> -> memref<1x48x128xf32, #tpu.memory_space<vmem>>
        %get3A_835 = tpu.memref_squeeze %get3A_834 : memref<1x48x128xf32, #tpu.memory_space<vmem>> -> memref<48x128xf32, #tpu.memory_space<vmem>>
        %get3A_836 = arith.index_cast %scan3A_726 : i32 to index
        %get3A_837 = arith.constant 80 : index
        %get3A_838 = tpu.vector_load %get3A_835[%get3A_836, %get3A_837] {strides = array<i32>} : memref<48x128xf32, #tpu.memory_space<vmem>>, vector<16xf32>,
        %get3A_839 = arith.constant 0 : i32
        %get3A_840 = arith.constant 0 : i32
        %get3A_841 = tpu.memref_slice %arg10[%scan3A_390, %get3A_839, %get3A_840] : memref<2x48x128xf32, #tpu.memory_space<vmem>> -> memref<1x48x128xf32, #tpu.memory_space<vmem>>
        %get3A_842 = tpu.memref_squeeze %get3A_841 : memref<1x48x128xf32, #tpu.memory_space<vmem>> -> memref<48x128xf32, #tpu.memory_space<vmem>>
        %get3A_843 = arith.index_cast %scan3A_726 : i32 to index
        %get3A_844 = arith.constant 80 : index
        %get3A_845 = tpu.vector_load %get3A_842[%get3A_843, %get3A_844] {strides = array<i32>} : memref<48x128xf32, #tpu.memory_space<vmem>>, vector<16xf32>,
        %add3A_846 = arith.addf %get3A_838, %get3A_845 : vector<16xf32>
        %gt3A_847 = arith.constant 0.000000e+00 : f32
        %gt3A_848 = vector.broadcast %gt3A_847 : f32 to vector<16xf32>
        %gt3A_849 = arith.cmpf ogt, %add3A_846, %gt3A_848 : vector<16xf32>
        %select_n3A_850 = arith.select %gt3A_849, %get3A_73, %mul3A_95 : vector<16xi1>, vector<16xf32>
        %mul3A_851 = arith.mulf %add3A_846, %select_n3A_850 : vector<16xf32>
        %add3A_852 = arith.addf %add3A_831, %mul3A_851 : vector<16xf32>
        %get3A_853 = arith.constant 0 : i32
        %get3A_854 = arith.constant 0 : i32
        %get3A_855 = tpu.memref_slice %arg9[%scan3A_389, %get3A_853, %get3A_854] : memref<2x48x128xf32, #tpu.memory_space<vmem>> -> memref<1x48x128xf32, #tpu.memory_space<vmem>>
        %get3A_856 = tpu.memref_squeeze %get3A_855 : memref<1x48x128xf32, #tpu.memory_space<vmem>> -> memref<48x128xf32, #tpu.memory_space<vmem>>
        %get3A_857 = arith.index_cast %scan3A_726 : i32 to index
        %get3A_858 = arith.constant 96 : index
        %get3A_859 = tpu.vector_load %get3A_856[%get3A_857, %get3A_858] {strides = array<i32>} : memref<48x128xf32, #tpu.memory_space<vmem>>, vector<16xf32>,
        %get3A_860 = arith.constant 0 : i32
        %get3A_861 = arith.constant 0 : i32
        %get3A_862 = tpu.memref_slice %arg10[%scan3A_390, %get3A_860, %get3A_861] : memref<2x48x128xf32, #tpu.memory_space<vmem>> -> memref<1x48x128xf32, #tpu.memory_space<vmem>>
        %get3A_863 = tpu.memref_squeeze %get3A_862 : memref<1x48x128xf32, #tpu.memory_space<vmem>> -> memref<48x128xf32, #tpu.memory_space<vmem>>
        %get3A_864 = arith.index_cast %scan3A_726 : i32 to index
        %get3A_865 = arith.constant 96 : index
        %get3A_866 = tpu.vector_load %get3A_863[%get3A_864, %get3A_865] {strides = array<i32>} : memref<48x128xf32, #tpu.memory_space<vmem>>, vector<16xf32>,
        %add3A_867 = arith.addf %get3A_859, %get3A_866 : vector<16xf32>
        %gt3A_868 = arith.constant 0.000000e+00 : f32
        %gt3A_869 = vector.broadcast %gt3A_868 : f32 to vector<16xf32>
        %gt3A_870 = arith.cmpf ogt, %add3A_867, %gt3A_869 : vector<16xf32>
        %select_n3A_871 = arith.select %gt3A_870, %get3A_75, %mul3A_98 : vector<16xi1>, vector<16xf32>
        %mul3A_872 = arith.mulf %add3A_867, %select_n3A_871 : vector<16xf32>
        %add3A_873 = arith.addf %add3A_852, %mul3A_872 : vector<16xf32>
        %get3A_874 = arith.constant 0 : i32
        %get3A_875 = arith.constant 0 : i32
        %get3A_876 = tpu.memref_slice %arg9[%scan3A_389, %get3A_874, %get3A_875] : memref<2x48x128xf32, #tpu.memory_space<vmem>> -> memref<1x48x128xf32, #tpu.memory_space<vmem>>
        %get3A_877 = tpu.memref_squeeze %get3A_876 : memref<1x48x128xf32, #tpu.memory_space<vmem>> -> memref<48x128xf32, #tpu.memory_space<vmem>>
        %get3A_878 = arith.index_cast %scan3A_726 : i32 to index
        %get3A_879 = arith.constant 112 : index
        %get3A_880 = tpu.vector_load %get3A_877[%get3A_878, %get3A_879] {strides = array<i32>} : memref<48x128xf32, #tpu.memory_space<vmem>>, vector<16xf32>,
        %get3A_881 = arith.constant 0 : i32
        %get3A_882 = arith.constant 0 : i32
        %get3A_883 = tpu.memref_slice %arg10[%scan3A_390, %get3A_881, %get3A_882] : memref<2x48x128xf32, #tpu.memory_space<vmem>> -> memref<1x48x128xf32, #tpu.memory_space<vmem>>
        %get3A_884 = tpu.memref_squeeze %get3A_883 : memref<1x48x128xf32, #tpu.memory_space<vmem>> -> memref<48x128xf32, #tpu.memory_space<vmem>>
        %get3A_885 = arith.index_cast %scan3A_726 : i32 to index
        %get3A_886 = arith.constant 112 : index
        %get3A_887 = tpu.vector_load %get3A_884[%get3A_885, %get3A_886] {strides = array<i32>} : memref<48x128xf32, #tpu.memory_space<vmem>>, vector<16xf32>,
        %add3A_888 = arith.addf %get3A_880, %get3A_887 : vector<16xf32>
        %gt3A_889 = arith.constant 0.000000e+00 : f32
        %gt3A_890 = vector.broadcast %gt3A_889 : f32 to vector<16xf32>
        %gt3A_891 = arith.cmpf ogt, %add3A_888, %gt3A_890 : vector<16xf32>
        %select_n3A_892 = arith.select %gt3A_891, %get3A_77, %mul3A_101 : vector<16xi1>, vector<16xf32>
        %mul3A_893 = arith.mulf %add3A_888, %select_n3A_892 : vector<16xf32>
        %add3A_894 = arith.addf %add3A_873, %mul3A_893 : vector<16xf32>
        %reduce_sum3A = arith.constant true
        %reduce_sum3A_895 = vector.broadcast %reduce_sum3A : i1 to vector<16xi1>
        %reduce_sum3A_896 = tpu.scan <sum>, %add3A_894 masked %reduce_sum3A_895 : vector<16xf32>, vector<16xi1> -> vector<16xf32>
        %reduce_sum3A_897 = vector.extract %reduce_sum3A_896[15] : f32 from vector<16xf32>
        %broadcast_in_dim3A_898 = vector.broadcast %reduce_sum3A_897 : f32 to vector<16xf32>
        %exp3A = math.exp %broadcast_in_dim3A_898 : vector<16xf32>
        %mul3A_899 = arith.mulf %get3A_735, %exp3A : vector<16xf32>
        %swap3A = arith.constant 0 : i32
        %swap3A_900 = arith.constant 0 : i32
        %swap3A_901 = tpu.memref_slice %arg10[%scan3A_390, %swap3A, %swap3A_900] : memref<2x48x128xf32, #tpu.memory_space<vmem>> -> memref<1x48x128xf32, #tpu.memory_space<vmem>>
        %swap3A_902 = tpu.memref_squeeze %swap3A_901 : memref<1x48x128xf32, #tpu.memory_space<vmem>> -> memref<48x128xf32, #tpu.memory_space<vmem>>
        %swap3A_903 = arith.index_cast %scan3A_726 : i32 to index
        %swap3A_904 = arith.constant 0 : index
        %swap3A_905 = tpu.vector_load %swap3A_902[%swap3A_903, %swap3A_904] {strides = array<i32>} : memref<48x128xf32, #tpu.memory_space<vmem>>, vector<16xf32>,
        tpu.vector_store %swap3A_902[%swap3A_903, %swap3A_904], %mul3A_899 {strides = array<i32>} : memref<48x128xf32, #tpu.memory_space<vmem>>, vector<16xf32>,
        %mul3A_906 = arith.mulf %get3A_754, %exp3A : vector<16xf32>
        %swap3A_907 = arith.constant 0 : i32
        %swap3A_908 = arith.constant 0 : i32
        %swap3A_909 = tpu.memref_slice %arg10[%scan3A_390, %swap3A_907, %swap3A_908] : memref<2x48x128xf32, #tpu.memory_space<vmem>> -> memref<1x48x128xf32, #tpu.memory_space<vmem>>
        %swap3A_910 = tpu.memref_squeeze %swap3A_909 : memref<1x48x128xf32, #tpu.memory_space<vmem>> -> memref<48x128xf32, #tpu.memory_space<vmem>>
        %swap3A_911 = arith.index_cast %scan3A_726 : i32 to index
        %swap3A_912 = arith.constant 16 : index
        %swap3A_913 = tpu.vector_load %swap3A_910[%swap3A_911, %swap3A_912] {strides = array<i32>} : memref<48x128xf32, #tpu.memory_space<vmem>>, vector<16xf32>,
        tpu.vector_store %swap3A_910[%swap3A_911, %swap3A_912], %mul3A_906 {strides = array<i32>} : memref<48x128xf32, #tpu.memory_space<vmem>>, vector<16xf32>,
        %mul3A_914 = arith.mulf %get3A_775, %exp3A : vector<16xf32>
        %swap3A_915 = arith.constant 0 : i32
        %swap3A_916 = arith.constant 0 : i32
        %swap3A_917 = tpu.memref_slice %arg10[%scan3A_390, %swap3A_915, %swap3A_916] : memref<2x48x128xf32, #tpu.memory_space<vmem>> -> memref<1x48x128xf32, #tpu.memory_space<vmem>>
        %swap3A_918 = tpu.memref_squeeze %swap3A_917 : memref<1x48x128xf32, #tpu.memory_space<vmem>> -> memref<48x128xf32, #tpu.memory_space<vmem>>
        %swap3A_919 = arith.index_cast %scan3A_726 : i32 to index
        %swap3A_920 = arith.constant 32 : index
        %swap3A_921 = tpu.vector_load %swap3A_918[%swap3A_919, %swap3A_920] {strides = array<i32>} : memref<48x128xf32, #tpu.memory_space<vmem>>, vector<16xf32>,
        tpu.vector_store %swap3A_918[%swap3A_919, %swap3A_920], %mul3A_914 {strides = array<i32>} : memref<48x128xf32, #tpu.memory_space<vmem>>, vector<16xf32>,
        %mul3A_922 = arith.mulf %get3A_796, %exp3A : vector<16xf32>
        %swap3A_923 = arith.constant 0 : i32
        %swap3A_924 = arith.constant 0 : i32
        %swap3A_925 = tpu.memref_slice %arg10[%scan3A_390, %swap3A_923, %swap3A_924] : memref<2x48x128xf32, #tpu.memory_space<vmem>> -> memref<1x48x128xf32, #tpu.memory_space<vmem>>
        %swap3A_926 = tpu.memref_squeeze %swap3A_925 : memref<1x48x128xf32, #tpu.memory_space<vmem>> -> memref<48x128xf32, #tpu.memory_space<vmem>>
        %swap3A_927 = arith.index_cast %scan3A_726 : i32 to index
        %swap3A_928 = arith.constant 48 : index
        %swap3A_929 = tpu.vector_load %swap3A_926[%swap3A_927, %swap3A_928] {strides = array<i32>} : memref<48x128xf32, #tpu.memory_space<vmem>>, vector<16xf32>,
        tpu.vector_store %swap3A_926[%swap3A_927, %swap3A_928], %mul3A_922 {strides = array<i32>} : memref<48x128xf32, #tpu.memory_space<vmem>>, vector<16xf32>,
        %mul3A_930 = arith.mulf %get3A_817, %exp3A : vector<16xf32>
        %swap3A_931 = arith.constant 0 : i32
        %swap3A_932 = arith.constant 0 : i32
        %swap3A_933 = tpu.memref_slice %arg10[%scan3A_390, %swap3A_931, %swap3A_932] : memref<2x48x128xf32, #tpu.memory_space<vmem>> -> memref<1x48x128xf32, #tpu.memory_space<vmem>>
        %swap3A_934 = tpu.memref_squeeze %swap3A_933 : memref<1x48x128xf32, #tpu.memory_space<vmem>> -> memref<48x128xf32, #tpu.memory_space<vmem>>
        %swap3A_935 = arith.index_cast %scan3A_726 : i32 to index
        %swap3A_936 = arith.constant 64 : index
        %swap3A_937 = tpu.vector_load %swap3A_934[%swap3A_935, %swap3A_936] {strides = array<i32>} : memref<48x128xf32, #tpu.memory_space<vmem>>, vector<16xf32>,
        tpu.vector_store %swap3A_934[%swap3A_935, %swap3A_936], %mul3A_930 {strides = array<i32>} : memref<48x128xf32, #tpu.memory_space<vmem>>, vector<16xf32>,
        %mul3A_938 = arith.mulf %get3A_838, %exp3A : vector<16xf32>
        %swap3A_939 = arith.constant 0 : i32
        %swap3A_940 = arith.constant 0 : i32
        %swap3A_941 = tpu.memref_slice %arg10[%scan3A_390, %swap3A_939, %swap3A_940] : memref<2x48x128xf32, #tpu.memory_space<vmem>> -> memref<1x48x128xf32, #tpu.memory_space<vmem>>
        %swap3A_942 = tpu.memref_squeeze %swap3A_941 : memref<1x48x128xf32, #tpu.memory_space<vmem>> -> memref<48x128xf32, #tpu.memory_space<vmem>>
        %swap3A_943 = arith.index_cast %scan3A_726 : i32 to index
        %swap3A_944 = arith.constant 80 : index
        %swap3A_945 = tpu.vector_load %swap3A_942[%swap3A_943, %swap3A_944] {strides = array<i32>} : memref<48x128xf32, #tpu.memory_space<vmem>>, vector<16xf32>,
        tpu.vector_store %swap3A_942[%swap3A_943, %swap3A_944], %mul3A_938 {strides = array<i32>} : memref<48x128xf32, #tpu.memory_space<vmem>>, vector<16xf32>,
        %mul3A_946 = arith.mulf %get3A_859, %exp3A : vector<16xf32>
        %swap3A_947 = arith.constant 0 : i32
        %swap3A_948 = arith.constant 0 : i32
        %swap3A_949 = tpu.memref_slice %arg10[%scan3A_390, %swap3A_947, %swap3A_948] : memref<2x48x128xf32, #tpu.memory_space<vmem>> -> memref<1x48x128xf32, #tpu.memory_space<vmem>>
        %swap3A_950 = tpu.memref_squeeze %swap3A_949 : memref<1x48x128xf32, #tpu.memory_space<vmem>> -> memref<48x128xf32, #tpu.memory_space<vmem>>
        %swap3A_951 = arith.index_cast %scan3A_726 : i32 to index
        %swap3A_952 = arith.constant 96 : index
        %swap3A_953 = tpu.vector_load %swap3A_950[%swap3A_951, %swap3A_952] {strides = array<i32>} : memref<48x128xf32, #tpu.memory_space<vmem>>, vector<16xf32>,
        tpu.vector_store %swap3A_950[%swap3A_951, %swap3A_952], %mul3A_946 {strides = array<i32>} : memref<48x128xf32, #tpu.memory_space<vmem>>, vector<16xf32>,
        %mul3A_954 = arith.mulf %get3A_880, %exp3A : vector<16xf32>
        %swap3A_955 = arith.constant 0 : i32
        %swap3A_956 = arith.constant 0 : i32
        %swap3A_957 = tpu.memref_slice %arg10[%scan3A_390, %swap3A_955, %swap3A_956] : memref<2x48x128xf32, #tpu.memory_space<vmem>> -> memref<1x48x128xf32, #tpu.memory_space<vmem>>
        %swap3A_958 = tpu.memref_squeeze %swap3A_957 : memref<1x48x128xf32, #tpu.memory_space<vmem>> -> memref<48x128xf32, #tpu.memory_space<vmem>>
        %swap3A_959 = arith.index_cast %scan3A_726 : i32 to index
        %swap3A_960 = arith.constant 112 : index
        %swap3A_961 = tpu.vector_load %swap3A_958[%swap3A_959, %swap3A_960] {strides = array<i32>} : memref<48x128xf32, #tpu.memory_space<vmem>>, vector<16xf32>,
        tpu.vector_store %swap3A_958[%swap3A_959, %swap3A_960], %mul3A_954 {strides = array<i32>} : memref<48x128xf32, #tpu.memory_space<vmem>>, vector<16xf32>,
        %swap3A_962 = arith.index_cast %scan3A_726 : i32 to index
        %swap3A_963 = arith.constant 0 : index
        %swap3A_964 = tpu.vector_load %arg11[%swap3A_962, %swap3A_963] {strides = array<i32>} : memref<48x16xf32, #tpu.memory_space<vmem>>, vector<16xf32>,
        tpu.vector_store %arg11[%swap3A_962, %swap3A_963], %exp3A {strides = array<i32>} : memref<48x16xf32, #tpu.memory_space<vmem>>, vector<16xf32>,
        %scan3A_965 = arith.constant 1 : i32
        %scan3A_966 = arith.addi %scan3A_726, %scan3A_965 : i32
        %broadcast_in_dim3A_967 = arith.constant 0.000000e+00 : f32
        %broadcast_in_dim3A_968 = vector.broadcast %broadcast_in_dim3A_967 : f32 to vector<16xf32>
        %get3A_969 = arith.constant 0 : i32
        %get3A_970 = arith.constant 0 : i32
        %get3A_971 = tpu.memref_slice %arg9[%scan3A_389, %get3A_969, %get3A_970] : memref<2x48x128xf32, #tpu.memory_space<vmem>> -> memref<1x48x128xf32, #tpu.memory_space<vmem>>
        %get3A_972 = tpu.memref_squeeze %get3A_971 : memref<1x48x128xf32, #tpu.memory_space<vmem>> -> memref<48x128xf32, #tpu.memory_space<vmem>>
        %get3A_973 = arith.index_cast %scan3A_966 : i32 to index
        %get3A_974 = arith.constant 0 : index
        %get3A_975 = tpu.vector_load %get3A_972[%get3A_973, %get3A_974] {strides = array<i32>} : memref<48x128xf32, #tpu.memory_space<vmem>>, vector<16xf32>,
        %get3A_976 = arith.constant 0 : i32
        %get3A_977 = arith.constant 0 : i32
        %get3A_978 = tpu.memref_slice %arg10[%scan3A_390, %get3A_976, %get3A_977] : memref<2x48x128xf32, #tpu.memory_space<vmem>> -> memref<1x48x128xf32, #tpu.memory_space<vmem>>
        %get3A_979 = tpu.memref_squeeze %get3A_978 : memref<1x48x128xf32, #tpu.memory_space<vmem>> -> memref<48x128xf32, #tpu.memory_space<vmem>>
        %get3A_980 = arith.index_cast %scan3A_966 : i32 to index
        %get3A_981 = arith.constant 0 : index
        %get3A_982 = tpu.vector_load %get3A_979[%get3A_980, %get3A_981] {strides = array<i32>} : memref<48x128xf32, #tpu.memory_space<vmem>>, vector<16xf32>,
        %add3A_983 = arith.addf %get3A_975, %get3A_982 : vector<16xf32>
        %gt3A_984 = arith.constant 0.000000e+00 : f32
        %gt3A_985 = vector.broadcast %gt3A_984 : f32 to vector<16xf32>
        %gt3A_986 = arith.cmpf ogt, %add3A_983, %gt3A_985 : vector<16xf32>
        %select_n3A_987 = arith.select %gt3A_986, %get3A_63, %mul3A_80 : vector<16xi1>, vector<16xf32>
        %mul3A_988 = arith.mulf %add3A_983, %select_n3A_987 : vector<16xf32>
        %add3A_989 = arith.addf %broadcast_in_dim3A_968, %mul3A_988 : vector<16xf32>
        %get3A_990 = arith.constant 0 : i32
        %get3A_991 = arith.constant 0 : i32
        %get3A_992 = tpu.memref_slice %arg9[%scan3A_389, %get3A_990, %get3A_991] : memref<2x48x128xf32, #tpu.memory_space<vmem>> -> memref<1x48x128xf32, #tpu.memory_space<vmem>>
        %get3A_993 = tpu.memref_squeeze %get3A_992 : memref<1x48x128xf32, #tpu.memory_space<vmem>> -> memref<48x128xf32, #tpu.memory_space<vmem>>
        %get3A_994 = arith.index_cast %scan3A_966 : i32 to index
        %get3A_995 = arith.constant 16 : index
        %get3A_996 = tpu.vector_load %get3A_993[%get3A_994, %get3A_995] {strides = array<i32>} : memref<48x128xf32, #tpu.memory_space<vmem>>, vector<16xf32>,
        %get3A_997 = arith.constant 0 : i32
        %get3A_998 = arith.constant 0 : i32
        %get3A_999 = tpu.memref_slice %arg10[%scan3A_390, %get3A_997, %get3A_998] : memref<2x48x128xf32, #tpu.memory_space<vmem>> -> memref<1x48x128xf32, #tpu.memory_space<vmem>>
        %get3A_1000 = tpu.memref_squeeze %get3A_999 : memref<1x48x128xf32, #tpu.memory_space<vmem>> -> memref<48x128xf32, #tpu.memory_space<vmem>>
        %get3A_1001 = arith.index_cast %scan3A_966 : i32 to index
        %get3A_1002 = arith.constant 16 : index
        %get3A_1003 = tpu.vector_load %get3A_1000[%get3A_1001, %get3A_1002] {strides = array<i32>} : memref<48x128xf32, #tpu.memory_space<vmem>>, vector<16xf32>,
        %add3A_1004 = arith.addf %get3A_996, %get3A_1003 : vector<16xf32>
        %gt3A_1005 = arith.constant 0.000000e+00 : f32
        %gt3A_1006 = vector.broadcast %gt3A_1005 : f32 to vector<16xf32>
        %gt3A_1007 = arith.cmpf ogt, %add3A_1004, %gt3A_1006 : vector<16xf32>
        %select_n3A_1008 = arith.select %gt3A_1007, %get3A_65, %mul3A_83 : vector<16xi1>, vector<16xf32>
        %mul3A_1009 = arith.mulf %add3A_1004, %select_n3A_1008 : vector<16xf32>
        %add3A_1010 = arith.addf %add3A_989, %mul3A_1009 : vector<16xf32>
        %get3A_1011 = arith.constant 0 : i32
        %get3A_1012 = arith.constant 0 : i32
        %get3A_1013 = tpu.memref_slice %arg9[%scan3A_389, %get3A_1011, %get3A_1012] : memref<2x48x128xf32, #tpu.memory_space<vmem>> -> memref<1x48x128xf32, #tpu.memory_space<vmem>>
        %get3A_1014 = tpu.memref_squeeze %get3A_1013 : memref<1x48x128xf32, #tpu.memory_space<vmem>> -> memref<48x128xf32, #tpu.memory_space<vmem>>
        %get3A_1015 = arith.index_cast %scan3A_966 : i32 to index
        %get3A_1016 = arith.constant 32 : index
        %get3A_1017 = tpu.vector_load %get3A_1014[%get3A_1015, %get3A_1016] {strides = array<i32>} : memref<48x128xf32, #tpu.memory_space<vmem>>, vector<16xf32>,
        %get3A_1018 = arith.constant 0 : i32
        %get3A_1019 = arith.constant 0 : i32
        %get3A_1020 = tpu.memref_slice %arg10[%scan3A_390, %get3A_1018, %get3A_1019] : memref<2x48x128xf32, #tpu.memory_space<vmem>> -> memref<1x48x128xf32, #tpu.memory_space<vmem>>
        %get3A_1021 = tpu.memref_squeeze %get3A_1020 : memref<1x48x128xf32, #tpu.memory_space<vmem>> -> memref<48x128xf32, #tpu.memory_space<vmem>>
        %get3A_1022 = arith.index_cast %scan3A_966 : i32 to index
        %get3A_1023 = arith.constant 32 : index
        %get3A_1024 = tpu.vector_load %get3A_1021[%get3A_1022, %get3A_1023] {strides = array<i32>} : memref<48x128xf32, #tpu.memory_space<vmem>>, vector<16xf32>,
        %add3A_1025 = arith.addf %get3A_1017, %get3A_1024 : vector<16xf32>
        %gt3A_1026 = arith.constant 0.000000e+00 : f32
        %gt3A_1027 = vector.broadcast %gt3A_1026 : f32 to vector<16xf32>
        %gt3A_1028 = arith.cmpf ogt, %add3A_1025, %gt3A_1027 : vector<16xf32>
        %select_n3A_1029 = arith.select %gt3A_1028, %get3A_67, %mul3A_86 : vector<16xi1>, vector<16xf32>
        %mul3A_1030 = arith.mulf %add3A_1025, %select_n3A_1029 : vector<16xf32>
        %add3A_1031 = arith.addf %add3A_1010, %mul3A_1030 : vector<16xf32>
        %get3A_1032 = arith.constant 0 : i32
        %get3A_1033 = arith.constant 0 : i32
        %get3A_1034 = tpu.memref_slice %arg9[%scan3A_389, %get3A_1032, %get3A_1033] : memref<2x48x128xf32, #tpu.memory_space<vmem>> -> memref<1x48x128xf32, #tpu.memory_space<vmem>>
        %get3A_1035 = tpu.memref_squeeze %get3A_1034 : memref<1x48x128xf32, #tpu.memory_space<vmem>> -> memref<48x128xf32, #tpu.memory_space<vmem>>
        %get3A_1036 = arith.index_cast %scan3A_966 : i32 to index
        %get3A_1037 = arith.constant 48 : index
        %get3A_1038 = tpu.vector_load %get3A_1035[%get3A_1036, %get3A_1037] {strides = array<i32>} : memref<48x128xf32, #tpu.memory_space<vmem>>, vector<16xf32>,
        %get3A_1039 = arith.constant 0 : i32
        %get3A_1040 = arith.constant 0 : i32
        %get3A_1041 = tpu.memref_slice %arg10[%scan3A_390, %get3A_1039, %get3A_1040] : memref<2x48x128xf32, #tpu.memory_space<vmem>> -> memref<1x48x128xf32, #tpu.memory_space<vmem>>
        %get3A_1042 = tpu.memref_squeeze %get3A_1041 : memref<1x48x128xf32, #tpu.memory_space<vmem>> -> memref<48x128xf32, #tpu.memory_space<vmem>>
        %get3A_1043 = arith.index_cast %scan3A_966 : i32 to index
        %get3A_1044 = arith.constant 48 : index
        %get3A_1045 = tpu.vector_load %get3A_1042[%get3A_1043, %get3A_1044] {strides = array<i32>} : memref<48x128xf32, #tpu.memory_space<vmem>>, vector<16xf32>,
        %add3A_1046 = arith.addf %get3A_1038, %get3A_1045 : vector<16xf32>
        %gt3A_1047 = arith.constant 0.000000e+00 : f32
        %gt3A_1048 = vector.broadcast %gt3A_1047 : f32 to vector<16xf32>
        %gt3A_1049 = arith.cmpf ogt, %add3A_1046, %gt3A_1048 : vector<16xf32>
        %select_n3A_1050 = arith.select %gt3A_1049, %get3A_69, %mul3A_89 : vector<16xi1>, vector<16xf32>
        %mul3A_1051 = arith.mulf %add3A_1046, %select_n3A_1050 : vector<16xf32>
        %add3A_1052 = arith.addf %add3A_1031, %mul3A_1051 : vector<16xf32>
        %get3A_1053 = arith.constant 0 : i32
        %get3A_1054 = arith.constant 0 : i32
        %get3A_1055 = tpu.memref_slice %arg9[%scan3A_389, %get3A_1053, %get3A_1054] : memref<2x48x128xf32, #tpu.memory_space<vmem>> -> memref<1x48x128xf32, #tpu.memory_space<vmem>>
        %get3A_1056 = tpu.memref_squeeze %get3A_1055 : memref<1x48x128xf32, #tpu.memory_space<vmem>> -> memref<48x128xf32, #tpu.memory_space<vmem>>
        %get3A_1057 = arith.index_cast %scan3A_966 : i32 to index
        %get3A_1058 = arith.constant 64 : index
        %get3A_1059 = tpu.vector_load %get3A_1056[%get3A_1057, %get3A_1058] {strides = array<i32>} : memref<48x128xf32, #tpu.memory_space<vmem>>, vector<16xf32>,
        %get3A_1060 = arith.constant 0 : i32
        %get3A_1061 = arith.constant 0 : i32
        %get3A_1062 = tpu.memref_slice %arg10[%scan3A_390, %get3A_1060, %get3A_1061] : memref<2x48x128xf32, #tpu.memory_space<vmem>> -> memref<1x48x128xf32, #tpu.memory_space<vmem>>
        %get3A_1063 = tpu.memref_squeeze %get3A_1062 : memref<1x48x128xf32, #tpu.memory_space<vmem>> -> memref<48x128xf32, #tpu.memory_space<vmem>>
        %get3A_1064 = arith.index_cast %scan3A_966 : i32 to index
        %get3A_1065 = arith.constant 64 : index
        %get3A_1066 = tpu.vector_load %get3A_1063[%get3A_1064, %get3A_1065] {strides = array<i32>} : memref<48x128xf32, #tpu.memory_space<vmem>>, vector<16xf32>,
        %add3A_1067 = arith.addf %get3A_1059, %get3A_1066 : vector<16xf32>
        %gt3A_1068 = arith.constant 0.000000e+00 : f32
        %gt3A_1069 = vector.broadcast %gt3A_1068 : f32 to vector<16xf32>
        %gt3A_1070 = arith.cmpf ogt, %add3A_1067, %gt3A_1069 : vector<16xf32>
        %select_n3A_1071 = arith.select %gt3A_1070, %get3A_71, %mul3A_92 : vector<16xi1>, vector<16xf32>
        %mul3A_1072 = arith.mulf %add3A_1067, %select_n3A_1071 : vector<16xf32>
        %add3A_1073 = arith.addf %add3A_1052, %mul3A_1072 : vector<16xf32>
        %get3A_1074 = arith.constant 0 : i32
        %get3A_1075 = arith.constant 0 : i32
        %get3A_1076 = tpu.memref_slice %arg9[%scan3A_389, %get3A_1074, %get3A_1075] : memref<2x48x128xf32, #tpu.memory_space<vmem>> -> memref<1x48x128xf32, #tpu.memory_space<vmem>>
        %get3A_1077 = tpu.memref_squeeze %get3A_1076 : memref<1x48x128xf32, #tpu.memory_space<vmem>> -> memref<48x128xf32, #tpu.memory_space<vmem>>
        %get3A_1078 = arith.index_cast %scan3A_966 : i32 to index
        %get3A_1079 = arith.constant 80 : index
        %get3A_1080 = tpu.vector_load %get3A_1077[%get3A_1078, %get3A_1079] {strides = array<i32>} : memref<48x128xf32, #tpu.memory_space<vmem>>, vector<16xf32>,
        %get3A_1081 = arith.constant 0 : i32
        %get3A_1082 = arith.constant 0 : i32
        %get3A_1083 = tpu.memref_slice %arg10[%scan3A_390, %get3A_1081, %get3A_1082] : memref<2x48x128xf32, #tpu.memory_space<vmem>> -> memref<1x48x128xf32, #tpu.memory_space<vmem>>
        %get3A_1084 = tpu.memref_squeeze %get3A_1083 : memref<1x48x128xf32, #tpu.memory_space<vmem>> -> memref<48x128xf32, #tpu.memory_space<vmem>>
        %get3A_1085 = arith.index_cast %scan3A_966 : i32 to index
        %get3A_1086 = arith.constant 80 : index
        %get3A_1087 = tpu.vector_load %get3A_1084[%get3A_1085, %get3A_1086] {strides = array<i32>} : memref<48x128xf32, #tpu.memory_space<vmem>>, vector<16xf32>,
        %add3A_1088 = arith.addf %get3A_1080, %get3A_1087 : vector<16xf32>
        %gt3A_1089 = arith.constant 0.000000e+00 : f32
        %gt3A_1090 = vector.broadcast %gt3A_1089 : f32 to vector<16xf32>
        %gt3A_1091 = arith.cmpf ogt, %add3A_1088, %gt3A_1090 : vector<16xf32>
        %select_n3A_1092 = arith.select %gt3A_1091, %get3A_73, %mul3A_95 : vector<16xi1>, vector<16xf32>
        %mul3A_1093 = arith.mulf %add3A_1088, %select_n3A_1092 : vector<16xf32>
        %add3A_1094 = arith.addf %add3A_1073, %mul3A_1093 : vector<16xf32>
        %get3A_1095 = arith.constant 0 : i32
        %get3A_1096 = arith.constant 0 : i32
        %get3A_1097 = tpu.memref_slice %arg9[%scan3A_389, %get3A_1095, %get3A_1096] : memref<2x48x128xf32, #tpu.memory_space<vmem>> -> memref<1x48x128xf32, #tpu.memory_space<vmem>>
        %get3A_1098 = tpu.memref_squeeze %get3A_1097 : memref<1x48x128xf32, #tpu.memory_space<vmem>> -> memref<48x128xf32, #tpu.memory_space<vmem>>
        %get3A_1099 = arith.index_cast %scan3A_966 : i32 to index
        %get3A_1100 = arith.constant 96 : index
        %get3A_1101 = tpu.vector_load %get3A_1098[%get3A_1099, %get3A_1100] {strides = array<i32>} : memref<48x128xf32, #tpu.memory_space<vmem>>, vector<16xf32>,
        %get3A_1102 = arith.constant 0 : i32
        %get3A_1103 = arith.constant 0 : i32
        %get3A_1104 = tpu.memref_slice %arg10[%scan3A_390, %get3A_1102, %get3A_1103] : memref<2x48x128xf32, #tpu.memory_space<vmem>> -> memref<1x48x128xf32, #tpu.memory_space<vmem>>
        %get3A_1105 = tpu.memref_squeeze %get3A_1104 : memref<1x48x128xf32, #tpu.memory_space<vmem>> -> memref<48x128xf32, #tpu.memory_space<vmem>>
        %get3A_1106 = arith.index_cast %scan3A_966 : i32 to index
        %get3A_1107 = arith.constant 96 : index
        %get3A_1108 = tpu.vector_load %get3A_1105[%get3A_1106, %get3A_1107] {strides = array<i32>} : memref<48x128xf32, #tpu.memory_space<vmem>>, vector<16xf32>,
        %add3A_1109 = arith.addf %get3A_1101, %get3A_1108 : vector<16xf32>
        %gt3A_1110 = arith.constant 0.000000e+00 : f32
        %gt3A_1111 = vector.broadcast %gt3A_1110 : f32 to vector<16xf32>
        %gt3A_1112 = arith.cmpf ogt, %add3A_1109, %gt3A_1111 : vector<16xf32>
        %select_n3A_1113 = arith.select %gt3A_1112, %get3A_75, %mul3A_98 : vector<16xi1>, vector<16xf32>
        %mul3A_1114 = arith.mulf %add3A_1109, %select_n3A_1113 : vector<16xf32>
        %add3A_1115 = arith.addf %add3A_1094, %mul3A_1114 : vector<16xf32>
        %get3A_1116 = arith.constant 0 : i32
        %get3A_1117 = arith.constant 0 : i32
        %get3A_1118 = tpu.memref_slice %arg9[%scan3A_389, %get3A_1116, %get3A_1117] : memref<2x48x128xf32, #tpu.memory_space<vmem>> -> memref<1x48x128xf32, #tpu.memory_space<vmem>>
        %get3A_1119 = tpu.memref_squeeze %get3A_1118 : memref<1x48x128xf32, #tpu.memory_space<vmem>> -> memref<48x128xf32, #tpu.memory_space<vmem>>
        %get3A_1120 = arith.index_cast %scan3A_966 : i32 to index
        %get3A_1121 = arith.constant 112 : index
        %get3A_1122 = tpu.vector_load %get3A_1119[%get3A_1120, %get3A_1121] {strides = array<i32>} : memref<48x128xf32, #tpu.memory_space<vmem>>, vector<16xf32>,
        %get3A_1123 = arith.constant 0 : i32
        %get3A_1124 = arith.constant 0 : i32
        %get3A_1125 = tpu.memref_slice %arg10[%scan3A_390, %get3A_1123, %get3A_1124] : memref<2x48x128xf32, #tpu.memory_space<vmem>> -> memref<1x48x128xf32, #tpu.memory_space<vmem>>
        %get3A_1126 = tpu.memref_squeeze %get3A_1125 : memref<1x48x128xf32, #tpu.memory_space<vmem>> -> memref<48x128xf32, #tpu.memory_space<vmem>>
        %get3A_1127 = arith.index_cast %scan3A_966 : i32 to index
        %get3A_1128 = arith.constant 112 : index
        %get3A_1129 = tpu.vector_load %get3A_1126[%get3A_1127, %get3A_1128] {strides = array<i32>} : memref<48x128xf32, #tpu.memory_space<vmem>>, vector<16xf32>,
        %add3A_1130 = arith.addf %get3A_1122, %get3A_1129 : vector<16xf32>
        %gt3A_1131 = arith.constant 0.000000e+00 : f32
        %gt3A_1132 = vector.broadcast %gt3A_1131 : f32 to vector<16xf32>
        %gt3A_1133 = arith.cmpf ogt, %add3A_1130, %gt3A_1132 : vector<16xf32>
        %select_n3A_1134 = arith.select %gt3A_1133, %get3A_77, %mul3A_101 : vector<16xi1>, vector<16xf32>
        %mul3A_1135 = arith.mulf %add3A_1130, %select_n3A_1134 : vector<16xf32>
        %add3A_1136 = arith.addf %add3A_1115, %mul3A_1135 : vector<16xf32>
        %reduce_sum3A_1137 = arith.constant true
        %reduce_sum3A_1138 = vector.broadcast %reduce_sum3A_1137 : i1 to vector<16xi1>
        %reduce_sum3A_1139 = tpu.scan <sum>, %add3A_1136 masked %reduce_sum3A_1138 : vector<16xf32>, vector<16xi1> -> vector<16xf32>
        %reduce_sum3A_1140 = vector.extract %reduce_sum3A_1139[15] : f32 from vector<16xf32>
        %broadcast_in_dim3A_1141 = vector.broadcast %reduce_sum3A_1140 : f32 to vector<16xf32>
        %exp3A_1142 = math.exp %broadcast_in_dim3A_1141 : vector<16xf32>
        %mul3A_1143 = arith.mulf %get3A_975, %exp3A_1142 : vector<16xf32>
        %swap3A_1144 = arith.constant 0 : i32
        %swap3A_1145 = arith.constant 0 : i32
        %swap3A_1146 = tpu.memref_slice %arg10[%scan3A_390, %swap3A_1144, %swap3A_1145] : memref<2x48x128xf32, #tpu.memory_space<vmem>> -> memref<1x48x128xf32, #tpu.memory_space<vmem>>
        %swap3A_1147 = tpu.memref_squeeze %swap3A_1146 : memref<1x48x128xf32, #tpu.memory_space<vmem>> -> memref<48x128xf32, #tpu.memory_space<vmem>>
        %swap3A_1148 = arith.index_cast %scan3A_966 : i32 to index
        %swap3A_1149 = arith.constant 0 : index
        %swap3A_1150 = tpu.vector_load %swap3A_1147[%swap3A_1148, %swap3A_1149] {strides = array<i32>} : memref<48x128xf32, #tpu.memory_space<vmem>>, vector<16xf32>,
        tpu.vector_store %swap3A_1147[%swap3A_1148, %swap3A_1149], %mul3A_1143 {strides = array<i32>} : memref<48x128xf32, #tpu.memory_space<vmem>>, vector<16xf32>,
        %mul3A_1151 = arith.mulf %get3A_996, %exp3A_1142 : vector<16xf32>
        %swap3A_1152 = arith.constant 0 : i32
        %swap3A_1153 = arith.constant 0 : i32
        %swap3A_1154 = tpu.memref_slice %arg10[%scan3A_390, %swap3A_1152, %swap3A_1153] : memref<2x48x128xf32, #tpu.memory_space<vmem>> -> memref<1x48x128xf32, #tpu.memory_space<vmem>>
        %swap3A_1155 = tpu.memref_squeeze %swap3A_1154 : memref<1x48x128xf32, #tpu.memory_space<vmem>> -> memref<48x128xf32, #tpu.memory_space<vmem>>
        %swap3A_1156 = arith.index_cast %scan3A_966 : i32 to index
        %swap3A_1157 = arith.constant 16 : index
        %swap3A_1158 = tpu.vector_load %swap3A_1155[%swap3A_1156, %swap3A_1157] {strides = array<i32>} : memref<48x128xf32, #tpu.memory_space<vmem>>, vector<16xf32>,
        tpu.vector_store %swap3A_1155[%swap3A_1156, %swap3A_1157], %mul3A_1151 {strides = array<i32>} : memref<48x128xf32, #tpu.memory_space<vmem>>, vector<16xf32>,
        %mul3A_1159 = arith.mulf %get3A_1017, %exp3A_1142 : vector<16xf32>
        %swap3A_1160 = arith.constant 0 : i32
        %swap3A_1161 = arith.constant 0 : i32
        %swap3A_1162 = tpu.memref_slice %arg10[%scan3A_390, %swap3A_1160, %swap3A_1161] : memref<2x48x128xf32, #tpu.memory_space<vmem>> -> memref<1x48x128xf32, #tpu.memory_space<vmem>>
        %swap3A_1163 = tpu.memref_squeeze %swap3A_1162 : memref<1x48x128xf32, #tpu.memory_space<vmem>> -> memref<48x128xf32, #tpu.memory_space<vmem>>
        %swap3A_1164 = arith.index_cast %scan3A_966 : i32 to index
        %swap3A_1165 = arith.constant 32 : index
        %swap3A_1166 = tpu.vector_load %swap3A_1163[%swap3A_1164, %swap3A_1165] {strides = array<i32>} : memref<48x128xf32, #tpu.memory_space<vmem>>, vector<16xf32>,
        tpu.vector_store %swap3A_1163[%swap3A_1164, %swap3A_1165], %mul3A_1159 {strides = array<i32>} : memref<48x128xf32, #tpu.memory_space<vmem>>, vector<16xf32>,
        %mul3A_1167 = arith.mulf %get3A_1038, %exp3A_1142 : vector<16xf32>
        %swap3A_1168 = arith.constant 0 : i32
        %swap3A_1169 = arith.constant 0 : i32
        %swap3A_1170 = tpu.memref_slice %arg10[%scan3A_390, %swap3A_1168, %swap3A_1169] : memref<2x48x128xf32, #tpu.memory_space<vmem>> -> memref<1x48x128xf32, #tpu.memory_space<vmem>>
        %swap3A_1171 = tpu.memref_squeeze %swap3A_1170 : memref<1x48x128xf32, #tpu.memory_space<vmem>> -> memref<48x128xf32, #tpu.memory_space<vmem>>
        %swap3A_1172 = arith.index_cast %scan3A_966 : i32 to index
        %swap3A_1173 = arith.constant 48 : index
        %swap3A_1174 = tpu.vector_load %swap3A_1171[%swap3A_1172, %swap3A_1173] {strides = array<i32>} : memref<48x128xf32, #tpu.memory_space<vmem>>, vector<16xf32>,
        tpu.vector_store %swap3A_1171[%swap3A_1172, %swap3A_1173], %mul3A_1167 {strides = array<i32>} : memref<48x128xf32, #tpu.memory_space<vmem>>, vector<16xf32>,
        %mul3A_1175 = arith.mulf %get3A_1059, %exp3A_1142 : vector<16xf32>
        %swap3A_1176 = arith.constant 0 : i32
        %swap3A_1177 = arith.constant 0 : i32
        %swap3A_1178 = tpu.memref_slice %arg10[%scan3A_390, %swap3A_1176, %swap3A_1177] : memref<2x48x128xf32, #tpu.memory_space<vmem>> -> memref<1x48x128xf32, #tpu.memory_space<vmem>>
        %swap3A_1179 = tpu.memref_squeeze %swap3A_1178 : memref<1x48x128xf32, #tpu.memory_space<vmem>> -> memref<48x128xf32, #tpu.memory_space<vmem>>
        %swap3A_1180 = arith.index_cast %scan3A_966 : i32 to index
        %swap3A_1181 = arith.constant 64 : index
        %swap3A_1182 = tpu.vector_load %swap3A_1179[%swap3A_1180, %swap3A_1181] {strides = array<i32>} : memref<48x128xf32, #tpu.memory_space<vmem>>, vector<16xf32>,
        tpu.vector_store %swap3A_1179[%swap3A_1180, %swap3A_1181], %mul3A_1175 {strides = array<i32>} : memref<48x128xf32, #tpu.memory_space<vmem>>, vector<16xf32>,
        %mul3A_1183 = arith.mulf %get3A_1080, %exp3A_1142 : vector<16xf32>
        %swap3A_1184 = arith.constant 0 : i32
        %swap3A_1185 = arith.constant 0 : i32
        %swap3A_1186 = tpu.memref_slice %arg10[%scan3A_390, %swap3A_1184, %swap3A_1185] : memref<2x48x128xf32, #tpu.memory_space<vmem>> -> memref<1x48x128xf32, #tpu.memory_space<vmem>>
        %swap3A_1187 = tpu.memref_squeeze %swap3A_1186 : memref<1x48x128xf32, #tpu.memory_space<vmem>> -> memref<48x128xf32, #tpu.memory_space<vmem>>
        %swap3A_1188 = arith.index_cast %scan3A_966 : i32 to index
        %swap3A_1189 = arith.constant 80 : index
        %swap3A_1190 = tpu.vector_load %swap3A_1187[%swap3A_1188, %swap3A_1189] {strides = array<i32>} : memref<48x128xf32, #tpu.memory_space<vmem>>, vector<16xf32>,
        tpu.vector_store %swap3A_1187[%swap3A_1188, %swap3A_1189], %mul3A_1183 {strides = array<i32>} : memref<48x128xf32, #tpu.memory_space<vmem>>, vector<16xf32>,
        %mul3A_1191 = arith.mulf %get3A_1101, %exp3A_1142 : vector<16xf32>
        %swap3A_1192 = arith.constant 0 : i32
        %swap3A_1193 = arith.constant 0 : i32
        %swap3A_1194 = tpu.memref_slice %arg10[%scan3A_390, %swap3A_1192, %swap3A_1193] : memref<2x48x128xf32, #tpu.memory_space<vmem>> -> memref<1x48x128xf32, #tpu.memory_space<vmem>>
        %swap3A_1195 = tpu.memref_squeeze %swap3A_1194 : memref<1x48x128xf32, #tpu.memory_space<vmem>> -> memref<48x128xf32, #tpu.memory_space<vmem>>
        %swap3A_1196 = arith.index_cast %scan3A_966 : i32 to index
        %swap3A_1197 = arith.constant 96 : index
        %swap3A_1198 = tpu.vector_load %swap3A_1195[%swap3A_1196, %swap3A_1197] {strides = array<i32>} : memref<48x128xf32, #tpu.memory_space<vmem>>, vector<16xf32>,
        tpu.vector_store %swap3A_1195[%swap3A_1196, %swap3A_1197], %mul3A_1191 {strides = array<i32>} : memref<48x128xf32, #tpu.memory_space<vmem>>, vector<16xf32>,
        %mul3A_1199 = arith.mulf %get3A_1122, %exp3A_1142 : vector<16xf32>
        %swap3A_1200 = arith.constant 0 : i32
        %swap3A_1201 = arith.constant 0 : i32
        %swap3A_1202 = tpu.memref_slice %arg10[%scan3A_390, %swap3A_1200, %swap3A_1201] : memref<2x48x128xf32, #tpu.memory_space<vmem>> -> memref<1x48x128xf32, #tpu.memory_space<vmem>>
        %swap3A_1203 = tpu.memref_squeeze %swap3A_1202 : memref<1x48x128xf32, #tpu.memory_space<vmem>> -> memref<48x128xf32, #tpu.memory_space<vmem>>
        %swap3A_1204 = arith.index_cast %scan3A_966 : i32 to index
        %swap3A_1205 = arith.constant 112 : index
        %swap3A_1206 = tpu.vector_load %swap3A_1203[%swap3A_1204, %swap3A_1205] {strides = array<i32>} : memref<48x128xf32, #tpu.memory_space<vmem>>, vector<16xf32>,
        tpu.vector_store %swap3A_1203[%swap3A_1204, %swap3A_1205], %mul3A_1199 {strides = array<i32>} : memref<48x128xf32, #tpu.memory_space<vmem>>, vector<16xf32>,
        %swap3A_1207 = arith.index_cast %scan3A_966 : i32 to index
        %swap3A_1208 = arith.constant 0 : index
        %swap3A_1209 = tpu.vector_load %arg11[%swap3A_1207, %swap3A_1208] {strides = array<i32>} : memref<48x16xf32, #tpu.memory_space<vmem>>, vector<16xf32>,
        tpu.vector_store %arg11[%swap3A_1207, %swap3A_1208], %exp3A_1142 {strides = array<i32>} : memref<48x16xf32, #tpu.memory_space<vmem>>, vector<16xf32>,
      }
      %scan3A_395 = arith.constant 48 : i32
      %get3A_396 = arith.constant 1 : i32
      %get3A_397 = arith.constant 1 : i32
      %get3A_398 = arith.constant 0 : i32
      %get3A_399 = arith.constant 0 : i32
      %get3A_400 = tpu.memref_slice %arg8[%get3A_396, %get3A_398, %get3A_399] : memref<4x2x48xi32, #tpu.memory_space<vmem>> -> memref<1x2x48xi32, #tpu.memory_space<vmem>>
      %get3A_401 = tpu.memref_squeeze %get3A_400 : memref<1x2x48xi32, #tpu.memory_space<vmem>> -> memref<2x48xi32, #tpu.memory_space<vmem>>
      %get3A_402 = arith.index_cast %get3A_397 : i32 to index
      %get3A_403 = arith.constant 0 : index
      %get3A_404 = tpu.vector_load %get3A_401[%get3A_402, %get3A_403] {strides = array<i32>} : memref<2x48xi32, #tpu.memory_space<vmem>>, vector<16xi32>,
      %add3A_405 = arith.constant 0 : i32
      %add3A_406 = vector.broadcast %add3A_405 : i32 to vector<16xi32>
      %add3A_407 = arith.addi %add3A_406, %iota3A : vector<16xi32>
      %gather3A_408 = tpu.vector_load_idx %arg11[%add3A_407, %broadcast_in_dim3A_102] : memref<48x16xf32, #tpu.memory_space<vmem>>[vector<16xi32>, vector<16xi32>], vector<16xf32>,
      tpu.vector_store_idx %arg12[%get3A_404], %gather3A_408 {add = true} : memref<10240xf32, #tpu.memory_space<vmem>>[vector<16xi32>], vector<16xf32>,
      %get3A_409 = arith.constant 1 : i32
      %get3A_410 = arith.constant 1 : i32
      %get3A_411 = arith.constant 0 : i32
      %get3A_412 = arith.constant 0 : i32
      %get3A_413 = tpu.memref_slice %arg8[%get3A_409, %get3A_411, %get3A_412] : memref<4x2x48xi32, #tpu.memory_space<vmem>> -> memref<1x2x48xi32, #tpu.memory_space<vmem>>
      %get3A_414 = tpu.memref_squeeze %get3A_413 : memref<1x2x48xi32, #tpu.memory_space<vmem>> -> memref<2x48xi32, #tpu.memory_space<vmem>>
      %get3A_415 = arith.index_cast %get3A_410 : i32 to index
      %get3A_416 = arith.constant 16 : index
      %get3A_417 = tpu.vector_load %get3A_414[%get3A_415, %get3A_416] {strides = array<i32>} : memref<2x48xi32, #tpu.memory_space<vmem>>, vector<16xi32>,
      %add3A_418 = arith.constant 16 : i32
      %add3A_419 = vector.broadcast %add3A_418 : i32 to vector<16xi32>
      %add3A_420 = arith.addi %add3A_419, %iota3A : vector<16xi32>
      %gather3A_421 = tpu.vector_load_idx %arg11[%add3A_420, %broadcast_in_dim3A_102] : memref<48x16xf32, #tpu.memory_space<vmem>>[vector<16xi32>, vector<16xi32>], vector<16xf32>,
      tpu.vector_store_idx %arg12[%get3A_417], %gather3A_421 {add = true} : memref<10240xf32, #tpu.memory_space<vmem>>[vector<16xi32>], vector<16xf32>,
      %get3A_422 = arith.constant 1 : i32
      %get3A_423 = arith.constant 1 : i32
      %get3A_424 = arith.constant 0 : i32
      %get3A_425 = arith.constant 0 : i32
      %get3A_426 = tpu.memref_slice %arg8[%get3A_422, %get3A_424, %get3A_425] : memref<4x2x48xi32, #tpu.memory_space<vmem>> -> memref<1x2x48xi32, #tpu.memory_space<vmem>>
      %get3A_427 = tpu.memref_squeeze %get3A_426 : memref<1x2x48xi32, #tpu.memory_space<vmem>> -> memref<2x48xi32, #tpu.memory_space<vmem>>
      %get3A_428 = arith.index_cast %get3A_423 : i32 to index
      %get3A_429 = arith.constant 32 : index
      %get3A_430 = tpu.vector_load %get3A_427[%get3A_428, %get3A_429] {strides = array<i32>} : memref<2x48xi32, #tpu.memory_space<vmem>>, vector<16xi32>,
      %add3A_431 = arith.constant 32 : i32
      %add3A_432 = vector.broadcast %add3A_431 : i32 to vector<16xi32>
      %add3A_433 = arith.addi %add3A_432, %iota3A : vector<16xi32>
      %gather3A_434 = tpu.vector_load_idx %arg11[%add3A_433, %broadcast_in_dim3A_102] : memref<48x16xf32, #tpu.memory_space<vmem>>[vector<16xi32>, vector<16xi32>], vector<16xf32>,
      tpu.vector_store_idx %arg12[%get3A_430], %gather3A_434 {add = true} : memref<10240xf32, #tpu.memory_space<vmem>>[vector<16xi32>], vector<16xf32>,
      %run_scoped3A_435 = arith.constant 1 : i32
      %run_scoped3A_436 = arith.constant 1 : i32
      %run_scoped3A_437 = arith.constant 1 : i32
      "tpu.region"() ({
        %run_scoped3A_726 = tpu.sem_alloc : memref<!tpu.dma_semaphore, #tpu.memory_space<semaphore_mem>>
        %dma_start3A_727 = arith.constant 0 : i32
        %dma_start3A_728 = arith.constant 0 : i32
        %dma_start3A_729 = tpu.memref_slice %arg10[%run_scoped3A_435, %dma_start3A_727, %dma_start3A_728] : memref<2x48x128xf32, #tpu.memory_space<vmem>> -> memref<1x48x128xf32, #tpu.memory_space<vmem>>
        %dma_start3A_730 = tpu.memref_squeeze %dma_start3A_729 : memref<1x48x128xf32, #tpu.memory_space<vmem>> -> memref<48x128xf32, #tpu.memory_space<vmem>>
        %dma_start3A_731 = arith.constant 0 : i32
        %dma_start3A_732 = arith.constant 0 : i32
        %dma_start3A_733 = tpu.memref_slice %arg8[%run_scoped3A_436, %dma_start3A_731, %dma_start3A_732] : memref<4x2x48xi32, #tpu.memory_space<vmem>> -> memref<1x2x48xi32, #tpu.memory_space<vmem>>
        %dma_start3A_734 = tpu.memref_squeeze %dma_start3A_733 : memref<1x2x48xi32, #tpu.memory_space<vmem>> -> memref<2x48xi32, #tpu.memory_space<vmem>>
        %dma_start3A_735 = arith.constant 0 : i32
        %dma_start3A_736 = tpu.memref_slice %dma_start3A_734[%run_scoped3A_437, %dma_start3A_735] : memref<2x48xi32, #tpu.memory_space<vmem>> -> memref<1x48xi32, #tpu.memory_space<vmem>>
        %dma_start3A_737 = tpu.memref_squeeze %dma_start3A_736 : memref<1x48xi32, #tpu.memory_space<vmem>> -> memref<48xi32, #tpu.memory_space<vmem>>
        %dma_start3A_738 = arith.constant 0 : i32
        %dma_start3A_739 = arith.constant 0 : i32
        %dma_start3A_740 = tpu.memref_slice %arg14[%dma_start3A_738, %dma_start3A_739] : memref<10240x128xf32, #tpu.memory_space<vmem_shared>> -> memref<10240x128xf32, #tpu.memory_space<vmem_shared>>
        tpu.enqueue_indirect_dma source(%dma_start3A_730 : memref<48x128xf32, #tpu.memory_space<vmem>>) target(%dma_start3A_740 : memref<10240x128xf32, #tpu.memory_space<vmem_shared>>) offsets(%dma_start3A_737 : memref<48xi32, #tpu.memory_space<vmem>>) semaphore(%run_scoped3A_726 : memref<!tpu.dma_semaphore, #tpu.memory_space<semaphore_mem>>) {add = true}
        %dma_wait3A_741 = arith.constant 0 : i32
        %dma_wait3A_742 = arith.constant 0 : i32
        %dma_wait3A_743 = tpu.memref_slice %arg10[%run_scoped3A_435, %dma_wait3A_741, %dma_wait3A_742] : memref<2x48x128xf32, #tpu.memory_space<vmem>> -> memref<1x48x128xf32, #tpu.memory_space<vmem>>
        %dma_wait3A_744 = tpu.memref_squeeze %dma_wait3A_743 : memref<1x48x128xf32, #tpu.memory_space<vmem>> -> memref<48x128xf32, #tpu.memory_space<vmem>>
        %dma_wait3A_745 = arith.constant 0 : i32
        %dma_wait3A_746 = arith.constant 0 : i32
        %dma_wait3A_747 = tpu.memref_slice %arg8[%run_scoped3A_436, %dma_wait3A_745, %dma_wait3A_746] : memref<4x2x48xi32, #tpu.memory_space<vmem>> -> memref<1x2x48xi32, #tpu.memory_space<vmem>>
        %dma_wait3A_748 = tpu.memref_squeeze %dma_wait3A_747 : memref<1x2x48xi32, #tpu.memory_space<vmem>> -> memref<2x48xi32, #tpu.memory_space<vmem>>
        %dma_wait3A_749 = arith.constant 0 : i32
        %dma_wait3A_750 = tpu.memref_slice %dma_wait3A_748[%run_scoped3A_437, %dma_wait3A_749] : memref<2x48xi32, #tpu.memory_space<vmem>> -> memref<1x48xi32, #tpu.memory_space<vmem>>
        %dma_wait3A_751 = tpu.memref_squeeze %dma_wait3A_750 : memref<1x48xi32, #tpu.memory_space<vmem>> -> memref<48xi32, #tpu.memory_space<vmem>>
        %dma_wait3A_752 = arith.constant 0 : i32
        %dma_wait3A_753 = arith.constant 0 : i32
        %dma_wait3A_754 = tpu.memref_slice %arg14[%dma_wait3A_752, %dma_wait3A_753] : memref<10240x128xf32, #tpu.memory_space<vmem_shared>> -> memref<10240x128xf32, #tpu.memory_space<vmem_shared>>
        tpu.wait_indirect_dma semaphore(%run_scoped3A_726 : memref<!tpu.dma_semaphore, #tpu.memory_space<semaphore_mem>>) src(%dma_wait3A_744 : memref<48x128xf32, #tpu.memory_space<vmem>>) dst(%dma_wait3A_754 : memref<10240x128xf32, #tpu.memory_space<vmem_shared>>)
        tpu.yield
      }) : () -> ()
      %mul3A_438 = arith.constant 4 : i32
      %mul3A_439 = arith.muli %mul3A_438, %scan3A_151 : i32
      %add3A_440 = arith.constant 2 : i32
      %add3A_441 = arith.addi %mul3A_439, %add3A_440 : i32
      %add3A_442 = arith.constant 2 : i32
      %add3A_443 = arith.addi %add3A_441, %add3A_442 : i32
      %min3A_444 = arith.constant 211 : i32
      %min3A_445 = arith.minsi %add3A_443, %min3A_444 : i32
      %add3A_446 = arith.addi %mul3A_2, %min3A_445 : i32
      %dma_start3A_447 = arith.constant 0 : i32
      %dma_start3A_448 = arith.constant 0 : i32
      %dma_start3A_449 = arith.constant 0 : i32
      %dma_start3A_450 = tpu.memref_slice %arg8[%dma_start3A_447, %dma_start3A_448, %dma_start3A_449] : memref<4x2x48xi32, #tpu.memory_space<vmem>> -> memref<1x2x48xi32, #tpu.memory_space<vmem>>
      %dma_start3A_451 = tpu.memref_squeeze %dma_start3A_450 : memref<1x2x48xi32, #tpu.memory_space<vmem>> -> memref<2x48xi32, #tpu.memory_space<vmem>>
      %dma_start3A_452 = arith.constant 0 : i32
      %dma_start3A_453 = arith.constant 0 : i32
      %dma_start3A_454 = tpu.memref_slice %arg4[%add3A_446, %dma_start3A_452, %dma_start3A_453] : memref<6784x2x48xi32, #tpu.memory_space<hbm>> -> memref<1x2x48xi32, #tpu.memory_space<hbm>>
      %dma_start3A_455 = tpu.memref_squeeze %dma_start3A_454 : memref<1x2x48xi32, #tpu.memory_space<hbm>> -> memref<2x48xi32, #tpu.memory_space<hbm>>
      %dma_start3A_456 = arith.constant 0 : i32
      %dma_start3A_457 = arith.constant 0 : i32
      %dma_start3A_458 = tpu.memref_slice %arg8[%dma_start3A_447, %dma_start3A_456, %dma_start3A_457] : memref<4x2x48xi32, #tpu.memory_space<vmem>> -> memref<1x2x48xi32, #tpu.memory_space<vmem>>
      %dma_start3A_459 = tpu.memref_squeeze %dma_start3A_458 : memref<1x2x48xi32, #tpu.memory_space<vmem>> -> memref<2x48xi32, #tpu.memory_space<vmem>>
      %dma_start3A_460 = arith.constant 0 : i32
      %dma_start3A_461 = arith.constant 0 : i32
      %dma_start3A_462 = tpu.memref_slice %arg4[%add3A_446, %dma_start3A_460, %dma_start3A_461] : memref<6784x2x48xi32, #tpu.memory_space<hbm>> -> memref<1x2x48xi32, #tpu.memory_space<hbm>>
      %dma_start3A_463 = tpu.memref_squeeze %dma_start3A_462 : memref<1x2x48xi32, #tpu.memory_space<hbm>> -> memref<2x48xi32, #tpu.memory_space<hbm>>
      tpu.enqueue_dma source(%dma_start3A_463 : memref<2x48xi32, #tpu.memory_space<hbm>>) target(%dma_start3A_459 : memref<2x48xi32, #tpu.memory_space<vmem>>) target_semaphore(%arg19 : memref<!tpu.dma_semaphore, #tpu.memory_space<semaphore_mem>>)
      %dma_wait3A_464 = arith.constant 3 : i32
      %dma_wait3A_465 = arith.constant 0 : i32
      %dma_wait3A_466 = arith.constant 0 : i32
      %dma_wait3A_467 = tpu.memref_slice %arg8[%dma_wait3A_464, %dma_wait3A_465, %dma_wait3A_466] : memref<4x2x48xi32, #tpu.memory_space<vmem>> -> memref<1x2x48xi32, #tpu.memory_space<vmem>>
      %dma_wait3A_468 = tpu.memref_squeeze %dma_wait3A_467 : memref<1x2x48xi32, #tpu.memory_space<vmem>> -> memref<2x48xi32, #tpu.memory_space<vmem>>
      %dma_wait3A_469 = arith.constant 0 : i32
      %dma_wait3A_470 = arith.constant 0 : i32
      %dma_wait3A_471 = tpu.memref_slice %arg4[%mul3A_2, %dma_wait3A_469, %dma_wait3A_470] : memref<6784x2x48xi32, #tpu.memory_space<hbm>> -> memref<1x2x48xi32, #tpu.memory_space<hbm>>
      %dma_wait3A_472 = tpu.memref_squeeze %dma_wait3A_471 : memref<1x2x48xi32, #tpu.memory_space<hbm>> -> memref<2x48xi32, #tpu.memory_space<hbm>>
      %dma_wait3A_473 = arith.constant 0 : i32
      %dma_wait3A_474 = arith.constant 0 : i32
      %dma_wait3A_475 = tpu.memref_slice %arg8[%dma_wait3A_464, %dma_wait3A_473, %dma_wait3A_474] : memref<4x2x48xi32, #tpu.memory_space<vmem>> -> memref<1x2x48xi32, #tpu.memory_space<vmem>>
      %dma_wait3A_476 = tpu.memref_squeeze %dma_wait3A_475 : memref<1x2x48xi32, #tpu.memory_space<vmem>> -> memref<2x48xi32, #tpu.memory_space<vmem>>
      %dma_wait3A_477 = arith.constant 0 : i32
      %dma_wait3A_478 = arith.constant 0 : i32
      %dma_wait3A_479 = tpu.memref_slice %arg4[%mul3A_2, %dma_wait3A_477, %dma_wait3A_478] : memref<6784x2x48xi32, #tpu.memory_space<hbm>> -> memref<1x2x48xi32, #tpu.memory_space<hbm>>
      %dma_wait3A_480 = tpu.memref_squeeze %dma_wait3A_479 : memref<1x2x48xi32, #tpu.memory_space<hbm>> -> memref<2x48xi32, #tpu.memory_space<hbm>>
      tpu.wait_dma2 semaphore(%arg20 : memref<!tpu.dma_semaphore, #tpu.memory_space<semaphore_mem>>) src(%dma_wait3A_480 : memref<2x48xi32, #tpu.memory_space<hbm>>) dst(%dma_wait3A_476 : memref<2x48xi32, #tpu.memory_space<vmem>>)
      %dma_start3A_481 = arith.constant 3 : i32
      %dma_start3A_482 = arith.constant 0 : i32
      %dma_start3A_483 = arith.constant 1 : i32
      %dma_start3A_484 = arith.constant 0 : i32
      %dma_start3A_485 = arith.constant 0 : i32
      %dma_start3A_486 = tpu.memref_slice %arg9[%dma_start3A_483, %dma_start3A_484, %dma_start3A_485] : memref<2x48x128xf32, #tpu.memory_space<vmem>> -> memref<1x48x128xf32, #tpu.memory_space<vmem>>
      %dma_start3A_487 = tpu.memref_squeeze %dma_start3A_486 : memref<1x48x128xf32, #tpu.memory_space<vmem>> -> memref<48x128xf32, #tpu.memory_space<vmem>>
      %dma_start3A_488 = arith.constant 0 : i32
      %dma_start3A_489 = tpu.memref_slice %arg8[%dma_start3A_481, %dma_start3A_482, %dma_start3A_488] : memref<4x2x48xi32, #tpu.memory_space<vmem>> -> memref<1x1x48xi32, #tpu.memory_space<vmem>>
      %dma_start3A_490 = tpu.memref_squeeze %dma_start3A_489 : memref<1x1x48xi32, #tpu.memory_space<vmem>> -> memref<48xi32, #tpu.memory_space<vmem>>
      %dma_start3A_491 = arith.constant 0 : i32
      %dma_start3A_492 = arith.constant 0 : i32
      %dma_start3A_493 = tpu.memref_slice %arg2[%dma_start3A_491, %dma_start3A_492] : memref<10000x128xf32, #tpu.memory_space<hbm>> -> memref<10000x128xf32, #tpu.memory_space<hbm>>
      tpu.enqueue_indirect_dma source(%dma_start3A_493 : memref<10000x128xf32, #tpu.memory_space<hbm>>) target(%dma_start3A_487 : memref<48x128xf32, #tpu.memory_space<vmem>>) offsets(%dma_start3A_490 : memref<48xi32, #tpu.memory_space<vmem>>) semaphore(%arg16 : memref<!tpu.dma_semaphore, #tpu.memory_space<semaphore_mem>>)
      %dma_start3A_494 = arith.constant 3 : i32
      %dma_start3A_495 = arith.constant 1 : i32
      %dma_start3A_496 = arith.constant 1 : i32
      %dma_start3A_497 = arith.constant 0 : i32
      %dma_start3A_498 = arith.constant 0 : i32
      %dma_start3A_499 = tpu.memref_slice %arg10[%dma_start3A_496, %dma_start3A_497, %dma_start3A_498] : memref<2x48x128xf32, #tpu.memory_space<vmem>> -> memref<1x48x128xf32, #tpu.memory_space<vmem>>
      %dma_start3A_500 = tpu.memref_squeeze %dma_start3A_499 : memref<1x48x128xf32, #tpu.memory_space<vmem>> -> memref<48x128xf32, #tpu.memory_space<vmem>>
      %dma_start3A_501 = arith.constant 0 : i32
      %dma_start3A_502 = tpu.memref_slice %arg8[%dma_start3A_494, %dma_start3A_495, %dma_start3A_501] : memref<4x2x48xi32, #tpu.memory_space<vmem>> -> memref<1x1x48xi32, #tpu.memory_space<vmem>>
      %dma_start3A_503 = tpu.memref_squeeze %dma_start3A_502 : memref<1x1x48xi32, #tpu.memory_space<vmem>> -> memref<48xi32, #tpu.memory_space<vmem>>
      %dma_start3A_504 = arith.constant 0 : i32
      %dma_start3A_505 = arith.constant 0 : i32
      %dma_start3A_506 = tpu.memref_slice %arg3[%dma_start3A_504, %dma_start3A_505] : memref<10000x128xf32, #tpu.memory_space<hbm>> -> memref<10000x128xf32, #tpu.memory_space<hbm>>
      tpu.enqueue_indirect_dma source(%dma_start3A_506 : memref<10000x128xf32, #tpu.memory_space<hbm>>) target(%dma_start3A_500 : memref<48x128xf32, #tpu.memory_space<vmem>>) offsets(%dma_start3A_503 : memref<48xi32, #tpu.memory_space<vmem>>) semaphore(%arg18 : memref<!tpu.dma_semaphore, #tpu.memory_space<semaphore_mem>>)
      %dma_wait3A_507 = arith.constant 2 : i32
      %dma_wait3A_508 = arith.constant 0 : i32
      %dma_wait3A_509 = arith.constant 0 : i32
      %dma_wait3A_510 = arith.constant 0 : i32
      %dma_wait3A_511 = arith.constant 0 : i32
      %dma_wait3A_512 = tpu.memref_slice %arg9[%dma_wait3A_509, %dma_wait3A_510, %dma_wait3A_511] : memref<2x48x128xf32, #tpu.memory_space<vmem>> -> memref<1x48x128xf32, #tpu.memory_space<vmem>>
      %dma_wait3A_513 = tpu.memref_squeeze %dma_wait3A_512 : memref<1x48x128xf32, #tpu.memory_space<vmem>> -> memref<48x128xf32, #tpu.memory_space<vmem>>
      %dma_wait3A_514 = arith.constant 0 : i32
      %dma_wait3A_515 = tpu.memref_slice %arg8[%dma_wait3A_507, %dma_wait3A_508, %dma_wait3A_514] : memref<4x2x48xi32, #tpu.memory_space<vmem>> -> memref<1x1x48xi32, #tpu.memory_space<vmem>>
      %dma_wait3A_516 = tpu.memref_squeeze %dma_wait3A_515 : memref<1x1x48xi32, #tpu.memory_space<vmem>> -> memref<48xi32, #tpu.memory_space<vmem>>
      %dma_wait3A_517 = arith.constant 0 : i32
      %dma_wait3A_518 = arith.constant 0 : i32
      %dma_wait3A_519 = tpu.memref_slice %arg2[%dma_wait3A_517, %dma_wait3A_518] : memref<10000x128xf32, #tpu.memory_space<hbm>> -> memref<10000x128xf32, #tpu.memory_space<hbm>>
      tpu.wait_indirect_dma semaphore(%arg15 : memref<!tpu.dma_semaphore, #tpu.memory_space<semaphore_mem>>) src(%dma_wait3A_519 : memref<10000x128xf32, #tpu.memory_space<hbm>>) dst(%dma_wait3A_513 : memref<48x128xf32, #tpu.memory_space<vmem>>)
      %dma_wait3A_520 = arith.constant 2 : i32
      %dma_wait3A_521 = arith.constant 1 : i32
      %dma_wait3A_522 = arith.constant 0 : i32
      %dma_wait3A_523 = arith.constant 0 : i32
      %dma_wait3A_524 = arith.constant 0 : i32
      %dma_wait3A_525 = tpu.memref_slice %arg10[%dma_wait3A_522, %dma_wait3A_523, %dma_wait3A_524] : memref<2x48x128xf32, #tpu.memory_space<vmem>> -> memref<1x48x128xf32, #tpu.memory_space<vmem>>
      %dma_wait3A_526 = tpu.memref_squeeze %dma_wait3A_525 : memref<1x48x128xf32, #tpu.memory_space<vmem>> -> memref<48x128xf32, #tpu.memory_space<vmem>>
      %dma_wait3A_527 = arith.constant 0 : i32
      %dma_wait3A_528 = tpu.memref_slice %arg8[%dma_wait3A_520, %dma_wait3A_521, %dma_wait3A_527] : memref<4x2x48xi32, #tpu.memory_space<vmem>> -> memref<1x1x48xi32, #tpu.memory_space<vmem>>
      %dma_wait3A_529 = tpu.memref_squeeze %dma_wait3A_528 : memref<1x1x48xi32, #tpu.memory_space<vmem>> -> memref<48xi32, #tpu.memory_space<vmem>>
      %dma_wait3A_530 = arith.constant 0 : i32
      %dma_wait3A_531 = arith.constant 0 : i32
      %dma_wait3A_532 = tpu.memref_slice %arg3[%dma_wait3A_530, %dma_wait3A_531] : memref<10000x128xf32, #tpu.memory_space<hbm>> -> memref<10000x128xf32, #tpu.memory_space<hbm>>
      tpu.wait_indirect_dma semaphore(%arg17 : memref<!tpu.dma_semaphore, #tpu.memory_space<semaphore_mem>>) src(%dma_wait3A_532 : memref<10000x128xf32, #tpu.memory_space<hbm>>) dst(%dma_wait3A_526 : memref<48x128xf32, #tpu.memory_space<vmem>>)
      %scan3A_533 = arith.constant 0 : i32
      %scan3A_534 = arith.constant 0 : i32
      %scan3A_535 = arith.constant 0 : i32
      %scan3A_536 = arith.constant 48 : i32
      %scan3A_537 = arith.addi %scan3A_535, %scan3A_536 : i32
      %scan3A_538 = arith.constant 2 : i32
      scf.for %scan3A_726 = %scan3A_535 to %scan3A_537 step %scan3A_538  : i32 {
        %broadcast_in_dim3A_727 = arith.constant 0.000000e+00 : f32
        %broadcast_in_dim3A_728 = vector.broadcast %broadcast_in_dim3A_727 : f32 to vector<16xf32>
        %get3A_729 = arith.constant 0 : i32
        %get3A_730 = arith.constant 0 : i32
        %get3A_731 = tpu.memref_slice %arg9[%scan3A_533, %get3A_729, %get3A_730] : memref<2x48x128xf32, #tpu.memory_space<vmem>> -> memref<1x48x128xf32, #tpu.memory_space<vmem>>
        %get3A_732 = tpu.memref_squeeze %get3A_731 : memref<1x48x128xf32, #tpu.memory_space<vmem>> -> memref<48x128xf32, #tpu.memory_space<vmem>>
        %get3A_733 = arith.index_cast %scan3A_726 : i32 to index
        %get3A_734 = arith.constant 0 : index
        %get3A_735 = tpu.vector_load %get3A_732[%get3A_733, %get3A_734] {strides = array<i32>} : memref<48x128xf32, #tpu.memory_space<vmem>>, vector<16xf32>,
        %get3A_736 = arith.constant 0 : i32
        %get3A_737 = arith.constant 0 : i32
        %get3A_738 = tpu.memref_slice %arg10[%scan3A_534, %get3A_736, %get3A_737] : memref<2x48x128xf32, #tpu.memory_space<vmem>> -> memref<1x48x128xf32, #tpu.memory_space<vmem>>
        %get3A_739 = tpu.memref_squeeze %get3A_738 : memref<1x48x128xf32, #tpu.memory_space<vmem>> -> memref<48x128xf32, #tpu.memory_space<vmem>>
        %get3A_740 = arith.index_cast %scan3A_726 : i32 to index
        %get3A_741 = arith.constant 0 : index
        %get3A_742 = tpu.vector_load %get3A_739[%get3A_740, %get3A_741] {strides = array<i32>} : memref<48x128xf32, #tpu.memory_space<vmem>>, vector<16xf32>,
        %add3A_743 = arith.addf %get3A_735, %get3A_742 : vector<16xf32>
        %gt3A = arith.constant 0.000000e+00 : f32
        %gt3A_744 = vector.broadcast %gt3A : f32 to vector<16xf32>
        %gt3A_745 = arith.cmpf ogt, %add3A_743, %gt3A_744 : vector<16xf32>
        %select_n3A = arith.select %gt3A_745, %get3A_63, %mul3A_80 : vector<16xi1>, vector<16xf32>
        %mul3A_746 = arith.mulf %add3A_743, %select_n3A : vector<16xf32>
        %add3A_747 = arith.addf %broadcast_in_dim3A_728, %mul3A_746 : vector<16xf32>
        %get3A_748 = arith.constant 0 : i32
        %get3A_749 = arith.constant 0 : i32
        %get3A_750 = tpu.memref_slice %arg9[%scan3A_533, %get3A_748, %get3A_749] : memref<2x48x128xf32, #tpu.memory_space<vmem>> -> memref<1x48x128xf32, #tpu.memory_space<vmem>>
        %get3A_751 = tpu.memref_squeeze %get3A_750 : memref<1x48x128xf32, #tpu.memory_space<vmem>> -> memref<48x128xf32, #tpu.memory_space<vmem>>
        %get3A_752 = arith.index_cast %scan3A_726 : i32 to index
        %get3A_753 = arith.constant 16 : index
        %get3A_754 = tpu.vector_load %get3A_751[%get3A_752, %get3A_753] {strides = array<i32>} : memref<48x128xf32, #tpu.memory_space<vmem>>, vector<16xf32>,
        %get3A_755 = arith.constant 0 : i32
        %get3A_756 = arith.constant 0 : i32
        %get3A_757 = tpu.memref_slice %arg10[%scan3A_534, %get3A_755, %get3A_756] : memref<2x48x128xf32, #tpu.memory_space<vmem>> -> memref<1x48x128xf32, #tpu.memory_space<vmem>>
        %get3A_758 = tpu.memref_squeeze %get3A_757 : memref<1x48x128xf32, #tpu.memory_space<vmem>> -> memref<48x128xf32, #tpu.memory_space<vmem>>
        %get3A_759 = arith.index_cast %scan3A_726 : i32 to index
        %get3A_760 = arith.constant 16 : index
        %get3A_761 = tpu.vector_load %get3A_758[%get3A_759, %get3A_760] {strides = array<i32>} : memref<48x128xf32, #tpu.memory_space<vmem>>, vector<16xf32>,
        %add3A_762 = arith.addf %get3A_754, %get3A_761 : vector<16xf32>
        %gt3A_763 = arith.constant 0.000000e+00 : f32
        %gt3A_764 = vector.broadcast %gt3A_763 : f32 to vector<16xf32>
        %gt3A_765 = arith.cmpf ogt, %add3A_762, %gt3A_764 : vector<16xf32>
        %select_n3A_766 = arith.select %gt3A_765, %get3A_65, %mul3A_83 : vector<16xi1>, vector<16xf32>
        %mul3A_767 = arith.mulf %add3A_762, %select_n3A_766 : vector<16xf32>
        %add3A_768 = arith.addf %add3A_747, %mul3A_767 : vector<16xf32>
        %get3A_769 = arith.constant 0 : i32
        %get3A_770 = arith.constant 0 : i32
        %get3A_771 = tpu.memref_slice %arg9[%scan3A_533, %get3A_769, %get3A_770] : memref<2x48x128xf32, #tpu.memory_space<vmem>> -> memref<1x48x128xf32, #tpu.memory_space<vmem>>
        %get3A_772 = tpu.memref_squeeze %get3A_771 : memref<1x48x128xf32, #tpu.memory_space<vmem>> -> memref<48x128xf32, #tpu.memory_space<vmem>>
        %get3A_773 = arith.index_cast %scan3A_726 : i32 to index
        %get3A_774 = arith.constant 32 : index
        %get3A_775 = tpu.vector_load %get3A_772[%get3A_773, %get3A_774] {strides = array<i32>} : memref<48x128xf32, #tpu.memory_space<vmem>>, vector<16xf32>,
        %get3A_776 = arith.constant 0 : i32
        %get3A_777 = arith.constant 0 : i32
        %get3A_778 = tpu.memref_slice %arg10[%scan3A_534, %get3A_776, %get3A_777] : memref<2x48x128xf32, #tpu.memory_space<vmem>> -> memref<1x48x128xf32, #tpu.memory_space<vmem>>
        %get3A_779 = tpu.memref_squeeze %get3A_778 : memref<1x48x128xf32, #tpu.memory_space<vmem>> -> memref<48x128xf32, #tpu.memory_space<vmem>>
        %get3A_780 = arith.index_cast %scan3A_726 : i32 to index
        %get3A_781 = arith.constant 32 : index
        %get3A_782 = tpu.vector_load %get3A_779[%get3A_780, %get3A_781] {strides = array<i32>} : memref<48x128xf32, #tpu.memory_space<vmem>>, vector<16xf32>,
        %add3A_783 = arith.addf %get3A_775, %get3A_782 : vector<16xf32>
        %gt3A_784 = arith.constant 0.000000e+00 : f32
        %gt3A_785 = vector.broadcast %gt3A_784 : f32 to vector<16xf32>
        %gt3A_786 = arith.cmpf ogt, %add3A_783, %gt3A_785 : vector<16xf32>
        %select_n3A_787 = arith.select %gt3A_786, %get3A_67, %mul3A_86 : vector<16xi1>, vector<16xf32>
        %mul3A_788 = arith.mulf %add3A_783, %select_n3A_787 : vector<16xf32>
        %add3A_789 = arith.addf %add3A_768, %mul3A_788 : vector<16xf32>
        %get3A_790 = arith.constant 0 : i32
        %get3A_791 = arith.constant 0 : i32
        %get3A_792 = tpu.memref_slice %arg9[%scan3A_533, %get3A_790, %get3A_791] : memref<2x48x128xf32, #tpu.memory_space<vmem>> -> memref<1x48x128xf32, #tpu.memory_space<vmem>>
        %get3A_793 = tpu.memref_squeeze %get3A_792 : memref<1x48x128xf32, #tpu.memory_space<vmem>> -> memref<48x128xf32, #tpu.memory_space<vmem>>
        %get3A_794 = arith.index_cast %scan3A_726 : i32 to index
        %get3A_795 = arith.constant 48 : index
        %get3A_796 = tpu.vector_load %get3A_793[%get3A_794, %get3A_795] {strides = array<i32>} : memref<48x128xf32, #tpu.memory_space<vmem>>, vector<16xf32>,
        %get3A_797 = arith.constant 0 : i32
        %get3A_798 = arith.constant 0 : i32
        %get3A_799 = tpu.memref_slice %arg10[%scan3A_534, %get3A_797, %get3A_798] : memref<2x48x128xf32, #tpu.memory_space<vmem>> -> memref<1x48x128xf32, #tpu.memory_space<vmem>>
        %get3A_800 = tpu.memref_squeeze %get3A_799 : memref<1x48x128xf32, #tpu.memory_space<vmem>> -> memref<48x128xf32, #tpu.memory_space<vmem>>
        %get3A_801 = arith.index_cast %scan3A_726 : i32 to index
        %get3A_802 = arith.constant 48 : index
        %get3A_803 = tpu.vector_load %get3A_800[%get3A_801, %get3A_802] {strides = array<i32>} : memref<48x128xf32, #tpu.memory_space<vmem>>, vector<16xf32>,
        %add3A_804 = arith.addf %get3A_796, %get3A_803 : vector<16xf32>
        %gt3A_805 = arith.constant 0.000000e+00 : f32
        %gt3A_806 = vector.broadcast %gt3A_805 : f32 to vector<16xf32>
        %gt3A_807 = arith.cmpf ogt, %add3A_804, %gt3A_806 : vector<16xf32>
        %select_n3A_808 = arith.select %gt3A_807, %get3A_69, %mul3A_89 : vector<16xi1>, vector<16xf32>
        %mul3A_809 = arith.mulf %add3A_804, %select_n3A_808 : vector<16xf32>
        %add3A_810 = arith.addf %add3A_789, %mul3A_809 : vector<16xf32>
        %get3A_811 = arith.constant 0 : i32
        %get3A_812 = arith.constant 0 : i32
        %get3A_813 = tpu.memref_slice %arg9[%scan3A_533, %get3A_811, %get3A_812] : memref<2x48x128xf32, #tpu.memory_space<vmem>> -> memref<1x48x128xf32, #tpu.memory_space<vmem>>
        %get3A_814 = tpu.memref_squeeze %get3A_813 : memref<1x48x128xf32, #tpu.memory_space<vmem>> -> memref<48x128xf32, #tpu.memory_space<vmem>>
        %get3A_815 = arith.index_cast %scan3A_726 : i32 to index
        %get3A_816 = arith.constant 64 : index
        %get3A_817 = tpu.vector_load %get3A_814[%get3A_815, %get3A_816] {strides = array<i32>} : memref<48x128xf32, #tpu.memory_space<vmem>>, vector<16xf32>,
        %get3A_818 = arith.constant 0 : i32
        %get3A_819 = arith.constant 0 : i32
        %get3A_820 = tpu.memref_slice %arg10[%scan3A_534, %get3A_818, %get3A_819] : memref<2x48x128xf32, #tpu.memory_space<vmem>> -> memref<1x48x128xf32, #tpu.memory_space<vmem>>
        %get3A_821 = tpu.memref_squeeze %get3A_820 : memref<1x48x128xf32, #tpu.memory_space<vmem>> -> memref<48x128xf32, #tpu.memory_space<vmem>>
        %get3A_822 = arith.index_cast %scan3A_726 : i32 to index
        %get3A_823 = arith.constant 64 : index
        %get3A_824 = tpu.vector_load %get3A_821[%get3A_822, %get3A_823] {strides = array<i32>} : memref<48x128xf32, #tpu.memory_space<vmem>>, vector<16xf32>,
        %add3A_825 = arith.addf %get3A_817, %get3A_824 : vector<16xf32>
        %gt3A_826 = arith.constant 0.000000e+00 : f32
        %gt3A_827 = vector.broadcast %gt3A_826 : f32 to vector<16xf32>
        %gt3A_828 = arith.cmpf ogt, %add3A_825, %gt3A_827 : vector<16xf32>
        %select_n3A_829 = arith.select %gt3A_828, %get3A_71, %mul3A_92 : vector<16xi1>, vector<16xf32>
        %mul3A_830 = arith.mulf %add3A_825, %select_n3A_829 : vector<16xf32>
        %add3A_831 = arith.addf %add3A_810, %mul3A_830 : vector<16xf32>
        %get3A_832 = arith.constant 0 : i32
        %get3A_833 = arith.constant 0 : i32
        %get3A_834 = tpu.memref_slice %arg9[%scan3A_533, %get3A_832, %get3A_833] : memref<2x48x128xf32, #tpu.memory_space<vmem>> -> memref<1x48x128xf32, #tpu.memory_space<vmem>>
        %get3A_835 = tpu.memref_squeeze %get3A_834 : memref<1x48x128xf32, #tpu.memory_space<vmem>> -> memref<48x128xf32, #tpu.memory_space<vmem>>
        %get3A_836 = arith.index_cast %scan3A_726 : i32 to index
        %get3A_837 = arith.constant 80 : index
        %get3A_838 = tpu.vector_load %get3A_835[%get3A_836, %get3A_837] {strides = array<i32>} : memref<48x128xf32, #tpu.memory_space<vmem>>, vector<16xf32>,
        %get3A_839 = arith.constant 0 : i32
        %get3A_840 = arith.constant 0 : i32
        %get3A_841 = tpu.memref_slice %arg10[%scan3A_534, %get3A_839, %get3A_840] : memref<2x48x128xf32, #tpu.memory_space<vmem>> -> memref<1x48x128xf32, #tpu.memory_space<vmem>>
        %get3A_842 = tpu.memref_squeeze %get3A_841 : memref<1x48x128xf32, #tpu.memory_space<vmem>> -> memref<48x128xf32, #tpu.memory_space<vmem>>
        %get3A_843 = arith.index_cast %scan3A_726 : i32 to index
        %get3A_844 = arith.constant 80 : index
        %get3A_845 = tpu.vector_load %get3A_842[%get3A_843, %get3A_844] {strides = array<i32>} : memref<48x128xf32, #tpu.memory_space<vmem>>, vector<16xf32>,
        %add3A_846 = arith.addf %get3A_838, %get3A_845 : vector<16xf32>
        %gt3A_847 = arith.constant 0.000000e+00 : f32
        %gt3A_848 = vector.broadcast %gt3A_847 : f32 to vector<16xf32>
        %gt3A_849 = arith.cmpf ogt, %add3A_846, %gt3A_848 : vector<16xf32>
        %select_n3A_850 = arith.select %gt3A_849, %get3A_73, %mul3A_95 : vector<16xi1>, vector<16xf32>
        %mul3A_851 = arith.mulf %add3A_846, %select_n3A_850 : vector<16xf32>
        %add3A_852 = arith.addf %add3A_831, %mul3A_851 : vector<16xf32>
        %get3A_853 = arith.constant 0 : i32
        %get3A_854 = arith.constant 0 : i32
        %get3A_855 = tpu.memref_slice %arg9[%scan3A_533, %get3A_853, %get3A_854] : memref<2x48x128xf32, #tpu.memory_space<vmem>> -> memref<1x48x128xf32, #tpu.memory_space<vmem>>
        %get3A_856 = tpu.memref_squeeze %get3A_855 : memref<1x48x128xf32, #tpu.memory_space<vmem>> -> memref<48x128xf32, #tpu.memory_space<vmem>>
        %get3A_857 = arith.index_cast %scan3A_726 : i32 to index
        %get3A_858 = arith.constant 96 : index
        %get3A_859 = tpu.vector_load %get3A_856[%get3A_857, %get3A_858] {strides = array<i32>} : memref<48x128xf32, #tpu.memory_space<vmem>>, vector<16xf32>,
        %get3A_860 = arith.constant 0 : i32
        %get3A_861 = arith.constant 0 : i32
        %get3A_862 = tpu.memref_slice %arg10[%scan3A_534, %get3A_860, %get3A_861] : memref<2x48x128xf32, #tpu.memory_space<vmem>> -> memref<1x48x128xf32, #tpu.memory_space<vmem>>
        %get3A_863 = tpu.memref_squeeze %get3A_862 : memref<1x48x128xf32, #tpu.memory_space<vmem>> -> memref<48x128xf32, #tpu.memory_space<vmem>>
        %get3A_864 = arith.index_cast %scan3A_726 : i32 to index
        %get3A_865 = arith.constant 96 : index
        %get3A_866 = tpu.vector_load %get3A_863[%get3A_864, %get3A_865] {strides = array<i32>} : memref<48x128xf32, #tpu.memory_space<vmem>>, vector<16xf32>,
        %add3A_867 = arith.addf %get3A_859, %get3A_866 : vector<16xf32>
        %gt3A_868 = arith.constant 0.000000e+00 : f32
        %gt3A_869 = vector.broadcast %gt3A_868 : f32 to vector<16xf32>
        %gt3A_870 = arith.cmpf ogt, %add3A_867, %gt3A_869 : vector<16xf32>
        %select_n3A_871 = arith.select %gt3A_870, %get3A_75, %mul3A_98 : vector<16xi1>, vector<16xf32>
        %mul3A_872 = arith.mulf %add3A_867, %select_n3A_871 : vector<16xf32>
        %add3A_873 = arith.addf %add3A_852, %mul3A_872 : vector<16xf32>
        %get3A_874 = arith.constant 0 : i32
        %get3A_875 = arith.constant 0 : i32
        %get3A_876 = tpu.memref_slice %arg9[%scan3A_533, %get3A_874, %get3A_875] : memref<2x48x128xf32, #tpu.memory_space<vmem>> -> memref<1x48x128xf32, #tpu.memory_space<vmem>>
        %get3A_877 = tpu.memref_squeeze %get3A_876 : memref<1x48x128xf32, #tpu.memory_space<vmem>> -> memref<48x128xf32, #tpu.memory_space<vmem>>
        %get3A_878 = arith.index_cast %scan3A_726 : i32 to index
        %get3A_879 = arith.constant 112 : index
        %get3A_880 = tpu.vector_load %get3A_877[%get3A_878, %get3A_879] {strides = array<i32>} : memref<48x128xf32, #tpu.memory_space<vmem>>, vector<16xf32>,
        %get3A_881 = arith.constant 0 : i32
        %get3A_882 = arith.constant 0 : i32
        %get3A_883 = tpu.memref_slice %arg10[%scan3A_534, %get3A_881, %get3A_882] : memref<2x48x128xf32, #tpu.memory_space<vmem>> -> memref<1x48x128xf32, #tpu.memory_space<vmem>>
        %get3A_884 = tpu.memref_squeeze %get3A_883 : memref<1x48x128xf32, #tpu.memory_space<vmem>> -> memref<48x128xf32, #tpu.memory_space<vmem>>
        %get3A_885 = arith.index_cast %scan3A_726 : i32 to index
        %get3A_886 = arith.constant 112 : index
        %get3A_887 = tpu.vector_load %get3A_884[%get3A_885, %get3A_886] {strides = array<i32>} : memref<48x128xf32, #tpu.memory_space<vmem>>, vector<16xf32>,
        %add3A_888 = arith.addf %get3A_880, %get3A_887 : vector<16xf32>
        %gt3A_889 = arith.constant 0.000000e+00 : f32
        %gt3A_890 = vector.broadcast %gt3A_889 : f32 to vector<16xf32>
        %gt3A_891 = arith.cmpf ogt, %add3A_888, %gt3A_890 : vector<16xf32>
        %select_n3A_892 = arith.select %gt3A_891, %get3A_77, %mul3A_101 : vector<16xi1>, vector<16xf32>
        %mul3A_893 = arith.mulf %add3A_888, %select_n3A_892 : vector<16xf32>
        %add3A_894 = arith.addf %add3A_873, %mul3A_893 : vector<16xf32>
        %reduce_sum3A = arith.constant true
        %reduce_sum3A_895 = vector.broadcast %reduce_sum3A : i1 to vector<16xi1>
        %reduce_sum3A_896 = tpu.scan <sum>, %add3A_894 masked %reduce_sum3A_895 : vector<16xf32>, vector<16xi1> -> vector<16xf32>
        %reduce_sum3A_897 = vector.extract %reduce_sum3A_896[15] : f32 from vector<16xf32>
        %broadcast_in_dim3A_898 = vector.broadcast %reduce_sum3A_897 : f32 to vector<16xf32>
        %exp3A = math.exp %broadcast_in_dim3A_898 : vector<16xf32>
        %mul3A_899 = arith.mulf %get3A_735, %exp3A : vector<16xf32>
        %swap3A = arith.constant 0 : i32
        %swap3A_900 = arith.constant 0 : i32
        %swap3A_901 = tpu.memref_slice %arg10[%scan3A_534, %swap3A, %swap3A_900] : memref<2x48x128xf32, #tpu.memory_space<vmem>> -> memref<1x48x128xf32, #tpu.memory_space<vmem>>
        %swap3A_902 = tpu.memref_squeeze %swap3A_901 : memref<1x48x128xf32, #tpu.memory_space<vmem>> -> memref<48x128xf32, #tpu.memory_space<vmem>>
        %swap3A_903 = arith.index_cast %scan3A_726 : i32 to index
        %swap3A_904 = arith.constant 0 : index
        %swap3A_905 = tpu.vector_load %swap3A_902[%swap3A_903, %swap3A_904] {strides = array<i32>} : memref<48x128xf32, #tpu.memory_space<vmem>>, vector<16xf32>,
        tpu.vector_store %swap3A_902[%swap3A_903, %swap3A_904], %mul3A_899 {strides = array<i32>} : memref<48x128xf32, #tpu.memory_space<vmem>>, vector<16xf32>,
        %mul3A_906 = arith.mulf %get3A_754, %exp3A : vector<16xf32>
        %swap3A_907 = arith.constant 0 : i32
        %swap3A_908 = arith.constant 0 : i32
        %swap3A_909 = tpu.memref_slice %arg10[%scan3A_534, %swap3A_907, %swap3A_908] : memref<2x48x128xf32, #tpu.memory_space<vmem>> -> memref<1x48x128xf32, #tpu.memory_space<vmem>>
        %swap3A_910 = tpu.memref_squeeze %swap3A_909 : memref<1x48x128xf32, #tpu.memory_space<vmem>> -> memref<48x128xf32, #tpu.memory_space<vmem>>
        %swap3A_911 = arith.index_cast %scan3A_726 : i32 to index
        %swap3A_912 = arith.constant 16 : index
        %swap3A_913 = tpu.vector_load %swap3A_910[%swap3A_911, %swap3A_912] {strides = array<i32>} : memref<48x128xf32, #tpu.memory_space<vmem>>, vector<16xf32>,
        tpu.vector_store %swap3A_910[%swap3A_911, %swap3A_912], %mul3A_906 {strides = array<i32>} : memref<48x128xf32, #tpu.memory_space<vmem>>, vector<16xf32>,
        %mul3A_914 = arith.mulf %get3A_775, %exp3A : vector<16xf32>
        %swap3A_915 = arith.constant 0 : i32
        %swap3A_916 = arith.constant 0 : i32
        %swap3A_917 = tpu.memref_slice %arg10[%scan3A_534, %swap3A_915, %swap3A_916] : memref<2x48x128xf32, #tpu.memory_space<vmem>> -> memref<1x48x128xf32, #tpu.memory_space<vmem>>
        %swap3A_918 = tpu.memref_squeeze %swap3A_917 : memref<1x48x128xf32, #tpu.memory_space<vmem>> -> memref<48x128xf32, #tpu.memory_space<vmem>>
        %swap3A_919 = arith.index_cast %scan3A_726 : i32 to index
        %swap3A_920 = arith.constant 32 : index
        %swap3A_921 = tpu.vector_load %swap3A_918[%swap3A_919, %swap3A_920] {strides = array<i32>} : memref<48x128xf32, #tpu.memory_space<vmem>>, vector<16xf32>,
        tpu.vector_store %swap3A_918[%swap3A_919, %swap3A_920], %mul3A_914 {strides = array<i32>} : memref<48x128xf32, #tpu.memory_space<vmem>>, vector<16xf32>,
        %mul3A_922 = arith.mulf %get3A_796, %exp3A : vector<16xf32>
        %swap3A_923 = arith.constant 0 : i32
        %swap3A_924 = arith.constant 0 : i32
        %swap3A_925 = tpu.memref_slice %arg10[%scan3A_534, %swap3A_923, %swap3A_924] : memref<2x48x128xf32, #tpu.memory_space<vmem>> -> memref<1x48x128xf32, #tpu.memory_space<vmem>>
        %swap3A_926 = tpu.memref_squeeze %swap3A_925 : memref<1x48x128xf32, #tpu.memory_space<vmem>> -> memref<48x128xf32, #tpu.memory_space<vmem>>
        %swap3A_927 = arith.index_cast %scan3A_726 : i32 to index
        %swap3A_928 = arith.constant 48 : index
        %swap3A_929 = tpu.vector_load %swap3A_926[%swap3A_927, %swap3A_928] {strides = array<i32>} : memref<48x128xf32, #tpu.memory_space<vmem>>, vector<16xf32>,
        tpu.vector_store %swap3A_926[%swap3A_927, %swap3A_928], %mul3A_922 {strides = array<i32>} : memref<48x128xf32, #tpu.memory_space<vmem>>, vector<16xf32>,
        %mul3A_930 = arith.mulf %get3A_817, %exp3A : vector<16xf32>
        %swap3A_931 = arith.constant 0 : i32
        %swap3A_932 = arith.constant 0 : i32
        %swap3A_933 = tpu.memref_slice %arg10[%scan3A_534, %swap3A_931, %swap3A_932] : memref<2x48x128xf32, #tpu.memory_space<vmem>> -> memref<1x48x128xf32, #tpu.memory_space<vmem>>
        %swap3A_934 = tpu.memref_squeeze %swap3A_933 : memref<1x48x128xf32, #tpu.memory_space<vmem>> -> memref<48x128xf32, #tpu.memory_space<vmem>>
        %swap3A_935 = arith.index_cast %scan3A_726 : i32 to index
        %swap3A_936 = arith.constant 64 : index
        %swap3A_937 = tpu.vector_load %swap3A_934[%swap3A_935, %swap3A_936] {strides = array<i32>} : memref<48x128xf32, #tpu.memory_space<vmem>>, vector<16xf32>,
        tpu.vector_store %swap3A_934[%swap3A_935, %swap3A_936], %mul3A_930 {strides = array<i32>} : memref<48x128xf32, #tpu.memory_space<vmem>>, vector<16xf32>,
        %mul3A_938 = arith.mulf %get3A_838, %exp3A : vector<16xf32>
        %swap3A_939 = arith.constant 0 : i32
        %swap3A_940 = arith.constant 0 : i32
        %swap3A_941 = tpu.memref_slice %arg10[%scan3A_534, %swap3A_939, %swap3A_940] : memref<2x48x128xf32, #tpu.memory_space<vmem>> -> memref<1x48x128xf32, #tpu.memory_space<vmem>>
        %swap3A_942 = tpu.memref_squeeze %swap3A_941 : memref<1x48x128xf32, #tpu.memory_space<vmem>> -> memref<48x128xf32, #tpu.memory_space<vmem>>
        %swap3A_943 = arith.index_cast %scan3A_726 : i32 to index
        %swap3A_944 = arith.constant 80 : index
        %swap3A_945 = tpu.vector_load %swap3A_942[%swap3A_943, %swap3A_944] {strides = array<i32>} : memref<48x128xf32, #tpu.memory_space<vmem>>, vector<16xf32>,
        tpu.vector_store %swap3A_942[%swap3A_943, %swap3A_944], %mul3A_938 {strides = array<i32>} : memref<48x128xf32, #tpu.memory_space<vmem>>, vector<16xf32>,
        %mul3A_946 = arith.mulf %get3A_859, %exp3A : vector<16xf32>
        %swap3A_947 = arith.constant 0 : i32
        %swap3A_948 = arith.constant 0 : i32
        %swap3A_949 = tpu.memref_slice %arg10[%scan3A_534, %swap3A_947, %swap3A_948] : memref<2x48x128xf32, #tpu.memory_space<vmem>> -> memref<1x48x128xf32, #tpu.memory_space<vmem>>
        %swap3A_950 = tpu.memref_squeeze %swap3A_949 : memref<1x48x128xf32, #tpu.memory_space<vmem>> -> memref<48x128xf32, #tpu.memory_space<vmem>>
        %swap3A_951 = arith.index_cast %scan3A_726 : i32 to index
        %swap3A_952 = arith.constant 96 : index
        %swap3A_953 = tpu.vector_load %swap3A_950[%swap3A_951, %swap3A_952] {strides = array<i32>} : memref<48x128xf32, #tpu.memory_space<vmem>>, vector<16xf32>,
        tpu.vector_store %swap3A_950[%swap3A_951, %swap3A_952], %mul3A_946 {strides = array<i32>} : memref<48x128xf32, #tpu.memory_space<vmem>>, vector<16xf32>,
        %mul3A_954 = arith.mulf %get3A_880, %exp3A : vector<16xf32>
        %swap3A_955 = arith.constant 0 : i32
        %swap3A_956 = arith.constant 0 : i32
        %swap3A_957 = tpu.memref_slice %arg10[%scan3A_534, %swap3A_955, %swap3A_956] : memref<2x48x128xf32, #tpu.memory_space<vmem>> -> memref<1x48x128xf32, #tpu.memory_space<vmem>>
        %swap3A_958 = tpu.memref_squeeze %swap3A_957 : memref<1x48x128xf32, #tpu.memory_space<vmem>> -> memref<48x128xf32, #tpu.memory_space<vmem>>
        %swap3A_959 = arith.index_cast %scan3A_726 : i32 to index
        %swap3A_960 = arith.constant 112 : index
        %swap3A_961 = tpu.vector_load %swap3A_958[%swap3A_959, %swap3A_960] {strides = array<i32>} : memref<48x128xf32, #tpu.memory_space<vmem>>, vector<16xf32>,
        tpu.vector_store %swap3A_958[%swap3A_959, %swap3A_960], %mul3A_954 {strides = array<i32>} : memref<48x128xf32, #tpu.memory_space<vmem>>, vector<16xf32>,
        %swap3A_962 = arith.index_cast %scan3A_726 : i32 to index
        %swap3A_963 = arith.constant 0 : index
        %swap3A_964 = tpu.vector_load %arg11[%swap3A_962, %swap3A_963] {strides = array<i32>} : memref<48x16xf32, #tpu.memory_space<vmem>>, vector<16xf32>,
        tpu.vector_store %arg11[%swap3A_962, %swap3A_963], %exp3A {strides = array<i32>} : memref<48x16xf32, #tpu.memory_space<vmem>>, vector<16xf32>,
        %scan3A_965 = arith.constant 1 : i32
        %scan3A_966 = arith.addi %scan3A_726, %scan3A_965 : i32
        %broadcast_in_dim3A_967 = arith.constant 0.000000e+00 : f32
        %broadcast_in_dim3A_968 = vector.broadcast %broadcast_in_dim3A_967 : f32 to vector<16xf32>
        %get3A_969 = arith.constant 0 : i32
        %get3A_970 = arith.constant 0 : i32
        %get3A_971 = tpu.memref_slice %arg9[%scan3A_533, %get3A_969, %get3A_970] : memref<2x48x128xf32, #tpu.memory_space<vmem>> -> memref<1x48x128xf32, #tpu.memory_space<vmem>>
        %get3A_972 = tpu.memref_squeeze %get3A_971 : memref<1x48x128xf32, #tpu.memory_space<vmem>> -> memref<48x128xf32, #tpu.memory_space<vmem>>
        %get3A_973 = arith.index_cast %scan3A_966 : i32 to index
        %get3A_974 = arith.constant 0 : index
        %get3A_975 = tpu.vector_load %get3A_972[%get3A_973, %get3A_974] {strides = array<i32>} : memref<48x128xf32, #tpu.memory_space<vmem>>, vector<16xf32>,
        %get3A_976 = arith.constant 0 : i32
        %get3A_977 = arith.constant 0 : i32
        %get3A_978 = tpu.memref_slice %arg10[%scan3A_534, %get3A_976, %get3A_977] : memref<2x48x128xf32, #tpu.memory_space<vmem>> -> memref<1x48x128xf32, #tpu.memory_space<vmem>>
        %get3A_979 = tpu.memref_squeeze %get3A_978 : memref<1x48x128xf32, #tpu.memory_space<vmem>> -> memref<48x128xf32, #tpu.memory_space<vmem>>
        %get3A_980 = arith.index_cast %scan3A_966 : i32 to index
        %get3A_981 = arith.constant 0 : index
        %get3A_982 = tpu.vector_load %get3A_979[%get3A_980, %get3A_981] {strides = array<i32>} : memref<48x128xf32, #tpu.memory_space<vmem>>, vector<16xf32>,
        %add3A_983 = arith.addf %get3A_975, %get3A_982 : vector<16xf32>
        %gt3A_984 = arith.constant 0.000000e+00 : f32
        %gt3A_985 = vector.broadcast %gt3A_984 : f32 to vector<16xf32>
        %gt3A_986 = arith.cmpf ogt, %add3A_983, %gt3A_985 : vector<16xf32>
        %select_n3A_987 = arith.select %gt3A_986, %get3A_63, %mul3A_80 : vector<16xi1>, vector<16xf32>
        %mul3A_988 = arith.mulf %add3A_983, %select_n3A_987 : vector<16xf32>
        %add3A_989 = arith.addf %broadcast_in_dim3A_968, %mul3A_988 : vector<16xf32>
        %get3A_990 = arith.constant 0 : i32
        %get3A_991 = arith.constant 0 : i32
        %get3A_992 = tpu.memref_slice %arg9[%scan3A_533, %get3A_990, %get3A_991] : memref<2x48x128xf32, #tpu.memory_space<vmem>> -> memref<1x48x128xf32, #tpu.memory_space<vmem>>
        %get3A_993 = tpu.memref_squeeze %get3A_992 : memref<1x48x128xf32, #tpu.memory_space<vmem>> -> memref<48x128xf32, #tpu.memory_space<vmem>>
        %get3A_994 = arith.index_cast %scan3A_966 : i32 to index
        %get3A_995 = arith.constant 16 : index
        %get3A_996 = tpu.vector_load %get3A_993[%get3A_994, %get3A_995] {strides = array<i32>} : memref<48x128xf32, #tpu.memory_space<vmem>>, vector<16xf32>,
        %get3A_997 = arith.constant 0 : i32
        %get3A_998 = arith.constant 0 : i32
        %get3A_999 = tpu.memref_slice %arg10[%scan3A_534, %get3A_997, %get3A_998] : memref<2x48x128xf32, #tpu.memory_space<vmem>> -> memref<1x48x128xf32, #tpu.memory_space<vmem>>
        %get3A_1000 = tpu.memref_squeeze %get3A_999 : memref<1x48x128xf32, #tpu.memory_space<vmem>> -> memref<48x128xf32, #tpu.memory_space<vmem>>
        %get3A_1001 = arith.index_cast %scan3A_966 : i32 to index
        %get3A_1002 = arith.constant 16 : index
        %get3A_1003 = tpu.vector_load %get3A_1000[%get3A_1001, %get3A_1002] {strides = array<i32>} : memref<48x128xf32, #tpu.memory_space<vmem>>, vector<16xf32>,
        %add3A_1004 = arith.addf %get3A_996, %get3A_1003 : vector<16xf32>
        %gt3A_1005 = arith.constant 0.000000e+00 : f32
        %gt3A_1006 = vector.broadcast %gt3A_1005 : f32 to vector<16xf32>
        %gt3A_1007 = arith.cmpf ogt, %add3A_1004, %gt3A_1006 : vector<16xf32>
        %select_n3A_1008 = arith.select %gt3A_1007, %get3A_65, %mul3A_83 : vector<16xi1>, vector<16xf32>
        %mul3A_1009 = arith.mulf %add3A_1004, %select_n3A_1008 : vector<16xf32>
        %add3A_1010 = arith.addf %add3A_989, %mul3A_1009 : vector<16xf32>
        %get3A_1011 = arith.constant 0 : i32
        %get3A_1012 = arith.constant 0 : i32
        %get3A_1013 = tpu.memref_slice %arg9[%scan3A_533, %get3A_1011, %get3A_1012] : memref<2x48x128xf32, #tpu.memory_space<vmem>> -> memref<1x48x128xf32, #tpu.memory_space<vmem>>
        %get3A_1014 = tpu.memref_squeeze %get3A_1013 : memref<1x48x128xf32, #tpu.memory_space<vmem>> -> memref<48x128xf32, #tpu.memory_space<vmem>>
        %get3A_1015 = arith.index_cast %scan3A_966 : i32 to index
        %get3A_1016 = arith.constant 32 : index
        %get3A_1017 = tpu.vector_load %get3A_1014[%get3A_1015, %get3A_1016] {strides = array<i32>} : memref<48x128xf32, #tpu.memory_space<vmem>>, vector<16xf32>,
        %get3A_1018 = arith.constant 0 : i32
        %get3A_1019 = arith.constant 0 : i32
        %get3A_1020 = tpu.memref_slice %arg10[%scan3A_534, %get3A_1018, %get3A_1019] : memref<2x48x128xf32, #tpu.memory_space<vmem>> -> memref<1x48x128xf32, #tpu.memory_space<vmem>>
        %get3A_1021 = tpu.memref_squeeze %get3A_1020 : memref<1x48x128xf32, #tpu.memory_space<vmem>> -> memref<48x128xf32, #tpu.memory_space<vmem>>
        %get3A_1022 = arith.index_cast %scan3A_966 : i32 to index
        %get3A_1023 = arith.constant 32 : index
        %get3A_1024 = tpu.vector_load %get3A_1021[%get3A_1022, %get3A_1023] {strides = array<i32>} : memref<48x128xf32, #tpu.memory_space<vmem>>, vector<16xf32>,
        %add3A_1025 = arith.addf %get3A_1017, %get3A_1024 : vector<16xf32>
        %gt3A_1026 = arith.constant 0.000000e+00 : f32
        %gt3A_1027 = vector.broadcast %gt3A_1026 : f32 to vector<16xf32>
        %gt3A_1028 = arith.cmpf ogt, %add3A_1025, %gt3A_1027 : vector<16xf32>
        %select_n3A_1029 = arith.select %gt3A_1028, %get3A_67, %mul3A_86 : vector<16xi1>, vector<16xf32>
        %mul3A_1030 = arith.mulf %add3A_1025, %select_n3A_1029 : vector<16xf32>
        %add3A_1031 = arith.addf %add3A_1010, %mul3A_1030 : vector<16xf32>
        %get3A_1032 = arith.constant 0 : i32
        %get3A_1033 = arith.constant 0 : i32
        %get3A_1034 = tpu.memref_slice %arg9[%scan3A_533, %get3A_1032, %get3A_1033] : memref<2x48x128xf32, #tpu.memory_space<vmem>> -> memref<1x48x128xf32, #tpu.memory_space<vmem>>
        %get3A_1035 = tpu.memref_squeeze %get3A_1034 : memref<1x48x128xf32, #tpu.memory_space<vmem>> -> memref<48x128xf32, #tpu.memory_space<vmem>>
        %get3A_1036 = arith.index_cast %scan3A_966 : i32 to index
        %get3A_1037 = arith.constant 48 : index
        %get3A_1038 = tpu.vector_load %get3A_1035[%get3A_1036, %get3A_1037] {strides = array<i32>} : memref<48x128xf32, #tpu.memory_space<vmem>>, vector<16xf32>,
        %get3A_1039 = arith.constant 0 : i32
        %get3A_1040 = arith.constant 0 : i32
        %get3A_1041 = tpu.memref_slice %arg10[%scan3A_534, %get3A_1039, %get3A_1040] : memref<2x48x128xf32, #tpu.memory_space<vmem>> -> memref<1x48x128xf32, #tpu.memory_space<vmem>>
        %get3A_1042 = tpu.memref_squeeze %get3A_1041 : memref<1x48x128xf32, #tpu.memory_space<vmem>> -> memref<48x128xf32, #tpu.memory_space<vmem>>
        %get3A_1043 = arith.index_cast %scan3A_966 : i32 to index
        %get3A_1044 = arith.constant 48 : index
        %get3A_1045 = tpu.vector_load %get3A_1042[%get3A_1043, %get3A_1044] {strides = array<i32>} : memref<48x128xf32, #tpu.memory_space<vmem>>, vector<16xf32>,
        %add3A_1046 = arith.addf %get3A_1038, %get3A_1045 : vector<16xf32>
        %gt3A_1047 = arith.constant 0.000000e+00 : f32
        %gt3A_1048 = vector.broadcast %gt3A_1047 : f32 to vector<16xf32>
        %gt3A_1049 = arith.cmpf ogt, %add3A_1046, %gt3A_1048 : vector<16xf32>
        %select_n3A_1050 = arith.select %gt3A_1049, %get3A_69, %mul3A_89 : vector<16xi1>, vector<16xf32>
        %mul3A_1051 = arith.mulf %add3A_1046, %select_n3A_1050 : vector<16xf32>
        %add3A_1052 = arith.addf %add3A_1031, %mul3A_1051 : vector<16xf32>
        %get3A_1053 = arith.constant 0 : i32
        %get3A_1054 = arith.constant 0 : i32
        %get3A_1055 = tpu.memref_slice %arg9[%scan3A_533, %get3A_1053, %get3A_1054] : memref<2x48x128xf32, #tpu.memory_space<vmem>> -> memref<1x48x128xf32, #tpu.memory_space<vmem>>
        %get3A_1056 = tpu.memref_squeeze %get3A_1055 : memref<1x48x128xf32, #tpu.memory_space<vmem>> -> memref<48x128xf32, #tpu.memory_space<vmem>>
        %get3A_1057 = arith.index_cast %scan3A_966 : i32 to index
        %get3A_1058 = arith.constant 64 : index
        %get3A_1059 = tpu.vector_load %get3A_1056[%get3A_1057, %get3A_1058] {strides = array<i32>} : memref<48x128xf32, #tpu.memory_space<vmem>>, vector<16xf32>,
        %get3A_1060 = arith.constant 0 : i32
        %get3A_1061 = arith.constant 0 : i32
        %get3A_1062 = tpu.memref_slice %arg10[%scan3A_534, %get3A_1060, %get3A_1061] : memref<2x48x128xf32, #tpu.memory_space<vmem>> -> memref<1x48x128xf32, #tpu.memory_space<vmem>>
        %get3A_1063 = tpu.memref_squeeze %get3A_1062 : memref<1x48x128xf32, #tpu.memory_space<vmem>> -> memref<48x128xf32, #tpu.memory_space<vmem>>
        %get3A_1064 = arith.index_cast %scan3A_966 : i32 to index
        %get3A_1065 = arith.constant 64 : index
        %get3A_1066 = tpu.vector_load %get3A_1063[%get3A_1064, %get3A_1065] {strides = array<i32>} : memref<48x128xf32, #tpu.memory_space<vmem>>, vector<16xf32>,
        %add3A_1067 = arith.addf %get3A_1059, %get3A_1066 : vector<16xf32>
        %gt3A_1068 = arith.constant 0.000000e+00 : f32
        %gt3A_1069 = vector.broadcast %gt3A_1068 : f32 to vector<16xf32>
        %gt3A_1070 = arith.cmpf ogt, %add3A_1067, %gt3A_1069 : vector<16xf32>
        %select_n3A_1071 = arith.select %gt3A_1070, %get3A_71, %mul3A_92 : vector<16xi1>, vector<16xf32>
        %mul3A_1072 = arith.mulf %add3A_1067, %select_n3A_1071 : vector<16xf32>
        %add3A_1073 = arith.addf %add3A_1052, %mul3A_1072 : vector<16xf32>
        %get3A_1074 = arith.constant 0 : i32
        %get3A_1075 = arith.constant 0 : i32
        %get3A_1076 = tpu.memref_slice %arg9[%scan3A_533, %get3A_1074, %get3A_1075] : memref<2x48x128xf32, #tpu.memory_space<vmem>> -> memref<1x48x128xf32, #tpu.memory_space<vmem>>
        %get3A_1077 = tpu.memref_squeeze %get3A_1076 : memref<1x48x128xf32, #tpu.memory_space<vmem>> -> memref<48x128xf32, #tpu.memory_space<vmem>>
        %get3A_1078 = arith.index_cast %scan3A_966 : i32 to index
        %get3A_1079 = arith.constant 80 : index
        %get3A_1080 = tpu.vector_load %get3A_1077[%get3A_1078, %get3A_1079] {strides = array<i32>} : memref<48x128xf32, #tpu.memory_space<vmem>>, vector<16xf32>,
        %get3A_1081 = arith.constant 0 : i32
        %get3A_1082 = arith.constant 0 : i32
        %get3A_1083 = tpu.memref_slice %arg10[%scan3A_534, %get3A_1081, %get3A_1082] : memref<2x48x128xf32, #tpu.memory_space<vmem>> -> memref<1x48x128xf32, #tpu.memory_space<vmem>>
        %get3A_1084 = tpu.memref_squeeze %get3A_1083 : memref<1x48x128xf32, #tpu.memory_space<vmem>> -> memref<48x128xf32, #tpu.memory_space<vmem>>
        %get3A_1085 = arith.index_cast %scan3A_966 : i32 to index
        %get3A_1086 = arith.constant 80 : index
        %get3A_1087 = tpu.vector_load %get3A_1084[%get3A_1085, %get3A_1086] {strides = array<i32>} : memref<48x128xf32, #tpu.memory_space<vmem>>, vector<16xf32>,
        %add3A_1088 = arith.addf %get3A_1080, %get3A_1087 : vector<16xf32>
        %gt3A_1089 = arith.constant 0.000000e+00 : f32
        %gt3A_1090 = vector.broadcast %gt3A_1089 : f32 to vector<16xf32>
        %gt3A_1091 = arith.cmpf ogt, %add3A_1088, %gt3A_1090 : vector<16xf32>
        %select_n3A_1092 = arith.select %gt3A_1091, %get3A_73, %mul3A_95 : vector<16xi1>, vector<16xf32>
        %mul3A_1093 = arith.mulf %add3A_1088, %select_n3A_1092 : vector<16xf32>
        %add3A_1094 = arith.addf %add3A_1073, %mul3A_1093 : vector<16xf32>
        %get3A_1095 = arith.constant 0 : i32
        %get3A_1096 = arith.constant 0 : i32
        %get3A_1097 = tpu.memref_slice %arg9[%scan3A_533, %get3A_1095, %get3A_1096] : memref<2x48x128xf32, #tpu.memory_space<vmem>> -> memref<1x48x128xf32, #tpu.memory_space<vmem>>
        %get3A_1098 = tpu.memref_squeeze %get3A_1097 : memref<1x48x128xf32, #tpu.memory_space<vmem>> -> memref<48x128xf32, #tpu.memory_space<vmem>>
        %get3A_1099 = arith.index_cast %scan3A_966 : i32 to index
        %get3A_1100 = arith.constant 96 : index
        %get3A_1101 = tpu.vector_load %get3A_1098[%get3A_1099, %get3A_1100] {strides = array<i32>} : memref<48x128xf32, #tpu.memory_space<vmem>>, vector<16xf32>,
        %get3A_1102 = arith.constant 0 : i32
        %get3A_1103 = arith.constant 0 : i32
        %get3A_1104 = tpu.memref_slice %arg10[%scan3A_534, %get3A_1102, %get3A_1103] : memref<2x48x128xf32, #tpu.memory_space<vmem>> -> memref<1x48x128xf32, #tpu.memory_space<vmem>>
        %get3A_1105 = tpu.memref_squeeze %get3A_1104 : memref<1x48x128xf32, #tpu.memory_space<vmem>> -> memref<48x128xf32, #tpu.memory_space<vmem>>
        %get3A_1106 = arith.index_cast %scan3A_966 : i32 to index
        %get3A_1107 = arith.constant 96 : index
        %get3A_1108 = tpu.vector_load %get3A_1105[%get3A_1106, %get3A_1107] {strides = array<i32>} : memref<48x128xf32, #tpu.memory_space<vmem>>, vector<16xf32>,
        %add3A_1109 = arith.addf %get3A_1101, %get3A_1108 : vector<16xf32>
        %gt3A_1110 = arith.constant 0.000000e+00 : f32
        %gt3A_1111 = vector.broadcast %gt3A_1110 : f32 to vector<16xf32>
        %gt3A_1112 = arith.cmpf ogt, %add3A_1109, %gt3A_1111 : vector<16xf32>
        %select_n3A_1113 = arith.select %gt3A_1112, %get3A_75, %mul3A_98 : vector<16xi1>, vector<16xf32>
        %mul3A_1114 = arith.mulf %add3A_1109, %select_n3A_1113 : vector<16xf32>
        %add3A_1115 = arith.addf %add3A_1094, %mul3A_1114 : vector<16xf32>
        %get3A_1116 = arith.constant 0 : i32
        %get3A_1117 = arith.constant 0 : i32
        %get3A_1118 = tpu.memref_slice %arg9[%scan3A_533, %get3A_1116, %get3A_1117] : memref<2x48x128xf32, #tpu.memory_space<vmem>> -> memref<1x48x128xf32, #tpu.memory_space<vmem>>
        %get3A_1119 = tpu.memref_squeeze %get3A_1118 : memref<1x48x128xf32, #tpu.memory_space<vmem>> -> memref<48x128xf32, #tpu.memory_space<vmem>>
        %get3A_1120 = arith.index_cast %scan3A_966 : i32 to index
        %get3A_1121 = arith.constant 112 : index
        %get3A_1122 = tpu.vector_load %get3A_1119[%get3A_1120, %get3A_1121] {strides = array<i32>} : memref<48x128xf32, #tpu.memory_space<vmem>>, vector<16xf32>,
        %get3A_1123 = arith.constant 0 : i32
        %get3A_1124 = arith.constant 0 : i32
        %get3A_1125 = tpu.memref_slice %arg10[%scan3A_534, %get3A_1123, %get3A_1124] : memref<2x48x128xf32, #tpu.memory_space<vmem>> -> memref<1x48x128xf32, #tpu.memory_space<vmem>>
        %get3A_1126 = tpu.memref_squeeze %get3A_1125 : memref<1x48x128xf32, #tpu.memory_space<vmem>> -> memref<48x128xf32, #tpu.memory_space<vmem>>
        %get3A_1127 = arith.index_cast %scan3A_966 : i32 to index
        %get3A_1128 = arith.constant 112 : index
        %get3A_1129 = tpu.vector_load %get3A_1126[%get3A_1127, %get3A_1128] {strides = array<i32>} : memref<48x128xf32, #tpu.memory_space<vmem>>, vector<16xf32>,
        %add3A_1130 = arith.addf %get3A_1122, %get3A_1129 : vector<16xf32>
        %gt3A_1131 = arith.constant 0.000000e+00 : f32
        %gt3A_1132 = vector.broadcast %gt3A_1131 : f32 to vector<16xf32>
        %gt3A_1133 = arith.cmpf ogt, %add3A_1130, %gt3A_1132 : vector<16xf32>
        %select_n3A_1134 = arith.select %gt3A_1133, %get3A_77, %mul3A_101 : vector<16xi1>, vector<16xf32>
        %mul3A_1135 = arith.mulf %add3A_1130, %select_n3A_1134 : vector<16xf32>
        %add3A_1136 = arith.addf %add3A_1115, %mul3A_1135 : vector<16xf32>
        %reduce_sum3A_1137 = arith.constant true
        %reduce_sum3A_1138 = vector.broadcast %reduce_sum3A_1137 : i1 to vector<16xi1>
        %reduce_sum3A_1139 = tpu.scan <sum>, %add3A_1136 masked %reduce_sum3A_1138 : vector<16xf32>, vector<16xi1> -> vector<16xf32>
        %reduce_sum3A_1140 = vector.extract %reduce_sum3A_1139[15] : f32 from vector<16xf32>
        %broadcast_in_dim3A_1141 = vector.broadcast %reduce_sum3A_1140 : f32 to vector<16xf32>
        %exp3A_1142 = math.exp %broadcast_in_dim3A_1141 : vector<16xf32>
        %mul3A_1143 = arith.mulf %get3A_975, %exp3A_1142 : vector<16xf32>
        %swap3A_1144 = arith.constant 0 : i32
        %swap3A_1145 = arith.constant 0 : i32
        %swap3A_1146 = tpu.memref_slice %arg10[%scan3A_534, %swap3A_1144, %swap3A_1145] : memref<2x48x128xf32, #tpu.memory_space<vmem>> -> memref<1x48x128xf32, #tpu.memory_space<vmem>>
        %swap3A_1147 = tpu.memref_squeeze %swap3A_1146 : memref<1x48x128xf32, #tpu.memory_space<vmem>> -> memref<48x128xf32, #tpu.memory_space<vmem>>
        %swap3A_1148 = arith.index_cast %scan3A_966 : i32 to index
        %swap3A_1149 = arith.constant 0 : index
        %swap3A_1150 = tpu.vector_load %swap3A_1147[%swap3A_1148, %swap3A_1149] {strides = array<i32>} : memref<48x128xf32, #tpu.memory_space<vmem>>, vector<16xf32>,
        tpu.vector_store %swap3A_1147[%swap3A_1148, %swap3A_1149], %mul3A_1143 {strides = array<i32>} : memref<48x128xf32, #tpu.memory_space<vmem>>, vector<16xf32>,
        %mul3A_1151 = arith.mulf %get3A_996, %exp3A_1142 : vector<16xf32>
        %swap3A_1152 = arith.constant 0 : i32
        %swap3A_1153 = arith.constant 0 : i32
        %swap3A_1154 = tpu.memref_slice %arg10[%scan3A_534, %swap3A_1152, %swap3A_1153] : memref<2x48x128xf32, #tpu.memory_space<vmem>> -> memref<1x48x128xf32, #tpu.memory_space<vmem>>
        %swap3A_1155 = tpu.memref_squeeze %swap3A_1154 : memref<1x48x128xf32, #tpu.memory_space<vmem>> -> memref<48x128xf32, #tpu.memory_space<vmem>>
        %swap3A_1156 = arith.index_cast %scan3A_966 : i32 to index
        %swap3A_1157 = arith.constant 16 : index
        %swap3A_1158 = tpu.vector_load %swap3A_1155[%swap3A_1156, %swap3A_1157] {strides = array<i32>} : memref<48x128xf32, #tpu.memory_space<vmem>>, vector<16xf32>,
        tpu.vector_store %swap3A_1155[%swap3A_1156, %swap3A_1157], %mul3A_1151 {strides = array<i32>} : memref<48x128xf32, #tpu.memory_space<vmem>>, vector<16xf32>,
        %mul3A_1159 = arith.mulf %get3A_1017, %exp3A_1142 : vector<16xf32>
        %swap3A_1160 = arith.constant 0 : i32
        %swap3A_1161 = arith.constant 0 : i32
        %swap3A_1162 = tpu.memref_slice %arg10[%scan3A_534, %swap3A_1160, %swap3A_1161] : memref<2x48x128xf32, #tpu.memory_space<vmem>> -> memref<1x48x128xf32, #tpu.memory_space<vmem>>
        %swap3A_1163 = tpu.memref_squeeze %swap3A_1162 : memref<1x48x128xf32, #tpu.memory_space<vmem>> -> memref<48x128xf32, #tpu.memory_space<vmem>>
        %swap3A_1164 = arith.index_cast %scan3A_966 : i32 to index
        %swap3A_1165 = arith.constant 32 : index
        %swap3A_1166 = tpu.vector_load %swap3A_1163[%swap3A_1164, %swap3A_1165] {strides = array<i32>} : memref<48x128xf32, #tpu.memory_space<vmem>>, vector<16xf32>,
        tpu.vector_store %swap3A_1163[%swap3A_1164, %swap3A_1165], %mul3A_1159 {strides = array<i32>} : memref<48x128xf32, #tpu.memory_space<vmem>>, vector<16xf32>,
        %mul3A_1167 = arith.mulf %get3A_1038, %exp3A_1142 : vector<16xf32>
        %swap3A_1168 = arith.constant 0 : i32
        %swap3A_1169 = arith.constant 0 : i32
        %swap3A_1170 = tpu.memref_slice %arg10[%scan3A_534, %swap3A_1168, %swap3A_1169] : memref<2x48x128xf32, #tpu.memory_space<vmem>> -> memref<1x48x128xf32, #tpu.memory_space<vmem>>
        %swap3A_1171 = tpu.memref_squeeze %swap3A_1170 : memref<1x48x128xf32, #tpu.memory_space<vmem>> -> memref<48x128xf32, #tpu.memory_space<vmem>>
        %swap3A_1172 = arith.index_cast %scan3A_966 : i32 to index
        %swap3A_1173 = arith.constant 48 : index
        %swap3A_1174 = tpu.vector_load %swap3A_1171[%swap3A_1172, %swap3A_1173] {strides = array<i32>} : memref<48x128xf32, #tpu.memory_space<vmem>>, vector<16xf32>,
        tpu.vector_store %swap3A_1171[%swap3A_1172, %swap3A_1173], %mul3A_1167 {strides = array<i32>} : memref<48x128xf32, #tpu.memory_space<vmem>>, vector<16xf32>,
        %mul3A_1175 = arith.mulf %get3A_1059, %exp3A_1142 : vector<16xf32>
        %swap3A_1176 = arith.constant 0 : i32
        %swap3A_1177 = arith.constant 0 : i32
        %swap3A_1178 = tpu.memref_slice %arg10[%scan3A_534, %swap3A_1176, %swap3A_1177] : memref<2x48x128xf32, #tpu.memory_space<vmem>> -> memref<1x48x128xf32, #tpu.memory_space<vmem>>
        %swap3A_1179 = tpu.memref_squeeze %swap3A_1178 : memref<1x48x128xf32, #tpu.memory_space<vmem>> -> memref<48x128xf32, #tpu.memory_space<vmem>>
        %swap3A_1180 = arith.index_cast %scan3A_966 : i32 to index
        %swap3A_1181 = arith.constant 64 : index
        %swap3A_1182 = tpu.vector_load %swap3A_1179[%swap3A_1180, %swap3A_1181] {strides = array<i32>} : memref<48x128xf32, #tpu.memory_space<vmem>>, vector<16xf32>,
        tpu.vector_store %swap3A_1179[%swap3A_1180, %swap3A_1181], %mul3A_1175 {strides = array<i32>} : memref<48x128xf32, #tpu.memory_space<vmem>>, vector<16xf32>,
        %mul3A_1183 = arith.mulf %get3A_1080, %exp3A_1142 : vector<16xf32>
        %swap3A_1184 = arith.constant 0 : i32
        %swap3A_1185 = arith.constant 0 : i32
        %swap3A_1186 = tpu.memref_slice %arg10[%scan3A_534, %swap3A_1184, %swap3A_1185] : memref<2x48x128xf32, #tpu.memory_space<vmem>> -> memref<1x48x128xf32, #tpu.memory_space<vmem>>
        %swap3A_1187 = tpu.memref_squeeze %swap3A_1186 : memref<1x48x128xf32, #tpu.memory_space<vmem>> -> memref<48x128xf32, #tpu.memory_space<vmem>>
        %swap3A_1188 = arith.index_cast %scan3A_966 : i32 to index
        %swap3A_1189 = arith.constant 80 : index
        %swap3A_1190 = tpu.vector_load %swap3A_1187[%swap3A_1188, %swap3A_1189] {strides = array<i32>} : memref<48x128xf32, #tpu.memory_space<vmem>>, vector<16xf32>,
        tpu.vector_store %swap3A_1187[%swap3A_1188, %swap3A_1189], %mul3A_1183 {strides = array<i32>} : memref<48x128xf32, #tpu.memory_space<vmem>>, vector<16xf32>,
        %mul3A_1191 = arith.mulf %get3A_1101, %exp3A_1142 : vector<16xf32>
        %swap3A_1192 = arith.constant 0 : i32
        %swap3A_1193 = arith.constant 0 : i32
        %swap3A_1194 = tpu.memref_slice %arg10[%scan3A_534, %swap3A_1192, %swap3A_1193] : memref<2x48x128xf32, #tpu.memory_space<vmem>> -> memref<1x48x128xf32, #tpu.memory_space<vmem>>
        %swap3A_1195 = tpu.memref_squeeze %swap3A_1194 : memref<1x48x128xf32, #tpu.memory_space<vmem>> -> memref<48x128xf32, #tpu.memory_space<vmem>>
        %swap3A_1196 = arith.index_cast %scan3A_966 : i32 to index
        %swap3A_1197 = arith.constant 96 : index
        %swap3A_1198 = tpu.vector_load %swap3A_1195[%swap3A_1196, %swap3A_1197] {strides = array<i32>} : memref<48x128xf32, #tpu.memory_space<vmem>>, vector<16xf32>,
        tpu.vector_store %swap3A_1195[%swap3A_1196, %swap3A_1197], %mul3A_1191 {strides = array<i32>} : memref<48x128xf32, #tpu.memory_space<vmem>>, vector<16xf32>,
        %mul3A_1199 = arith.mulf %get3A_1122, %exp3A_1142 : vector<16xf32>
        %swap3A_1200 = arith.constant 0 : i32
        %swap3A_1201 = arith.constant 0 : i32
        %swap3A_1202 = tpu.memref_slice %arg10[%scan3A_534, %swap3A_1200, %swap3A_1201] : memref<2x48x128xf32, #tpu.memory_space<vmem>> -> memref<1x48x128xf32, #tpu.memory_space<vmem>>
        %swap3A_1203 = tpu.memref_squeeze %swap3A_1202 : memref<1x48x128xf32, #tpu.memory_space<vmem>> -> memref<48x128xf32, #tpu.memory_space<vmem>>
        %swap3A_1204 = arith.index_cast %scan3A_966 : i32 to index
        %swap3A_1205 = arith.constant 112 : index
        %swap3A_1206 = tpu.vector_load %swap3A_1203[%swap3A_1204, %swap3A_1205] {strides = array<i32>} : memref<48x128xf32, #tpu.memory_space<vmem>>, vector<16xf32>,
        tpu.vector_store %swap3A_1203[%swap3A_1204, %swap3A_1205], %mul3A_1199 {strides = array<i32>} : memref<48x128xf32, #tpu.memory_space<vmem>>, vector<16xf32>,
        %swap3A_1207 = arith.index_cast %scan3A_966 : i32 to index
        %swap3A_1208 = arith.constant 0 : index
        %swap3A_1209 = tpu.vector_load %arg11[%swap3A_1207, %swap3A_1208] {strides = array<i32>} : memref<48x16xf32, #tpu.memory_space<vmem>>, vector<16xf32>,
        tpu.vector_store %arg11[%swap3A_1207, %swap3A_1208], %exp3A_1142 {strides = array<i32>} : memref<48x16xf32, #tpu.memory_space<vmem>>, vector<16xf32>,
      }
      %scan3A_539 = arith.constant 48 : i32
      %get3A_540 = arith.constant 2 : i32
      %get3A_541 = arith.constant 1 : i32
      %get3A_542 = arith.constant 0 : i32
      %get3A_543 = arith.constant 0 : i32
      %get3A_544 = tpu.memref_slice %arg8[%get3A_540, %get3A_542, %get3A_543] : memref<4x2x48xi32, #tpu.memory_space<vmem>> -> memref<1x2x48xi32, #tpu.memory_space<vmem>>
      %get3A_545 = tpu.memref_squeeze %get3A_544 : memref<1x2x48xi32, #tpu.memory_space<vmem>> -> memref<2x48xi32, #tpu.memory_space<vmem>>
      %get3A_546 = arith.index_cast %get3A_541 : i32 to index
      %get3A_547 = arith.constant 0 : index
      %get3A_548 = tpu.vector_load %get3A_545[%get3A_546, %get3A_547] {strides = array<i32>} : memref<2x48xi32, #tpu.memory_space<vmem>>, vector<16xi32>,
      %add3A_549 = arith.constant 0 : i32
      %add3A_550 = vector.broadcast %add3A_549 : i32 to vector<16xi32>
      %add3A_551 = arith.addi %add3A_550, %iota3A : vector<16xi32>
      %gather3A_552 = tpu.vector_load_idx %arg11[%add3A_551, %broadcast_in_dim3A_102] : memref<48x16xf32, #tpu.memory_space<vmem>>[vector<16xi32>, vector<16xi32>], vector<16xf32>,
      tpu.vector_store_idx %arg12[%get3A_548], %gather3A_552 {add = true} : memref<10240xf32, #tpu.memory_space<vmem>>[vector<16xi32>], vector<16xf32>,
      %get3A_553 = arith.constant 2 : i32
      %get3A_554 = arith.constant 1 : i32
      %get3A_555 = arith.constant 0 : i32
      %get3A_556 = arith.constant 0 : i32
      %get3A_557 = tpu.memref_slice %arg8[%get3A_553, %get3A_555, %get3A_556] : memref<4x2x48xi32, #tpu.memory_space<vmem>> -> memref<1x2x48xi32, #tpu.memory_space<vmem>>
      %get3A_558 = tpu.memref_squeeze %get3A_557 : memref<1x2x48xi32, #tpu.memory_space<vmem>> -> memref<2x48xi32, #tpu.memory_space<vmem>>
      %get3A_559 = arith.index_cast %get3A_554 : i32 to index
      %get3A_560 = arith.constant 16 : index
      %get3A_561 = tpu.vector_load %get3A_558[%get3A_559, %get3A_560] {strides = array<i32>} : memref<2x48xi32, #tpu.memory_space<vmem>>, vector<16xi32>,
      %add3A_562 = arith.constant 16 : i32
      %add3A_563 = vector.broadcast %add3A_562 : i32 to vector<16xi32>
      %add3A_564 = arith.addi %add3A_563, %iota3A : vector<16xi32>
      %gather3A_565 = tpu.vector_load_idx %arg11[%add3A_564, %broadcast_in_dim3A_102] : memref<48x16xf32, #tpu.memory_space<vmem>>[vector<16xi32>, vector<16xi32>], vector<16xf32>,
      tpu.vector_store_idx %arg12[%get3A_561], %gather3A_565 {add = true} : memref<10240xf32, #tpu.memory_space<vmem>>[vector<16xi32>], vector<16xf32>,
      %get3A_566 = arith.constant 2 : i32
      %get3A_567 = arith.constant 1 : i32
      %get3A_568 = arith.constant 0 : i32
      %get3A_569 = arith.constant 0 : i32
      %get3A_570 = tpu.memref_slice %arg8[%get3A_566, %get3A_568, %get3A_569] : memref<4x2x48xi32, #tpu.memory_space<vmem>> -> memref<1x2x48xi32, #tpu.memory_space<vmem>>
      %get3A_571 = tpu.memref_squeeze %get3A_570 : memref<1x2x48xi32, #tpu.memory_space<vmem>> -> memref<2x48xi32, #tpu.memory_space<vmem>>
      %get3A_572 = arith.index_cast %get3A_567 : i32 to index
      %get3A_573 = arith.constant 32 : index
      %get3A_574 = tpu.vector_load %get3A_571[%get3A_572, %get3A_573] {strides = array<i32>} : memref<2x48xi32, #tpu.memory_space<vmem>>, vector<16xi32>,
      %add3A_575 = arith.constant 32 : i32
      %add3A_576 = vector.broadcast %add3A_575 : i32 to vector<16xi32>
      %add3A_577 = arith.addi %add3A_576, %iota3A : vector<16xi32>
      %gather3A_578 = tpu.vector_load_idx %arg11[%add3A_577, %broadcast_in_dim3A_102] : memref<48x16xf32, #tpu.memory_space<vmem>>[vector<16xi32>, vector<16xi32>], vector<16xf32>,
      tpu.vector_store_idx %arg12[%get3A_574], %gather3A_578 {add = true} : memref<10240xf32, #tpu.memory_space<vmem>>[vector<16xi32>], vector<16xf32>,
      %run_scoped3A_579 = arith.constant 0 : i32
      %run_scoped3A_580 = arith.constant 2 : i32
      %run_scoped3A_581 = arith.constant 1 : i32
      "tpu.region"() ({
        %run_scoped3A_726 = tpu.sem_alloc : memref<!tpu.dma_semaphore, #tpu.memory_space<semaphore_mem>>
        %dma_start3A_727 = arith.constant 0 : i32
        %dma_start3A_728 = arith.constant 0 : i32
        %dma_start3A_729 = tpu.memref_slice %arg10[%run_scoped3A_579, %dma_start3A_727, %dma_start3A_728] : memref<2x48x128xf32, #tpu.memory_space<vmem>> -> memref<1x48x128xf32, #tpu.memory_space<vmem>>
        %dma_start3A_730 = tpu.memref_squeeze %dma_start3A_729 : memref<1x48x128xf32, #tpu.memory_space<vmem>> -> memref<48x128xf32, #tpu.memory_space<vmem>>
        %dma_start3A_731 = arith.constant 0 : i32
        %dma_start3A_732 = arith.constant 0 : i32
        %dma_start3A_733 = tpu.memref_slice %arg8[%run_scoped3A_580, %dma_start3A_731, %dma_start3A_732] : memref<4x2x48xi32, #tpu.memory_space<vmem>> -> memref<1x2x48xi32, #tpu.memory_space<vmem>>
        %dma_start3A_734 = tpu.memref_squeeze %dma_start3A_733 : memref<1x2x48xi32, #tpu.memory_space<vmem>> -> memref<2x48xi32, #tpu.memory_space<vmem>>
        %dma_start3A_735 = arith.constant 0 : i32
        %dma_start3A_736 = tpu.memref_slice %dma_start3A_734[%run_scoped3A_581, %dma_start3A_735] : memref<2x48xi32, #tpu.memory_space<vmem>> -> memref<1x48xi32, #tpu.memory_space<vmem>>
        %dma_start3A_737 = tpu.memref_squeeze %dma_start3A_736 : memref<1x48xi32, #tpu.memory_space<vmem>> -> memref<48xi32, #tpu.memory_space<vmem>>
        %dma_start3A_738 = arith.constant 0 : i32
        %dma_start3A_739 = arith.constant 0 : i32
        %dma_start3A_740 = tpu.memref_slice %arg14[%dma_start3A_738, %dma_start3A_739] : memref<10240x128xf32, #tpu.memory_space<vmem_shared>> -> memref<10240x128xf32, #tpu.memory_space<vmem_shared>>
        tpu.enqueue_indirect_dma source(%dma_start3A_730 : memref<48x128xf32, #tpu.memory_space<vmem>>) target(%dma_start3A_740 : memref<10240x128xf32, #tpu.memory_space<vmem_shared>>) offsets(%dma_start3A_737 : memref<48xi32, #tpu.memory_space<vmem>>) semaphore(%run_scoped3A_726 : memref<!tpu.dma_semaphore, #tpu.memory_space<semaphore_mem>>) {add = true}
        %dma_wait3A_741 = arith.constant 0 : i32
        %dma_wait3A_742 = arith.constant 0 : i32
        %dma_wait3A_743 = tpu.memref_slice %arg10[%run_scoped3A_579, %dma_wait3A_741, %dma_wait3A_742] : memref<2x48x128xf32, #tpu.memory_space<vmem>> -> memref<1x48x128xf32, #tpu.memory_space<vmem>>
        %dma_wait3A_744 = tpu.memref_squeeze %dma_wait3A_743 : memref<1x48x128xf32, #tpu.memory_space<vmem>> -> memref<48x128xf32, #tpu.memory_space<vmem>>
        %dma_wait3A_745 = arith.constant 0 : i32
        %dma_wait3A_746 = arith.constant 0 : i32
        %dma_wait3A_747 = tpu.memref_slice %arg8[%run_scoped3A_580, %dma_wait3A_745, %dma_wait3A_746] : memref<4x2x48xi32, #tpu.memory_space<vmem>> -> memref<1x2x48xi32, #tpu.memory_space<vmem>>
        %dma_wait3A_748 = tpu.memref_squeeze %dma_wait3A_747 : memref<1x2x48xi32, #tpu.memory_space<vmem>> -> memref<2x48xi32, #tpu.memory_space<vmem>>
        %dma_wait3A_749 = arith.constant 0 : i32
        %dma_wait3A_750 = tpu.memref_slice %dma_wait3A_748[%run_scoped3A_581, %dma_wait3A_749] : memref<2x48xi32, #tpu.memory_space<vmem>> -> memref<1x48xi32, #tpu.memory_space<vmem>>
        %dma_wait3A_751 = tpu.memref_squeeze %dma_wait3A_750 : memref<1x48xi32, #tpu.memory_space<vmem>> -> memref<48xi32, #tpu.memory_space<vmem>>
        %dma_wait3A_752 = arith.constant 0 : i32
        %dma_wait3A_753 = arith.constant 0 : i32
        %dma_wait3A_754 = tpu.memref_slice %arg14[%dma_wait3A_752, %dma_wait3A_753] : memref<10240x128xf32, #tpu.memory_space<vmem_shared>> -> memref<10240x128xf32, #tpu.memory_space<vmem_shared>>
        tpu.wait_indirect_dma semaphore(%run_scoped3A_726 : memref<!tpu.dma_semaphore, #tpu.memory_space<semaphore_mem>>) src(%dma_wait3A_744 : memref<48x128xf32, #tpu.memory_space<vmem>>) dst(%dma_wait3A_754 : memref<10240x128xf32, #tpu.memory_space<vmem_shared>>)
        tpu.yield
      }) : () -> ()
      %mul3A_582 = arith.constant 4 : i32
      %mul3A_583 = arith.muli %mul3A_582, %scan3A_151 : i32
      %add3A_584 = arith.constant 3 : i32
      %add3A_585 = arith.addi %mul3A_583, %add3A_584 : i32
      %add3A_586 = arith.constant 2 : i32
      %add3A_587 = arith.addi %add3A_585, %add3A_586 : i32
      %min3A_588 = arith.constant 211 : i32
      %min3A_589 = arith.minsi %add3A_587, %min3A_588 : i32
      %add3A_590 = arith.addi %mul3A_2, %min3A_589 : i32
      %dma_start3A_591 = arith.constant 1 : i32
      %dma_start3A_592 = arith.constant 0 : i32
      %dma_start3A_593 = arith.constant 0 : i32
      %dma_start3A_594 = tpu.memref_slice %arg8[%dma_start3A_591, %dma_start3A_592, %dma_start3A_593] : memref<4x2x48xi32, #tpu.memory_space<vmem>> -> memref<1x2x48xi32, #tpu.memory_space<vmem>>
      %dma_start3A_595 = tpu.memref_squeeze %dma_start3A_594 : memref<1x2x48xi32, #tpu.memory_space<vmem>> -> memref<2x48xi32, #tpu.memory_space<vmem>>
      %dma_start3A_596 = arith.constant 0 : i32
      %dma_start3A_597 = arith.constant 0 : i32
      %dma_start3A_598 = tpu.memref_slice %arg4[%add3A_590, %dma_start3A_596, %dma_start3A_597] : memref<6784x2x48xi32, #tpu.memory_space<hbm>> -> memref<1x2x48xi32, #tpu.memory_space<hbm>>
      %dma_start3A_599 = tpu.memref_squeeze %dma_start3A_598 : memref<1x2x48xi32, #tpu.memory_space<hbm>> -> memref<2x48xi32, #tpu.memory_space<hbm>>
      %dma_start3A_600 = arith.constant 0 : i32
      %dma_start3A_601 = arith.constant 0 : i32
      %dma_start3A_602 = tpu.memref_slice %arg8[%dma_start3A_591, %dma_start3A_600, %dma_start3A_601] : memref<4x2x48xi32, #tpu.memory_space<vmem>> -> memref<1x2x48xi32, #tpu.memory_space<vmem>>
      %dma_start3A_603 = tpu.memref_squeeze %dma_start3A_602 : memref<1x2x48xi32, #tpu.memory_space<vmem>> -> memref<2x48xi32, #tpu.memory_space<vmem>>
      %dma_start3A_604 = arith.constant 0 : i32
      %dma_start3A_605 = arith.constant 0 : i32
      %dma_start3A_606 = tpu.memref_slice %arg4[%add3A_590, %dma_start3A_604, %dma_start3A_605] : memref<6784x2x48xi32, #tpu.memory_space<hbm>> -> memref<1x2x48xi32, #tpu.memory_space<hbm>>
      %dma_start3A_607 = tpu.memref_squeeze %dma_start3A_606 : memref<1x2x48xi32, #tpu.memory_space<hbm>> -> memref<2x48xi32, #tpu.memory_space<hbm>>
      tpu.enqueue_dma source(%dma_start3A_607 : memref<2x48xi32, #tpu.memory_space<hbm>>) target(%dma_start3A_603 : memref<2x48xi32, #tpu.memory_space<vmem>>) target_semaphore(%arg20 : memref<!tpu.dma_semaphore, #tpu.memory_space<semaphore_mem>>)
      %dma_wait3A_608 = arith.constant 0 : i32
      %dma_wait3A_609 = arith.constant 0 : i32
      %dma_wait3A_610 = arith.constant 0 : i32
      %dma_wait3A_611 = tpu.memref_slice %arg8[%dma_wait3A_608, %dma_wait3A_609, %dma_wait3A_610] : memref<4x2x48xi32, #tpu.memory_space<vmem>> -> memref<1x2x48xi32, #tpu.memory_space<vmem>>
      %dma_wait3A_612 = tpu.memref_squeeze %dma_wait3A_611 : memref<1x2x48xi32, #tpu.memory_space<vmem>> -> memref<2x48xi32, #tpu.memory_space<vmem>>
      %dma_wait3A_613 = arith.constant 0 : i32
      %dma_wait3A_614 = arith.constant 0 : i32
      %dma_wait3A_615 = tpu.memref_slice %arg4[%mul3A_2, %dma_wait3A_613, %dma_wait3A_614] : memref<6784x2x48xi32, #tpu.memory_space<hbm>> -> memref<1x2x48xi32, #tpu.memory_space<hbm>>
      %dma_wait3A_616 = tpu.memref_squeeze %dma_wait3A_615 : memref<1x2x48xi32, #tpu.memory_space<hbm>> -> memref<2x48xi32, #tpu.memory_space<hbm>>
      %dma_wait3A_617 = arith.constant 0 : i32
      %dma_wait3A_618 = arith.constant 0 : i32
      %dma_wait3A_619 = tpu.memref_slice %arg8[%dma_wait3A_608, %dma_wait3A_617, %dma_wait3A_618] : memref<4x2x48xi32, #tpu.memory_space<vmem>> -> memref<1x2x48xi32, #tpu.memory_space<vmem>>
      %dma_wait3A_620 = tpu.memref_squeeze %dma_wait3A_619 : memref<1x2x48xi32, #tpu.memory_space<vmem>> -> memref<2x48xi32, #tpu.memory_space<vmem>>
      %dma_wait3A_621 = arith.constant 0 : i32
      %dma_wait3A_622 = arith.constant 0 : i32
      %dma_wait3A_623 = tpu.memref_slice %arg4[%mul3A_2, %dma_wait3A_621, %dma_wait3A_622] : memref<6784x2x48xi32, #tpu.memory_space<hbm>> -> memref<1x2x48xi32, #tpu.memory_space<hbm>>
      %dma_wait3A_624 = tpu.memref_squeeze %dma_wait3A_623 : memref<1x2x48xi32, #tpu.memory_space<hbm>> -> memref<2x48xi32, #tpu.memory_space<hbm>>
      tpu.wait_dma2 semaphore(%arg19 : memref<!tpu.dma_semaphore, #tpu.memory_space<semaphore_mem>>) src(%dma_wait3A_624 : memref<2x48xi32, #tpu.memory_space<hbm>>) dst(%dma_wait3A_620 : memref<2x48xi32, #tpu.memory_space<vmem>>)
      %dma_start3A_625 = arith.constant 0 : i32
      %dma_start3A_626 = arith.constant 0 : i32
      %dma_start3A_627 = arith.constant 0 : i32
      %dma_start3A_628 = arith.constant 0 : i32
      %dma_start3A_629 = arith.constant 0 : i32
      %dma_start3A_630 = tpu.memref_slice %arg9[%dma_start3A_627, %dma_start3A_628, %dma_start3A_629] : memref<2x48x128xf32, #tpu.memory_space<vmem>> -> memref<1x48x128xf32, #tpu.memory_space<vmem>>
      %dma_start3A_631 = tpu.memref_squeeze %dma_start3A_630 : memref<1x48x128xf32, #tpu.memory_space<vmem>> -> memref<48x128xf32, #tpu.memory_space<vmem>>
      %dma_start3A_632 = arith.constant 0 : i32
      %dma_start3A_633 = tpu.memref_slice %arg8[%dma_start3A_625, %dma_start3A_626, %dma_start3A_632] : memref<4x2x48xi32, #tpu.memory_space<vmem>> -> memref<1x1x48xi32, #tpu.memory_space<vmem>>
      %dma_start3A_634 = tpu.memref_squeeze %dma_start3A_633 : memref<1x1x48xi32, #tpu.memory_space<vmem>> -> memref<48xi32, #tpu.memory_space<vmem>>
      %dma_start3A_635 = arith.constant 0 : i32
      %dma_start3A_636 = arith.constant 0 : i32
      %dma_start3A_637 = tpu.memref_slice %arg2[%dma_start3A_635, %dma_start3A_636] : memref<10000x128xf32, #tpu.memory_space<hbm>> -> memref<10000x128xf32, #tpu.memory_space<hbm>>
      tpu.enqueue_indirect_dma source(%dma_start3A_637 : memref<10000x128xf32, #tpu.memory_space<hbm>>) target(%dma_start3A_631 : memref<48x128xf32, #tpu.memory_space<vmem>>) offsets(%dma_start3A_634 : memref<48xi32, #tpu.memory_space<vmem>>) semaphore(%arg15 : memref<!tpu.dma_semaphore, #tpu.memory_space<semaphore_mem>>)
      %dma_start3A_638 = arith.constant 0 : i32
      %dma_start3A_639 = arith.constant 1 : i32
      %dma_start3A_640 = arith.constant 0 : i32
      %dma_start3A_641 = arith.constant 0 : i32
      %dma_start3A_642 = arith.constant 0 : i32
      %dma_start3A_643 = tpu.memref_slice %arg10[%dma_start3A_640, %dma_start3A_641, %dma_start3A_642] : memref<2x48x128xf32, #tpu.memory_space<vmem>> -> memref<1x48x128xf32, #tpu.memory_space<vmem>>
      %dma_start3A_644 = tpu.memref_squeeze %dma_start3A_643 : memref<1x48x128xf32, #tpu.memory_space<vmem>> -> memref<48x128xf32, #tpu.memory_space<vmem>>
      %dma_start3A_645 = arith.constant 0 : i32
      %dma_start3A_646 = tpu.memref_slice %arg8[%dma_start3A_638, %dma_start3A_639, %dma_start3A_645] : memref<4x2x48xi32, #tpu.memory_space<vmem>> -> memref<1x1x48xi32, #tpu.memory_space<vmem>>
      %dma_start3A_647 = tpu.memref_squeeze %dma_start3A_646 : memref<1x1x48xi32, #tpu.memory_space<vmem>> -> memref<48xi32, #tpu.memory_space<vmem>>
      %dma_start3A_648 = arith.constant 0 : i32
      %dma_start3A_649 = arith.constant 0 : i32
      %dma_start3A_650 = tpu.memref_slice %arg3[%dma_start3A_648, %dma_start3A_649] : memref<10000x128xf32, #tpu.memory_space<hbm>> -> memref<10000x128xf32, #tpu.memory_space<hbm>>
      tpu.enqueue_indirect_dma source(%dma_start3A_650 : memref<10000x128xf32, #tpu.memory_space<hbm>>) target(%dma_start3A_644 : memref<48x128xf32, #tpu.memory_space<vmem>>) offsets(%dma_start3A_647 : memref<48xi32, #tpu.memory_space<vmem>>) semaphore(%arg17 : memref<!tpu.dma_semaphore, #tpu.memory_space<semaphore_mem>>)
      %dma_wait3A_651 = arith.constant 3 : i32
      %dma_wait3A_652 = arith.constant 0 : i32
      %dma_wait3A_653 = arith.constant 1 : i32
      %dma_wait3A_654 = arith.constant 0 : i32
      %dma_wait3A_655 = arith.constant 0 : i32
      %dma_wait3A_656 = tpu.memref_slice %arg9[%dma_wait3A_653, %dma_wait3A_654, %dma_wait3A_655] : memref<2x48x128xf32, #tpu.memory_space<vmem>> -> memref<1x48x128xf32, #tpu.memory_space<vmem>>
      %dma_wait3A_657 = tpu.memref_squeeze %dma_wait3A_656 : memref<1x48x128xf32, #tpu.memory_space<vmem>> -> memref<48x128xf32, #tpu.memory_space<vmem>>
      %dma_wait3A_658 = arith.constant 0 : i32
      %dma_wait3A_659 = tpu.memref_slice %arg8[%dma_wait3A_651, %dma_wait3A_652, %dma_wait3A_658] : memref<4x2x48xi32, #tpu.memory_space<vmem>> -> memref<1x1x48xi32, #tpu.memory_space<vmem>>
      %dma_wait3A_660 = tpu.memref_squeeze %dma_wait3A_659 : memref<1x1x48xi32, #tpu.memory_space<vmem>> -> memref<48xi32, #tpu.memory_space<vmem>>
      %dma_wait3A_661 = arith.constant 0 : i32
      %dma_wait3A_662 = arith.constant 0 : i32
      %dma_wait3A_663 = tpu.memref_slice %arg2[%dma_wait3A_661, %dma_wait3A_662] : memref<10000x128xf32, #tpu.memory_space<hbm>> -> memref<10000x128xf32, #tpu.memory_space<hbm>>
      tpu.wait_indirect_dma semaphore(%arg16 : memref<!tpu.dma_semaphore, #tpu.memory_space<semaphore_mem>>) src(%dma_wait3A_663 : memref<10000x128xf32, #tpu.memory_space<hbm>>) dst(%dma_wait3A_657 : memref<48x128xf32, #tpu.memory_space<vmem>>)
      %dma_wait3A_664 = arith.constant 3 : i32
      %dma_wait3A_665 = arith.constant 1 : i32
      %dma_wait3A_666 = arith.constant 1 : i32
      %dma_wait3A_667 = arith.constant 0 : i32
      %dma_wait3A_668 = arith.constant 0 : i32
      %dma_wait3A_669 = tpu.memref_slice %arg10[%dma_wait3A_666, %dma_wait3A_667, %dma_wait3A_668] : memref<2x48x128xf32, #tpu.memory_space<vmem>> -> memref<1x48x128xf32, #tpu.memory_space<vmem>>
      %dma_wait3A_670 = tpu.memref_squeeze %dma_wait3A_669 : memref<1x48x128xf32, #tpu.memory_space<vmem>> -> memref<48x128xf32, #tpu.memory_space<vmem>>
      %dma_wait3A_671 = arith.constant 0 : i32
      %dma_wait3A_672 = tpu.memref_slice %arg8[%dma_wait3A_664, %dma_wait3A_665, %dma_wait3A_671] : memref<4x2x48xi32, #tpu.memory_space<vmem>> -> memref<1x1x48xi32, #tpu.memory_space<vmem>>
      %dma_wait3A_673 = tpu.memref_squeeze %dma_wait3A_672 : memref<1x1x48xi32, #tpu.memory_space<vmem>> -> memref<48xi32, #tpu.memory_space<vmem>>
      %dma_wait3A_674 = arith.constant 0 : i32
      %dma_wait3A_675 = arith.constant 0 : i32
      %dma_wait3A_676 = tpu.memref_slice %arg3[%dma_wait3A_674, %dma_wait3A_675] : memref<10000x128xf32, #tpu.memory_space<hbm>> -> memref<10000x128xf32, #tpu.memory_space<hbm>>
      tpu.wait_indirect_dma semaphore(%arg18 : memref<!tpu.dma_semaphore, #tpu.memory_space<semaphore_mem>>) src(%dma_wait3A_676 : memref<10000x128xf32, #tpu.memory_space<hbm>>) dst(%dma_wait3A_670 : memref<48x128xf32, #tpu.memory_space<vmem>>)
      %scan3A_677 = arith.constant 1 : i32
      %scan3A_678 = arith.constant 1 : i32
      %scan3A_679 = arith.constant 0 : i32
      %scan3A_680 = arith.constant 48 : i32
      %scan3A_681 = arith.addi %scan3A_679, %scan3A_680 : i32
      %scan3A_682 = arith.constant 2 : i32
      scf.for %scan3A_726 = %scan3A_679 to %scan3A_681 step %scan3A_682  : i32 {
        %broadcast_in_dim3A_727 = arith.constant 0.000000e+00 : f32
        %broadcast_in_dim3A_728 = vector.broadcast %broadcast_in_dim3A_727 : f32 to vector<16xf32>
        %get3A_729 = arith.constant 0 : i32
        %get3A_730 = arith.constant 0 : i32
        %get3A_731 = tpu.memref_slice %arg9[%scan3A_677, %get3A_729, %get3A_730] : memref<2x48x128xf32, #tpu.memory_space<vmem>> -> memref<1x48x128xf32, #tpu.memory_space<vmem>>
        %get3A_732 = tpu.memref_squeeze %get3A_731 : memref<1x48x128xf32, #tpu.memory_space<vmem>> -> memref<48x128xf32, #tpu.memory_space<vmem>>
        %get3A_733 = arith.index_cast %scan3A_726 : i32 to index
        %get3A_734 = arith.constant 0 : index
        %get3A_735 = tpu.vector_load %get3A_732[%get3A_733, %get3A_734] {strides = array<i32>} : memref<48x128xf32, #tpu.memory_space<vmem>>, vector<16xf32>,
        %get3A_736 = arith.constant 0 : i32
        %get3A_737 = arith.constant 0 : i32
        %get3A_738 = tpu.memref_slice %arg10[%scan3A_678, %get3A_736, %get3A_737] : memref<2x48x128xf32, #tpu.memory_space<vmem>> -> memref<1x48x128xf32, #tpu.memory_space<vmem>>
        %get3A_739 = tpu.memref_squeeze %get3A_738 : memref<1x48x128xf32, #tpu.memory_space<vmem>> -> memref<48x128xf32, #tpu.memory_space<vmem>>
        %get3A_740 = arith.index_cast %scan3A_726 : i32 to index
        %get3A_741 = arith.constant 0 : index
        %get3A_742 = tpu.vector_load %get3A_739[%get3A_740, %get3A_741] {strides = array<i32>} : memref<48x128xf32, #tpu.memory_space<vmem>>, vector<16xf32>,
        %add3A_743 = arith.addf %get3A_735, %get3A_742 : vector<16xf32>
        %gt3A = arith.constant 0.000000e+00 : f32
        %gt3A_744 = vector.broadcast %gt3A : f32 to vector<16xf32>
        %gt3A_745 = arith.cmpf ogt, %add3A_743, %gt3A_744 : vector<16xf32>
        %select_n3A = arith.select %gt3A_745, %get3A_63, %mul3A_80 : vector<16xi1>, vector<16xf32>
        %mul3A_746 = arith.mulf %add3A_743, %select_n3A : vector<16xf32>
        %add3A_747 = arith.addf %broadcast_in_dim3A_728, %mul3A_746 : vector<16xf32>
        %get3A_748 = arith.constant 0 : i32
        %get3A_749 = arith.constant 0 : i32
        %get3A_750 = tpu.memref_slice %arg9[%scan3A_677, %get3A_748, %get3A_749] : memref<2x48x128xf32, #tpu.memory_space<vmem>> -> memref<1x48x128xf32, #tpu.memory_space<vmem>>
        %get3A_751 = tpu.memref_squeeze %get3A_750 : memref<1x48x128xf32, #tpu.memory_space<vmem>> -> memref<48x128xf32, #tpu.memory_space<vmem>>
        %get3A_752 = arith.index_cast %scan3A_726 : i32 to index
        %get3A_753 = arith.constant 16 : index
        %get3A_754 = tpu.vector_load %get3A_751[%get3A_752, %get3A_753] {strides = array<i32>} : memref<48x128xf32, #tpu.memory_space<vmem>>, vector<16xf32>,
        %get3A_755 = arith.constant 0 : i32
        %get3A_756 = arith.constant 0 : i32
        %get3A_757 = tpu.memref_slice %arg10[%scan3A_678, %get3A_755, %get3A_756] : memref<2x48x128xf32, #tpu.memory_space<vmem>> -> memref<1x48x128xf32, #tpu.memory_space<vmem>>
        %get3A_758 = tpu.memref_squeeze %get3A_757 : memref<1x48x128xf32, #tpu.memory_space<vmem>> -> memref<48x128xf32, #tpu.memory_space<vmem>>
        %get3A_759 = arith.index_cast %scan3A_726 : i32 to index
        %get3A_760 = arith.constant 16 : index
        %get3A_761 = tpu.vector_load %get3A_758[%get3A_759, %get3A_760] {strides = array<i32>} : memref<48x128xf32, #tpu.memory_space<vmem>>, vector<16xf32>,
        %add3A_762 = arith.addf %get3A_754, %get3A_761 : vector<16xf32>
        %gt3A_763 = arith.constant 0.000000e+00 : f32
        %gt3A_764 = vector.broadcast %gt3A_763 : f32 to vector<16xf32>
        %gt3A_765 = arith.cmpf ogt, %add3A_762, %gt3A_764 : vector<16xf32>
        %select_n3A_766 = arith.select %gt3A_765, %get3A_65, %mul3A_83 : vector<16xi1>, vector<16xf32>
        %mul3A_767 = arith.mulf %add3A_762, %select_n3A_766 : vector<16xf32>
        %add3A_768 = arith.addf %add3A_747, %mul3A_767 : vector<16xf32>
        %get3A_769 = arith.constant 0 : i32
        %get3A_770 = arith.constant 0 : i32
        %get3A_771 = tpu.memref_slice %arg9[%scan3A_677, %get3A_769, %get3A_770] : memref<2x48x128xf32, #tpu.memory_space<vmem>> -> memref<1x48x128xf32, #tpu.memory_space<vmem>>
        %get3A_772 = tpu.memref_squeeze %get3A_771 : memref<1x48x128xf32, #tpu.memory_space<vmem>> -> memref<48x128xf32, #tpu.memory_space<vmem>>
        %get3A_773 = arith.index_cast %scan3A_726 : i32 to index
        %get3A_774 = arith.constant 32 : index
        %get3A_775 = tpu.vector_load %get3A_772[%get3A_773, %get3A_774] {strides = array<i32>} : memref<48x128xf32, #tpu.memory_space<vmem>>, vector<16xf32>,
        %get3A_776 = arith.constant 0 : i32
        %get3A_777 = arith.constant 0 : i32
        %get3A_778 = tpu.memref_slice %arg10[%scan3A_678, %get3A_776, %get3A_777] : memref<2x48x128xf32, #tpu.memory_space<vmem>> -> memref<1x48x128xf32, #tpu.memory_space<vmem>>
        %get3A_779 = tpu.memref_squeeze %get3A_778 : memref<1x48x128xf32, #tpu.memory_space<vmem>> -> memref<48x128xf32, #tpu.memory_space<vmem>>
        %get3A_780 = arith.index_cast %scan3A_726 : i32 to index
        %get3A_781 = arith.constant 32 : index
        %get3A_782 = tpu.vector_load %get3A_779[%get3A_780, %get3A_781] {strides = array<i32>} : memref<48x128xf32, #tpu.memory_space<vmem>>, vector<16xf32>,
        %add3A_783 = arith.addf %get3A_775, %get3A_782 : vector<16xf32>
        %gt3A_784 = arith.constant 0.000000e+00 : f32
        %gt3A_785 = vector.broadcast %gt3A_784 : f32 to vector<16xf32>
        %gt3A_786 = arith.cmpf ogt, %add3A_783, %gt3A_785 : vector<16xf32>
        %select_n3A_787 = arith.select %gt3A_786, %get3A_67, %mul3A_86 : vector<16xi1>, vector<16xf32>
        %mul3A_788 = arith.mulf %add3A_783, %select_n3A_787 : vector<16xf32>
        %add3A_789 = arith.addf %add3A_768, %mul3A_788 : vector<16xf32>
        %get3A_790 = arith.constant 0 : i32
        %get3A_791 = arith.constant 0 : i32
        %get3A_792 = tpu.memref_slice %arg9[%scan3A_677, %get3A_790, %get3A_791] : memref<2x48x128xf32, #tpu.memory_space<vmem>> -> memref<1x48x128xf32, #tpu.memory_space<vmem>>
        %get3A_793 = tpu.memref_squeeze %get3A_792 : memref<1x48x128xf32, #tpu.memory_space<vmem>> -> memref<48x128xf32, #tpu.memory_space<vmem>>
        %get3A_794 = arith.index_cast %scan3A_726 : i32 to index
        %get3A_795 = arith.constant 48 : index
        %get3A_796 = tpu.vector_load %get3A_793[%get3A_794, %get3A_795] {strides = array<i32>} : memref<48x128xf32, #tpu.memory_space<vmem>>, vector<16xf32>,
        %get3A_797 = arith.constant 0 : i32
        %get3A_798 = arith.constant 0 : i32
        %get3A_799 = tpu.memref_slice %arg10[%scan3A_678, %get3A_797, %get3A_798] : memref<2x48x128xf32, #tpu.memory_space<vmem>> -> memref<1x48x128xf32, #tpu.memory_space<vmem>>
        %get3A_800 = tpu.memref_squeeze %get3A_799 : memref<1x48x128xf32, #tpu.memory_space<vmem>> -> memref<48x128xf32, #tpu.memory_space<vmem>>
        %get3A_801 = arith.index_cast %scan3A_726 : i32 to index
        %get3A_802 = arith.constant 48 : index
        %get3A_803 = tpu.vector_load %get3A_800[%get3A_801, %get3A_802] {strides = array<i32>} : memref<48x128xf32, #tpu.memory_space<vmem>>, vector<16xf32>,
        %add3A_804 = arith.addf %get3A_796, %get3A_803 : vector<16xf32>
        %gt3A_805 = arith.constant 0.000000e+00 : f32
        %gt3A_806 = vector.broadcast %gt3A_805 : f32 to vector<16xf32>
        %gt3A_807 = arith.cmpf ogt, %add3A_804, %gt3A_806 : vector<16xf32>
        %select_n3A_808 = arith.select %gt3A_807, %get3A_69, %mul3A_89 : vector<16xi1>, vector<16xf32>
        %mul3A_809 = arith.mulf %add3A_804, %select_n3A_808 : vector<16xf32>
        %add3A_810 = arith.addf %add3A_789, %mul3A_809 : vector<16xf32>
        %get3A_811 = arith.constant 0 : i32
        %get3A_812 = arith.constant 0 : i32
        %get3A_813 = tpu.memref_slice %arg9[%scan3A_677, %get3A_811, %get3A_812] : memref<2x48x128xf32, #tpu.memory_space<vmem>> -> memref<1x48x128xf32, #tpu.memory_space<vmem>>
        %get3A_814 = tpu.memref_squeeze %get3A_813 : memref<1x48x128xf32, #tpu.memory_space<vmem>> -> memref<48x128xf32, #tpu.memory_space<vmem>>
        %get3A_815 = arith.index_cast %scan3A_726 : i32 to index
        %get3A_816 = arith.constant 64 : index
        %get3A_817 = tpu.vector_load %get3A_814[%get3A_815, %get3A_816] {strides = array<i32>} : memref<48x128xf32, #tpu.memory_space<vmem>>, vector<16xf32>,
        %get3A_818 = arith.constant 0 : i32
        %get3A_819 = arith.constant 0 : i32
        %get3A_820 = tpu.memref_slice %arg10[%scan3A_678, %get3A_818, %get3A_819] : memref<2x48x128xf32, #tpu.memory_space<vmem>> -> memref<1x48x128xf32, #tpu.memory_space<vmem>>
        %get3A_821 = tpu.memref_squeeze %get3A_820 : memref<1x48x128xf32, #tpu.memory_space<vmem>> -> memref<48x128xf32, #tpu.memory_space<vmem>>
        %get3A_822 = arith.index_cast %scan3A_726 : i32 to index
        %get3A_823 = arith.constant 64 : index
        %get3A_824 = tpu.vector_load %get3A_821[%get3A_822, %get3A_823] {strides = array<i32>} : memref<48x128xf32, #tpu.memory_space<vmem>>, vector<16xf32>,
        %add3A_825 = arith.addf %get3A_817, %get3A_824 : vector<16xf32>
        %gt3A_826 = arith.constant 0.000000e+00 : f32
        %gt3A_827 = vector.broadcast %gt3A_826 : f32 to vector<16xf32>
        %gt3A_828 = arith.cmpf ogt, %add3A_825, %gt3A_827 : vector<16xf32>
        %select_n3A_829 = arith.select %gt3A_828, %get3A_71, %mul3A_92 : vector<16xi1>, vector<16xf32>
        %mul3A_830 = arith.mulf %add3A_825, %select_n3A_829 : vector<16xf32>
        %add3A_831 = arith.addf %add3A_810, %mul3A_830 : vector<16xf32>
        %get3A_832 = arith.constant 0 : i32
        %get3A_833 = arith.constant 0 : i32
        %get3A_834 = tpu.memref_slice %arg9[%scan3A_677, %get3A_832, %get3A_833] : memref<2x48x128xf32, #tpu.memory_space<vmem>> -> memref<1x48x128xf32, #tpu.memory_space<vmem>>
        %get3A_835 = tpu.memref_squeeze %get3A_834 : memref<1x48x128xf32, #tpu.memory_space<vmem>> -> memref<48x128xf32, #tpu.memory_space<vmem>>
        %get3A_836 = arith.index_cast %scan3A_726 : i32 to index
        %get3A_837 = arith.constant 80 : index
        %get3A_838 = tpu.vector_load %get3A_835[%get3A_836, %get3A_837] {strides = array<i32>} : memref<48x128xf32, #tpu.memory_space<vmem>>, vector<16xf32>,
        %get3A_839 = arith.constant 0 : i32
        %get3A_840 = arith.constant 0 : i32
        %get3A_841 = tpu.memref_slice %arg10[%scan3A_678, %get3A_839, %get3A_840] : memref<2x48x128xf32, #tpu.memory_space<vmem>> -> memref<1x48x128xf32, #tpu.memory_space<vmem>>
        %get3A_842 = tpu.memref_squeeze %get3A_841 : memref<1x48x128xf32, #tpu.memory_space<vmem>> -> memref<48x128xf32, #tpu.memory_space<vmem>>
        %get3A_843 = arith.index_cast %scan3A_726 : i32 to index
        %get3A_844 = arith.constant 80 : index
        %get3A_845 = tpu.vector_load %get3A_842[%get3A_843, %get3A_844] {strides = array<i32>} : memref<48x128xf32, #tpu.memory_space<vmem>>, vector<16xf32>,
        %add3A_846 = arith.addf %get3A_838, %get3A_845 : vector<16xf32>
        %gt3A_847 = arith.constant 0.000000e+00 : f32
        %gt3A_848 = vector.broadcast %gt3A_847 : f32 to vector<16xf32>
        %gt3A_849 = arith.cmpf ogt, %add3A_846, %gt3A_848 : vector<16xf32>
        %select_n3A_850 = arith.select %gt3A_849, %get3A_73, %mul3A_95 : vector<16xi1>, vector<16xf32>
        %mul3A_851 = arith.mulf %add3A_846, %select_n3A_850 : vector<16xf32>
        %add3A_852 = arith.addf %add3A_831, %mul3A_851 : vector<16xf32>
        %get3A_853 = arith.constant 0 : i32
        %get3A_854 = arith.constant 0 : i32
        %get3A_855 = tpu.memref_slice %arg9[%scan3A_677, %get3A_853, %get3A_854] : memref<2x48x128xf32, #tpu.memory_space<vmem>> -> memref<1x48x128xf32, #tpu.memory_space<vmem>>
        %get3A_856 = tpu.memref_squeeze %get3A_855 : memref<1x48x128xf32, #tpu.memory_space<vmem>> -> memref<48x128xf32, #tpu.memory_space<vmem>>
        %get3A_857 = arith.index_cast %scan3A_726 : i32 to index
        %get3A_858 = arith.constant 96 : index
        %get3A_859 = tpu.vector_load %get3A_856[%get3A_857, %get3A_858] {strides = array<i32>} : memref<48x128xf32, #tpu.memory_space<vmem>>, vector<16xf32>,
        %get3A_860 = arith.constant 0 : i32
        %get3A_861 = arith.constant 0 : i32
        %get3A_862 = tpu.memref_slice %arg10[%scan3A_678, %get3A_860, %get3A_861] : memref<2x48x128xf32, #tpu.memory_space<vmem>> -> memref<1x48x128xf32, #tpu.memory_space<vmem>>
        %get3A_863 = tpu.memref_squeeze %get3A_862 : memref<1x48x128xf32, #tpu.memory_space<vmem>> -> memref<48x128xf32, #tpu.memory_space<vmem>>
        %get3A_864 = arith.index_cast %scan3A_726 : i32 to index
        %get3A_865 = arith.constant 96 : index
        %get3A_866 = tpu.vector_load %get3A_863[%get3A_864, %get3A_865] {strides = array<i32>} : memref<48x128xf32, #tpu.memory_space<vmem>>, vector<16xf32>,
        %add3A_867 = arith.addf %get3A_859, %get3A_866 : vector<16xf32>
        %gt3A_868 = arith.constant 0.000000e+00 : f32
        %gt3A_869 = vector.broadcast %gt3A_868 : f32 to vector<16xf32>
        %gt3A_870 = arith.cmpf ogt, %add3A_867, %gt3A_869 : vector<16xf32>
        %select_n3A_871 = arith.select %gt3A_870, %get3A_75, %mul3A_98 : vector<16xi1>, vector<16xf32>
        %mul3A_872 = arith.mulf %add3A_867, %select_n3A_871 : vector<16xf32>
        %add3A_873 = arith.addf %add3A_852, %mul3A_872 : vector<16xf32>
        %get3A_874 = arith.constant 0 : i32
        %get3A_875 = arith.constant 0 : i32
        %get3A_876 = tpu.memref_slice %arg9[%scan3A_677, %get3A_874, %get3A_875] : memref<2x48x128xf32, #tpu.memory_space<vmem>> -> memref<1x48x128xf32, #tpu.memory_space<vmem>>
        %get3A_877 = tpu.memref_squeeze %get3A_876 : memref<1x48x128xf32, #tpu.memory_space<vmem>> -> memref<48x128xf32, #tpu.memory_space<vmem>>
        %get3A_878 = arith.index_cast %scan3A_726 : i32 to index
        %get3A_879 = arith.constant 112 : index
        %get3A_880 = tpu.vector_load %get3A_877[%get3A_878, %get3A_879] {strides = array<i32>} : memref<48x128xf32, #tpu.memory_space<vmem>>, vector<16xf32>,
        %get3A_881 = arith.constant 0 : i32
        %get3A_882 = arith.constant 0 : i32
        %get3A_883 = tpu.memref_slice %arg10[%scan3A_678, %get3A_881, %get3A_882] : memref<2x48x128xf32, #tpu.memory_space<vmem>> -> memref<1x48x128xf32, #tpu.memory_space<vmem>>
        %get3A_884 = tpu.memref_squeeze %get3A_883 : memref<1x48x128xf32, #tpu.memory_space<vmem>> -> memref<48x128xf32, #tpu.memory_space<vmem>>
        %get3A_885 = arith.index_cast %scan3A_726 : i32 to index
        %get3A_886 = arith.constant 112 : index
        %get3A_887 = tpu.vector_load %get3A_884[%get3A_885, %get3A_886] {strides = array<i32>} : memref<48x128xf32, #tpu.memory_space<vmem>>, vector<16xf32>,
        %add3A_888 = arith.addf %get3A_880, %get3A_887 : vector<16xf32>
        %gt3A_889 = arith.constant 0.000000e+00 : f32
        %gt3A_890 = vector.broadcast %gt3A_889 : f32 to vector<16xf32>
        %gt3A_891 = arith.cmpf ogt, %add3A_888, %gt3A_890 : vector<16xf32>
        %select_n3A_892 = arith.select %gt3A_891, %get3A_77, %mul3A_101 : vector<16xi1>, vector<16xf32>
        %mul3A_893 = arith.mulf %add3A_888, %select_n3A_892 : vector<16xf32>
        %add3A_894 = arith.addf %add3A_873, %mul3A_893 : vector<16xf32>
        %reduce_sum3A = arith.constant true
        %reduce_sum3A_895 = vector.broadcast %reduce_sum3A : i1 to vector<16xi1>
        %reduce_sum3A_896 = tpu.scan <sum>, %add3A_894 masked %reduce_sum3A_895 : vector<16xf32>, vector<16xi1> -> vector<16xf32>
        %reduce_sum3A_897 = vector.extract %reduce_sum3A_896[15] : f32 from vector<16xf32>
        %broadcast_in_dim3A_898 = vector.broadcast %reduce_sum3A_897 : f32 to vector<16xf32>
        %exp3A = math.exp %broadcast_in_dim3A_898 : vector<16xf32>
        %mul3A_899 = arith.mulf %get3A_735, %exp3A : vector<16xf32>
        %swap3A = arith.constant 0 : i32
        %swap3A_900 = arith.constant 0 : i32
        %swap3A_901 = tpu.memref_slice %arg10[%scan3A_678, %swap3A, %swap3A_900] : memref<2x48x128xf32, #tpu.memory_space<vmem>> -> memref<1x48x128xf32, #tpu.memory_space<vmem>>
        %swap3A_902 = tpu.memref_squeeze %swap3A_901 : memref<1x48x128xf32, #tpu.memory_space<vmem>> -> memref<48x128xf32, #tpu.memory_space<vmem>>
        %swap3A_903 = arith.index_cast %scan3A_726 : i32 to index
        %swap3A_904 = arith.constant 0 : index
        %swap3A_905 = tpu.vector_load %swap3A_902[%swap3A_903, %swap3A_904] {strides = array<i32>} : memref<48x128xf32, #tpu.memory_space<vmem>>, vector<16xf32>,
        tpu.vector_store %swap3A_902[%swap3A_903, %swap3A_904], %mul3A_899 {strides = array<i32>} : memref<48x128xf32, #tpu.memory_space<vmem>>, vector<16xf32>,
        %mul3A_906 = arith.mulf %get3A_754, %exp3A : vector<16xf32>
        %swap3A_907 = arith.constant 0 : i32
        %swap3A_908 = arith.constant 0 : i32
        %swap3A_909 = tpu.memref_slice %arg10[%scan3A_678, %swap3A_907, %swap3A_908] : memref<2x48x128xf32, #tpu.memory_space<vmem>> -> memref<1x48x128xf32, #tpu.memory_space<vmem>>
        %swap3A_910 = tpu.memref_squeeze %swap3A_909 : memref<1x48x128xf32, #tpu.memory_space<vmem>> -> memref<48x128xf32, #tpu.memory_space<vmem>>
        %swap3A_911 = arith.index_cast %scan3A_726 : i32 to index
        %swap3A_912 = arith.constant 16 : index
        %swap3A_913 = tpu.vector_load %swap3A_910[%swap3A_911, %swap3A_912] {strides = array<i32>} : memref<48x128xf32, #tpu.memory_space<vmem>>, vector<16xf32>,
        tpu.vector_store %swap3A_910[%swap3A_911, %swap3A_912], %mul3A_906 {strides = array<i32>} : memref<48x128xf32, #tpu.memory_space<vmem>>, vector<16xf32>,
        %mul3A_914 = arith.mulf %get3A_775, %exp3A : vector<16xf32>
        %swap3A_915 = arith.constant 0 : i32
        %swap3A_916 = arith.constant 0 : i32
        %swap3A_917 = tpu.memref_slice %arg10[%scan3A_678, %swap3A_915, %swap3A_916] : memref<2x48x128xf32, #tpu.memory_space<vmem>> -> memref<1x48x128xf32, #tpu.memory_space<vmem>>
        %swap3A_918 = tpu.memref_squeeze %swap3A_917 : memref<1x48x128xf32, #tpu.memory_space<vmem>> -> memref<48x128xf32, #tpu.memory_space<vmem>>
        %swap3A_919 = arith.index_cast %scan3A_726 : i32 to index
        %swap3A_920 = arith.constant 32 : index
        %swap3A_921 = tpu.vector_load %swap3A_918[%swap3A_919, %swap3A_920] {strides = array<i32>} : memref<48x128xf32, #tpu.memory_space<vmem>>, vector<16xf32>,
        tpu.vector_store %swap3A_918[%swap3A_919, %swap3A_920], %mul3A_914 {strides = array<i32>} : memref<48x128xf32, #tpu.memory_space<vmem>>, vector<16xf32>,
        %mul3A_922 = arith.mulf %get3A_796, %exp3A : vector<16xf32>
        %swap3A_923 = arith.constant 0 : i32
        %swap3A_924 = arith.constant 0 : i32
        %swap3A_925 = tpu.memref_slice %arg10[%scan3A_678, %swap3A_923, %swap3A_924] : memref<2x48x128xf32, #tpu.memory_space<vmem>> -> memref<1x48x128xf32, #tpu.memory_space<vmem>>
        %swap3A_926 = tpu.memref_squeeze %swap3A_925 : memref<1x48x128xf32, #tpu.memory_space<vmem>> -> memref<48x128xf32, #tpu.memory_space<vmem>>
        %swap3A_927 = arith.index_cast %scan3A_726 : i32 to index
        %swap3A_928 = arith.constant 48 : index
        %swap3A_929 = tpu.vector_load %swap3A_926[%swap3A_927, %swap3A_928] {strides = array<i32>} : memref<48x128xf32, #tpu.memory_space<vmem>>, vector<16xf32>,
        tpu.vector_store %swap3A_926[%swap3A_927, %swap3A_928], %mul3A_922 {strides = array<i32>} : memref<48x128xf32, #tpu.memory_space<vmem>>, vector<16xf32>,
        %mul3A_930 = arith.mulf %get3A_817, %exp3A : vector<16xf32>
        %swap3A_931 = arith.constant 0 : i32
        %swap3A_932 = arith.constant 0 : i32
        %swap3A_933 = tpu.memref_slice %arg10[%scan3A_678, %swap3A_931, %swap3A_932] : memref<2x48x128xf32, #tpu.memory_space<vmem>> -> memref<1x48x128xf32, #tpu.memory_space<vmem>>
        %swap3A_934 = tpu.memref_squeeze %swap3A_933 : memref<1x48x128xf32, #tpu.memory_space<vmem>> -> memref<48x128xf32, #tpu.memory_space<vmem>>
        %swap3A_935 = arith.index_cast %scan3A_726 : i32 to index
        %swap3A_936 = arith.constant 64 : index
        %swap3A_937 = tpu.vector_load %swap3A_934[%swap3A_935, %swap3A_936] {strides = array<i32>} : memref<48x128xf32, #tpu.memory_space<vmem>>, vector<16xf32>,
        tpu.vector_store %swap3A_934[%swap3A_935, %swap3A_936], %mul3A_930 {strides = array<i32>} : memref<48x128xf32, #tpu.memory_space<vmem>>, vector<16xf32>,
        %mul3A_938 = arith.mulf %get3A_838, %exp3A : vector<16xf32>
        %swap3A_939 = arith.constant 0 : i32
        %swap3A_940 = arith.constant 0 : i32
        %swap3A_941 = tpu.memref_slice %arg10[%scan3A_678, %swap3A_939, %swap3A_940] : memref<2x48x128xf32, #tpu.memory_space<vmem>> -> memref<1x48x128xf32, #tpu.memory_space<vmem>>
        %swap3A_942 = tpu.memref_squeeze %swap3A_941 : memref<1x48x128xf32, #tpu.memory_space<vmem>> -> memref<48x128xf32, #tpu.memory_space<vmem>>
        %swap3A_943 = arith.index_cast %scan3A_726 : i32 to index
        %swap3A_944 = arith.constant 80 : index
        %swap3A_945 = tpu.vector_load %swap3A_942[%swap3A_943, %swap3A_944] {strides = array<i32>} : memref<48x128xf32, #tpu.memory_space<vmem>>, vector<16xf32>,
        tpu.vector_store %swap3A_942[%swap3A_943, %swap3A_944], %mul3A_938 {strides = array<i32>} : memref<48x128xf32, #tpu.memory_space<vmem>>, vector<16xf32>,
        %mul3A_946 = arith.mulf %get3A_859, %exp3A : vector<16xf32>
        %swap3A_947 = arith.constant 0 : i32
        %swap3A_948 = arith.constant 0 : i32
        %swap3A_949 = tpu.memref_slice %arg10[%scan3A_678, %swap3A_947, %swap3A_948] : memref<2x48x128xf32, #tpu.memory_space<vmem>> -> memref<1x48x128xf32, #tpu.memory_space<vmem>>
        %swap3A_950 = tpu.memref_squeeze %swap3A_949 : memref<1x48x128xf32, #tpu.memory_space<vmem>> -> memref<48x128xf32, #tpu.memory_space<vmem>>
        %swap3A_951 = arith.index_cast %scan3A_726 : i32 to index
        %swap3A_952 = arith.constant 96 : index
        %swap3A_953 = tpu.vector_load %swap3A_950[%swap3A_951, %swap3A_952] {strides = array<i32>} : memref<48x128xf32, #tpu.memory_space<vmem>>, vector<16xf32>,
        tpu.vector_store %swap3A_950[%swap3A_951, %swap3A_952], %mul3A_946 {strides = array<i32>} : memref<48x128xf32, #tpu.memory_space<vmem>>, vector<16xf32>,
        %mul3A_954 = arith.mulf %get3A_880, %exp3A : vector<16xf32>
        %swap3A_955 = arith.constant 0 : i32
        %swap3A_956 = arith.constant 0 : i32
        %swap3A_957 = tpu.memref_slice %arg10[%scan3A_678, %swap3A_955, %swap3A_956] : memref<2x48x128xf32, #tpu.memory_space<vmem>> -> memref<1x48x128xf32, #tpu.memory_space<vmem>>
        %swap3A_958 = tpu.memref_squeeze %swap3A_957 : memref<1x48x128xf32, #tpu.memory_space<vmem>> -> memref<48x128xf32, #tpu.memory_space<vmem>>
        %swap3A_959 = arith.index_cast %scan3A_726 : i32 to index
        %swap3A_960 = arith.constant 112 : index
        %swap3A_961 = tpu.vector_load %swap3A_958[%swap3A_959, %swap3A_960] {strides = array<i32>} : memref<48x128xf32, #tpu.memory_space<vmem>>, vector<16xf32>,
        tpu.vector_store %swap3A_958[%swap3A_959, %swap3A_960], %mul3A_954 {strides = array<i32>} : memref<48x128xf32, #tpu.memory_space<vmem>>, vector<16xf32>,
        %swap3A_962 = arith.index_cast %scan3A_726 : i32 to index
        %swap3A_963 = arith.constant 0 : index
        %swap3A_964 = tpu.vector_load %arg11[%swap3A_962, %swap3A_963] {strides = array<i32>} : memref<48x16xf32, #tpu.memory_space<vmem>>, vector<16xf32>,
        tpu.vector_store %arg11[%swap3A_962, %swap3A_963], %exp3A {strides = array<i32>} : memref<48x16xf32, #tpu.memory_space<vmem>>, vector<16xf32>,
        %scan3A_965 = arith.constant 1 : i32
        %scan3A_966 = arith.addi %scan3A_726, %scan3A_965 : i32
        %broadcast_in_dim3A_967 = arith.constant 0.000000e+00 : f32
        %broadcast_in_dim3A_968 = vector.broadcast %broadcast_in_dim3A_967 : f32 to vector<16xf32>
        %get3A_969 = arith.constant 0 : i32
        %get3A_970 = arith.constant 0 : i32
        %get3A_971 = tpu.memref_slice %arg9[%scan3A_677, %get3A_969, %get3A_970] : memref<2x48x128xf32, #tpu.memory_space<vmem>> -> memref<1x48x128xf32, #tpu.memory_space<vmem>>
        %get3A_972 = tpu.memref_squeeze %get3A_971 : memref<1x48x128xf32, #tpu.memory_space<vmem>> -> memref<48x128xf32, #tpu.memory_space<vmem>>
        %get3A_973 = arith.index_cast %scan3A_966 : i32 to index
        %get3A_974 = arith.constant 0 : index
        %get3A_975 = tpu.vector_load %get3A_972[%get3A_973, %get3A_974] {strides = array<i32>} : memref<48x128xf32, #tpu.memory_space<vmem>>, vector<16xf32>,
        %get3A_976 = arith.constant 0 : i32
        %get3A_977 = arith.constant 0 : i32
        %get3A_978 = tpu.memref_slice %arg10[%scan3A_678, %get3A_976, %get3A_977] : memref<2x48x128xf32, #tpu.memory_space<vmem>> -> memref<1x48x128xf32, #tpu.memory_space<vmem>>
        %get3A_979 = tpu.memref_squeeze %get3A_978 : memref<1x48x128xf32, #tpu.memory_space<vmem>> -> memref<48x128xf32, #tpu.memory_space<vmem>>
        %get3A_980 = arith.index_cast %scan3A_966 : i32 to index
        %get3A_981 = arith.constant 0 : index
        %get3A_982 = tpu.vector_load %get3A_979[%get3A_980, %get3A_981] {strides = array<i32>} : memref<48x128xf32, #tpu.memory_space<vmem>>, vector<16xf32>,
        %add3A_983 = arith.addf %get3A_975, %get3A_982 : vector<16xf32>
        %gt3A_984 = arith.constant 0.000000e+00 : f32
        %gt3A_985 = vector.broadcast %gt3A_984 : f32 to vector<16xf32>
        %gt3A_986 = arith.cmpf ogt, %add3A_983, %gt3A_985 : vector<16xf32>
        %select_n3A_987 = arith.select %gt3A_986, %get3A_63, %mul3A_80 : vector<16xi1>, vector<16xf32>
        %mul3A_988 = arith.mulf %add3A_983, %select_n3A_987 : vector<16xf32>
        %add3A_989 = arith.addf %broadcast_in_dim3A_968, %mul3A_988 : vector<16xf32>
        %get3A_990 = arith.constant 0 : i32
        %get3A_991 = arith.constant 0 : i32
        %get3A_992 = tpu.memref_slice %arg9[%scan3A_677, %get3A_990, %get3A_991] : memref<2x48x128xf32, #tpu.memory_space<vmem>> -> memref<1x48x128xf32, #tpu.memory_space<vmem>>
        %get3A_993 = tpu.memref_squeeze %get3A_992 : memref<1x48x128xf32, #tpu.memory_space<vmem>> -> memref<48x128xf32, #tpu.memory_space<vmem>>
        %get3A_994 = arith.index_cast %scan3A_966 : i32 to index
        %get3A_995 = arith.constant 16 : index
        %get3A_996 = tpu.vector_load %get3A_993[%get3A_994, %get3A_995] {strides = array<i32>} : memref<48x128xf32, #tpu.memory_space<vmem>>, vector<16xf32>,
        %get3A_997 = arith.constant 0 : i32
        %get3A_998 = arith.constant 0 : i32
        %get3A_999 = tpu.memref_slice %arg10[%scan3A_678, %get3A_997, %get3A_998] : memref<2x48x128xf32, #tpu.memory_space<vmem>> -> memref<1x48x128xf32, #tpu.memory_space<vmem>>
        %get3A_1000 = tpu.memref_squeeze %get3A_999 : memref<1x48x128xf32, #tpu.memory_space<vmem>> -> memref<48x128xf32, #tpu.memory_space<vmem>>
        %get3A_1001 = arith.index_cast %scan3A_966 : i32 to index
        %get3A_1002 = arith.constant 16 : index
        %get3A_1003 = tpu.vector_load %get3A_1000[%get3A_1001, %get3A_1002] {strides = array<i32>} : memref<48x128xf32, #tpu.memory_space<vmem>>, vector<16xf32>,
        %add3A_1004 = arith.addf %get3A_996, %get3A_1003 : vector<16xf32>
        %gt3A_1005 = arith.constant 0.000000e+00 : f32
        %gt3A_1006 = vector.broadcast %gt3A_1005 : f32 to vector<16xf32>
        %gt3A_1007 = arith.cmpf ogt, %add3A_1004, %gt3A_1006 : vector<16xf32>
        %select_n3A_1008 = arith.select %gt3A_1007, %get3A_65, %mul3A_83 : vector<16xi1>, vector<16xf32>
        %mul3A_1009 = arith.mulf %add3A_1004, %select_n3A_1008 : vector<16xf32>
        %add3A_1010 = arith.addf %add3A_989, %mul3A_1009 : vector<16xf32>
        %get3A_1011 = arith.constant 0 : i32
        %get3A_1012 = arith.constant 0 : i32
        %get3A_1013 = tpu.memref_slice %arg9[%scan3A_677, %get3A_1011, %get3A_1012] : memref<2x48x128xf32, #tpu.memory_space<vmem>> -> memref<1x48x128xf32, #tpu.memory_space<vmem>>
        %get3A_1014 = tpu.memref_squeeze %get3A_1013 : memref<1x48x128xf32, #tpu.memory_space<vmem>> -> memref<48x128xf32, #tpu.memory_space<vmem>>
        %get3A_1015 = arith.index_cast %scan3A_966 : i32 to index
        %get3A_1016 = arith.constant 32 : index
        %get3A_1017 = tpu.vector_load %get3A_1014[%get3A_1015, %get3A_1016] {strides = array<i32>} : memref<48x128xf32, #tpu.memory_space<vmem>>, vector<16xf32>,
        %get3A_1018 = arith.constant 0 : i32
        %get3A_1019 = arith.constant 0 : i32
        %get3A_1020 = tpu.memref_slice %arg10[%scan3A_678, %get3A_1018, %get3A_1019] : memref<2x48x128xf32, #tpu.memory_space<vmem>> -> memref<1x48x128xf32, #tpu.memory_space<vmem>>
        %get3A_1021 = tpu.memref_squeeze %get3A_1020 : memref<1x48x128xf32, #tpu.memory_space<vmem>> -> memref<48x128xf32, #tpu.memory_space<vmem>>
        %get3A_1022 = arith.index_cast %scan3A_966 : i32 to index
        %get3A_1023 = arith.constant 32 : index
        %get3A_1024 = tpu.vector_load %get3A_1021[%get3A_1022, %get3A_1023] {strides = array<i32>} : memref<48x128xf32, #tpu.memory_space<vmem>>, vector<16xf32>,
        %add3A_1025 = arith.addf %get3A_1017, %get3A_1024 : vector<16xf32>
        %gt3A_1026 = arith.constant 0.000000e+00 : f32
        %gt3A_1027 = vector.broadcast %gt3A_1026 : f32 to vector<16xf32>
        %gt3A_1028 = arith.cmpf ogt, %add3A_1025, %gt3A_1027 : vector<16xf32>
        %select_n3A_1029 = arith.select %gt3A_1028, %get3A_67, %mul3A_86 : vector<16xi1>, vector<16xf32>
        %mul3A_1030 = arith.mulf %add3A_1025, %select_n3A_1029 : vector<16xf32>
        %add3A_1031 = arith.addf %add3A_1010, %mul3A_1030 : vector<16xf32>
        %get3A_1032 = arith.constant 0 : i32
        %get3A_1033 = arith.constant 0 : i32
        %get3A_1034 = tpu.memref_slice %arg9[%scan3A_677, %get3A_1032, %get3A_1033] : memref<2x48x128xf32, #tpu.memory_space<vmem>> -> memref<1x48x128xf32, #tpu.memory_space<vmem>>
        %get3A_1035 = tpu.memref_squeeze %get3A_1034 : memref<1x48x128xf32, #tpu.memory_space<vmem>> -> memref<48x128xf32, #tpu.memory_space<vmem>>
        %get3A_1036 = arith.index_cast %scan3A_966 : i32 to index
        %get3A_1037 = arith.constant 48 : index
        %get3A_1038 = tpu.vector_load %get3A_1035[%get3A_1036, %get3A_1037] {strides = array<i32>} : memref<48x128xf32, #tpu.memory_space<vmem>>, vector<16xf32>,
        %get3A_1039 = arith.constant 0 : i32
        %get3A_1040 = arith.constant 0 : i32
        %get3A_1041 = tpu.memref_slice %arg10[%scan3A_678, %get3A_1039, %get3A_1040] : memref<2x48x128xf32, #tpu.memory_space<vmem>> -> memref<1x48x128xf32, #tpu.memory_space<vmem>>
        %get3A_1042 = tpu.memref_squeeze %get3A_1041 : memref<1x48x128xf32, #tpu.memory_space<vmem>> -> memref<48x128xf32, #tpu.memory_space<vmem>>
        %get3A_1043 = arith.index_cast %scan3A_966 : i32 to index
        %get3A_1044 = arith.constant 48 : index
        %get3A_1045 = tpu.vector_load %get3A_1042[%get3A_1043, %get3A_1044] {strides = array<i32>} : memref<48x128xf32, #tpu.memory_space<vmem>>, vector<16xf32>,
        %add3A_1046 = arith.addf %get3A_1038, %get3A_1045 : vector<16xf32>
        %gt3A_1047 = arith.constant 0.000000e+00 : f32
        %gt3A_1048 = vector.broadcast %gt3A_1047 : f32 to vector<16xf32>
        %gt3A_1049 = arith.cmpf ogt, %add3A_1046, %gt3A_1048 : vector<16xf32>
        %select_n3A_1050 = arith.select %gt3A_1049, %get3A_69, %mul3A_89 : vector<16xi1>, vector<16xf32>
        %mul3A_1051 = arith.mulf %add3A_1046, %select_n3A_1050 : vector<16xf32>
        %add3A_1052 = arith.addf %add3A_1031, %mul3A_1051 : vector<16xf32>
        %get3A_1053 = arith.constant 0 : i32
        %get3A_1054 = arith.constant 0 : i32
        %get3A_1055 = tpu.memref_slice %arg9[%scan3A_677, %get3A_1053, %get3A_1054] : memref<2x48x128xf32, #tpu.memory_space<vmem>> -> memref<1x48x128xf32, #tpu.memory_space<vmem>>
        %get3A_1056 = tpu.memref_squeeze %get3A_1055 : memref<1x48x128xf32, #tpu.memory_space<vmem>> -> memref<48x128xf32, #tpu.memory_space<vmem>>
        %get3A_1057 = arith.index_cast %scan3A_966 : i32 to index
        %get3A_1058 = arith.constant 64 : index
        %get3A_1059 = tpu.vector_load %get3A_1056[%get3A_1057, %get3A_1058] {strides = array<i32>} : memref<48x128xf32, #tpu.memory_space<vmem>>, vector<16xf32>,
        %get3A_1060 = arith.constant 0 : i32
        %get3A_1061 = arith.constant 0 : i32
        %get3A_1062 = tpu.memref_slice %arg10[%scan3A_678, %get3A_1060, %get3A_1061] : memref<2x48x128xf32, #tpu.memory_space<vmem>> -> memref<1x48x128xf32, #tpu.memory_space<vmem>>
        %get3A_1063 = tpu.memref_squeeze %get3A_1062 : memref<1x48x128xf32, #tpu.memory_space<vmem>> -> memref<48x128xf32, #tpu.memory_space<vmem>>
        %get3A_1064 = arith.index_cast %scan3A_966 : i32 to index
        %get3A_1065 = arith.constant 64 : index
        %get3A_1066 = tpu.vector_load %get3A_1063[%get3A_1064, %get3A_1065] {strides = array<i32>} : memref<48x128xf32, #tpu.memory_space<vmem>>, vector<16xf32>,
        %add3A_1067 = arith.addf %get3A_1059, %get3A_1066 : vector<16xf32>
        %gt3A_1068 = arith.constant 0.000000e+00 : f32
        %gt3A_1069 = vector.broadcast %gt3A_1068 : f32 to vector<16xf32>
        %gt3A_1070 = arith.cmpf ogt, %add3A_1067, %gt3A_1069 : vector<16xf32>
        %select_n3A_1071 = arith.select %gt3A_1070, %get3A_71, %mul3A_92 : vector<16xi1>, vector<16xf32>
        %mul3A_1072 = arith.mulf %add3A_1067, %select_n3A_1071 : vector<16xf32>
        %add3A_1073 = arith.addf %add3A_1052, %mul3A_1072 : vector<16xf32>
        %get3A_1074 = arith.constant 0 : i32
        %get3A_1075 = arith.constant 0 : i32
        %get3A_1076 = tpu.memref_slice %arg9[%scan3A_677, %get3A_1074, %get3A_1075] : memref<2x48x128xf32, #tpu.memory_space<vmem>> -> memref<1x48x128xf32, #tpu.memory_space<vmem>>
        %get3A_1077 = tpu.memref_squeeze %get3A_1076 : memref<1x48x128xf32, #tpu.memory_space<vmem>> -> memref<48x128xf32, #tpu.memory_space<vmem>>
        %get3A_1078 = arith.index_cast %scan3A_966 : i32 to index
        %get3A_1079 = arith.constant 80 : index
        %get3A_1080 = tpu.vector_load %get3A_1077[%get3A_1078, %get3A_1079] {strides = array<i32>} : memref<48x128xf32, #tpu.memory_space<vmem>>, vector<16xf32>,
        %get3A_1081 = arith.constant 0 : i32
        %get3A_1082 = arith.constant 0 : i32
        %get3A_1083 = tpu.memref_slice %arg10[%scan3A_678, %get3A_1081, %get3A_1082] : memref<2x48x128xf32, #tpu.memory_space<vmem>> -> memref<1x48x128xf32, #tpu.memory_space<vmem>>
        %get3A_1084 = tpu.memref_squeeze %get3A_1083 : memref<1x48x128xf32, #tpu.memory_space<vmem>> -> memref<48x128xf32, #tpu.memory_space<vmem>>
        %get3A_1085 = arith.index_cast %scan3A_966 : i32 to index
        %get3A_1086 = arith.constant 80 : index
        %get3A_1087 = tpu.vector_load %get3A_1084[%get3A_1085, %get3A_1086] {strides = array<i32>} : memref<48x128xf32, #tpu.memory_space<vmem>>, vector<16xf32>,
        %add3A_1088 = arith.addf %get3A_1080, %get3A_1087 : vector<16xf32>
        %gt3A_1089 = arith.constant 0.000000e+00 : f32
        %gt3A_1090 = vector.broadcast %gt3A_1089 : f32 to vector<16xf32>
        %gt3A_1091 = arith.cmpf ogt, %add3A_1088, %gt3A_1090 : vector<16xf32>
        %select_n3A_1092 = arith.select %gt3A_1091, %get3A_73, %mul3A_95 : vector<16xi1>, vector<16xf32>
        %mul3A_1093 = arith.mulf %add3A_1088, %select_n3A_1092 : vector<16xf32>
        %add3A_1094 = arith.addf %add3A_1073, %mul3A_1093 : vector<16xf32>
        %get3A_1095 = arith.constant 0 : i32
        %get3A_1096 = arith.constant 0 : i32
        %get3A_1097 = tpu.memref_slice %arg9[%scan3A_677, %get3A_1095, %get3A_1096] : memref<2x48x128xf32, #tpu.memory_space<vmem>> -> memref<1x48x128xf32, #tpu.memory_space<vmem>>
        %get3A_1098 = tpu.memref_squeeze %get3A_1097 : memref<1x48x128xf32, #tpu.memory_space<vmem>> -> memref<48x128xf32, #tpu.memory_space<vmem>>
        %get3A_1099 = arith.index_cast %scan3A_966 : i32 to index
        %get3A_1100 = arith.constant 96 : index
        %get3A_1101 = tpu.vector_load %get3A_1098[%get3A_1099, %get3A_1100] {strides = array<i32>} : memref<48x128xf32, #tpu.memory_space<vmem>>, vector<16xf32>,
        %get3A_1102 = arith.constant 0 : i32
        %get3A_1103 = arith.constant 0 : i32
        %get3A_1104 = tpu.memref_slice %arg10[%scan3A_678, %get3A_1102, %get3A_1103] : memref<2x48x128xf32, #tpu.memory_space<vmem>> -> memref<1x48x128xf32, #tpu.memory_space<vmem>>
        %get3A_1105 = tpu.memref_squeeze %get3A_1104 : memref<1x48x128xf32, #tpu.memory_space<vmem>> -> memref<48x128xf32, #tpu.memory_space<vmem>>
        %get3A_1106 = arith.index_cast %scan3A_966 : i32 to index
        %get3A_1107 = arith.constant 96 : index
        %get3A_1108 = tpu.vector_load %get3A_1105[%get3A_1106, %get3A_1107] {strides = array<i32>} : memref<48x128xf32, #tpu.memory_space<vmem>>, vector<16xf32>,
        %add3A_1109 = arith.addf %get3A_1101, %get3A_1108 : vector<16xf32>
        %gt3A_1110 = arith.constant 0.000000e+00 : f32
        %gt3A_1111 = vector.broadcast %gt3A_1110 : f32 to vector<16xf32>
        %gt3A_1112 = arith.cmpf ogt, %add3A_1109, %gt3A_1111 : vector<16xf32>
        %select_n3A_1113 = arith.select %gt3A_1112, %get3A_75, %mul3A_98 : vector<16xi1>, vector<16xf32>
        %mul3A_1114 = arith.mulf %add3A_1109, %select_n3A_1113 : vector<16xf32>
        %add3A_1115 = arith.addf %add3A_1094, %mul3A_1114 : vector<16xf32>
        %get3A_1116 = arith.constant 0 : i32
        %get3A_1117 = arith.constant 0 : i32
        %get3A_1118 = tpu.memref_slice %arg9[%scan3A_677, %get3A_1116, %get3A_1117] : memref<2x48x128xf32, #tpu.memory_space<vmem>> -> memref<1x48x128xf32, #tpu.memory_space<vmem>>
        %get3A_1119 = tpu.memref_squeeze %get3A_1118 : memref<1x48x128xf32, #tpu.memory_space<vmem>> -> memref<48x128xf32, #tpu.memory_space<vmem>>
        %get3A_1120 = arith.index_cast %scan3A_966 : i32 to index
        %get3A_1121 = arith.constant 112 : index
        %get3A_1122 = tpu.vector_load %get3A_1119[%get3A_1120, %get3A_1121] {strides = array<i32>} : memref<48x128xf32, #tpu.memory_space<vmem>>, vector<16xf32>,
        %get3A_1123 = arith.constant 0 : i32
        %get3A_1124 = arith.constant 0 : i32
        %get3A_1125 = tpu.memref_slice %arg10[%scan3A_678, %get3A_1123, %get3A_1124] : memref<2x48x128xf32, #tpu.memory_space<vmem>> -> memref<1x48x128xf32, #tpu.memory_space<vmem>>
        %get3A_1126 = tpu.memref_squeeze %get3A_1125 : memref<1x48x128xf32, #tpu.memory_space<vmem>> -> memref<48x128xf32, #tpu.memory_space<vmem>>
        %get3A_1127 = arith.index_cast %scan3A_966 : i32 to index
        %get3A_1128 = arith.constant 112 : index
        %get3A_1129 = tpu.vector_load %get3A_1126[%get3A_1127, %get3A_1128] {strides = array<i32>} : memref<48x128xf32, #tpu.memory_space<vmem>>, vector<16xf32>,
        %add3A_1130 = arith.addf %get3A_1122, %get3A_1129 : vector<16xf32>
        %gt3A_1131 = arith.constant 0.000000e+00 : f32
        %gt3A_1132 = vector.broadcast %gt3A_1131 : f32 to vector<16xf32>
        %gt3A_1133 = arith.cmpf ogt, %add3A_1130, %gt3A_1132 : vector<16xf32>
        %select_n3A_1134 = arith.select %gt3A_1133, %get3A_77, %mul3A_101 : vector<16xi1>, vector<16xf32>
        %mul3A_1135 = arith.mulf %add3A_1130, %select_n3A_1134 : vector<16xf32>
        %add3A_1136 = arith.addf %add3A_1115, %mul3A_1135 : vector<16xf32>
        %reduce_sum3A_1137 = arith.constant true
        %reduce_sum3A_1138 = vector.broadcast %reduce_sum3A_1137 : i1 to vector<16xi1>
        %reduce_sum3A_1139 = tpu.scan <sum>, %add3A_1136 masked %reduce_sum3A_1138 : vector<16xf32>, vector<16xi1> -> vector<16xf32>
        %reduce_sum3A_1140 = vector.extract %reduce_sum3A_1139[15] : f32 from vector<16xf32>
        %broadcast_in_dim3A_1141 = vector.broadcast %reduce_sum3A_1140 : f32 to vector<16xf32>
        %exp3A_1142 = math.exp %broadcast_in_dim3A_1141 : vector<16xf32>
        %mul3A_1143 = arith.mulf %get3A_975, %exp3A_1142 : vector<16xf32>
        %swap3A_1144 = arith.constant 0 : i32
        %swap3A_1145 = arith.constant 0 : i32
        %swap3A_1146 = tpu.memref_slice %arg10[%scan3A_678, %swap3A_1144, %swap3A_1145] : memref<2x48x128xf32, #tpu.memory_space<vmem>> -> memref<1x48x128xf32, #tpu.memory_space<vmem>>
        %swap3A_1147 = tpu.memref_squeeze %swap3A_1146 : memref<1x48x128xf32, #tpu.memory_space<vmem>> -> memref<48x128xf32, #tpu.memory_space<vmem>>
        %swap3A_1148 = arith.index_cast %scan3A_966 : i32 to index
        %swap3A_1149 = arith.constant 0 : index
        %swap3A_1150 = tpu.vector_load %swap3A_1147[%swap3A_1148, %swap3A_1149] {strides = array<i32>} : memref<48x128xf32, #tpu.memory_space<vmem>>, vector<16xf32>,
        tpu.vector_store %swap3A_1147[%swap3A_1148, %swap3A_1149], %mul3A_1143 {strides = array<i32>} : memref<48x128xf32, #tpu.memory_space<vmem>>, vector<16xf32>,
        %mul3A_1151 = arith.mulf %get3A_996, %exp3A_1142 : vector<16xf32>
        %swap3A_1152 = arith.constant 0 : i32
        %swap3A_1153 = arith.constant 0 : i32
        %swap3A_1154 = tpu.memref_slice %arg10[%scan3A_678, %swap3A_1152, %swap3A_1153] : memref<2x48x128xf32, #tpu.memory_space<vmem>> -> memref<1x48x128xf32, #tpu.memory_space<vmem>>
        %swap3A_1155 = tpu.memref_squeeze %swap3A_1154 : memref<1x48x128xf32, #tpu.memory_space<vmem>> -> memref<48x128xf32, #tpu.memory_space<vmem>>
        %swap3A_1156 = arith.index_cast %scan3A_966 : i32 to index
        %swap3A_1157 = arith.constant 16 : index
        %swap3A_1158 = tpu.vector_load %swap3A_1155[%swap3A_1156, %swap3A_1157] {strides = array<i32>} : memref<48x128xf32, #tpu.memory_space<vmem>>, vector<16xf32>,
        tpu.vector_store %swap3A_1155[%swap3A_1156, %swap3A_1157], %mul3A_1151 {strides = array<i32>} : memref<48x128xf32, #tpu.memory_space<vmem>>, vector<16xf32>,
        %mul3A_1159 = arith.mulf %get3A_1017, %exp3A_1142 : vector<16xf32>
        %swap3A_1160 = arith.constant 0 : i32
        %swap3A_1161 = arith.constant 0 : i32
        %swap3A_1162 = tpu.memref_slice %arg10[%scan3A_678, %swap3A_1160, %swap3A_1161] : memref<2x48x128xf32, #tpu.memory_space<vmem>> -> memref<1x48x128xf32, #tpu.memory_space<vmem>>
        %swap3A_1163 = tpu.memref_squeeze %swap3A_1162 : memref<1x48x128xf32, #tpu.memory_space<vmem>> -> memref<48x128xf32, #tpu.memory_space<vmem>>
        %swap3A_1164 = arith.index_cast %scan3A_966 : i32 to index
        %swap3A_1165 = arith.constant 32 : index
        %swap3A_1166 = tpu.vector_load %swap3A_1163[%swap3A_1164, %swap3A_1165] {strides = array<i32>} : memref<48x128xf32, #tpu.memory_space<vmem>>, vector<16xf32>,
        tpu.vector_store %swap3A_1163[%swap3A_1164, %swap3A_1165], %mul3A_1159 {strides = array<i32>} : memref<48x128xf32, #tpu.memory_space<vmem>>, vector<16xf32>,
        %mul3A_1167 = arith.mulf %get3A_1038, %exp3A_1142 : vector<16xf32>
        %swap3A_1168 = arith.constant 0 : i32
        %swap3A_1169 = arith.constant 0 : i32
        %swap3A_1170 = tpu.memref_slice %arg10[%scan3A_678, %swap3A_1168, %swap3A_1169] : memref<2x48x128xf32, #tpu.memory_space<vmem>> -> memref<1x48x128xf32, #tpu.memory_space<vmem>>
        %swap3A_1171 = tpu.memref_squeeze %swap3A_1170 : memref<1x48x128xf32, #tpu.memory_space<vmem>> -> memref<48x128xf32, #tpu.memory_space<vmem>>
        %swap3A_1172 = arith.index_cast %scan3A_966 : i32 to index
        %swap3A_1173 = arith.constant 48 : index
        %swap3A_1174 = tpu.vector_load %swap3A_1171[%swap3A_1172, %swap3A_1173] {strides = array<i32>} : memref<48x128xf32, #tpu.memory_space<vmem>>, vector<16xf32>,
        tpu.vector_store %swap3A_1171[%swap3A_1172, %swap3A_1173], %mul3A_1167 {strides = array<i32>} : memref<48x128xf32, #tpu.memory_space<vmem>>, vector<16xf32>,
        %mul3A_1175 = arith.mulf %get3A_1059, %exp3A_1142 : vector<16xf32>
        %swap3A_1176 = arith.constant 0 : i32
        %swap3A_1177 = arith.constant 0 : i32
        %swap3A_1178 = tpu.memref_slice %arg10[%scan3A_678, %swap3A_1176, %swap3A_1177] : memref<2x48x128xf32, #tpu.memory_space<vmem>> -> memref<1x48x128xf32, #tpu.memory_space<vmem>>
        %swap3A_1179 = tpu.memref_squeeze %swap3A_1178 : memref<1x48x128xf32, #tpu.memory_space<vmem>> -> memref<48x128xf32, #tpu.memory_space<vmem>>
        %swap3A_1180 = arith.index_cast %scan3A_966 : i32 to index
        %swap3A_1181 = arith.constant 64 : index
        %swap3A_1182 = tpu.vector_load %swap3A_1179[%swap3A_1180, %swap3A_1181] {strides = array<i32>} : memref<48x128xf32, #tpu.memory_space<vmem>>, vector<16xf32>,
        tpu.vector_store %swap3A_1179[%swap3A_1180, %swap3A_1181], %mul3A_1175 {strides = array<i32>} : memref<48x128xf32, #tpu.memory_space<vmem>>, vector<16xf32>,
        %mul3A_1183 = arith.mulf %get3A_1080, %exp3A_1142 : vector<16xf32>
        %swap3A_1184 = arith.constant 0 : i32
        %swap3A_1185 = arith.constant 0 : i32
        %swap3A_1186 = tpu.memref_slice %arg10[%scan3A_678, %swap3A_1184, %swap3A_1185] : memref<2x48x128xf32, #tpu.memory_space<vmem>> -> memref<1x48x128xf32, #tpu.memory_space<vmem>>
        %swap3A_1187 = tpu.memref_squeeze %swap3A_1186 : memref<1x48x128xf32, #tpu.memory_space<vmem>> -> memref<48x128xf32, #tpu.memory_space<vmem>>
        %swap3A_1188 = arith.index_cast %scan3A_966 : i32 to index
        %swap3A_1189 = arith.constant 80 : index
        %swap3A_1190 = tpu.vector_load %swap3A_1187[%swap3A_1188, %swap3A_1189] {strides = array<i32>} : memref<48x128xf32, #tpu.memory_space<vmem>>, vector<16xf32>,
        tpu.vector_store %swap3A_1187[%swap3A_1188, %swap3A_1189], %mul3A_1183 {strides = array<i32>} : memref<48x128xf32, #tpu.memory_space<vmem>>, vector<16xf32>,
        %mul3A_1191 = arith.mulf %get3A_1101, %exp3A_1142 : vector<16xf32>
        %swap3A_1192 = arith.constant 0 : i32
        %swap3A_1193 = arith.constant 0 : i32
        %swap3A_1194 = tpu.memref_slice %arg10[%scan3A_678, %swap3A_1192, %swap3A_1193] : memref<2x48x128xf32, #tpu.memory_space<vmem>> -> memref<1x48x128xf32, #tpu.memory_space<vmem>>
        %swap3A_1195 = tpu.memref_squeeze %swap3A_1194 : memref<1x48x128xf32, #tpu.memory_space<vmem>> -> memref<48x128xf32, #tpu.memory_space<vmem>>
        %swap3A_1196 = arith.index_cast %scan3A_966 : i32 to index
        %swap3A_1197 = arith.constant 96 : index
        %swap3A_1198 = tpu.vector_load %swap3A_1195[%swap3A_1196, %swap3A_1197] {strides = array<i32>} : memref<48x128xf32, #tpu.memory_space<vmem>>, vector<16xf32>,
        tpu.vector_store %swap3A_1195[%swap3A_1196, %swap3A_1197], %mul3A_1191 {strides = array<i32>} : memref<48x128xf32, #tpu.memory_space<vmem>>, vector<16xf32>,
        %mul3A_1199 = arith.mulf %get3A_1122, %exp3A_1142 : vector<16xf32>
        %swap3A_1200 = arith.constant 0 : i32
        %swap3A_1201 = arith.constant 0 : i32
        %swap3A_1202 = tpu.memref_slice %arg10[%scan3A_678, %swap3A_1200, %swap3A_1201] : memref<2x48x128xf32, #tpu.memory_space<vmem>> -> memref<1x48x128xf32, #tpu.memory_space<vmem>>
        %swap3A_1203 = tpu.memref_squeeze %swap3A_1202 : memref<1x48x128xf32, #tpu.memory_space<vmem>> -> memref<48x128xf32, #tpu.memory_space<vmem>>
        %swap3A_1204 = arith.index_cast %scan3A_966 : i32 to index
        %swap3A_1205 = arith.constant 112 : index
        %swap3A_1206 = tpu.vector_load %swap3A_1203[%swap3A_1204, %swap3A_1205] {strides = array<i32>} : memref<48x128xf32, #tpu.memory_space<vmem>>, vector<16xf32>,
        tpu.vector_store %swap3A_1203[%swap3A_1204, %swap3A_1205], %mul3A_1199 {strides = array<i32>} : memref<48x128xf32, #tpu.memory_space<vmem>>, vector<16xf32>,
        %swap3A_1207 = arith.index_cast %scan3A_966 : i32 to index
        %swap3A_1208 = arith.constant 0 : index
        %swap3A_1209 = tpu.vector_load %arg11[%swap3A_1207, %swap3A_1208] {strides = array<i32>} : memref<48x16xf32, #tpu.memory_space<vmem>>, vector<16xf32>,
        tpu.vector_store %arg11[%swap3A_1207, %swap3A_1208], %exp3A_1142 {strides = array<i32>} : memref<48x16xf32, #tpu.memory_space<vmem>>, vector<16xf32>,
      }
      %scan3A_683 = arith.constant 48 : i32
      %get3A_684 = arith.constant 3 : i32
      %get3A_685 = arith.constant 1 : i32
      %get3A_686 = arith.constant 0 : i32
      %get3A_687 = arith.constant 0 : i32
      %get3A_688 = tpu.memref_slice %arg8[%get3A_684, %get3A_686, %get3A_687] : memref<4x2x48xi32, #tpu.memory_space<vmem>> -> memref<1x2x48xi32, #tpu.memory_space<vmem>>
      %get3A_689 = tpu.memref_squeeze %get3A_688 : memref<1x2x48xi32, #tpu.memory_space<vmem>> -> memref<2x48xi32, #tpu.memory_space<vmem>>
      %get3A_690 = arith.index_cast %get3A_685 : i32 to index
      %get3A_691 = arith.constant 0 : index
      %get3A_692 = tpu.vector_load %get3A_689[%get3A_690, %get3A_691] {strides = array<i32>} : memref<2x48xi32, #tpu.memory_space<vmem>>, vector<16xi32>,
      %add3A_693 = arith.constant 0 : i32
      %add3A_694 = vector.broadcast %add3A_693 : i32 to vector<16xi32>
      %add3A_695 = arith.addi %add3A_694, %iota3A : vector<16xi32>
      %gather3A_696 = tpu.vector_load_idx %arg11[%add3A_695, %broadcast_in_dim3A_102] : memref<48x16xf32, #tpu.memory_space<vmem>>[vector<16xi32>, vector<16xi32>], vector<16xf32>,
      tpu.vector_store_idx %arg12[%get3A_692], %gather3A_696 {add = true} : memref<10240xf32, #tpu.memory_space<vmem>>[vector<16xi32>], vector<16xf32>,
      %get3A_697 = arith.constant 3 : i32
      %get3A_698 = arith.constant 1 : i32
      %get3A_699 = arith.constant 0 : i32
      %get3A_700 = arith.constant 0 : i32
      %get3A_701 = tpu.memref_slice %arg8[%get3A_697, %get3A_699, %get3A_700] : memref<4x2x48xi32, #tpu.memory_space<vmem>> -> memref<1x2x48xi32, #tpu.memory_space<vmem>>
      %get3A_702 = tpu.memref_squeeze %get3A_701 : memref<1x2x48xi32, #tpu.memory_space<vmem>> -> memref<2x48xi32, #tpu.memory_space<vmem>>
      %get3A_703 = arith.index_cast %get3A_698 : i32 to index
      %get3A_704 = arith.constant 16 : index
      %get3A_705 = tpu.vector_load %get3A_702[%get3A_703, %get3A_704] {strides = array<i32>} : memref<2x48xi32, #tpu.memory_space<vmem>>, vector<16xi32>,
      %add3A_706 = arith.constant 16 : i32
      %add3A_707 = vector.broadcast %add3A_706 : i32 to vector<16xi32>
      %add3A_708 = arith.addi %add3A_707, %iota3A : vector<16xi32>
      %gather3A_709 = tpu.vector_load_idx %arg11[%add3A_708, %broadcast_in_dim3A_102] : memref<48x16xf32, #tpu.memory_space<vmem>>[vector<16xi32>, vector<16xi32>], vector<16xf32>,
      tpu.vector_store_idx %arg12[%get3A_705], %gather3A_709 {add = true} : memref<10240xf32, #tpu.memory_space<vmem>>[vector<16xi32>], vector<16xf32>,
      %get3A_710 = arith.constant 3 : i32
      %get3A_711 = arith.constant 1 : i32
      %get3A_712 = arith.constant 0 : i32
      %get3A_713 = arith.constant 0 : i32
      %get3A_714 = tpu.memref_slice %arg8[%get3A_710, %get3A_712, %get3A_713] : memref<4x2x48xi32, #tpu.memory_space<vmem>> -> memref<1x2x48xi32, #tpu.memory_space<vmem>>
      %get3A_715 = tpu.memref_squeeze %get3A_714 : memref<1x2x48xi32, #tpu.memory_space<vmem>> -> memref<2x48xi32, #tpu.memory_space<vmem>>
      %get3A_716 = arith.index_cast %get3A_711 : i32 to index
      %get3A_717 = arith.constant 32 : index
      %get3A_718 = tpu.vector_load %get3A_715[%get3A_716, %get3A_717] {strides = array<i32>} : memref<2x48xi32, #tpu.memory_space<vmem>>, vector<16xi32>,
      %add3A_719 = arith.constant 32 : i32
      %add3A_720 = vector.broadcast %add3A_719 : i32 to vector<16xi32>
      %add3A_721 = arith.addi %add3A_720, %iota3A : vector<16xi32>
      %gather3A_722 = tpu.vector_load_idx %arg11[%add3A_721, %broadcast_in_dim3A_102] : memref<48x16xf32, #tpu.memory_space<vmem>>[vector<16xi32>, vector<16xi32>], vector<16xf32>,
      tpu.vector_store_idx %arg12[%get3A_718], %gather3A_722 {add = true} : memref<10240xf32, #tpu.memory_space<vmem>>[vector<16xi32>], vector<16xf32>,
      %run_scoped3A_723 = arith.constant 1 : i32
      %run_scoped3A_724 = arith.constant 3 : i32
      %run_scoped3A_725 = arith.constant 1 : i32
      "tpu.region"() ({
        %run_scoped3A_726 = tpu.sem_alloc : memref<!tpu.dma_semaphore, #tpu.memory_space<semaphore_mem>>
        %dma_start3A_727 = arith.constant 0 : i32
        %dma_start3A_728 = arith.constant 0 : i32
        %dma_start3A_729 = tpu.memref_slice %arg10[%run_scoped3A_723, %dma_start3A_727, %dma_start3A_728] : memref<2x48x128xf32, #tpu.memory_space<vmem>> -> memref<1x48x128xf32, #tpu.memory_space<vmem>>
        %dma_start3A_730 = tpu.memref_squeeze %dma_start3A_729 : memref<1x48x128xf32, #tpu.memory_space<vmem>> -> memref<48x128xf32, #tpu.memory_space<vmem>>
        %dma_start3A_731 = arith.constant 0 : i32
        %dma_start3A_732 = arith.constant 0 : i32
        %dma_start3A_733 = tpu.memref_slice %arg8[%run_scoped3A_724, %dma_start3A_731, %dma_start3A_732] : memref<4x2x48xi32, #tpu.memory_space<vmem>> -> memref<1x2x48xi32, #tpu.memory_space<vmem>>
        %dma_start3A_734 = tpu.memref_squeeze %dma_start3A_733 : memref<1x2x48xi32, #tpu.memory_space<vmem>> -> memref<2x48xi32, #tpu.memory_space<vmem>>
        %dma_start3A_735 = arith.constant 0 : i32
        %dma_start3A_736 = tpu.memref_slice %dma_start3A_734[%run_scoped3A_725, %dma_start3A_735] : memref<2x48xi32, #tpu.memory_space<vmem>> -> memref<1x48xi32, #tpu.memory_space<vmem>>
        %dma_start3A_737 = tpu.memref_squeeze %dma_start3A_736 : memref<1x48xi32, #tpu.memory_space<vmem>> -> memref<48xi32, #tpu.memory_space<vmem>>
        %dma_start3A_738 = arith.constant 0 : i32
        %dma_start3A_739 = arith.constant 0 : i32
        %dma_start3A_740 = tpu.memref_slice %arg14[%dma_start3A_738, %dma_start3A_739] : memref<10240x128xf32, #tpu.memory_space<vmem_shared>> -> memref<10240x128xf32, #tpu.memory_space<vmem_shared>>
        tpu.enqueue_indirect_dma source(%dma_start3A_730 : memref<48x128xf32, #tpu.memory_space<vmem>>) target(%dma_start3A_740 : memref<10240x128xf32, #tpu.memory_space<vmem_shared>>) offsets(%dma_start3A_737 : memref<48xi32, #tpu.memory_space<vmem>>) semaphore(%run_scoped3A_726 : memref<!tpu.dma_semaphore, #tpu.memory_space<semaphore_mem>>) {add = true}
        %dma_wait3A_741 = arith.constant 0 : i32
        %dma_wait3A_742 = arith.constant 0 : i32
        %dma_wait3A_743 = tpu.memref_slice %arg10[%run_scoped3A_723, %dma_wait3A_741, %dma_wait3A_742] : memref<2x48x128xf32, #tpu.memory_space<vmem>> -> memref<1x48x128xf32, #tpu.memory_space<vmem>>
        %dma_wait3A_744 = tpu.memref_squeeze %dma_wait3A_743 : memref<1x48x128xf32, #tpu.memory_space<vmem>> -> memref<48x128xf32, #tpu.memory_space<vmem>>
        %dma_wait3A_745 = arith.constant 0 : i32
        %dma_wait3A_746 = arith.constant 0 : i32
        %dma_wait3A_747 = tpu.memref_slice %arg8[%run_scoped3A_724, %dma_wait3A_745, %dma_wait3A_746] : memref<4x2x48xi32, #tpu.memory_space<vmem>> -> memref<1x2x48xi32, #tpu.memory_space<vmem>>
        %dma_wait3A_748 = tpu.memref_squeeze %dma_wait3A_747 : memref<1x2x48xi32, #tpu.memory_space<vmem>> -> memref<2x48xi32, #tpu.memory_space<vmem>>
        %dma_wait3A_749 = arith.constant 0 : i32
        %dma_wait3A_750 = tpu.memref_slice %dma_wait3A_748[%run_scoped3A_725, %dma_wait3A_749] : memref<2x48xi32, #tpu.memory_space<vmem>> -> memref<1x48xi32, #tpu.memory_space<vmem>>
        %dma_wait3A_751 = tpu.memref_squeeze %dma_wait3A_750 : memref<1x48xi32, #tpu.memory_space<vmem>> -> memref<48xi32, #tpu.memory_space<vmem>>
        %dma_wait3A_752 = arith.constant 0 : i32
        %dma_wait3A_753 = arith.constant 0 : i32
        %dma_wait3A_754 = tpu.memref_slice %arg14[%dma_wait3A_752, %dma_wait3A_753] : memref<10240x128xf32, #tpu.memory_space<vmem_shared>> -> memref<10240x128xf32, #tpu.memory_space<vmem_shared>>
        tpu.wait_indirect_dma semaphore(%run_scoped3A_726 : memref<!tpu.dma_semaphore, #tpu.memory_space<semaphore_mem>>) src(%dma_wait3A_744 : memref<48x128xf32, #tpu.memory_space<vmem>>) dst(%dma_wait3A_754 : memref<10240x128xf32, #tpu.memory_space<vmem_shared>>)
        tpu.yield
      }) : () -> ()
    }
    %scan3A_107 = arith.constant 53 : i32
    %dma_wait3A = arith.constant 1 : i32
    %dma_wait3A_108 = arith.constant 0 : i32
    %dma_wait3A_109 = arith.constant 0 : i32
    %dma_wait3A_110 = tpu.memref_slice %arg8[%dma_wait3A, %dma_wait3A_108, %dma_wait3A_109] : memref<4x2x48xi32, #tpu.memory_space<vmem>> -> memref<1x2x48xi32, #tpu.memory_space<vmem>>
    %dma_wait3A_111 = tpu.memref_squeeze %dma_wait3A_110 : memref<1x2x48xi32, #tpu.memory_space<vmem>> -> memref<2x48xi32, #tpu.memory_space<vmem>>
    %dma_wait3A_112 = arith.constant 0 : i32
    %dma_wait3A_113 = arith.constant 0 : i32
    %dma_wait3A_114 = tpu.memref_slice %arg4[%mul3A_2, %dma_wait3A_112, %dma_wait3A_113] : memref<6784x2x48xi32, #tpu.memory_space<hbm>> -> memref<1x2x48xi32, #tpu.memory_space<hbm>>
    %dma_wait3A_115 = tpu.memref_squeeze %dma_wait3A_114 : memref<1x2x48xi32, #tpu.memory_space<hbm>> -> memref<2x48xi32, #tpu.memory_space<hbm>>
    %dma_wait3A_116 = arith.constant 0 : i32
    %dma_wait3A_117 = arith.constant 0 : i32
    %dma_wait3A_118 = tpu.memref_slice %arg8[%dma_wait3A, %dma_wait3A_116, %dma_wait3A_117] : memref<4x2x48xi32, #tpu.memory_space<vmem>> -> memref<1x2x48xi32, #tpu.memory_space<vmem>>
    %dma_wait3A_119 = tpu.memref_squeeze %dma_wait3A_118 : memref<1x2x48xi32, #tpu.memory_space<vmem>> -> memref<2x48xi32, #tpu.memory_space<vmem>>
    %dma_wait3A_120 = arith.constant 0 : i32
    %dma_wait3A_121 = arith.constant 0 : i32
    %dma_wait3A_122 = tpu.memref_slice %arg4[%mul3A_2, %dma_wait3A_120, %dma_wait3A_121] : memref<6784x2x48xi32, #tpu.memory_space<hbm>> -> memref<1x2x48xi32, #tpu.memory_space<hbm>>
    %dma_wait3A_123 = tpu.memref_squeeze %dma_wait3A_122 : memref<1x2x48xi32, #tpu.memory_space<hbm>> -> memref<2x48xi32, #tpu.memory_space<hbm>>
    tpu.wait_dma2 semaphore(%arg20 : memref<!tpu.dma_semaphore, #tpu.memory_space<semaphore_mem>>) src(%dma_wait3A_123 : memref<2x48xi32, #tpu.memory_space<hbm>>) dst(%dma_wait3A_119 : memref<2x48xi32, #tpu.memory_space<vmem>>)
    %dma_wait3A_124 = arith.constant 0 : i32
    %dma_wait3A_125 = arith.constant 0 : i32
    %dma_wait3A_126 = arith.constant 0 : i32
    %dma_wait3A_127 = arith.constant 0 : i32
    %dma_wait3A_128 = arith.constant 0 : i32
    %dma_wait3A_129 = tpu.memref_slice %arg9[%dma_wait3A_126, %dma_wait3A_127, %dma_wait3A_128] : memref<2x48x128xf32, #tpu.memory_space<vmem>> -> memref<1x48x128xf32, #tpu.memory_space<vmem>>
    %dma_wait3A_130 = tpu.memref_squeeze %dma_wait3A_129 : memref<1x48x128xf32, #tpu.memory_space<vmem>> -> memref<48x128xf32, #tpu.memory_space<vmem>>
    %dma_wait3A_131 = arith.constant 0 : i32
    %dma_wait3A_132 = tpu.memref_slice %arg8[%dma_wait3A_124, %dma_wait3A_125, %dma_wait3A_131] : memref<4x2x48xi32, #tpu.memory_space<vmem>> -> memref<1x1x48xi32, #tpu.memory_space<vmem>>
    %dma_wait3A_133 = tpu.memref_squeeze %dma_wait3A_132 : memref<1x1x48xi32, #tpu.memory_space<vmem>> -> memref<48xi32, #tpu.memory_space<vmem>>
    %dma_wait3A_134 = arith.constant 0 : i32
    %dma_wait3A_135 = arith.constant 0 : i32
    %dma_wait3A_136 = tpu.memref_slice %arg2[%dma_wait3A_134, %dma_wait3A_135] : memref<10000x128xf32, #tpu.memory_space<hbm>> -> memref<10000x128xf32, #tpu.memory_space<hbm>>
    tpu.wait_indirect_dma semaphore(%arg15 : memref<!tpu.dma_semaphore, #tpu.memory_space<semaphore_mem>>) src(%dma_wait3A_136 : memref<10000x128xf32, #tpu.memory_space<hbm>>) dst(%dma_wait3A_130 : memref<48x128xf32, #tpu.memory_space<vmem>>)
    %dma_wait3A_137 = arith.constant 0 : i32
    %dma_wait3A_138 = arith.constant 1 : i32
    %dma_wait3A_139 = arith.constant 0 : i32
    %dma_wait3A_140 = arith.constant 0 : i32
    %dma_wait3A_141 = arith.constant 0 : i32
    %dma_wait3A_142 = tpu.memref_slice %arg10[%dma_wait3A_139, %dma_wait3A_140, %dma_wait3A_141] : memref<2x48x128xf32, #tpu.memory_space<vmem>> -> memref<1x48x128xf32, #tpu.memory_space<vmem>>
    %dma_wait3A_143 = tpu.memref_squeeze %dma_wait3A_142 : memref<1x48x128xf32, #tpu.memory_space<vmem>> -> memref<48x128xf32, #tpu.memory_space<vmem>>
    %dma_wait3A_144 = arith.constant 0 : i32
    %dma_wait3A_145 = tpu.memref_slice %arg8[%dma_wait3A_137, %dma_wait3A_138, %dma_wait3A_144] : memref<4x2x48xi32, #tpu.memory_space<vmem>> -> memref<1x1x48xi32, #tpu.memory_space<vmem>>
    %dma_wait3A_146 = tpu.memref_squeeze %dma_wait3A_145 : memref<1x1x48xi32, #tpu.memory_space<vmem>> -> memref<48xi32, #tpu.memory_space<vmem>>
    %dma_wait3A_147 = arith.constant 0 : i32
    %dma_wait3A_148 = arith.constant 0 : i32
    %dma_wait3A_149 = tpu.memref_slice %arg3[%dma_wait3A_147, %dma_wait3A_148] : memref<10000x128xf32, #tpu.memory_space<hbm>> -> memref<10000x128xf32, #tpu.memory_space<hbm>>
    tpu.wait_indirect_dma semaphore(%arg17 : memref<!tpu.dma_semaphore, #tpu.memory_space<semaphore_mem>>) src(%dma_wait3A_149 : memref<10000x128xf32, #tpu.memory_space<hbm>>) dst(%dma_wait3A_143 : memref<48x128xf32, #tpu.memory_space<vmem>>)
    "tpu.region"() ({
      %run_scoped3A_151 = tpu.sem_alloc : memref<!tpu.dma_semaphore, #tpu.memory_space<semaphore_mem>>
      %dma_start3A_152 = arith.constant 0 : i32
      %dma_start3A_153 = tpu.memref_slice %arg7[%add3A, %dma_start3A_152] : memref<32x10240xf32, #tpu.memory_space<hbm>> -> memref<1x10240xf32, #tpu.memory_space<hbm>>
      %dma_start3A_154 = tpu.memref_squeeze %dma_start3A_153 : memref<1x10240xf32, #tpu.memory_space<hbm>> -> memref<10240xf32, #tpu.memory_space<hbm>>
      %dma_start3A_155 = arith.constant 0 : i32
      %dma_start3A_156 = tpu.memref_slice %arg7[%add3A, %dma_start3A_155] : memref<32x10240xf32, #tpu.memory_space<hbm>> -> memref<1x10240xf32, #tpu.memory_space<hbm>>
      %dma_start3A_157 = tpu.memref_squeeze %dma_start3A_156 : memref<1x10240xf32, #tpu.memory_space<hbm>> -> memref<10240xf32, #tpu.memory_space<hbm>>
      tpu.enqueue_dma source(%arg12 : memref<10240xf32, #tpu.memory_space<vmem>>) target(%dma_start3A_157 : memref<10240xf32, #tpu.memory_space<hbm>>) target_semaphore(%run_scoped3A_151 : memref<!tpu.dma_semaphore, #tpu.memory_space<semaphore_mem>>)
      %dma_wait3A_158 = arith.constant 0 : i32
      %dma_wait3A_159 = tpu.memref_slice %arg7[%add3A, %dma_wait3A_158] : memref<32x10240xf32, #tpu.memory_space<hbm>> -> memref<1x10240xf32, #tpu.memory_space<hbm>>
      %dma_wait3A_160 = tpu.memref_squeeze %dma_wait3A_159 : memref<1x10240xf32, #tpu.memory_space<hbm>> -> memref<10240xf32, #tpu.memory_space<hbm>>
      %dma_wait3A_161 = arith.constant 0 : i32
      %dma_wait3A_162 = tpu.memref_slice %arg7[%add3A, %dma_wait3A_161] : memref<32x10240xf32, #tpu.memory_space<hbm>> -> memref<1x10240xf32, #tpu.memory_space<hbm>>
      %dma_wait3A_163 = tpu.memref_squeeze %dma_wait3A_162 : memref<1x10240xf32, #tpu.memory_space<hbm>> -> memref<10240xf32, #tpu.memory_space<hbm>>
      tpu.wait_dma2 semaphore(%run_scoped3A_151 : memref<!tpu.dma_semaphore, #tpu.memory_space<semaphore_mem>>) src(%arg12 : memref<10240xf32, #tpu.memory_space<vmem>>) dst(%dma_wait3A_163 : memref<10240xf32, #tpu.memory_space<hbm>>)
      tpu.yield
    }) : () -> ()
    %barrier3A_150 = arith.constant 0 : index
    tpu.barrier barrier_id(%barrier3A_150)
    "tpu.region"() ({
      %run_scoped3A_151 = tpu.sem_alloc : memref<!tpu.dma_semaphore, #tpu.memory_space<semaphore_mem>>
      %dma_start3A_152 = arith.constant 0 : i32
      %dma_start3A_153 = tpu.memref_slice %arg6[%arg0, %mul3A_13, %dma_start3A_152] : memref<2x10240x128xf32, #tpu.memory_space<hbm>> -> memref<1x640x128xf32, #tpu.memory_space<hbm>>
      %dma_start3A_154 = tpu.memref_squeeze %dma_start3A_153 : memref<1x640x128xf32, #tpu.memory_space<hbm>> -> memref<640x128xf32, #tpu.memory_space<hbm>>
      %dma_start3A_155 = arith.constant 0 : i32
      %dma_start3A_156 = tpu.memref_slice %arg14[%mul3A_13, %dma_start3A_155] : memref<10240x128xf32, #tpu.memory_space<vmem_shared>> -> memref<640x128xf32, #tpu.memory_space<vmem_shared>>
      tpu.enqueue_dma source(%dma_start3A_156 : memref<640x128xf32, #tpu.memory_space<vmem_shared>>) target(%dma_start3A_154 : memref<640x128xf32, #tpu.memory_space<hbm>>) target_semaphore(%run_scoped3A_151 : memref<!tpu.dma_semaphore, #tpu.memory_space<semaphore_mem>>)
      %dma_wait3A_157 = arith.constant 0 : i32
      %dma_wait3A_158 = tpu.memref_slice %arg6[%arg0, %mul3A_13, %dma_wait3A_157] : memref<2x10240x128xf32, #tpu.memory_space<hbm>> -> memref<1x640x128xf32, #tpu.memory_space<hbm>>
      %dma_wait3A_159 = tpu.memref_squeeze %dma_wait3A_158 : memref<1x640x128xf32, #tpu.memory_space<hbm>> -> memref<640x128xf32, #tpu.memory_space<hbm>>
      %dma_wait3A_160 = arith.constant 0 : i32
      %dma_wait3A_161 = tpu.memref_slice %arg14[%mul3A_13, %dma_wait3A_160] : memref<10240x128xf32, #tpu.memory_space<vmem_shared>> -> memref<640x128xf32, #tpu.memory_space<vmem_shared>>
      tpu.wait_dma2 semaphore(%run_scoped3A_151 : memref<!tpu.dma_semaphore, #tpu.memory_space<semaphore_mem>>) src(%dma_wait3A_161 : memref<640x128xf32, #tpu.memory_space<vmem_shared>>) dst(%dma_wait3A_159 : memref<640x128xf32, #tpu.memory_space<hbm>>)
      tpu.yield
    }) : () -> ()
    return
  }
}

module attributes {stable_mosaic.version = 14 : i64} {
  func.func @_dense_body(%arg0: i32, %arg1: memref<2000x128xf32, #tpu.memory_space<vmem>>, %arg2: memref<2000x128xf32, #tpu.memory_space<vmem>>, %arg3: memref<128x128xf32, #tpu.memory_space<vmem>>, %arg4: memref<1x128xf32, #tpu.memory_space<vmem>>, %arg5: memref<128x128xf32, #tpu.memory_space<vmem>>, %arg6: memref<1x128xf32, #tpu.memory_space<vmem>>, %arg7: memref<128x384xf32, #tpu.memory_space<vmem>>, %arg8: memref<1x384xf32, #tpu.memory_space<vmem>>, %arg9: memref<128x384xf32, #tpu.memory_space<vmem>>, %arg10: memref<1x384xf32, #tpu.memory_space<vmem>>, %arg11: memref<128x128xf32, #tpu.memory_space<vmem>>, %arg12: memref<128x128xf32, #tpu.memory_space<vmem>>, %arg13: memref<128x128xf32, #tpu.memory_space<vmem>>, %arg14: memref<1x128xf32, #tpu.memory_space<vmem>>, %arg15: memref<2000x128xf32, #tpu.memory_space<vmem>>, %arg16: memref<2000x128xf32, #tpu.memory_space<vmem>>, %arg17: memref<2000x128xf32, #tpu.memory_space<vmem>>, %arg18: memref<2000x128xf32, #tpu.memory_space<vmem>>) attributes {dimension_semantics = [#tpu.dimension_semantics<arbitrary>], iteration_bounds = array<i64: 5>, scalar_prefetch = 0 : i64, scratch_operands = 0 : i64, tpu.core_type = #tpu.core_type<tc>, window_params = [{transform_indices = @transform_0, window_bounds = array<i64: 2000, 128>}, {transform_indices = @transform_1, window_bounds = array<i64: 2000, 128>}, {pipeline_mode = #tpu.pipeline_mode<synchronous>, transform_indices = @transform_2, window_bounds = array<i64: 128, 128>}, {pipeline_mode = #tpu.pipeline_mode<synchronous>, transform_indices = @transform_3, window_bounds = array<i64: 1, 128>}, {pipeline_mode = #tpu.pipeline_mode<synchronous>, transform_indices = @transform_4, window_bounds = array<i64: 128, 128>}, {pipeline_mode = #tpu.pipeline_mode<synchronous>, transform_indices = @transform_5, window_bounds = array<i64: 1, 128>}, {pipeline_mode = #tpu.pipeline_mode<synchronous>, transform_indices = @transform_6, window_bounds = array<i64: 128, 384>}, {pipeline_mode = #tpu.pipeline_mode<synchronous>, transform_indices = @transform_7, window_bounds = array<i64: 1, 384>}, {pipeline_mode = #tpu.pipeline_mode<synchronous>, transform_indices = @transform_8, window_bounds = array<i64: 128, 384>}, {pipeline_mode = #tpu.pipeline_mode<synchronous>, transform_indices = @transform_9, window_bounds = array<i64: 1, 384>}, {pipeline_mode = #tpu.pipeline_mode<synchronous>, transform_indices = @transform_10, window_bounds = array<i64: 128, 128>}, {pipeline_mode = #tpu.pipeline_mode<synchronous>, transform_indices = @transform_11, window_bounds = array<i64: 128, 128>}, {pipeline_mode = #tpu.pipeline_mode<synchronous>, transform_indices = @transform_12, window_bounds = array<i64: 128, 128>}, {pipeline_mode = #tpu.pipeline_mode<synchronous>, transform_indices = @transform_13, window_bounds = array<i64: 1, 128>}, {transform_indices = @transform_14, window_bounds = array<i64: 2000, 128>}, {transform_indices = @transform_15, window_bounds = array<i64: 2000, 128>}, {transform_indices = @transform_16, window_bounds = array<i64: 2000, 128>}, {transform_indices = @transform_17, window_bounds = array<i64: 2000, 128>}]} {
    %get3A = arith.constant 0 : index
    %get3A_0 = arith.constant 0 : index
    %get3A_1 = vector.load %arg1[%get3A, %get3A_0] : memref<2000x128xf32, #tpu.memory_space<vmem>>, vector<2000x128xf32>
    %get3A_2 = arith.constant 0 : index
    %get3A_3 = arith.constant 0 : index
    %get3A_4 = vector.load %arg3[%get3A_2, %get3A_3] : memref<128x128xf32, #tpu.memory_space<vmem>>, vector<128x128xf32>
    %dot_general3A = arith.constant dense<0.000000e+00> : vector<2000x128xf32>
    %dot_general3A_5 = tpu.matmul %get3A_1, %get3A_4, %dot_general3A {dimension_numbers = #tpu.dot_dimension_numbers<[1], [0], [0], [1], [0, 0, 1, 1], [], []>, transpose_lhs_hint = false} : vector<2000x128xf32>, vector<128x128xf32>, vector<2000x128xf32> -> vector<2000x128xf32>
    %get3A_6 = arith.constant 0 : index
    %get3A_7 = arith.constant 0 : index
    %get3A_8 = vector.load %arg4[%get3A_6, %get3A_7] : memref<1x128xf32, #tpu.memory_space<vmem>>, vector<1x128xf32>
    %add3A = vector.broadcast %get3A_8 : vector<1x128xf32> to vector<2000x128xf32>
    %add3A_9 = arith.addf %dot_general3A_5, %add3A : vector<2000x128xf32>
    %max3A = arith.constant 0.000000e+00 : f32
    %max3A_10 = vector.broadcast %max3A : f32 to vector<2000x128xf32>
    %max3A_11 = arith.maximumf %add3A_9, %max3A_10 : vector<2000x128xf32>
    %get3A_12 = arith.constant 0 : index
    %get3A_13 = arith.constant 0 : index
    %get3A_14 = vector.load %arg5[%get3A_12, %get3A_13] : memref<128x128xf32, #tpu.memory_space<vmem>>, vector<128x128xf32>
    %dot_general3A_15 = arith.constant dense<0.000000e+00> : vector<2000x128xf32>
    %dot_general3A_16 = tpu.matmul %max3A_11, %get3A_14, %dot_general3A_15 {dimension_numbers = #tpu.dot_dimension_numbers<[1], [0], [0], [1], [0, 0, 1, 1], [], []>, transpose_lhs_hint = false} : vector<2000x128xf32>, vector<128x128xf32>, vector<2000x128xf32> -> vector<2000x128xf32>
    %get3A_17 = arith.constant 0 : index
    %get3A_18 = arith.constant 0 : index
    %get3A_19 = vector.load %arg6[%get3A_17, %get3A_18] : memref<1x128xf32, #tpu.memory_space<vmem>>, vector<1x128xf32>
    %add3A_20 = vector.broadcast %get3A_19 : vector<1x128xf32> to vector<2000x128xf32>
    %add3A_21 = arith.addf %dot_general3A_16, %add3A_20 : vector<2000x128xf32>
    %max3A_22 = arith.constant 0.000000e+00 : f32
    %max3A_23 = vector.broadcast %max3A_22 : f32 to vector<2000x128xf32>
    %max3A_24 = arith.maximumf %add3A_21, %max3A_23 : vector<2000x128xf32>
    %get3A_25 = arith.constant 0 : index
    %get3A_26 = arith.constant 0 : index
    %get3A_27 = vector.load %arg7[%get3A_25, %get3A_26] : memref<128x384xf32, #tpu.memory_space<vmem>>, vector<128x384xf32>
    %dot_general3A_28 = arith.constant dense<0.000000e+00> : vector<2000x384xf32>
    %dot_general3A_29 = tpu.matmul %max3A_24, %get3A_27, %dot_general3A_28 {dimension_numbers = #tpu.dot_dimension_numbers<[1], [0], [0], [1], [0, 0, 1, 1], [], []>, transpose_lhs_hint = false} : vector<2000x128xf32>, vector<128x384xf32>, vector<2000x384xf32> -> vector<2000x384xf32>
    %get3A_30 = arith.constant 0 : index
    %get3A_31 = arith.constant 0 : index
    %get3A_32 = vector.load %arg8[%get3A_30, %get3A_31] : memref<1x384xf32, #tpu.memory_space<vmem>>, vector<1x384xf32>
    %add3A_33 = vector.broadcast %get3A_32 : vector<1x384xf32> to vector<2000x384xf32>
    %add3A_34 = arith.addf %dot_general3A_29, %add3A_33 : vector<2000x384xf32>
    %get3A_35 = arith.constant 0 : index
    %get3A_36 = arith.constant 0 : index
    %get3A_37 = vector.load %arg2[%get3A_35, %get3A_36] : memref<2000x128xf32, #tpu.memory_space<vmem>>, vector<2000x128xf32>
    %get3A_38 = arith.constant 0 : index
    %get3A_39 = arith.constant 0 : index
    %get3A_40 = vector.load %arg9[%get3A_38, %get3A_39] : memref<128x384xf32, #tpu.memory_space<vmem>>, vector<128x384xf32>
    %dot_general3A_41 = arith.constant dense<0.000000e+00> : vector<2000x384xf32>
    %dot_general3A_42 = tpu.matmul %get3A_37, %get3A_40, %dot_general3A_41 {dimension_numbers = #tpu.dot_dimension_numbers<[1], [0], [0], [1], [0, 0, 1, 1], [], []>, transpose_lhs_hint = false} : vector<2000x128xf32>, vector<128x384xf32>, vector<2000x384xf32> -> vector<2000x384xf32>
    %get3A_43 = arith.constant 0 : index
    %get3A_44 = arith.constant 0 : index
    %get3A_45 = vector.load %arg10[%get3A_43, %get3A_44] : memref<1x384xf32, #tpu.memory_space<vmem>>, vector<1x384xf32>
    %add3A_46 = vector.broadcast %get3A_45 : vector<1x384xf32> to vector<2000x384xf32>
    %add3A_47 = arith.addf %dot_general3A_42, %add3A_46 : vector<2000x384xf32>
    %slice3A = vector.extract_strided_slice %add3A_34 {offsets = [0, 0], sizes = [2000, 128], strides = [1, 1]} : vector<2000x384xf32> to vector<2000x128xf32>
    %slice3A_48 = vector.extract_strided_slice %add3A_34 {offsets = [0, 128], sizes = [2000, 128], strides = [1, 1]} : vector<2000x384xf32> to vector<2000x128xf32>
    %slice3A_49 = vector.extract_strided_slice %add3A_34 {offsets = [0, 256], sizes = [2000, 128], strides = [1, 1]} : vector<2000x384xf32> to vector<2000x128xf32>
    %slice3A_50 = vector.extract_strided_slice %add3A_47 {offsets = [0, 0], sizes = [2000, 128], strides = [1, 1]} : vector<2000x384xf32> to vector<2000x128xf32>
    %slice3A_51 = vector.extract_strided_slice %add3A_47 {offsets = [0, 128], sizes = [2000, 128], strides = [1, 1]} : vector<2000x384xf32> to vector<2000x128xf32>
    %slice3A_52 = vector.extract_strided_slice %add3A_47 {offsets = [0, 256], sizes = [2000, 128], strides = [1, 1]} : vector<2000x384xf32> to vector<2000x128xf32>
    %add3A_53 = arith.addf %slice3A, %slice3A_50 : vector<2000x128xf32>
    %logistic3A = arith.negf %add3A_53 : vector<2000x128xf32>
    %logistic3A_54 = math.exp %logistic3A : vector<2000x128xf32>
    %logistic3A_55 = arith.constant 1.000000e+00 : f32
    %logistic3A_56 = vector.broadcast %logistic3A_55 : f32 to vector<2000x128xf32>
    %logistic3A_57 = arith.addf %logistic3A_56, %logistic3A_54 : vector<2000x128xf32>
    %logistic3A_58 = arith.divf %logistic3A_56, %logistic3A_57 : vector<2000x128xf32>
    %add3A_59 = arith.addf %slice3A_48, %slice3A_51 : vector<2000x128xf32>
    %logistic3A_60 = arith.negf %add3A_59 : vector<2000x128xf32>
    %logistic3A_61 = math.exp %logistic3A_60 : vector<2000x128xf32>
    %logistic3A_62 = arith.constant 1.000000e+00 : f32
    %logistic3A_63 = vector.broadcast %logistic3A_62 : f32 to vector<2000x128xf32>
    %logistic3A_64 = arith.addf %logistic3A_63, %logistic3A_61 : vector<2000x128xf32>
    %logistic3A_65 = arith.divf %logistic3A_63, %logistic3A_64 : vector<2000x128xf32>
    %mul3A = arith.mulf %logistic3A_58, %slice3A_52 : vector<2000x128xf32>
    %add3A_66 = arith.addf %slice3A_49, %mul3A : vector<2000x128xf32>
    %tanh3A = math.tanh %add3A_66 : vector<2000x128xf32>
    %sub3A = arith.constant 1.000000e+00 : f32
    %sub3A_67 = vector.broadcast %sub3A : f32 to vector<2000x128xf32>
    %sub3A_68 = arith.subf %sub3A_67, %logistic3A_65 : vector<2000x128xf32>
    %mul3A_69 = arith.mulf %sub3A_68, %tanh3A : vector<2000x128xf32>
    %mul3A_70 = arith.mulf %logistic3A_65, %get3A_37 : vector<2000x128xf32>
    %add3A_71 = arith.addf %mul3A_69, %mul3A_70 : vector<2000x128xf32>
    %swap3A = arith.constant 0 : index
    %swap3A_72 = arith.constant 0 : index
    %swap3A_73 = vector.load %arg15[%swap3A, %swap3A_72] : memref<2000x128xf32, #tpu.memory_space<vmem>>, vector<2000x128xf32>
    tpu.vector_store %arg15[%swap3A, %swap3A_72], %add3A_71 {strides = array<i32>} : memref<2000x128xf32, #tpu.memory_space<vmem>>, vector<2000x128xf32>,
    %get3A_74 = arith.constant 0 : index
    %get3A_75 = arith.constant 0 : index
    %get3A_76 = vector.load %arg11[%get3A_74, %get3A_75] : memref<128x128xf32, #tpu.memory_space<vmem>>, vector<128x128xf32>
    %dot_general3A_77 = arith.constant dense<0.000000e+00> : vector<2000x128xf32>
    %dot_general3A_78 = tpu.matmul %add3A_71, %get3A_76, %dot_general3A_77 {dimension_numbers = #tpu.dot_dimension_numbers<[1], [0], [0], [1], [0, 0, 1, 1], [], []>, transpose_lhs_hint = false} : vector<2000x128xf32>, vector<128x128xf32>, vector<2000x128xf32> -> vector<2000x128xf32>
    %swap3A_79 = arith.constant 0 : index
    %swap3A_80 = arith.constant 0 : index
    %swap3A_81 = vector.load %arg16[%swap3A_79, %swap3A_80] : memref<2000x128xf32, #tpu.memory_space<vmem>>, vector<2000x128xf32>
    tpu.vector_store %arg16[%swap3A_79, %swap3A_80], %dot_general3A_78 {strides = array<i32>} : memref<2000x128xf32, #tpu.memory_space<vmem>>, vector<2000x128xf32>,
    %get3A_82 = arith.constant 0 : index
    %get3A_83 = arith.constant 0 : index
    %get3A_84 = vector.load %arg12[%get3A_82, %get3A_83] : memref<128x128xf32, #tpu.memory_space<vmem>>, vector<128x128xf32>
    %dot_general3A_85 = arith.constant dense<0.000000e+00> : vector<2000x128xf32>
    %dot_general3A_86 = tpu.matmul %add3A_71, %get3A_84, %dot_general3A_85 {dimension_numbers = #tpu.dot_dimension_numbers<[1], [0], [0], [1], [0, 0, 1, 1], [], []>, transpose_lhs_hint = false} : vector<2000x128xf32>, vector<128x128xf32>, vector<2000x128xf32> -> vector<2000x128xf32>
    %swap3A_87 = arith.constant 0 : index
    %swap3A_88 = arith.constant 0 : index
    %swap3A_89 = vector.load %arg17[%swap3A_87, %swap3A_88] : memref<2000x128xf32, #tpu.memory_space<vmem>>, vector<2000x128xf32>
    tpu.vector_store %arg17[%swap3A_87, %swap3A_88], %dot_general3A_86 {strides = array<i32>} : memref<2000x128xf32, #tpu.memory_space<vmem>>, vector<2000x128xf32>,
    %get3A_90 = arith.constant 0 : index
    %get3A_91 = arith.constant 0 : index
    %get3A_92 = vector.load %arg13[%get3A_90, %get3A_91] : memref<128x128xf32, #tpu.memory_space<vmem>>, vector<128x128xf32>
    %dot_general3A_93 = arith.constant dense<0.000000e+00> : vector<2000x128xf32>
    %dot_general3A_94 = tpu.matmul %add3A_71, %get3A_92, %dot_general3A_93 {dimension_numbers = #tpu.dot_dimension_numbers<[1], [0], [0], [1], [0, 0, 1, 1], [], []>, transpose_lhs_hint = false} : vector<2000x128xf32>, vector<128x128xf32>, vector<2000x128xf32> -> vector<2000x128xf32>
    %get3A_95 = arith.constant 0 : index
    %get3A_96 = arith.constant 0 : index
    %get3A_97 = vector.load %arg14[%get3A_95, %get3A_96] : memref<1x128xf32, #tpu.memory_space<vmem>>, vector<1x128xf32>
    %add3A_98 = vector.broadcast %get3A_97 : vector<1x128xf32> to vector<2000x128xf32>
    %add3A_99 = arith.addf %dot_general3A_94, %add3A_98 : vector<2000x128xf32>
    %swap3A_100 = arith.constant 0 : index
    %swap3A_101 = arith.constant 0 : index
    %swap3A_102 = vector.load %arg18[%swap3A_100, %swap3A_101] : memref<2000x128xf32, #tpu.memory_space<vmem>>, vector<2000x128xf32>
    tpu.vector_store %arg18[%swap3A_100, %swap3A_101], %add3A_99 {strides = array<i32>} : memref<2000x128xf32, #tpu.memory_space<vmem>>, vector<2000x128xf32>,
    return
  }
  func.func @transform_0(%arg0: i32) -> (i32, i32) {
    %c0_i32 = arith.constant 0 : i32
    %c0_i32_0 = arith.constant 0 : i32
    return %arg0, %c0_i32 : i32, i32
  }
  func.func @transform_1(%arg0: i32) -> (i32, i32) {
    %c0_i32 = arith.constant 0 : i32
    %c0_i32_0 = arith.constant 0 : i32
    return %arg0, %c0_i32 : i32, i32
  }
  func.func @transform_2(%arg0: i32) -> (i32, i32) {
    %c0_i32 = arith.constant 0 : i32
    %c0_i32_0 = arith.constant 0 : i32
    %c0_i32_1 = arith.constant 0 : i32
    return %c0_i32, %c0_i32_0 : i32, i32
  }
  func.func @transform_3(%arg0: i32) -> (i32, i32) {
    %c0_i32 = arith.constant 0 : i32
    %c0_i32_0 = arith.constant 0 : i32
    %c0_i32_1 = arith.constant 0 : i32
    return %c0_i32, %c0_i32_0 : i32, i32
  }
  func.func @transform_4(%arg0: i32) -> (i32, i32) {
    %c0_i32 = arith.constant 0 : i32
    %c0_i32_0 = arith.constant 0 : i32
    %c0_i32_1 = arith.constant 0 : i32
    return %c0_i32, %c0_i32_0 : i32, i32
  }
  func.func @transform_5(%arg0: i32) -> (i32, i32) {
    %c0_i32 = arith.constant 0 : i32
    %c0_i32_0 = arith.constant 0 : i32
    %c0_i32_1 = arith.constant 0 : i32
    return %c0_i32, %c0_i32_0 : i32, i32
  }
  func.func @transform_6(%arg0: i32) -> (i32, i32) {
    %c0_i32 = arith.constant 0 : i32
    %c0_i32_0 = arith.constant 0 : i32
    %c0_i32_1 = arith.constant 0 : i32
    return %c0_i32, %c0_i32_0 : i32, i32
  }
  func.func @transform_7(%arg0: i32) -> (i32, i32) {
    %c0_i32 = arith.constant 0 : i32
    %c0_i32_0 = arith.constant 0 : i32
    %c0_i32_1 = arith.constant 0 : i32
    return %c0_i32, %c0_i32_0 : i32, i32
  }
  func.func @transform_8(%arg0: i32) -> (i32, i32) {
    %c0_i32 = arith.constant 0 : i32
    %c0_i32_0 = arith.constant 0 : i32
    %c0_i32_1 = arith.constant 0 : i32
    return %c0_i32, %c0_i32_0 : i32, i32
  }
  func.func @transform_9(%arg0: i32) -> (i32, i32) {
    %c0_i32 = arith.constant 0 : i32
    %c0_i32_0 = arith.constant 0 : i32
    %c0_i32_1 = arith.constant 0 : i32
    return %c0_i32, %c0_i32_0 : i32, i32
  }
  func.func @transform_10(%arg0: i32) -> (i32, i32) {
    %c0_i32 = arith.constant 0 : i32
    %c0_i32_0 = arith.constant 0 : i32
    %c0_i32_1 = arith.constant 0 : i32
    return %c0_i32, %c0_i32_0 : i32, i32
  }
  func.func @transform_11(%arg0: i32) -> (i32, i32) {
    %c0_i32 = arith.constant 0 : i32
    %c0_i32_0 = arith.constant 0 : i32
    %c0_i32_1 = arith.constant 0 : i32
    return %c0_i32, %c0_i32_0 : i32, i32
  }
  func.func @transform_12(%arg0: i32) -> (i32, i32) {
    %c0_i32 = arith.constant 0 : i32
    %c0_i32_0 = arith.constant 0 : i32
    %c0_i32_1 = arith.constant 0 : i32
    return %c0_i32, %c0_i32_0 : i32, i32
  }
  func.func @transform_13(%arg0: i32) -> (i32, i32) {
    %c0_i32 = arith.constant 0 : i32
    %c0_i32_0 = arith.constant 0 : i32
    %c0_i32_1 = arith.constant 0 : i32
    return %c0_i32, %c0_i32_0 : i32, i32
  }
  func.func @transform_14(%arg0: i32) -> (i32, i32) {
    %c0_i32 = arith.constant 0 : i32
    %c0_i32_0 = arith.constant 0 : i32
    return %arg0, %c0_i32 : i32, i32
  }
  func.func @transform_15(%arg0: i32) -> (i32, i32) {
    %c0_i32 = arith.constant 0 : i32
    %c0_i32_0 = arith.constant 0 : i32
    return %arg0, %c0_i32 : i32, i32
  }
  func.func @transform_16(%arg0: i32) -> (i32, i32) {
    %c0_i32 = arith.constant 0 : i32
    %c0_i32_0 = arith.constant 0 : i32
    return %arg0, %c0_i32 : i32, i32
  }
  func.func @transform_17(%arg0: i32) -> (i32, i32) {
    %c0_i32 = arith.constant 0 : i32
    %c0_i32_0 = arith.constant 0 : i32
    return %arg0, %c0_i32 : i32, i32
  }
}

module attributes {stable_mosaic.version = 14 : i64} {
  func.func @_combine_body(%arg0: i32, %arg1: memref<2000x128xf32, #tpu.memory_space<vmem>>, %arg2: memref<2000x128xf32, #tpu.memory_space<vmem>>, %arg3: memref<2000x32xf32, #tpu.memory_space<vmem>>, %arg4: memref<2000x128xf32, #tpu.memory_space<vmem>>, %arg5: memref<2000x128xf32, #tpu.memory_space<vmem>>) attributes {dimension_semantics = [#tpu.dimension_semantics<arbitrary>], iteration_bounds = array<i64: 5>, scalar_prefetch = 0 : i64, scratch_operands = 0 : i64, tpu.core_type = #tpu.core_type<tc>, window_params = [{transform_indices = @transform_0, window_bounds = array<i64: 2000, 128>}, {transform_indices = @transform_1, window_bounds = array<i64: 2000, 128>}, {transform_indices = @transform_2, window_bounds = array<i64: 2000, 32>}, {transform_indices = @transform_3, window_bounds = array<i64: 2000, 128>}, {transform_indices = @transform_4, window_bounds = array<i64: 2000, 128>}]} {
    %get3A = arith.constant 0 : index
    %get3A_0 = arith.constant 0 : index
    %get3A_1 = vector.load %arg3[%get3A, %get3A_0] : memref<2000x32xf32, #tpu.memory_space<vmem>>, vector<2000x32xf32>
    %reduce_sum3A = arith.constant dense<0.000000e+00> : vector<2000xf32>
    %reduce_sum3A_2 = vector.multi_reduction <add>, %get3A_1, %reduce_sum3A [1] : vector<2000x32xf32> to vector<2000xf32>
    %broadcast_in_dim3A = vector.shape_cast %reduce_sum3A_2 : vector<2000xf32> to vector<2000x1xf32>
    %add3A = arith.constant 1.000000e-16 : f32
    %add3A_3 = vector.broadcast %add3A : f32 to vector<2000x1xf32>
    %add3A_4 = arith.addf %broadcast_in_dim3A, %add3A_3 : vector<2000x1xf32>
    %get3A_5 = arith.constant 0 : index
    %get3A_6 = arith.constant 0 : index
    %get3A_7 = vector.load %arg1[%get3A_5, %get3A_6] : memref<2000x128xf32, #tpu.memory_space<vmem>>, vector<2000x128xf32>
    %get3A_8 = arith.constant 0 : index
    %get3A_9 = arith.constant 0 : index
    %get3A_10 = vector.load %arg2[%get3A_8, %get3A_9] : memref<2000x128xf32, #tpu.memory_space<vmem>>, vector<2000x128xf32>
    %add3A_11 = arith.addf %get3A_7, %get3A_10 : vector<2000x128xf32>
    %div3A = vector.broadcast %add3A_4 : vector<2000x1xf32> to vector<2000x128xf32>
    %div3A_12 = arith.divf %add3A_11, %div3A : vector<2000x128xf32>
    %get3A_13 = arith.constant 0 : index
    %get3A_14 = arith.constant 0 : index
    %get3A_15 = vector.load %arg4[%get3A_13, %get3A_14] : memref<2000x128xf32, #tpu.memory_space<vmem>>, vector<2000x128xf32>
    %add3A_16 = arith.addf %div3A_12, %get3A_15 : vector<2000x128xf32>
    %swap3A = arith.constant 0 : index
    %swap3A_17 = arith.constant 0 : index
    %swap3A_18 = vector.load %arg5[%swap3A, %swap3A_17] : memref<2000x128xf32, #tpu.memory_space<vmem>>, vector<2000x128xf32>
    tpu.vector_store %arg5[%swap3A, %swap3A_17], %add3A_16 {strides = array<i32>} : memref<2000x128xf32, #tpu.memory_space<vmem>>, vector<2000x128xf32>,
    return
  }
  func.func @transform_0(%arg0: i32) -> (i32, i32) {
    %c0_i32 = arith.constant 0 : i32
    %c0_i32_0 = arith.constant 0 : i32
    return %arg0, %c0_i32 : i32, i32
  }
  func.func @transform_1(%arg0: i32) -> (i32, i32) {
    %c0_i32 = arith.constant 0 : i32
    %c0_i32_0 = arith.constant 0 : i32
    return %arg0, %c0_i32 : i32, i32
  }
  func.func @transform_2(%arg0: i32) -> (i32, i32) {
    %c0_i32 = arith.constant 0 : i32
    %c0_i32_0 = arith.constant 0 : i32
    return %arg0, %c0_i32 : i32, i32
  }
  func.func @transform_3(%arg0: i32) -> (i32, i32) {
    %c0_i32 = arith.constant 0 : i32
    %c0_i32_0 = arith.constant 0 : i32
    return %arg0, %c0_i32 : i32, i32
  }
  func.func @transform_4(%arg0: i32) -> (i32, i32) {
    %c0_i32 = arith.constant 0 : i32
    %c0_i32_0 = arith.constant 0 : i32
    return %arg0, %c0_i32 : i32, i32
  }
}

</mosaic_0001>

<sc_bundles>
// kernel: kernel.5.cloned.1.call-start
scs
__scs_entry_jumppad:
0x0: {  	(pc) =	sbr.rel $0x88, $3  }
0x1: {  	(tag) =	ssettag $0x0;
	lr =	simm.s32 $0x1  }
0x2: {  	[smem:$0x3F91] =	sst lr;
	_ =	strace $0xD0000000  }
0x3: {  	_ = 	snop  }
0x4: {  	_ = 	snop  }
0x5: {  	_ = 	snop  }
0x6: {  	_ = 	snop  }
0x7: {  	_ = 	snop  }
__scs_overlays_trampoline_lowered:
0x8: {  	[smem:$0x3FA0] =	sst s0  }
0x9: {  	[smem:$0x3FA1] =	sst s1  }
0xa: {  	[smem:$0x3FA2] =	sst s2  }
0xb: {  	[smem:$0x3FA3] =	sst s3  }
0xc: {  	[smem:$0x3FA4] =	sst s4  }
0xd: {  	[smem:$0x3FA5] =	sst s5  }
0xe: {  	[smem:$0x3FA6] =	sst s6  }
0xf: {  	[smem:$0x3FA7] =	sst s7  }
0x10: {  	[smem:$0x3FA8] =	sst s8  }
0x11: {  	[smem:$0x3FA9] =	sst s9;
	s0 =	simm.s32 @!p0 $0x0  }
0x12: {  	s1 =	sld [smem:$0x3F8F];
	s0 =	simm.s32 @p0 $0x1  }
0x13: {  	[smem:$0x3FAA] =	sst s0;
	s0 =	simm.s32 @!p1 $0x0  }
0x14: {  	s2 =	sld [smem:$0x3F8E];
	s0 =	simm.s32 @p1 $0x1  }
0x15: {  	[smem:$0x3FAB] =	sst s0;
	s0 =	simm.s32 @!p2 $0x0  }
0x16: {  	s3 =	sld [smem:$0x3FDB];
	s0 =	simm.s32 @p2 $0x1  }
0x17: {  	s4 =	simm.s32 $0x1BF5;
	[smem:$0x3FAD] =	sst s0  }
0x18: {  	s0 =	sld [smem:$0x3F90];
	_ =	swait.ge [sflag:s4], $0x0  }
0x19: {  	s7 =	sld [smem:$0x3F91]  }
0x1a: {  	s8 =	sadd.s32 $0xFFFFE003, lr  }
0x1b: {  	s9 =	sadd.s32 $0xFFFFFEF7, lr;
	s5 =	simm.s32 $0xFFFFFFFF;
	p2 =	slt.u32 s8, $0xFFFFF086  }
0x1c: {  	p1 =	slt.u32 s9, $0xF7A;
	s5 =	simm.s32 @!p2 $0x0  }
0x1d: {  	s5 =	simm.s32 @p1 $0x1;
	p0 =	seq.s32 s7, s2  }
0x1e: {  	s7 =	smul.u32 @!p0 $0xF7A, s2;
	p2 =	seq.s32 @!p0 s5, $0x0  }
0x1f: {  	s9 =	smul.u32 $0xF7A, s1;
	s8 =	simm.s32 @!p0 $0x1BF5;
	p2 =	por !p2, p0  }
0x20: {  	[sflag:s8] =	ssyncset.s32 @!p0 $0xFFFFF086;
	s6 =	sadd.s32 @!p0 s3, s7;
	s7 =	simm.s32 @!p0 $0x108  }
0x21: {  	s3 =	sadd.s32 s3, s9;
	s6 =	sadd.s32 @!p0 $0x88, s6;
	s7 =	simm.s32 @p2 $0x1082  }
0x22: {  	[simem:s7], [sflag:s8] =	dma.local @!p0 [hbm:s6], $0xF7A  }
0x23: {  	s9 =	sor.u32 $0xD0000000, s2;
	s6 =	simm.s32 $0x108;
	_ =	swait.ge @!p0 [sflag:s8], $0x0  }
0x24: {  	s3 =	sadd.s32 $0x88, s3;
	s6 =	simm.s32 @!p1 $0x1082;
	[sflag:s4] =	ssyncset.s32 $0xFFFFF086  }
0x25: {  	[simem:s6], [sflag:s4] =	dma.local [hbm:s3], $0xF7A  }
0x26: {  	[smem:$0x3F91] =	sst s1;
	(tag) =	ssettag s2;
	_ =	strace s9  }
0x27: {  	s1 =	sld [smem:$0x3FA1]  }
0x28: {  	s2 =	sld [smem:$0x3FA2]  }
0x29: {  	s4 =	sld [smem:$0x3FA4]  }
0x2a: {  	p0 =	seq.s32 s5, $0x0;
	s5 =	sld [smem:$0x3FA5]  }
0x2b: {  	s6 =	sld [smem:$0x3FA6]  }
0x2c: {  	s7 =	sld [smem:$0x3FA7]  }
0x2d: {  	s3 =	simm.s32 $0x108;
	s8 =	sld [smem:$0x3FA8]  }
0x2e: {  	s3 =	simm.s32 @!p0 $0x1082;
	s9 =	sld [smem:$0x3FA9]  }
0x2f: {  	lr =	sadd.s32 s0, s3;
	s0 =	sld [smem:$0x3FA0]  }
0x30: {  	s3 =	sld [smem:$0x3FA3]  }
0x31: {  	[smem:$0x3FAC] =	sst s10  }
0x32: {  	s10 =	sld [smem:$0x3FAA];
	_ =	sdelay $0x3  }
0x33: {  	p0 =	seq.s32 s10, $0x1;
	s10 =	sld [smem:$0x3FAC];
	_ =	sdelay $0x3  }
0x34: {  	[smem:$0x3FAC] =	sst s10  }
0x35: {  	s10 =	sld [smem:$0x3FAB];
	_ =	sdelay $0x3  }
0x36: {  	p1 =	seq.s32 s10, $0x1;
	s10 =	sld [smem:$0x3FAC];
	_ =	sdelay $0x3  }
0x37: {  	[smem:$0x3FAC] =	sst s10  }
0x38: {  	s10 =	sld [smem:$0x3FAD]  }
0x39: {  	_ = 	snop;
	(pc) =	sbr.ind lr, $3  }
0x3a: {  	_ = 	snop  }
0x3b: {  	_ = 	snop  }
0x3c: {  	p2 =	seq.s32 s10, $0x1;
	s10 =	sld [smem:$0x3FAC]  }
0x3d: {  	_ =	shalt  }
0x3e: {  	_ =	shalt  }
0x3f: {  	_ =	shalt  }
0x40: {  	_ =	shalt  }
0x41: {  	_ =	shalt  }
0x42: {  	_ =	shalt  }
0x43: {  	_ =	shalt  }
0x44: {  	_ =	shalt  }
0x45: {  	_ =	shalt  }
0x46: {  	_ =	shalt  }
0x47: {  	_ =	shalt  }
0x48: {  	_ =	shalt  }
0x49: {  	_ =	shalt  }
0x4a: {  	_ =	shalt  }
0x4b: {  	_ =	shalt  }
0x4c: {  	_ =	shalt  }
0x4d: {  	_ =	shalt  }
0x4e: {  	_ =	shalt  }
0x4f: {  	_ =	shalt  }
0x50: {  	_ =	shalt  }
0x51: {  	_ =	shalt  }
0x52: {  	_ =	shalt  }
0x53: {  	_ =	shalt  }
0x54: {  	_ =	shalt  }
0x55: {  	_ =	shalt  }
0x56: {  	_ =	shalt  }
0x57: {  	_ =	shalt  }
0x58: {  	_ =	shalt  }
0x59: {  	_ =	shalt  }
0x5a: {  	_ =	shalt  }
0x5b: {  	_ =	shalt  }
0x5c: {  	_ =	shalt  }
0x5d: {  	_ =	shalt  }
0x5e: {  	_ =	shalt  }
0x5f: {  	_ =	shalt  }
0x60: {  	_ =	shalt  }
0x61: {  	_ =	shalt  }
0x62: {  	_ =	shalt  }
0x63: {  	_ =	shalt  }
0x64: {  	_ =	shalt  }
0x65: {  	_ =	shalt  }
0x66: {  	_ =	shalt  }
0x67: {  	_ =	shalt  }
0x68: {  	_ =	shalt  }
0x69: {  	_ =	shalt  }
0x6a: {  	_ =	shalt  }
0x6b: {  	_ =	shalt  }
0x6c: {  	_ =	shalt  }
0x6d: {  	_ =	shalt  }
0x6e: {  	_ =	shalt  }
0x6f: {  	_ =	shalt  }
0x70: {  	_ =	shalt  }
0x71: {  	_ =	shalt  }
0x72: {  	_ =	shalt  }
0x73: {  	_ =	shalt  }
0x74: {  	_ =	shalt  }
0x75: {  	_ =	shalt  }
0x76: {  	_ =	shalt  }
0x77: {  	_ =	shalt  }
0x78: {  	_ =	shalt  }
0x79: {  	_ =	shalt  }
0x7a: {  	_ =	shalt  }
0x7b: {  	_ =	shalt  }
0x7c: {  	_ =	shalt  }
0x7d: {  	_ =	shalt  }
0x7e: {  	_ =	shalt  }
0x7f: {  	_ =	shalt  }
0x80: {  	_ =	shalt  }
0x81: {  	_ =	shalt  }
0x82: {  	_ =	shalt  }
0x83: {  	_ =	shalt  }
0x84: {  	_ =	shalt  }
0x85: {  	_ =	shalt  }
0x86: {  	_ =	shalt  }
0x87: {  	_ =	shalt  }
.Lfunc_end0:
.L_simem_size_0:
called_computation_lowered:
.L_overlay_start_0:
0x88: {  	s2 =	sld [smem:$0x3FD9]  }
0x89: {  	s3 =	sld [smem:$0x3FFE];
	_ =	sdelay $0x1  }
0x8a: {  	s1 =	srdreg.scid  }
0x8b: {  	s0 =	sand.u32 $0x1, s1  }
0x8c: {  	s14 =	sshll.u32 s0, $0xA;
	s2 =	sadd.s32 s3, s2  }
0x8d: {  	s2 =	sadd.s32 s2, s14  }
0x8e: {  	[smem:$0x3FB8] =	sst s2  }
0x8f: {  	_ = 	snop  }
0x90: {  	s2 =	sld [smem:$0x3FD0];
	_ =	sdelay $0x2  }
0x91: {  	s4 =	simm.s32 $0xA;
	s5 =	simm.s32 $0x10;
	s15 =	sld [smem:$0x3FBC]  }
0x92: {  	[smem:s5], [sflag:s4] =	dma.local [hbm:s2], $0x1  }
0x93: {  	_ =	swait.eq [sflag:s4], $0x1  }
0x94: {  	[sflag:s4] =	ssyncset.done $0x0  }
0x95: {  	[sflag:s4] =	ssyncadd.s32 $0xFFFFFFFF  }
0x96: {  	s16 =	sld [smem:$0x10];
	(tm) =	ssettm $0x1  }
0x97: {  	s17 =	sld [smem:$0x3FFB];
	_ =	sdelay $0x3  }
0x98: {  	_ =	strace s17  }
0x99: {  	s4 =	sld [smem:$0x3FFC];
	_ =	sdelay $0x3  }
0x9a: {  	_ =	strace s4  }
0x9b: {  	s4 =	sld [smem:$0x3FFD];
	_ =	sdelay $0x3  }
0x9c: {  	_ =	strace s4  }
0x9d: {  	_ =	strace $0x8FFFFFFF  }
0x9e: {  	s18 =	sld [smem:$0x3FDB];
	_ =	sdelay $0x1  }
0x9f: {  	s19 =	simm.s32 $_scs_section_size  }
0xa0: {  	s6 =	simm.s32 $_size__tile_overlayer_lowered;
	s7 =	simm.s32 $_tile_overlayer_lowered  }
0xa1: {  	s22 =	simm.s32 $0x1BFF;
	s21 =	sshll.u32 s7, $0x1;
	s4 =	sadd.s32 s19, s18  }
0xa2: {  	s8 =	simm.s32 $0x0;
	s20 =	sshll.u32 s6, $0x1;
	s6 =	sadd.s32 s21, s4  }
0xa3: {  	[timem:s8], [sflag:s22] =	dma.local [hbm:s6], s20  }
0xa4: {  	_ =	swait.ge [sflag:s22], s20  }
0xa5: {  	s5 =	ssub.s32 $0x0, s20;
	[sflag:s22] =	ssyncset.done $0x0  }
0xa6: {  	[sflag:s22] =	ssyncadd.s32 s5;
	_ =	sdelay $0x1  }
0xa7: {  	s23 =	simm.s32 $0x1B8B  }
0xa8: {  	_ =	swait.ge [sflag:s23], $0x1  }
0xa9: {  	[sflag:s23] =	ssyncset.done $0x0  }
0xaa: {  	s25 =	simm.s32 $0x1B8E;
	s24 =	sld [smem:$0x3FFE];
	[sflag:s23] =	ssyncadd.s32 $0xFFFFFFFF  }
0xab: {  	s26 =	simm.s32 $execute0_lowered;
	[smem:$0x3FD2] =	sst s25  }
0xac: {  	s6 =	sshll.u32 s26, $0x1;
	_ =	strace $0x80000046;
	[dreg:$0x1] =	wrdreg $0xFFFFFFFF  }
0xad: {  	s28 =	simm.s32 $_size_execute0_lowered;
	s4 =	sadd.s32 s4, s6;
	[dreg:$0x0] =	wrdreg $0x0  }
0xae: {  	s6 =	sshll.u32 s28, $0x1;
	[dreg:$0x2] =	wrdreg s4  }
0xaf: {  	[dreg:$0x3] =	wrdreg s6  }
0xb0: {  	[dreg:$0x4] =	wrdreg $0xC0  }
0xb1: {  	_ =	task [dreg:s8], $0x5FFFF  }
0xb2: {  	[dreg:$0x1] =	wrdreg $0xFFFFFFFF  }
0xb3: {  	[dreg:$0x0] =	wrdreg $0x60  }
0xb4: {  	[dreg:$0x2] =	wrdreg s16  }
0xb5: {  	[dreg:$0x3] =	wrdreg s24  }
0xb6: {  	[dreg:$0x4] =	wrdreg s15  }
0xb7: {  	[dreg:$0x5] =	wrdreg $0xA4800  }
0xb8: {  	[dreg:$0x6] =	wrdreg $0x9  }
0xb9: {  	_ =	task.clear_ibuf [dreg:s8], $0x7FFFF;
	_ =	strace $0x90000046  }
0xba: {  	s29 =	simm.s32 $0x9;
	_ =	strace $0x80000048  }
0xbb: {  	_ =	swait.ge [sflag:s29], $0x1  }
0xbc: {  	[sflag:s29] =	ssyncadd.s32 $0xFFFFFFFF  }
0xbd: {  	_ =	strace $0x90000048  }
0xbe: {  	_ =	sfence  }
0xbf: {  	s30 =	sld [smem:$0x0];
	_ =	sdelay $0x2  }
0xc0: {  	s31 =	sshll.u32 s1, $0xD;
	s1 =	sshrl.u32 s1, $0x2  }
0xc1: {  	s3 =	sand.u32 $0x4000, s31;
	s1 =	sadd.s32 s1, s30  }
0xc2: {  	s0 =	sor.u32 s3, s0;
	s1 =	sshll.u32 s1, $0x11  }
0xc3: {  	s0 =	sor.u32 s1, s0  }
0xc4: {  	s0 =	sadd.s32 $0x8F2B, s0  }
0xc5: {  	[sflag:s0] =	ssyncadd.remote.s32 $0x1  }
0xc6: {  	_ =	sfence.sel $0xFFFF  }
0xc7: {  	[dreg:$0x0] =	wrdreg $0xFFFFFFFF;
	(pc) =	sbr.abs _section_cstart, $3  }
0xc8: {  	[dreg:$0x1] =	wrdreg $0xFFFFFFFF  }
0xc9: {  	_ =	task.clear_ibuf [dreg:s8], $0x2FFFF;
	_ =	strace $0x9FFFFFFF  }
0xca: {  	(tm) =	ssettm $0x7FFFFFFF  }
0xcb: {  	_ =	shalt  }
tec
execute0_lowered:
.L_overlay_start_1:
0x0: {  	(tag) =	ssettag $0x1  }
0x1: {  	s1 =	rddreg [dreg:$0x0]  }
0x2: {  	s0 =	rddreg [dreg:$0x1];
	s11 =	stileid.u32  }
0x3: {  	s2 =	srdreg.scid;
	s7 =	smul.u32 $0x14000, s11  }
0x4: {  	s4 =	rddreg [dreg:$0x3];
	s2 =	sand.u32 $0x1, s2;
	s21 =	smul.u32 $0x50000, s11  }
0x5: {  	s6 =	sshll.u32 s11, $0x1;
	s18 =	sshrl.u32 s11, $0x2;
	s3 =	smul.u32 $0x140000, s2  }
0x6: {  	s5 =	simm.s32 $0x0;
	s8 =	sor.u32 s2, s6;
	s9 =	smul.u32 $0x14000, s18  }
0x7: {  	[smem:$0x7FF] =	sst s5;
	s19 =	smul.u32 $0x1A80, s8  }
0x8: {  	_ =	strace $0x80000047;
	s10 =	sshll.u32 s8, $0x7;
	s12 =	smul.u32 $0xD4, s8  }
0x9: {  	s26 =	sshrl.u32 s21, $0x2;
	s3 =	sadd.s32 s7, s3;
	s10 =	sand.u32 $0x380, s10  }
0xa: {  	s7 =	sadd.s32 $0x2200, s0;
	s13 =	sadd.s32 s26, s4;
	[dreg:$0x5] =	wrdreg s12  }
0xb: {  	s9 =	sor.u32 s9, s10;
	s10 =	sadd.s32 s7, s19;
	[dreg:$0xd] =	wrdreg s13  }
0xc: {  	s23 =	sor.u32 $0x2, s12;
	[dreg:$0x6] =	wrdreg s10  }
0xd: {  	s28 =	simm.s32 $0x7C00;
	s24 =	sadd.s32 $0x4, s12;
	[dreg:$0x8] =	wrdreg s23  }
0xe: {  	s29 =	simm.s32 $0x300;
	s25 =	sadd.s32 $0x5, s12;
	[dreg:$0x9] =	wrdreg s24  }
0xf: {  	s30 =	simm.s32 $0x5;
	s11 =	sadd.s32 $0x1400, s13;
	[dreg:$0xa] =	wrdreg s25  }
0x10: {  	s31 =	simm.s32 $0x280;
	s12 =	sadd.s32 $0x2800, s13;
	[dreg:$0xf] =	wrdreg s11  }
0x11: {  	s6 =	sadd.s32 $0x37200, s0;
	s14 =	sadd.s32 $0x3C00, s13;
	[dreg:$0x10] =	wrdreg s12  }
0x12: {  	s2 =	ssub.s32 $0x2, s2;
	s15 =	sadd.s32 $0x5000, s13;
	[dreg:$0x11] =	wrdreg s14  }
0x13: {  	s20 =	sshrl.u32 s2, $0x1;
	s16 =	sadd.s32 $0x6400, s13;
	[dreg:$0x12] =	wrdreg s15  }
0x14: {  	s2 =	ssub.s32 s2, s20;
	s17 =	sadd.s32 $0x7800, s13;
	[dreg:$0x13] =	wrdreg s16  }
0x15: {  	s3 =	sshrl.u32 s3, $0x3;
	s18 =	sadd.s32 $0x8C00, s13;
	[dreg:$0x14] =	wrdreg s17  }
0x16: {  	s19 =	sadd.s32 $0xA000, s13;
	s20 =	sadd.s32 $0xB400, s13;
	[dreg:$0x15] =	wrdreg s18  }
0x17: {  	s21 =	sadd.s32 $0xC800, s13;
	s26 =	sadd.s32 $0x12C00, s13;
	[dreg:$0x16] =	wrdreg s19  }
0x18: {  	s3 =	sadd.s32 s3, s0;
	s9 =	sshrl.u32 s9, $0x3;
	[dreg:$0x17] =	wrdreg s20  }
0x19: {  	s22 =	sadd.s32 $0x20, s10;
	s10 =	smax.u32 s2, $0x1;
	[dreg:$0x18] =	wrdreg s21  }
0x1a: {  	s23 =	sadd.s32 $0xF000, s13;
	s24 =	sadd.s32 $0x10400, s13;
	s25 =	sadd.s32 $0x11800, s13  }
0x1b: {  	[dreg:$0x1d] =	wrdreg s26;
	s14 =	simm.s32 $0x100;
	s15 =	simm.s32 $0x30  }
0x1c: {  	s17 =	simm.s32 $0x400;
	s18 =	simm.s32 $0x80;
	[dreg:$0x7] =	wrdreg s22  }
0x1d: {  	s20 =	simm.s32 $0x6;
	s21 =	simm.s32 $0x1C00;
	[dreg:$0xe] =	wrdreg s10  }
0x1e: {  	s26 =	simm.s32 $0x6400;
	s2 =	simm.s32 $0x4;
	[dreg:$0x1a] =	wrdreg s23  }
0x1f: {  	s11 =	simm.s32 $0x0;
	s0 =	sadd.s32 s9, s0;
	[dreg:$0x1b] =	wrdreg s24  }
0x20: {  	s9 =	sadd.s32 $0x5E400, s3;
	s22 =	sadd.s32 $0xDC00, s13;
	[dreg:$0x1c] =	wrdreg s25  }
0x21: {  	v0 =	vlaneseq.u32;
	s3 =	simm.s32 $0x3400;
	s10 =	simm.s32 $0x7;
	s23 =	simm.s32 $0x4C00  }
0x22: {  	v0 =	vmul.u32 $0x80, v0;
	s24 =	simm.s32 $0x1;
	s25 =	simm.s32 $0x3;
	[dreg:$0xc] =	wrdreg s9  }
0x23: {  	s0 =	sadd.s32 $0xAE400, s0;
	[dreg:$0x19] =	wrdreg s22;
	s22 =	simm.s32 $0x180  }
0x24: {  	v1 =	vimm.f32 $0.0e+00;
	v2 =	vor.u32 $0x800, v0;
	v3 =	vor.u32 $0x1000, v0;
	s9 =	simm.s32 $0x380;
	[dreg:$0xb] =	wrdreg s0;
	s0 =	simm.s32 $0x2  }
.LBB2_1:
0x25: {  	[dreg:$0x1e] =	wrdreg s11;
	s11 =	simm.s32 $0x7C20  }
0x26: {  	[tilespmem:s11+$0xFFFFFFE0] =	vst v1  }
0x27: {  	[tilespmem:s11+$0x10] =	vst v1  }
0x28: {  	s12 =	simm.s32 $0x0;
	s8 =	simm.s32 $0x3480;
	[tilespmem:s11+$0x0] =	vst v1  }
.LBB2_2:
0x29: {  	s12 =	sadd.s32 $0x4, s12  }
0x2a: {  	[tilespmem:s11+$0xFFFFFFF0] =	vst v1;
	s11 =	sadd.s32 $0x40, s11;
	p0 =	slt.u32 s12, $0x27C  }
.Ltmp0:
0x2b: {  	[tilespmem:s11+$0xFFFFFFE0] =	vst v1;
	(pc) =	sbr.rel @p0 .LBB2_2-.Ltmp0, $3  }
0x2c: {  	_ =	sdelay $0x1  }
0x2d: {  	[tilespmem:s11+$0x10] =	vst v1  }
0x2e: {  	[tilespmem:s11+$0x0] =	vst v1  }
0x2f: {  	[tilespmem:s11+$0xFFFFFFF0] =	vst v1  }
0x30: {  	[tilespmem:s8+$0xFFFFFF80] =	vst v1  }
0x31: {  	[tilespmem:s8+$0x70] =	vst v1  }
0x32: {  	[tilespmem:s8+$0x60] =	vst v1  }
0x33: {  	[tilespmem:s8+$0x50] =	vst v1  }
0x34: {  	[tilespmem:s8+$0x40] =	vst v1  }
0x35: {  	[tilespmem:s8+$0x30] =	vst v1  }
0x36: {  	[tilespmem:s8+$0x20] =	vst v1  }
0x37: {  	[tilespmem:s8+$0x10] =	vst v1  }
0x38: {  	[tilespmem:s8+$0x0] =	vst v1  }
0x39: {  	[tilespmem:s8+$0xFFFFFFF0] =	vst v1  }
0x3a: {  	[tilespmem:s8+$0xFFFFFFE0] =	vst v1  }
0x3b: {  	[tilespmem:s8+$0xFFFFFFD0] =	vst v1  }
0x3c: {  	[tilespmem:s8+$0xFFFFFFC0] =	vst v1  }
0x3d: {  	[tilespmem:s8+$0xFFFFFFB0] =	vst v1  }
0x3e: {  	s11 =	simm.s32 $0x0;
	[tilespmem:s8+$0xFFFFFFA0] =	vst v1  }
.LBB2_4:
0x3f: {  	s11 =	sadd.s32 $0x2, s11;
	[tilespmem:s8+$0xFFFFFF90] =	vst v1;
	s8 =	sadd.s32 $0x100, s8  }
0x40: {  	[tilespmem:s8+$0xFFFFFF80] =	vst v1;
	p0 =	slt.u32 s11, $0x26  }
0x41: {  	[tilespmem:s8+$0x70] =	vst v1  }
0x42: {  	[tilespmem:s8+$0x60] =	vst v1  }
0x43: {  	[tilespmem:s8+$0x50] =	vst v1  }
0x44: {  	[tilespmem:s8+$0x40] =	vst v1  }
0x45: {  	[tilespmem:s8+$0x30] =	vst v1  }
0x46: {  	[tilespmem:s8+$0x20] =	vst v1  }
0x47: {  	[tilespmem:s8+$0x10] =	vst v1  }
0x48: {  	[tilespmem:s8+$0x0] =	vst v1  }
0x49: {  	[tilespmem:s8+$0xFFFFFFF0] =	vst v1  }
.Ltmp1:
0x4a: {  	[tilespmem:s8+$0xFFFFFFE0] =	vst v1;
	(pc) =	sbr.rel @p0 .LBB2_4-.Ltmp1, $4  }
0x4b: {  	[tilespmem:s8+$0xFFFFFFD0] =	vst v1  }
0x4c: {  	[tilespmem:s8+$0xFFFFFFC0] =	vst v1  }
0x4d: {  	[tilespmem:s8+$0xFFFFFFB0] =	vst v1  }
0x4e: {  	[tilespmem:s8+$0xFFFFFFA0] =	vst v1  }
0x4f: {  	[tilespmem:s8+$0xFFFFFF90] =	vst v1  }
0x50: {  	[spmem:s13] =	stream.linear.scatter [tilespmem:s3], [sflag:$0x7], $0x1400, $0x38;
	[tilespmem:$0x1E480] =	vst v63  }
0x51: {  	_ =	swait.ge [sflag:s10], $0x1400  }
0x52: {  	[sflag:s10] =	ssyncset.done $0x0  }
0x53: {  	s12 =	rddreg [dreg:$0xf];
	[sflag:s10] =	ssyncadd.s32 $0xFFFFEC00  }
0x54: {  	[spmem:s12] =	stream.linear.scatter [tilespmem:s3], [sflag:$0x7], $0x1400, $0x38;
	[tilespmem:$0x1E480] =	vst v63  }
0x55: {  	_ =	swait.ge [sflag:s10], $0x1400  }
0x56: {  	[sflag:s10] =	ssyncset.done $0x0  }
0x57: {  	s13 =	rddreg [dreg:$0x10];
	[sflag:s10] =	ssyncadd.s32 $0xFFFFEC00  }
0x58: {  	[spmem:s13] =	stream.linear.scatter [tilespmem:s3], [sflag:$0x7], $0x1400, $0x38;
	[tilespmem:$0x1E480] =	vst v63  }
0x59: {  	_ =	swait.ge [sflag:s10], $0x1400  }
0x5a: {  	[sflag:s10] =	ssyncset.done $0x0  }
0x5b: {  	s16 =	rddreg [dreg:$0x11];
	[sflag:s10] =	ssyncadd.s32 $0xFFFFEC00  }
0x5c: {  	[spmem:s16] =	stream.linear.scatter [tilespmem:s3], [sflag:$0x7], $0x1400, $0x38;
	[tilespmem:$0x1E480] =	vst v63  }
0x5d: {  	_ =	swait.ge [sflag:s10], $0x1400  }
0x5e: {  	[sflag:s10] =	ssyncset.done $0x0  }
0x5f: {  	s19 =	rddreg [dreg:$0x12];
	[sflag:s10] =	ssyncadd.s32 $0xFFFFEC00  }
0x60: {  	[spmem:s19] =	stream.linear.scatter [tilespmem:s3], [sflag:$0x7], $0x1400, $0x38;
	[tilespmem:$0x1E480] =	vst v63  }
0x61: {  	_ =	swait.ge [sflag:s10], $0x1400  }
0x62: {  	[sflag:s10] =	ssyncset.done $0x0  }
0x63: {  	s11 =	rddreg [dreg:$0x13];
	[sflag:s10] =	ssyncadd.s32 $0xFFFFEC00  }
0x64: {  	[spmem:s11] =	stream.linear.scatter [tilespmem:s3], [sflag:$0x7], $0x1400, $0x38;
	[tilespmem:$0x1E480] =	vst v63  }
0x65: {  	_ =	swait.ge [sflag:s10], $0x1400  }
0x66: {  	[sflag:s10] =	ssyncset.done $0x0  }
0x67: {  	s12 =	rddreg [dreg:$0x14];
	[sflag:s10] =	ssyncadd.s32 $0xFFFFEC00  }
0x68: {  	[spmem:s12] =	stream.linear.scatter [tilespmem:s3], [sflag:$0x7], $0x1400, $0x38;
	[tilespmem:$0x1E480] =	vst v63  }
0x69: {  	_ =	swait.ge [sflag:s10], $0x1400  }
0x6a: {  	[sflag:s10] =	ssyncset.done $0x0  }
0x6b: {  	s13 =	rddreg [dreg:$0x15];
	[sflag:s10] =	ssyncadd.s32 $0xFFFFEC00  }
0x6c: {  	[spmem:s13] =	stream.linear.scatter [tilespmem:s3], [sflag:$0x7], $0x1400, $0x38;
	[tilespmem:$0x1E480] =	vst v63  }
0x6d: {  	_ =	swait.ge [sflag:s10], $0x1400  }
0x6e: {  	[sflag:s10] =	ssyncset.done $0x0  }
0x6f: {  	s16 =	rddreg [dreg:$0x16];
	[sflag:s10] =	ssyncadd.s32 $0xFFFFEC00  }
0x70: {  	[spmem:s16] =	stream.linear.scatter [tilespmem:s3], [sflag:$0x7], $0x1400, $0x38;
	[tilespmem:$0x1E480] =	vst v63  }
0x71: {  	_ =	swait.ge [sflag:s10], $0x1400  }
0x72: {  	[sflag:s10] =	ssyncset.done $0x0  }
0x73: {  	s19 =	rddreg [dreg:$0x17];
	[sflag:s10] =	ssyncadd.s32 $0xFFFFEC00  }
0x74: {  	[spmem:s19] =	stream.linear.scatter [tilespmem:s3], [sflag:$0x7], $0x1400, $0x38;
	[tilespmem:$0x1E480] =	vst v63  }
0x75: {  	_ =	swait.ge [sflag:s10], $0x1400  }
0x76: {  	[sflag:s10] =	ssyncset.done $0x0  }
0x77: {  	s11 =	rddreg [dreg:$0x18];
	[sflag:s10] =	ssyncadd.s32 $0xFFFFEC00  }
0x78: {  	[spmem:s11] =	stream.linear.scatter [tilespmem:s3], [sflag:$0x7], $0x1400, $0x38;
	[tilespmem:$0x1E480] =	vst v63  }
0x79: {  	_ =	swait.ge [sflag:s10], $0x1400  }
0x7a: {  	[sflag:s10] =	ssyncset.done $0x0  }
0x7b: {  	s12 =	rddreg [dreg:$0x19];
	[sflag:s10] =	ssyncadd.s32 $0xFFFFEC00  }
0x7c: {  	[spmem:s12] =	stream.linear.scatter [tilespmem:s3], [sflag:$0x7], $0x1400, $0x38;
	[tilespmem:$0x1E480] =	vst v63  }
0x7d: {  	_ =	swait.ge [sflag:s10], $0x1400  }
0x7e: {  	[sflag:s10] =	ssyncset.done $0x0  }
0x7f: {  	s13 =	rddreg [dreg:$0x1a];
	[sflag:s10] =	ssyncadd.s32 $0xFFFFEC00  }
0x80: {  	[spmem:s13] =	stream.linear.scatter [tilespmem:s3], [sflag:$0x7], $0x1400, $0x38;
	[tilespmem:$0x1E480] =	vst v63  }
0x81: {  	_ =	swait.ge [sflag:s10], $0x1400  }
0x82: {  	[sflag:s10] =	ssyncset.done $0x0  }
0x83: {  	s16 =	rddreg [dreg:$0x1b];
	[sflag:s10] =	ssyncadd.s32 $0xFFFFEC00  }
0x84: {  	[spmem:s16] =	stream.linear.scatter [tilespmem:s3], [sflag:$0x7], $0x1400, $0x38;
	[tilespmem:$0x1E480] =	vst v63  }
0x85: {  	_ =	swait.ge [sflag:s10], $0x1400  }
0x86: {  	[sflag:s10] =	ssyncset.done $0x0  }
0x87: {  	s19 =	rddreg [dreg:$0x1c];
	[sflag:s10] =	ssyncadd.s32 $0xFFFFEC00  }
0x88: {  	[spmem:s19] =	stream.linear.scatter [tilespmem:s3], [sflag:$0x7], $0x1400, $0x38;
	[tilespmem:$0x1E480] =	vst v63  }
0x89: {  	_ =	swait.ge [sflag:s10], $0x1400  }
0x8a: {  	[sflag:s10] =	ssyncset.done $0x0  }
0x8b: {  	s11 =	rddreg [dreg:$0x1d];
	[sflag:s10] =	ssyncadd.s32 $0xFFFFEC00  }
0x8c: {  	[spmem:s11] =	stream.linear.scatter [tilespmem:s3], [sflag:$0x7], $0x1400, $0x38;
	[tilespmem:$0x1E480] =	vst v63  }
0x8d: {  	_ =	swait.ge [sflag:s10], $0x1400  }
0x8e: {  	[sflag:s10] =	ssyncset.done $0x0  }
0x8f: {  	[sflag:s10] =	ssyncadd.s32 $0xFFFFEC00  }
0x90: {  	s16 =	simm.s32 $0x0;
	s11 =	simm.s32 $0xA400;
	s12 =	rddreg [dreg:$0x2]  }
0x91: {  	[tilespmem:s11], [sflag:$0x7] =	stream.linear.gather [hbm4b:s12+s16], $0x80, $0x38;
	[tilespmem:$0x1E480] =	vst v63  }
0x92: {  	_ =	swait.ge [sflag:s10], $0x80  }
0x93: {  	[sflag:s10] =	ssyncset.done $0x0  }
0x94: {  	s13 =	rddreg [dreg:$0x6];
	[sflag:s10] =	ssyncadd.s32 $0xFFFFFF80  }
0x95: {  	[tilespmem:s16], [sflag:$0x7] =	stream.linear.gather [hbm4b:s13+s16], $0x100, $0x38;
	[tilespmem:$0x1E480] =	vst v63  }
0x96: {  	_ =	swait.ge [sflag:s10], $0x100  }
0x97: {  	[sflag:s10] =	ssyncset.done $0x0  }
0x98: {  	s19 =	rddreg [dreg:$0x7];
	[sflag:s10] =	ssyncadd.s32 $0xFFFFFF00  }
0x99: {  	[tilespmem:s14], [sflag:$0x6] =	stream.linear.gather [hbm4b:s19+s16], $0x100, $0x38;
	[tilespmem:$0x1E480] =	vst v63  }
0x9a: {  	_ = 	snop  }
0x9b: {  	[tilespmem:s17], [sflag:$0x1] =	stream.indirect.gather [hbm4b:s1+s15], $0x80, s16, s15, $0xb8;
	[tilespmem:$0x1E480] =	vst v63  }
0x9c: {  	_ = 	snop  }
0x9d: {  	[tilespmem:s3], [sflag:$0x3] =	stream.indirect.gather [hbm4b:s6+s15], $0x80, s18, s15, $0xb8;
	[tilespmem:$0x1E480] =	vst v63  }
0x9e: {  	[bflag:$0x0] =	sbarrier.arrive $0xFFFF  }
0x9f: {  	v4 =	vld [tilespmem:$0xA400]  }
0xa0: {  	v5 =	vld [tilespmem:$0xA410]  }
0xa1: {  	v6 =	vld [tilespmem:$0xA420]  }
0xa2: {  	v7 =	vld [tilespmem:$0xA430]  }
0xa3: {  	v8 =	vld [tilespmem:$0xA440]  }
0xa4: {  	v9 =	vld [tilespmem:$0xA450]  }
0xa5: {  	v10 =	vld [tilespmem:$0xA460]  }
0xa6: {  	v11 =	vld [tilespmem:$0xA470];
	_ =	sdelay $0x1  }
0xa7: {  	v12 =	vmul.f32 $2.000000030e-01, v4;
	v13 =	vmul.f32 $2.000000030e-01, v5  }
0xa8: {  	v14 =	vmul.f32 $2.000000030e-01, v6;
	v15 =	vmul.f32 $2.000000030e-01, v7  }
0xa9: {  	v16 =	vmul.f32 $2.000000030e-01, v8;
	v17 =	vmul.f32 $2.000000030e-01, v9  }
0xaa: {  	v18 =	vmul.f32 $2.000000030e-01, v10;
	v19 =	vmul.f32 $2.000000030e-01, v11  }
.LBB2_6:
0xab: {  	s8 =	sshll.u32 s16, $0x2;
	s11 =	rddreg [dreg:$0x8]  }
0xac: {  	s11 =	sadd.s32 s8, s11  }
0xad: {  	s11 =	sshll.u32 s11, $0x5  }
0xae: {  	s11 =	sand.u32 $0x1FFFFFC0, s11  }
0xaf: {  	s12 =	simm.s32 $0x200;
	s11 =	sadd.s32 s7, s11  }
0xb0: {  	[tilespmem:s12], [sflag:$0x5] =	stream.linear.gather [hbm4b:s11+s5], $0x100, $0x38;
	[tilespmem:$0x1E480] =	vst v63  }
0xb1: {  	_ =	swait.ge [sflag:s20], $0x100  }
0xb2: {  	[sflag:s20] =	ssyncset.done $0x0  }
0xb3: {  	[sflag:s20] =	ssyncadd.s32 $0xFFFFFF00  }
0xb4: {  	[tilespmem:s21], [sflag:$0x2] =	stream.indirect.gather [hbm4b:s1+s15], $0x80, s14, s15, $0xb8;
	[tilespmem:$0x1E480] =	vst v63  }
0xb5: {  	_ = 	snop  }
0xb6: {  	[tilespmem:s23], [sflag:$0x4] =	stream.indirect.gather [hbm4b:s6+s15], $0x80, s22, s15, $0xb8;
	[tilespmem:$0x1E480] =	vst v63  }
0xb7: {  	_ =	swait.ge [sflag:s24], $0x1800  }
0xb8: {  	[sflag:s24] =	ssyncset.done $0x0  }
0xb9: {  	[sflag:s24] =	ssyncadd.s32 $0xFFFFE800  }
0xba: {  	_ =	swait.ge [sflag:s25], $0x1800  }
0xbb: {  	s13 =	simm.s32 $0x3480;
	s19 =	simm.s32 $0x480;
	[sflag:s25] =	ssyncset.done $0x0  }
0xbc: {  	s11 =	simm.s32 $0xFFFFFFFE;
	s12 =	simm.s32 $0x6480;
	[sflag:s25] =	ssyncadd.s32 $0xFFFFE800  }
.LBB2_7:
0xbd: {  	v20 =	vld [tilespmem:s19+$0xFFFFFF80]  }
0xbe: {  	v21 =	vld [tilespmem:s13+$0xFFFFFF80]  }
0xbf: {  	v22 =	vld [tilespmem:s19+$0xFFFFFF90]  }
0xc0: {  	v23 =	vld [tilespmem:s13+$0xFFFFFF90]  }
0xc1: {  	v24 =	vld [tilespmem:s19+$0xFFFFFFA0]  }
0xc2: {  	v25 =	vld [tilespmem:s13+$0xFFFFFFA0]  }
0xc3: {  	v26 =	vld [tilespmem:s19+$0xFFFFFFB0]  }
0xc4: {  	v27 =	vld [tilespmem:s13+$0xFFFFFFB0];
	v21 =	vadd.f32 v21, v20  }
0xc5: {  	v29 =	vld [tilespmem:s19+$0xFFFFFFC0]  }
0xc6: {  	v44 =	vld [tilespmem:s13+$0xFFFFFFC0];
	v23 =	vadd.f32 v23, v22;
	vm0 =	vgt.f32 v21, $0.0e+00  }
0xc7: {  	v45 =	vld [tilespmem:s19+$0xFFFFFFD0];
	v28 =	vsel vm0, v4, v12  }
0xc8: {  	v31 =	vld [tilespmem:s13+$0xFFFFFFD0];
	v25 =	vadd.f32 v25, v24;
	vm13 =	vgt.f32 v23, $0.0e+00;
	v21 =	vmul.f32 v28, v21  }
0xc9: {  	v32 =	vld [tilespmem:s19+$0xFFFFFFE0];
	v27 =	vadd.f32 v27, v26;
	v30 =	vsel vm13, v5, v13  }
0xca: {  	v48 =	vld [tilespmem:s13+$0xFFFFFFE0];
	vm14 =	vgt.f32 v25, $0.0e+00;
	v23 =	vmul.f32 v30, v23;
	v21 =	vadd.f32 $0.0e+00, v21  }
0xcb: {  	v47 =	vadd.f32 v44, v29;
	v46 =	vsel vm14, v6, v14  }
0xcc: {  	v34 =	vld [tilespmem:s19+$0xFFFFFFF0];
	vm15 =	vgt.f32 v27, $0.0e+00;
	v21 =	vadd.f32 v23, v21;
	v23 =	vmul.f32 v46, v25  }
0xcd: {  	v50 =	vld [tilespmem:s13+$0xFFFFFFF0];
	v31 =	vadd.f32 v31, v45;
	v33 =	vsel vm15, v7, v15  }
0xce: {  	vm4 =	vgt.f32 v47, $0.0e+00;
	v49 =	vmul.f32 v33, v27;
	v21 =	vadd.f32 v23, v21  }
0xcf: {  	v53 =	vadd.f32 v48, v32;
	v51 =	vsel vm4, v8, v16  }
0xd0: {  	vm5 =	vgt.f32 v31, $0.0e+00;
	v52 =	vmul.f32 v51, v47;
	v21 =	vadd.f32 v49, v21  }
0xd1: {  	vm6 =	vgt.f32 v53, $0.0e+00;
	v54 =	vsel vm5, v9, v17  }
0xd2: {  	v27 =	vadd.f32 v50, v34;
	v23 =	vmul.f32 v54, v31;
	v21 =	vadd.f32 v52, v21  }
0xd3: {  	v55 =	vsel vm6, v10, v18  }
0xd4: {  	v56 =	vmul.f32 v55, v53;
	vm7 =	vgt.f32 v27, $0.0e+00;
	v21 =	vadd.f32 v23, v21  }
0xd5: {  	v57 =	vsel vm7, v11, v19  }
0xd6: {  	v58 =	vmul.f32 v57, v27;
	v21 =	vadd.f32 v56, v21;
	_ =	sdelay $0x1  }
0xd7: {  	v21 =	vadd.f32 v58, v21;
	_ =	sdelay $0x1  }
0xd8: {  	(xrf2) =	vadd.scan.msk.f32 $0xffff, v21;
	_ =	sdelay $0x9  }
0xd9: {  	v21, _, _ =	vpop (xrf2)  }
0xda: {  	v21 =	vmul.f32 $1.442695020e+00, v21;
	_ =	sdelay $0x1  }
0xdb: {  	v21 =	vbroadcast v21, $0xF;
	_ =	sdelay $0x1  }
0xdc: {  	(erf) = vpow2.f32 v21;
	_ =	sdelay $0x8  }
0xdd: {  	v21 =	vpop (erf)  }
0xde: {  	v20 =	vmul.f32 v21, v20  }
0xdf: {  	v22 =	vmul.f32 v21, v22  }
0xe0: {  	v59 =	vmul.f32 v21, v26;
	[tilespmem:s13+$0xFFFFFF80] =	vst v20  }
0xe1: {  	v20 =	vmul.f32 v21, v24;
	[tilespmem:s13+$0xFFFFFF90] =	vst v22  }
0xe2: {  	v60 =	vmul.f32 v21, v45;
	[tilespmem:s13+$0xFFFFFFB0] =	vst v59  }
0xe3: {  	[tilespmem:s13+$0xFFFFFFA0] =	vst v20;
	v20 =	vmul.f32 v21, v29  }
0xe4: {  	v61 =	vmul.f32 v21, v34;
	[tilespmem:s13+$0xFFFFFFD0] =	vst v60  }
0xe5: {  	[tilespmem:s13+$0xFFFFFFC0] =	vst v20;
	v20 =	vmul.f32 v21, v32  }
0xe6: {  	[tilespmem:s13+$0xFFFFFFF0] =	vst v61  }
0xe7: {  	[tilespmem:s13+$0xFFFFFFE0] =	vst v20  }
0xe8: {  	[tilespmem:s12+$0xFFFFFF80] =	vst v21  }
0xe9: {  	v20 =	vld [tilespmem:s19+$0x0]  }
0xea: {  	v21 =	vld [tilespmem:s13+$0x0]  }
0xeb: {  	v22 =	vld [tilespmem:s19+$0x10]  }
0xec: {  	v62 =	vld [tilespmem:s13+$0x10]  }
0xed: {  	v63 =	vld [tilespmem:s19+$0x20]  }
0xee: {  	v36 =	vld [tilespmem:s13+$0x20]  }
0xef: {  	v37 =	vld [tilespmem:s19+$0x30]  }
0xf0: {  	v38 =	vld [tilespmem:s13+$0x30];
	v21 =	vadd.f32 v21, v20  }
0xf1: {  	v40 =	vld [tilespmem:s19+$0x40]  }
0xf2: {  	v41 =	vld [tilespmem:s13+$0x40];
	v23 =	vadd.f32 v62, v22;
	vm8 =	vgt.f32 v21, $0.0e+00  }
0xf3: {  	v43 =	vld [tilespmem:s19+$0x50];
	v39 =	vsel vm8, v4, v12  }
0xf4: {  	v44 =	vld [tilespmem:s13+$0x50];
	v25 =	vadd.f32 v36, v63;
	vm9 =	vgt.f32 v23, $0.0e+00;
	v21 =	vmul.f32 v39, v21  }
0xf5: {  	v46 =	vld [tilespmem:s19+$0x60];
	v27 =	vadd.f32 v38, v37;
	v42 =	vsel vm9, v5, v13  }
0xf6: {  	v48 =	vld [tilespmem:s13+$0x60];
	vm10 =	vgt.f32 v25, $0.0e+00;
	v23 =	vmul.f32 v42, v23;
	v21 =	vadd.f32 $0.0e+00, v21  }
0xf7: {  	v47 =	vadd.f32 v41, v40;
	v45 =	vsel vm10, v6, v14  }
0xf8: {  	v50 =	vld [tilespmem:s19+$0x70];
	vm11 =	vgt.f32 v27, $0.0e+00;
	v21 =	vadd.f32 v23, v21;
	v23 =	vmul.f32 v45, v25  }
0xf9: {  	v52 =	vld [tilespmem:s13+$0x70];
	v31 =	vadd.f32 v44, v43;
	v49 =	vsel vm11, v7, v15  }
0xfa: {  	vm12 =	vgt.f32 v47, $0.0e+00;
	v51 =	vmul.f32 v49, v27;
	v21 =	vadd.f32 v23, v21  }
0xfb: {  	v55 =	vadd.f32 v48, v46;
	v53 =	vsel vm12, v8, v16  }
0xfc: {  	vm13 =	vgt.f32 v31, $0.0e+00;
	v54 =	vmul.f32 v53, v47;
	v21 =	vadd.f32 v51, v21  }
0xfd: {  	vm14 =	vgt.f32 v55, $0.0e+00;
	v56 =	vsel vm13, v9, v17  }
0xfe: {  	v27 =	vadd.f32 v52, v50;
	v23 =	vmul.f32 v56, v31;
	v21 =	vadd.f32 v54, v21  }
0xff: {  	v57 =	vsel vm14, v10, v18  }
0x100: {  	v58 =	vmul.f32 v57, v55;
	vm15 =	vgt.f32 v27, $0.0e+00;
	v21 =	vadd.f32 v23, v21  }
0x101: {  	v59 =	vsel vm15, v11, v19  }
0x102: {  	v60 =	vmul.f32 v59, v27;
	v21 =	vadd.f32 v58, v21;
	_ =	sdelay $0x1  }
0x103: {  	v21 =	vadd.f32 v60, v21;
	_ =	sdelay $0x1  }
0x104: {  	(xrf2) =	vadd.scan.msk.f32 $0xffff, v21;
	_ =	sdelay $0x9  }
0x105: {  	v21, _, _ =	vpop (xrf2)  }
0x106: {  	v21 =	vmul.f32 $1.442695020e+00, v21;
	_ =	sdelay $0x1  }
0x107: {  	v21 =	vbroadcast v21, $0xF;
	_ =	sdelay $0x1  }
0x108: {  	(erf) = vpow2.f32 v21;
	_ =	sdelay $0x8  }
0x109: {  	v21 =	vpop (erf)  }
0x10a: {  	v20 =	vmul.f32 v21, v20  }
0x10b: {  	v22 =	vmul.f32 v21, v22  }
0x10c: {  	v61 =	vmul.f32 v21, v37;
	[tilespmem:s13+$0x0] =	vst v20  }
0x10d: {  	v20 =	vmul.f32 v21, v63;
	[tilespmem:s13+$0x10] =	vst v22  }
0x10e: {  	s11 =	sadd.s32 $0x2, s11;
	v62 =	vmul.f32 v21, v43;
	[tilespmem:s13+$0x30] =	vst v61  }
0x10f: {  	p0 =	slt.u32 s11, $0x2E;
	[tilespmem:s13+$0x20] =	vst v20;
	v20 =	vmul.f32 v21, v40  }
.Ltmp2:
0x110: {  	[tilespmem:s13+$0x50] =	vst v62;
	v63 =	vmul.f32 v21, v50;
	(pc) =	sbr.rel @p0 .LBB2_7-.Ltmp2, $4  }
0x111: {  	[tilespmem:s13+$0x40] =	vst v20;
	v20 =	vmul.f32 v21, v46  }
0x112: {  	[tilespmem:s13+$0x70] =	vst v63  }
0x113: {  	[tilespmem:s13+$0x60] =	vst v20  }
0x114: {  	s19 =	sadd.s32 $0x100, s19;
	s13 =	sadd.s32 $0x100, s13;
	[tilespmem:s12+$0x0] =	vst v21;
	s12 =	sadd.s32 $0x100, s12  }
0x115: {  	_ = 	snop  }
0x116: {  	v20 =	vld [tilespmem:$0x80];
	_ =	sdelay $0x2  }
0x117: {  	v21 =	vld.idx.msk [tilespmem:v0+s26+$0x0], $0xffff;
	_ =	sdelay $0x4  }
0x118: {  	[tilespmem:v20+s28+$0x0] =	vst.idx.add.f32.msk $0xffff, v21  }
0x119: {  	v20 =	vld [tilespmem:$0x90];
	_ =	sdelay $0x2  }
0x11a: {  	v21 =	vld.idx.msk [tilespmem:v2+s26+$0x0], $0xffff;
	_ =	sdelay $0x4  }
0x11b: {  	[tilespmem:v20+s28+$0x0] =	vst.idx.add.f32.msk $0xffff, v21  }
0x11c: {  	v20 =	vld [tilespmem:$0xA0];
	_ =	sdelay $0x2  }
0x11d: {  	v21 =	vld.idx.msk [tilespmem:v3+s26+$0x0], $0xffff;
	_ =	sdelay $0x2  }
0x11e: {  	s11 =	rddreg [dreg:$0x5]  }
0x11f: {  	s11 =	sadd.s32 s8, s11  }
0x120: {  	s11 =	sshll.u32 s11, $0x5;
	[tilespmem:v20+s28+$0x0] =	vst.idx.add.f32.msk $0xffff, v21  }
0x121: {  	[spmem:s4] =	stream.indirect.scatter.add.f32 [tilespmem:s3], [sflag:$0x7], $0x80, s18, s15, $0xb8;
	[tilespmem:$0x1E480] =	vst v63  }
0x122: {  	s11 =	sadd.s32 $0x60, s11;
	_ =	swait.ge [sflag:s10], $0x1800  }
0x123: {  	s11 =	sand.u32 $0x1FFFFFE0, s11;
	[sflag:s10] =	ssyncset.done $0x0  }
0x124: {  	s11 =	sadd.s32 s7, s11;
	[sflag:s10] =	ssyncadd.s32 $0xFFFFE800  }
0x125: {  	[tilespmem:s29], [sflag:$0x6] =	stream.linear.gather [hbm4b:s11+s5], $0x100, $0x38;
	[tilespmem:$0x1E480] =	vst v63  }
0x126: {  	_ =	swait.ge [sflag:s30], $0x100  }
0x127: {  	[sflag:s30] =	ssyncset.done $0x0  }
0x128: {  	s19 =	simm.s32 $0x200;
	[sflag:s30] =	ssyncadd.s32 $0xFFFFFF00  }
0x129: {  	[tilespmem:s17], [sflag:$0x1] =	stream.indirect.gather [hbm4b:s1+s15], $0x80, s19, s15, $0xb8;
	[tilespmem:$0x1E480] =	vst v63  }
0x12a: {  	_ = 	snop  }
0x12b: {  	[tilespmem:s3], [sflag:$0x3] =	stream.indirect.gather [hbm4b:s6+s15], $0x80, s31, s15, $0xb8;
	[tilespmem:$0x1E480] =	vst v63  }
0x12c: {  	_ =	swait.ge [sflag:s0], $0x1800  }
0x12d: {  	[sflag:s0] =	ssyncset.done $0x0  }
0x12e: {  	[sflag:s0] =	ssyncadd.s32 $0xFFFFE800  }
0x12f: {  	_ =	swait.ge [sflag:s2], $0x1800  }
0x130: {  	s12 =	simm.s32 $0x6480;
	s13 =	simm.s32 $0x1CF0;
	[sflag:s2] =	ssyncset.done $0x0  }
0x131: {  	s11 =	simm.s32 $0xFFFFFFFE;
	s19 =	simm.s32 $0x4CF0;
	[sflag:s2] =	ssyncadd.s32 $0xFFFFE800  }
.LBB2_9:
0x132: {  	v20 =	vld [tilespmem:s13+$0xFFFFFF10]  }
0x133: {  	v21 =	vld [tilespmem:s19+$0xFFFFFF10]  }
0x134: {  	v22 =	vld [tilespmem:s13+$0xFFFFFF20]  }
0x135: {  	v23 =	vld [tilespmem:s19+$0xFFFFFF20]  }
0x136: {  	v24 =	vld [tilespmem:s13+$0xFFFFFF30]  }
0x137: {  	v25 =	vld [tilespmem:s19+$0xFFFFFF30]  }
0x138: {  	v26 =	vld [tilespmem:s13+$0xFFFFFF40]  }
0x139: {  	v27 =	vld [tilespmem:s19+$0xFFFFFF40];
	v21 =	vadd.f32 v21, v20  }
0x13a: {  	v29 =	vld [tilespmem:s13+$0xFFFFFF50]  }
0x13b: {  	v44 =	vld [tilespmem:s19+$0xFFFFFF50];
	v23 =	vadd.f32 v23, v22;
	vm0 =	vgt.f32 v21, $0.0e+00  }
0x13c: {  	v45 =	vld [tilespmem:s13+$0xFFFFFF60];
	v28 =	vsel vm0, v4, v12  }
0x13d: {  	v31 =	vld [tilespmem:s19+$0xFFFFFF60];
	v25 =	vadd.f32 v25, v24;
	vm13 =	vgt.f32 v23, $0.0e+00;
	v21 =	vmul.f32 v28, v21  }
0x13e: {  	v32 =	vld [tilespmem:s13+$0xFFFFFF70];
	v27 =	vadd.f32 v27, v26;
	v30 =	vsel vm13, v5, v13  }
0x13f: {  	v48 =	vld [tilespmem:s19+$0xFFFFFF70];
	vm14 =	vgt.f32 v25, $0.0e+00;
	v23 =	vmul.f32 v30, v23;
	v21 =	vadd.f32 $0.0e+00, v21  }
0x140: {  	v47 =	vadd.f32 v44, v29;
	v46 =	vsel vm14, v6, v14  }
0x141: {  	v34 =	vld [tilespmem:s13+$0xFFFFFF80];
	vm15 =	vgt.f32 v27, $0.0e+00;
	v21 =	vadd.f32 v23, v21;
	v23 =	vmul.f32 v46, v25  }
0x142: {  	v50 =	vld [tilespmem:s19+$0xFFFFFF80];
	v31 =	vadd.f32 v31, v45;
	v33 =	vsel vm15, v7, v15  }
0x143: {  	vm4 =	vgt.f32 v47, $0.0e+00;
	v49 =	vmul.f32 v33, v27;
	v21 =	vadd.f32 v23, v21  }
0x144: {  	v53 =	vadd.f32 v48, v32;
	v51 =	vsel vm4, v8, v16  }
0x145: {  	vm5 =	vgt.f32 v31, $0.0e+00;
	v52 =	vmul.f32 v51, v47;
	v21 =	vadd.f32 v49, v21  }
0x146: {  	vm6 =	vgt.f32 v53, $0.0e+00;
	v54 =	vsel vm5, v9, v17  }
0x147: {  	v27 =	vadd.f32 v50, v34;
	v23 =	vmul.f32 v54, v31;
	v21 =	vadd.f32 v52, v21  }
0x148: {  	v55 =	vsel vm6, v10, v18  }
0x149: {  	v56 =	vmul.f32 v55, v53;
	vm7 =	vgt.f32 v27, $0.0e+00;
	v21 =	vadd.f32 v23, v21  }
0x14a: {  	v57 =	vsel vm7, v11, v19  }
0x14b: {  	v58 =	vmul.f32 v57, v27;
	v21 =	vadd.f32 v56, v21;
	_ =	sdelay $0x1  }
0x14c: {  	v21 =	vadd.f32 v58, v21;
	_ =	sdelay $0x1  }
0x14d: {  	(xrf2) =	vadd.scan.msk.f32 $0xffff, v21;
	_ =	sdelay $0x9  }
0x14e: {  	v21, _, _ =	vpop (xrf2)  }
0x14f: {  	v21 =	vmul.f32 $1.442695020e+00, v21;
	_ =	sdelay $0x1  }
0x150: {  	v21 =	vbroadcast v21, $0xF;
	_ =	sdelay $0x1  }
0x151: {  	(erf) = vpow2.f32 v21;
	_ =	sdelay $0x8  }
0x152: {  	v21 =	vpop (erf)  }
0x153: {  	v20 =	vmul.f32 v21, v20  }
0x154: {  	v22 =	vmul.f32 v21, v22  }
0x155: {  	v59 =	vmul.f32 v21, v26;
	[tilespmem:s19+$0xFFFFFF10] =	vst v20  }
0x156: {  	v20 =	vmul.f32 v21, v24;
	[tilespmem:s19+$0xFFFFFF20] =	vst v22  }
0x157: {  	v60 =	vmul.f32 v21, v45;
	[tilespmem:s19+$0xFFFFFF40] =	vst v59  }
0x158: {  	[tilespmem:s19+$0xFFFFFF30] =	vst v20;
	v20 =	vmul.f32 v21, v29  }
0x159: {  	v61 =	vmul.f32 v21, v34;
	[tilespmem:s19+$0xFFFFFF60] =	vst v60  }
0x15a: {  	[tilespmem:s19+$0xFFFFFF50] =	vst v20;
	v20 =	vmul.f32 v21, v32  }
0x15b: {  	[tilespmem:s19+$0xFFFFFF80] =	vst v61  }
0x15c: {  	[tilespmem:s19+$0xFFFFFF70] =	vst v20  }
0x15d: {  	[tilespmem:s12+$0xFFFFFF80] =	vst v21  }
0x15e: {  	v20 =	vld [tilespmem:s13+$0xFFFFFF90]  }
0x15f: {  	v21 =	vld [tilespmem:s19+$0xFFFFFF90]  }
0x160: {  	v22 =	vld [tilespmem:s13+$0xFFFFFFA0]  }
0x161: {  	v62 =	vld [tilespmem:s19+$0xFFFFFFA0]  }
0x162: {  	v63 =	vld [tilespmem:s13+$0xFFFFFFB0]  }
0x163: {  	v36 =	vld [tilespmem:s19+$0xFFFFFFB0]  }
0x164: {  	v37 =	vld [tilespmem:s13+$0xFFFFFFC0]  }
0x165: {  	v38 =	vld [tilespmem:s19+$0xFFFFFFC0];
	v21 =	vadd.f32 v21, v20  }
0x166: {  	v40 =	vld [tilespmem:s13+$0xFFFFFFD0]  }
0x167: {  	v41 =	vld [tilespmem:s19+$0xFFFFFFD0];
	v23 =	vadd.f32 v62, v22;
	vm8 =	vgt.f32 v21, $0.0e+00  }
0x168: {  	v43 =	vld [tilespmem:s13+$0xFFFFFFE0];
	v39 =	vsel vm8, v4, v12  }
0x169: {  	v44 =	vld [tilespmem:s19+$0xFFFFFFE0];
	v25 =	vadd.f32 v36, v63;
	vm9 =	vgt.f32 v23, $0.0e+00;
	v21 =	vmul.f32 v39, v21  }
0x16a: {  	v46 =	vld [tilespmem:s13+$0xFFFFFFF0];
	v27 =	vadd.f32 v38, v37;
	v42 =	vsel vm9, v5, v13  }
0x16b: {  	v48 =	vld [tilespmem:s19+$0xFFFFFFF0];
	vm10 =	vgt.f32 v25, $0.0e+00;
	v23 =	vmul.f32 v42, v23;
	v21 =	vadd.f32 $0.0e+00, v21  }
0x16c: {  	v47 =	vadd.f32 v41, v40;
	v45 =	vsel vm10, v6, v14  }
0x16d: {  	v50 =	vld [tilespmem:s13+$0x0];
	vm11 =	vgt.f32 v27, $0.0e+00;
	v21 =	vadd.f32 v23, v21;
	v23 =	vmul.f32 v45, v25  }
0x16e: {  	v52 =	vld [tilespmem:s19+$0x0];
	v31 =	vadd.f32 v44, v43;
	v49 =	vsel vm11, v7, v15  }
0x16f: {  	vm12 =	vgt.f32 v47, $0.0e+00;
	v51 =	vmul.f32 v49, v27;
	v21 =	vadd.f32 v23, v21  }
0x170: {  	v55 =	vadd.f32 v48, v46;
	v53 =	vsel vm12, v8, v16  }
0x171: {  	vm13 =	vgt.f32 v31, $0.0e+00;
	v54 =	vmul.f32 v53, v47;
	v21 =	vadd.f32 v51, v21  }
0x172: {  	vm14 =	vgt.f32 v55, $0.0e+00;
	v56 =	vsel vm13, v9, v17  }
0x173: {  	v27 =	vadd.f32 v52, v50;
	v23 =	vmul.f32 v56, v31;
	v21 =	vadd.f32 v54, v21  }
0x174: {  	v57 =	vsel vm14, v10, v18  }
0x175: {  	v58 =	vmul.f32 v57, v55;
	vm15 =	vgt.f32 v27, $0.0e+00;
	v21 =	vadd.f32 v23, v21  }
0x176: {  	v59 =	vsel vm15, v11, v19  }
0x177: {  	v60 =	vmul.f32 v59, v27;
	v21 =	vadd.f32 v58, v21;
	_ =	sdelay $0x1  }
0x178: {  	v21 =	vadd.f32 v60, v21;
	_ =	sdelay $0x1  }
0x179: {  	(xrf2) =	vadd.scan.msk.f32 $0xffff, v21;
	_ =	sdelay $0x9  }
0x17a: {  	v21, _, _ =	vpop (xrf2)  }
0x17b: {  	v21 =	vmul.f32 $1.442695020e+00, v21;
	_ =	sdelay $0x1  }
0x17c: {  	v21 =	vbroadcast v21, $0xF;
	_ =	sdelay $0x1  }
0x17d: {  	(erf) = vpow2.f32 v21;
	_ =	sdelay $0x8  }
0x17e: {  	v21 =	vpop (erf)  }
0x17f: {  	v20 =	vmul.f32 v21, v20  }
0x180: {  	v22 =	vmul.f32 v21, v22  }
0x181: {  	v61 =	vmul.f32 v21, v37;
	[tilespmem:s19+$0xFFFFFF90] =	vst v20  }
0x182: {  	v20 =	vmul.f32 v21, v63;
	[tilespmem:s19+$0xFFFFFFA0] =	vst v22  }
0x183: {  	s11 =	sadd.s32 $0x2, s11;
	v62 =	vmul.f32 v21, v43;
	[tilespmem:s19+$0xFFFFFFC0] =	vst v61  }
0x184: {  	p0 =	slt.u32 s11, $0x2E;
	[tilespmem:s19+$0xFFFFFFB0] =	vst v20;
	v20 =	vmul.f32 v21, v40  }
.Ltmp3:
0x185: {  	[tilespmem:s19+$0xFFFFFFE0] =	vst v62;
	v63 =	vmul.f32 v21, v50;
	(pc) =	sbr.rel @p0 .LBB2_9-.Ltmp3, $4  }
0x186: {  	[tilespmem:s19+$0xFFFFFFD0] =	vst v20;
	v20 =	vmul.f32 v21, v46  }
0x187: {  	[tilespmem:s19+$0x0] =	vst v63  }
0x188: {  	[tilespmem:s19+$0xFFFFFFF0] =	vst v20  }
0x189: {  	s13 =	sadd.s32 $0x100, s13;
	s19 =	sadd.s32 $0x100, s19;
	[tilespmem:s12+$0x0] =	vst v21;
	s12 =	sadd.s32 $0x100, s12  }
0x18a: {  	_ = 	snop  }
0x18b: {  	v20 =	vld [tilespmem:$0x180];
	_ =	sdelay $0x2  }
0x18c: {  	v21 =	vld.idx.msk [tilespmem:v0+s26+$0x0], $0xffff;
	_ =	sdelay $0x4  }
0x18d: {  	[tilespmem:v20+s28+$0x0] =	vst.idx.add.f32.msk $0xffff, v21  }
0x18e: {  	v20 =	vld [tilespmem:$0x190];
	_ =	sdelay $0x2  }
0x18f: {  	v21 =	vld.idx.msk [tilespmem:v2+s26+$0x0], $0xffff;
	_ =	sdelay $0x4  }
0x190: {  	[tilespmem:v20+s28+$0x0] =	vst.idx.add.f32.msk $0xffff, v21  }
0x191: {  	v20 =	vld [tilespmem:$0x1A0];
	_ =	sdelay $0x2  }
0x192: {  	v21 =	vld.idx.msk [tilespmem:v3+s26+$0x0], $0xffff;
	_ =	sdelay $0x4  }
0x193: {  	[tilespmem:v20+s28+$0x0] =	vst.idx.add.f32.msk $0xffff, v21  }
0x194: {  	[spmem:s4] =	stream.indirect.scatter.add.f32 [tilespmem:s23], [sflag:$0x7], $0x80, s22, s15, $0xb8;
	[tilespmem:$0x1E480] =	vst v63  }
0x195: {  	_ =	swait.ge [sflag:s10], $0x1800  }
0x196: {  	s11 =	smin.u32 s8, $0xCF;
	s12 =	rddreg [dreg:$0x9]  }
0x197: {  	s11 =	sadd.s32 s11, s12  }
0x198: {  	[sflag:s10] =	ssyncset.done $0x0;
	s11 =	sshll.u32 s11, $0x5  }
0x199: {  	[sflag:s10] =	ssyncadd.s32 $0xFFFFE800;
	s11 =	sadd.s32 s7, s11  }
0x19a: {  	[tilespmem:s5], [sflag:$0x5] =	stream.linear.gather [hbm4b:s11+s5], $0x100, $0x38;
	[tilespmem:$0x1E480] =	vst v63  }
0x19b: {  	_ =	swait.ge [sflag:s20], $0x100  }
0x19c: {  	[sflag:s20] =	ssyncset.done $0x0  }
0x19d: {  	[sflag:s20] =	ssyncadd.s32 $0xFFFFFF00  }
0x19e: {  	[tilespmem:s21], [sflag:$0x2] =	stream.indirect.gather [hbm4b:s1+s15], $0x80, s29, s15, $0xb8;
	[tilespmem:$0x1E480] =	vst v63  }
0x19f: {  	_ = 	snop  }
0x1a0: {  	[tilespmem:s23], [sflag:$0x4] =	stream.indirect.gather [hbm4b:s6+s15], $0x80, s9, s15, $0xb8;
	[tilespmem:$0x1E480] =	vst v63  }
0x1a1: {  	_ =	swait.ge [sflag:s24], $0x1800  }
0x1a2: {  	[sflag:s24] =	ssyncset.done $0x0  }
0x1a3: {  	[sflag:s24] =	ssyncadd.s32 $0xFFFFE800  }
0x1a4: {  	_ =	swait.ge [sflag:s25], $0x1800  }
0x1a5: {  	s13 =	simm.s32 $0x3480;
	s19 =	simm.s32 $0x480;
	[sflag:s25] =	ssyncset.done $0x0  }
0x1a6: {  	s12 =	simm.s32 $0x6480;
	s11 =	simm.s32 $0xFFFFFFFE;
	[sflag:s25] =	ssyncadd.s32 $0xFFFFE800  }
.LBB2_11:
0x1a7: {  	v20 =	vld [tilespmem:s19+$0xFFFFFF80]  }
0x1a8: {  	v21 =	vld [tilespmem:s13+$0xFFFFFF80]  }
0x1a9: {  	v22 =	vld [tilespmem:s19+$0xFFFFFF90]  }
0x1aa: {  	v23 =	vld [tilespmem:s13+$0xFFFFFF90]  }
0x1ab: {  	v24 =	vld [tilespmem:s19+$0xFFFFFFA0]  }
0x1ac: {  	v25 =	vld [tilespmem:s13+$0xFFFFFFA0]  }
0x1ad: {  	v26 =	vld [tilespmem:s19+$0xFFFFFFB0]  }
0x1ae: {  	v27 =	vld [tilespmem:s13+$0xFFFFFFB0];
	v21 =	vadd.f32 v21, v20  }
0x1af: {  	v29 =	vld [tilespmem:s19+$0xFFFFFFC0]  }
0x1b0: {  	v44 =	vld [tilespmem:s13+$0xFFFFFFC0];
	v23 =	vadd.f32 v23, v22;
	vm0 =	vgt.f32 v21, $0.0e+00  }
0x1b1: {  	v45 =	vld [tilespmem:s19+$0xFFFFFFD0];
	v28 =	vsel vm0, v4, v12  }
0x1b2: {  	v31 =	vld [tilespmem:s13+$0xFFFFFFD0];
	v25 =	vadd.f32 v25, v24;
	vm13 =	vgt.f32 v23, $0.0e+00;
	v21 =	vmul.f32 v28, v21  }
0x1b3: {  	v32 =	vld [tilespmem:s19+$0xFFFFFFE0];
	v27 =	vadd.f32 v27, v26;
	v30 =	vsel vm13, v5, v13  }
0x1b4: {  	v48 =	vld [tilespmem:s13+$0xFFFFFFE0];
	vm14 =	vgt.f32 v25, $0.0e+00;
	v23 =	vmul.f32 v30, v23;
	v21 =	vadd.f32 $0.0e+00, v21  }
0x1b5: {  	v47 =	vadd.f32 v44, v29;
	v46 =	vsel vm14, v6, v14  }
0x1b6: {  	v34 =	vld [tilespmem:s19+$0xFFFFFFF0];
	vm15 =	vgt.f32 v27, $0.0e+00;
	v21 =	vadd.f32 v23, v21;
	v23 =	vmul.f32 v46, v25  }
0x1b7: {  	v50 =	vld [tilespmem:s13+$0xFFFFFFF0];
	v31 =	vadd.f32 v31, v45;
	v33 =	vsel vm15, v7, v15  }
0x1b8: {  	vm4 =	vgt.f32 v47, $0.0e+00;
	v49 =	vmul.f32 v33, v27;
	v21 =	vadd.f32 v23, v21  }
0x1b9: {  	v53 =	vadd.f32 v48, v32;
	v51 =	vsel vm4, v8, v16  }
0x1ba: {  	vm5 =	vgt.f32 v31, $0.0e+00;
	v52 =	vmul.f32 v51, v47;
	v21 =	vadd.f32 v49, v21  }
0x1bb: {  	vm6 =	vgt.f32 v53, $0.0e+00;
	v54 =	vsel vm5, v9, v17  }
0x1bc: {  	v27 =	vadd.f32 v50, v34;
	v23 =	vmul.f32 v54, v31;
	v21 =	vadd.f32 v52, v21  }
0x1bd: {  	v55 =	vsel vm6, v10, v18  }
0x1be: {  	v56 =	vmul.f32 v55, v53;
	vm7 =	vgt.f32 v27, $0.0e+00;
	v21 =	vadd.f32 v23, v21  }
0x1bf: {  	v57 =	vsel vm7, v11, v19  }
0x1c0: {  	v58 =	vmul.f32 v57, v27;
	v21 =	vadd.f32 v56, v21;
	_ =	sdelay $0x1  }
0x1c1: {  	v21 =	vadd.f32 v58, v21;
	_ =	sdelay $0x1  }
0x1c2: {  	(xrf2) =	vadd.scan.msk.f32 $0xffff, v21;
	_ =	sdelay $0x9  }
0x1c3: {  	v21, _, _ =	vpop (xrf2)  }
0x1c4: {  	v21 =	vmul.f32 $1.442695020e+00, v21;
	_ =	sdelay $0x1  }
0x1c5: {  	v21 =	vbroadcast v21, $0xF;
	_ =	sdelay $0x1  }
0x1c6: {  	(erf) = vpow2.f32 v21;
	_ =	sdelay $0x8  }
0x1c7: {  	v21 =	vpop (erf)  }
0x1c8: {  	v20 =	vmul.f32 v21, v20  }
0x1c9: {  	v22 =	vmul.f32 v21, v22  }
0x1ca: {  	v59 =	vmul.f32 v21, v26;
	[tilespmem:s13+$0xFFFFFF80] =	vst v20  }
0x1cb: {  	v20 =	vmul.f32 v21, v24;
	[tilespmem:s13+$0xFFFFFF90] =	vst v22  }
0x1cc: {  	v60 =	vmul.f32 v21, v45;
	[tilespmem:s13+$0xFFFFFFB0] =	vst v59  }
0x1cd: {  	[tilespmem:s13+$0xFFFFFFA0] =	vst v20;
	v20 =	vmul.f32 v21, v29  }
0x1ce: {  	v61 =	vmul.f32 v21, v34;
	[tilespmem:s13+$0xFFFFFFD0] =	vst v60  }
0x1cf: {  	[tilespmem:s13+$0xFFFFFFC0] =	vst v20;
	v20 =	vmul.f32 v21, v32  }
0x1d0: {  	[tilespmem:s13+$0xFFFFFFF0] =	vst v61  }
0x1d1: {  	[tilespmem:s13+$0xFFFFFFE0] =	vst v20  }
0x1d2: {  	[tilespmem:s12+$0xFFFFFF80] =	vst v21  }
0x1d3: {  	v20 =	vld [tilespmem:s19+$0x0]  }
0x1d4: {  	v21 =	vld [tilespmem:s13+$0x0]  }
0x1d5: {  	v22 =	vld [tilespmem:s19+$0x10]  }
0x1d6: {  	v62 =	vld [tilespmem:s13+$0x10]  }
0x1d7: {  	v63 =	vld [tilespmem:s19+$0x20]  }
0x1d8: {  	v36 =	vld [tilespmem:s13+$0x20]  }
0x1d9: {  	v37 =	vld [tilespmem:s19+$0x30]  }
0x1da: {  	v38 =	vld [tilespmem:s13+$0x30];
	v21 =	vadd.f32 v21, v20  }
0x1db: {  	v40 =	vld [tilespmem:s19+$0x40]  }
0x1dc: {  	v41 =	vld [tilespmem:s13+$0x40];
	v23 =	vadd.f32 v62, v22;
	vm8 =	vgt.f32 v21, $0.0e+00  }
0x1dd: {  	v43 =	vld [tilespmem:s19+$0x50];
	v39 =	vsel vm8, v4, v12  }
0x1de: {  	v44 =	vld [tilespmem:s13+$0x50];
	v25 =	vadd.f32 v36, v63;
	vm9 =	vgt.f32 v23, $0.0e+00;
	v21 =	vmul.f32 v39, v21  }
0x1df: {  	v46 =	vld [tilespmem:s19+$0x60];
	v27 =	vadd.f32 v38, v37;
	v42 =	vsel vm9, v5, v13  }
0x1e0: {  	v48 =	vld [tilespmem:s13+$0x60];
	vm10 =	vgt.f32 v25, $0.0e+00;
	v23 =	vmul.f32 v42, v23;
	v21 =	vadd.f32 $0.0e+00, v21  }
0x1e1: {  	v47 =	vadd.f32 v41, v40;
	v45 =	vsel vm10, v6, v14  }
0x1e2: {  	v50 =	vld [tilespmem:s19+$0x70];
	vm11 =	vgt.f32 v27, $0.0e+00;
	v21 =	vadd.f32 v23, v21;
	v23 =	vmul.f32 v45, v25  }
0x1e3: {  	v52 =	vld [tilespmem:s13+$0x70];
	v31 =	vadd.f32 v44, v43;
	v49 =	vsel vm11, v7, v15  }
0x1e4: {  	vm12 =	vgt.f32 v47, $0.0e+00;
	v51 =	vmul.f32 v49, v27;
	v21 =	vadd.f32 v23, v21  }
0x1e5: {  	v55 =	vadd.f32 v48, v46;
	v53 =	vsel vm12, v8, v16  }
0x1e6: {  	vm13 =	vgt.f32 v31, $0.0e+00;
	v54 =	vmul.f32 v53, v47;
	v21 =	vadd.f32 v51, v21  }
0x1e7: {  	vm14 =	vgt.f32 v55, $0.0e+00;
	v56 =	vsel vm13, v9, v17  }
0x1e8: {  	v27 =	vadd.f32 v52, v50;
	v23 =	vmul.f32 v56, v31;
	v21 =	vadd.f32 v54, v21  }
0x1e9: {  	v57 =	vsel vm14, v10, v18  }
0x1ea: {  	v58 =	vmul.f32 v57, v55;
	vm15 =	vgt.f32 v27, $0.0e+00;
	v21 =	vadd.f32 v23, v21  }
0x1eb: {  	v59 =	vsel vm15, v11, v19  }
0x1ec: {  	v60 =	vmul.f32 v59, v27;
	v21 =	vadd.f32 v58, v21;
	_ =	sdelay $0x1  }
0x1ed: {  	v21 =	vadd.f32 v60, v21;
	_ =	sdelay $0x1  }
0x1ee: {  	(xrf2) =	vadd.scan.msk.f32 $0xffff, v21;
	_ =	sdelay $0x9  }
0x1ef: {  	v21, _, _ =	vpop (xrf2)  }
0x1f0: {  	v21 =	vmul.f32 $1.442695020e+00, v21;
	_ =	sdelay $0x1  }
0x1f1: {  	v21 =	vbroadcast v21, $0xF;
	_ =	sdelay $0x1  }
0x1f2: {  	(erf) = vpow2.f32 v21;
	_ =	sdelay $0x8  }
0x1f3: {  	v21 =	vpop (erf)  }
0x1f4: {  	v20 =	vmul.f32 v21, v20  }
0x1f5: {  	v22 =	vmul.f32 v21, v22  }
0x1f6: {  	v61 =	vmul.f32 v21, v37;
	[tilespmem:s13+$0x0] =	vst v20  }
0x1f7: {  	v20 =	vmul.f32 v21, v63;
	[tilespmem:s13+$0x10] =	vst v22  }
0x1f8: {  	s11 =	sadd.s32 $0x2, s11;
	v62 =	vmul.f32 v21, v43;
	[tilespmem:s13+$0x30] =	vst v61  }
0x1f9: {  	p0 =	slt.u32 s11, $0x2E;
	[tilespmem:s13+$0x20] =	vst v20;
	v20 =	vmul.f32 v21, v40  }
.Ltmp4:
0x1fa: {  	[tilespmem:s13+$0x50] =	vst v62;
	v63 =	vmul.f32 v21, v50;
	(pc) =	sbr.rel @p0 .LBB2_11-.Ltmp4, $4  }
0x1fb: {  	[tilespmem:s13+$0x40] =	vst v20;
	v20 =	vmul.f32 v21, v46  }
0x1fc: {  	[tilespmem:s13+$0x70] =	vst v63  }
0x1fd: {  	[tilespmem:s13+$0x60] =	vst v20  }
0x1fe: {  	s19 =	sadd.s32 $0x100, s19;
	s13 =	sadd.s32 $0x100, s13;
	[tilespmem:s12+$0x0] =	vst v21;
	s12 =	sadd.s32 $0x100, s12  }
0x1ff: {  	_ = 	snop  }
0x200: {  	v20 =	vld [tilespmem:$0x280];
	_ =	sdelay $0x2  }
0x201: {  	v21 =	vld.idx.msk [tilespmem:v0+s26+$0x0], $0xffff;
	_ =	sdelay $0x4  }
0x202: {  	[tilespmem:v20+s28+$0x0] =	vst.idx.add.f32.msk $0xffff, v21  }
0x203: {  	v20 =	vld [tilespmem:$0x290];
	_ =	sdelay $0x2  }
0x204: {  	v21 =	vld.idx.msk [tilespmem:v2+s26+$0x0], $0xffff;
	_ =	sdelay $0x4  }
0x205: {  	[tilespmem:v20+s28+$0x0] =	vst.idx.add.f32.msk $0xffff, v21  }
0x206: {  	v20 =	vld [tilespmem:$0x2A0];
	_ =	sdelay $0x2  }
0x207: {  	v21 =	vld.idx.msk [tilespmem:v3+s26+$0x0], $0xffff;
	_ =	sdelay $0x4  }
0x208: {  	[tilespmem:v20+s28+$0x0] =	vst.idx.add.f32.msk $0xffff, v21  }
0x209: {  	[spmem:s4] =	stream.indirect.scatter.add.f32 [tilespmem:s3], [sflag:$0x7], $0x80, s31, s15, $0xb8;
	[tilespmem:$0x1E480] =	vst v63  }
0x20a: {  	_ =	swait.ge [sflag:s10], $0x1800  }
0x20b: {  	s8 =	smin.u32 s8, $0xCE;
	s11 =	rddreg [dreg:$0xa]  }
0x20c: {  	s8 =	sadd.s32 s8, s11  }
0x20d: {  	[sflag:s10] =	ssyncset.done $0x0;
	s8 =	sshll.u32 s8, $0x5  }
0x20e: {  	[sflag:s10] =	ssyncadd.s32 $0xFFFFE800;
	s8 =	sadd.s32 s7, s8  }
0x20f: {  	[tilespmem:s14], [sflag:$0x6] =	stream.linear.gather [hbm4b:s8+s5], $0x100, $0x38;
	[tilespmem:$0x1E480] =	vst v63  }
0x210: {  	_ =	swait.ge [sflag:s30], $0x100  }
0x211: {  	[sflag:s30] =	ssyncset.done $0x0  }
0x212: {  	[sflag:s30] =	ssyncadd.s32 $0xFFFFFF00  }
0x213: {  	[tilespmem:s17], [sflag:$0x1] =	stream.indirect.gather [hbm4b:s1+s15], $0x80, s5, s15, $0xb8;
	[tilespmem:$0x1E480] =	vst v63  }
0x214: {  	_ = 	snop  }
0x215: {  	[tilespmem:s3], [sflag:$0x3] =	stream.indirect.gather [hbm4b:s6+s15], $0x80, s18, s15, $0xb8;
	[tilespmem:$0x1E480] =	vst v63  }
0x216: {  	_ =	swait.ge [sflag:s0], $0x1800  }
0x217: {  	[sflag:s0] =	ssyncset.done $0x0  }
0x218: {  	[sflag:s0] =	ssyncadd.s32 $0xFFFFE800  }
0x219: {  	_ =	swait.ge [sflag:s2], $0x1800  }
0x21a: {  	s12 =	simm.s32 $0x1CF0;
	s13 =	simm.s32 $0x4CF0;
	[sflag:s2] =	ssyncset.done $0x0  }
0x21b: {  	s11 =	simm.s32 $0x6480;
	s8 =	simm.s32 $0xFFFFFFFE;
	[sflag:s2] =	ssyncadd.s32 $0xFFFFE800  }
.LBB2_13:
0x21c: {  	v20 =	vld [tilespmem:s12+$0xFFFFFF10]  }
0x21d: {  	v21 =	vld [tilespmem:s13+$0xFFFFFF10]  }
0x21e: {  	v22 =	vld [tilespmem:s12+$0xFFFFFF20]  }
0x21f: {  	v23 =	vld [tilespmem:s13+$0xFFFFFF20]  }
0x220: {  	v24 =	vld [tilespmem:s12+$0xFFFFFF30]  }
0x221: {  	v25 =	vld [tilespmem:s13+$0xFFFFFF30]  }
0x222: {  	v26 =	vld [tilespmem:s12+$0xFFFFFF40]  }
0x223: {  	v27 =	vld [tilespmem:s13+$0xFFFFFF40];
	v21 =	vadd.f32 v21, v20  }
0x224: {  	v29 =	vld [tilespmem:s12+$0xFFFFFF50]  }
0x225: {  	v44 =	vld [tilespmem:s13+$0xFFFFFF50];
	v23 =	vadd.f32 v23, v22;
	vm0 =	vgt.f32 v21, $0.0e+00  }
0x226: {  	v45 =	vld [tilespmem:s12+$0xFFFFFF60];
	v28 =	vsel vm0, v4, v12  }
0x227: {  	v31 =	vld [tilespmem:s13+$0xFFFFFF60];
	v25 =	vadd.f32 v25, v24;
	vm13 =	vgt.f32 v23, $0.0e+00;
	v21 =	vmul.f32 v28, v21  }
0x228: {  	v32 =	vld [tilespmem:s12+$0xFFFFFF70];
	v27 =	vadd.f32 v27, v26;
	v30 =	vsel vm13, v5, v13  }
0x229: {  	v48 =	vld [tilespmem:s13+$0xFFFFFF70];
	vm14 =	vgt.f32 v25, $0.0e+00;
	v23 =	vmul.f32 v30, v23;
	v21 =	vadd.f32 $0.0e+00, v21  }
0x22a: {  	v47 =	vadd.f32 v44, v29;
	v46 =	vsel vm14, v6, v14  }
0x22b: {  	v34 =	vld [tilespmem:s12+$0xFFFFFF80];
	vm15 =	vgt.f32 v27, $0.0e+00;
	v21 =	vadd.f32 v23, v21;
	v23 =	vmul.f32 v46, v25  }
0x22c: {  	v50 =	vld [tilespmem:s13+$0xFFFFFF80];
	v31 =	vadd.f32 v31, v45;
	v33 =	vsel vm15, v7, v15  }
0x22d: {  	vm4 =	vgt.f32 v47, $0.0e+00;
	v49 =	vmul.f32 v33, v27;
	v21 =	vadd.f32 v23, v21  }
0x22e: {  	v53 =	vadd.f32 v48, v32;
	v51 =	vsel vm4, v8, v16  }
0x22f: {  	vm5 =	vgt.f32 v31, $0.0e+00;
	v52 =	vmul.f32 v51, v47;
	v21 =	vadd.f32 v49, v21  }
0x230: {  	vm6 =	vgt.f32 v53, $0.0e+00;
	v54 =	vsel vm5, v9, v17  }
0x231: {  	v27 =	vadd.f32 v50, v34;
	v23 =	vmul.f32 v54, v31;
	v21 =	vadd.f32 v52, v21  }
0x232: {  	v55 =	vsel vm6, v10, v18  }
0x233: {  	v56 =	vmul.f32 v55, v53;
	vm7 =	vgt.f32 v27, $0.0e+00;
	v21 =	vadd.f32 v23, v21  }
0x234: {  	v57 =	vsel vm7, v11, v19  }
0x235: {  	v58 =	vmul.f32 v57, v27;
	v21 =	vadd.f32 v56, v21;
	_ =	sdelay $0x1  }
0x236: {  	v21 =	vadd.f32 v58, v21;
	_ =	sdelay $0x1  }
0x237: {  	(xrf2) =	vadd.scan.msk.f32 $0xffff, v21;
	_ =	sdelay $0x9  }
0x238: {  	v21, _, _ =	vpop (xrf2)  }
0x239: {  	v21 =	vmul.f32 $1.442695020e+00, v21;
	_ =	sdelay $0x1  }
0x23a: {  	v21 =	vbroadcast v21, $0xF;
	_ =	sdelay $0x1  }
0x23b: {  	(erf) = vpow2.f32 v21;
	_ =	sdelay $0x8  }
0x23c: {  	v21 =	vpop (erf)  }
0x23d: {  	v20 =	vmul.f32 v21, v20  }
0x23e: {  	v22 =	vmul.f32 v21, v22  }
0x23f: {  	v59 =	vmul.f32 v21, v26;
	[tilespmem:s13+$0xFFFFFF10] =	vst v20  }
0x240: {  	v20 =	vmul.f32 v21, v24;
	[tilespmem:s13+$0xFFFFFF20] =	vst v22  }
0x241: {  	v60 =	vmul.f32 v21, v45;
	[tilespmem:s13+$0xFFFFFF40] =	vst v59  }
0x242: {  	[tilespmem:s13+$0xFFFFFF30] =	vst v20;
	v20 =	vmul.f32 v21, v29  }
0x243: {  	v61 =	vmul.f32 v21, v34;
	[tilespmem:s13+$0xFFFFFF60] =	vst v60  }
0x244: {  	[tilespmem:s13+$0xFFFFFF50] =	vst v20;
	v20 =	vmul.f32 v21, v32  }
0x245: {  	[tilespmem:s13+$0xFFFFFF80] =	vst v61  }
0x246: {  	[tilespmem:s13+$0xFFFFFF70] =	vst v20  }
0x247: {  	[tilespmem:s11+$0xFFFFFF80] =	vst v21  }
0x248: {  	v20 =	vld [tilespmem:s12+$0xFFFFFF90]  }
0x249: {  	v21 =	vld [tilespmem:s13+$0xFFFFFF90]  }
0x24a: {  	v22 =	vld [tilespmem:s12+$0xFFFFFFA0]  }
0x24b: {  	v62 =	vld [tilespmem:s13+$0xFFFFFFA0]  }
0x24c: {  	v63 =	vld [tilespmem:s12+$0xFFFFFFB0]  }
0x24d: {  	v36 =	vld [tilespmem:s13+$0xFFFFFFB0]  }
0x24e: {  	v37 =	vld [tilespmem:s12+$0xFFFFFFC0]  }
0x24f: {  	v38 =	vld [tilespmem:s13+$0xFFFFFFC0];
	v21 =	vadd.f32 v21, v20  }
0x250: {  	v40 =	vld [tilespmem:s12+$0xFFFFFFD0]  }
0x251: {  	v41 =	vld [tilespmem:s13+$0xFFFFFFD0];
	v23 =	vadd.f32 v62, v22;
	vm8 =	vgt.f32 v21, $0.0e+00  }
0x252: {  	v43 =	vld [tilespmem:s12+$0xFFFFFFE0];
	v39 =	vsel vm8, v4, v12  }
0x253: {  	v44 =	vld [tilespmem:s13+$0xFFFFFFE0];
	v25 =	vadd.f32 v36, v63;
	vm9 =	vgt.f32 v23, $0.0e+00;
	v21 =	vmul.f32 v39, v21  }
0x254: {  	v46 =	vld [tilespmem:s12+$0xFFFFFFF0];
	v27 =	vadd.f32 v38, v37;
	v42 =	vsel vm9, v5, v13  }
0x255: {  	v48 =	vld [tilespmem:s13+$0xFFFFFFF0];
	vm10 =	vgt.f32 v25, $0.0e+00;
	v23 =	vmul.f32 v42, v23;
	v21 =	vadd.f32 $0.0e+00, v21  }
0x256: {  	v47 =	vadd.f32 v41, v40;
	v45 =	vsel vm10, v6, v14  }
0x257: {  	v50 =	vld [tilespmem:s12+$0x0];
	vm11 =	vgt.f32 v27, $0.0e+00;
	v21 =	vadd.f32 v23, v21;
	v23 =	vmul.f32 v45, v25  }
0x258: {  	v52 =	vld [tilespmem:s13+$0x0];
	v31 =	vadd.f32 v44, v43;
	v49 =	vsel vm11, v7, v15  }
0x259: {  	vm12 =	vgt.f32 v47, $0.0e+00;
	v51 =	vmul.f32 v49, v27;
	v21 =	vadd.f32 v23, v21  }
0x25a: {  	v55 =	vadd.f32 v48, v46;
	v53 =	vsel vm12, v8, v16  }
0x25b: {  	vm13 =	vgt.f32 v31, $0.0e+00;
	v54 =	vmul.f32 v53, v47;
	v21 =	vadd.f32 v51, v21  }
0x25c: {  	vm14 =	vgt.f32 v55, $0.0e+00;
	v56 =	vsel vm13, v9, v17  }
0x25d: {  	v27 =	vadd.f32 v52, v50;
	v23 =	vmul.f32 v56, v31;
	v21 =	vadd.f32 v54, v21  }
0x25e: {  	v57 =	vsel vm14, v10, v18  }
0x25f: {  	v58 =	vmul.f32 v57, v55;
	vm15 =	vgt.f32 v27, $0.0e+00;
	v21 =	vadd.f32 v23, v21  }
0x260: {  	v59 =	vsel vm15, v11, v19  }
0x261: {  	v60 =	vmul.f32 v59, v27;
	v21 =	vadd.f32 v58, v21;
	_ =	sdelay $0x1  }
0x262: {  	v21 =	vadd.f32 v60, v21;
	_ =	sdelay $0x1  }
0x263: {  	(xrf2) =	vadd.scan.msk.f32 $0xffff, v21;
	_ =	sdelay $0x9  }
0x264: {  	v21, _, _ =	vpop (xrf2)  }
0x265: {  	v21 =	vmul.f32 $1.442695020e+00, v21;
	_ =	sdelay $0x1  }
0x266: {  	v21 =	vbroadcast v21, $0xF;
	_ =	sdelay $0x1  }
0x267: {  	(erf) = vpow2.f32 v21;
	_ =	sdelay $0x8  }
0x268: {  	v21 =	vpop (erf)  }
0x269: {  	v20 =	vmul.f32 v21, v20  }
0x26a: {  	v22 =	vmul.f32 v21, v22  }
0x26b: {  	v61 =	vmul.f32 v21, v37;
	[tilespmem:s13+$0xFFFFFF90] =	vst v20  }
0x26c: {  	v20 =	vmul.f32 v21, v63;
	[tilespmem:s13+$0xFFFFFFA0] =	vst v22  }
0x26d: {  	s8 =	sadd.s32 $0x2, s8;
	v62 =	vmul.f32 v21, v43;
	[tilespmem:s13+$0xFFFFFFC0] =	vst v61  }
0x26e: {  	p0 =	slt.u32 s8, $0x2E;
	[tilespmem:s13+$0xFFFFFFB0] =	vst v20;
	v20 =	vmul.f32 v21, v40  }
.Ltmp5:
0x26f: {  	[tilespmem:s13+$0xFFFFFFE0] =	vst v62;
	v63 =	vmul.f32 v21, v50;
	(pc) =	sbr.rel @p0 .LBB2_13-.Ltmp5, $4  }
0x270: {  	[tilespmem:s13+$0xFFFFFFD0] =	vst v20;
	v20 =	vmul.f32 v21, v46  }
0x271: {  	[tilespmem:s13+$0x0] =	vst v63  }
0x272: {  	[tilespmem:s13+$0xFFFFFFF0] =	vst v20  }
0x273: {  	s12 =	sadd.s32 $0x100, s12;
	s13 =	sadd.s32 $0x100, s13;
	[tilespmem:s11+$0x0] =	vst v21;
	s11 =	sadd.s32 $0x100, s11  }
0x274: {  	_ = 	snop  }
0x275: {  	v20 =	vld [tilespmem:$0x380];
	_ =	sdelay $0x2  }
0x276: {  	v21 =	vld.idx.msk [tilespmem:v0+s26+$0x0], $0xffff;
	_ =	sdelay $0x4  }
0x277: {  	[tilespmem:v20+s28+$0x0] =	vst.idx.add.f32.msk $0xffff, v21  }
0x278: {  	v20 =	vld [tilespmem:$0x390];
	_ =	sdelay $0x2  }
0x279: {  	v21 =	vld.idx.msk [tilespmem:v2+s26+$0x0], $0xffff;
	_ =	sdelay $0x4  }
0x27a: {  	[tilespmem:v20+s28+$0x0] =	vst.idx.add.f32.msk $0xffff, v21  }
0x27b: {  	v20 =	vld [tilespmem:$0x3A0];
	_ =	sdelay $0x2  }
0x27c: {  	v21 =	vld.idx.msk [tilespmem:v3+s26+$0x0], $0xffff;
	_ =	sdelay $0x2  }
0x27d: {  	s16 =	sadd.s32 $0x1, s16  }
0x27e: {  	p0 =	sne.s32 s16, $0x35  }
.Ltmp6:
0x27f: {  	[tilespmem:v20+s28+$0x0] =	vst.idx.add.f32.msk $0xffff, v21;
	(pc) =	sbr.rel @p0 .LBB2_6-.Ltmp6, $4  }
0x280: {  	[spmem:s4] =	stream.indirect.scatter.add.f32 [tilespmem:s23], [sflag:$0x7], $0x80, s9, s15, $0xb8;
	[tilespmem:$0x1E480] =	vst v63  }
0x281: {  	_ =	swait.ge [sflag:s10], $0x1800  }
0x282: {  	[sflag:s10] =	ssyncset.done $0x0  }
0x283: {  	[sflag:s10] =	ssyncadd.s32 $0xFFFFE800  }
0x284: {  	_ =	swait.ge [sflag:s20], $0x100  }
0x285: {  	[sflag:s20] =	ssyncset.done $0x0  }
0x286: {  	[sflag:s20] =	ssyncadd.s32 $0xFFFFFF00  }
0x287: {  	_ =	swait.ge [sflag:s24], $0x1800  }
0x288: {  	[sflag:s24] =	ssyncset.done $0x0  }
0x289: {  	[sflag:s24] =	ssyncadd.s32 $0xFFFFE800  }
0x28a: {  	_ =	swait.ge [sflag:s25], $0x1800  }
0x28b: {  	[sflag:s25] =	ssyncset.done $0x0  }
0x28c: {  	s8 =	rddreg [dreg:$0xb];
	[sflag:s25] =	ssyncadd.s32 $0xFFFFE800  }
0x28d: {  	[hbm4b:s8+s18] =	stream.strided.scatter [tilespmem:s28], [sflag:$0x7], $0x2800, s17, s18, $0x38;
	[tilespmem:$0x1E480] =	vst v63  }
0x28e: {  	_ =	swait.ge [sflag:s10], $0x2800  }
0x28f: {  	[sflag:s10] =	ssyncset.done $0x0  }
0x290: {  	[sflag:s10] =	ssyncadd.s32 $0xFFFFD800  }
0x291: {  	s13 =	stileid.u32;
	[bflag:$0x0] =	sbarrier.arrive $0xFFFF  }
0x292: {  	s8 =	sshll.u32 s13, $0x6;
	s13 =	rddreg [dreg:$0xd]  }
0x293: {  	s8 =	sor.u32 $0x1C07, s8;
	s12 =	rddreg [dreg:$0xc];
	s11 =	sshrl.u32 s13, $0x3  }
0x294: {  	[hbm:s12], [sflag:s8] =	dma.local [spmem:s11], $0x2800  }
0x295: {  	_ =	swait.ge [sflag:s10], $0x2800  }
0x296: {  	s16 =	rddreg [dreg:$0x1e]  }
0x297: {  	s19 =	rddreg [dreg:$0xe];
	s11 =	sadd.s32 $0x1, s16  }
0x298: {  	p0 =	sne.s32 s11, s19  }
.Ltmp7:
0x299: {  	_ = 	snop;
	(pc) =	sbr.rel @p0 .LBB2_1-.Ltmp7, $3  }
0x29a: {  	_ =	sdelay $0x1  }
0x29b: {  	[sflag:s10] =	ssyncset.done $0x0  }
0x29c: {  	[sflag:s10] =	ssyncadd.s32 $0xFFFFD800  }
0x29d: {  	_ =	sfence.sel $0x180000  }
0x29e: {  	[bflag:$0x0] =	sbarrier.arrive $0xFFFF  }
0x29f: {  	_ =	strace $0x90000047  }
0x2a0: {  	s0 =	stileid.u32;
	[bflag:$0x2] =	sbarrier.arrive $0xFFFF  }
0x2a1: {  	p0 =	sne.s32 s0, $0x0;
	s0 =	rddreg [dreg:$0x4]  }
0x2a2: {  	s0 =	sadd.s32 @!p0 $0x100000, s0  }
0x2a3: {  	[sflag:s0] =	ssyncadd.tile.s32 @!p0 $0x1;
	_ =	shalt  }
.Lfunc_end2:
_tile_overlayer_lowered:
.L_overlay_start_2:
0x2a4: {  	(tag) =	ssettag $0x2  }
0x2a5: {  	s0 =	rddreg [dreg:$0x0];
	s2 =	stileid.u32  }
0x2a6: {  	s1 =	rddreg [dreg:$0x1];
	p0 =	sne.s32 s2, $0x0  }
0x2a7: {  	s3 =	rddreg [dreg:$0x2];
	[bflag:$0x3] =	sbarrier.arrive $0xFFFF;
	s2 =	simm.s32 @!p0 $0x1C07  }
0x2a8: {  	[timem:s3], [sflag:s2] =	dma.local @!p0 [hbm:s0], s1  }
0x2a9: {  	s0 =	simm.s32 @!p0 $0x7  }
0x2aa: {  	_ =	swait.ge @!p0 [sflag:s0], s1  }
0x2ab: {  	s1 =	ssub.s32 @!p0 $0x0, s1;
	[sflag:s0] =	ssyncset.done @!p0 $0x0  }
0x2ac: {  	[sflag:s0] =	ssyncadd.s32 @!p0 s1  }
0x2ad: {  	[bflag:$0x3] =	sbarrier.arrive $0xFFFF  }
0x2ae: {  	_ =	shalt  }

</sc_bundles>
